<compile_context>
chip_gen: v7x
topology: tpu7x:2x2x1
jax: 0.10.2.dev20260603
libtpu: 0.0.44.dev20260713+nightly
codegen_flags: <defaults>
</compile_context>

<pallas_src>
import jax
import jax.numpy as jnp
from jax import lax
from jax.experimental import pallas as pl
from jax.experimental.pallas import tpu as pltpu
from jax.experimental.pallas import tpu_sc as plsc

EMB = 512
NV = EMB // 16
T_TOKENS = 32768
B_BAGS = 16
TYPES = 128
NC = 2
NS = 16
NW = NC * NS
TPW = T_TOKENS // NW
CHUNK = 32
NCHUNK = TPW // CHUNK
NBUF = 4
NOUTER = NCHUNK // NBUF


def _sc_body(emb_hbm, feat_hbm, off_hbm, out_hbm,
             idx_all, rows_bufs, acc_v, off_v, off_sm, sems):
    cid = lax.axis_index("c")
    sid = lax.axis_index("s")
    wid = sid * NC + cid
    base = wid * TPW

    idx_dma = pltpu.make_async_copy(
        feat_hbm.at[pl.ds(base, TPW)], idx_all, sems[0])
    idx_dma.start()
    pltpu.sync_copy(off_hbm, off_v)

    zvec = jnp.zeros((16,), jnp.float32)

    def zero_body(b, _):
        for j in range(NV):
            acc_v[b, pl.ds(j * 16, 16)] = zvec
        return 0

    lax.fori_loop(0, B_BAGS, zero_body, 0)

    ovec = off_v[...]
    lanes = lax.iota(jnp.int32, 16)
    for b in range(B_BAGS):
        off_sm[b] = lax.reduce_max(
            jnp.where(lanes == b, ovec, jnp.int32(0)), (0,))
    off_sm[B_BAGS] = jnp.int32(T_TOKENS)

    def gather(c, rows, sem):
        start = pl.multiple_of(c * CHUNK, CHUNK)
        return pltpu.make_async_copy(
            emb_hbm.at[idx_all.at[pl.ds(start, CHUNK)]], rows, sem)

    def accumulate(rows_v, c):
        tbase = base + c * CHUNK

        def bag_body(b, _):
            lo = jnp.clip(off_sm[b] - tbase, 0, CHUNK)
            hi = jnp.clip(off_sm[b + 1] - tbase, 0, CHUNK)

            @pl.when(hi > lo)
            def _run():
                def tok_body(t, regs):
                    return tuple(
                        regs[j] + rows_v[t, pl.ds(j * 16, 16)]
                        for j in range(NV)
                    )

                regs = lax.fori_loop(
                    lo, hi, tok_body,
                    tuple(jnp.zeros((16,), jnp.float32) for _ in range(NV)))
                for j in range(NV):
                    sl = pl.ds(j * 16, 16)
                    acc_v[b, sl] = acc_v[b, sl] + regs[j]
            return 0

        lax.fori_loop(0, B_BAGS, bag_body, 0)

    idx_dma.wait()
    for k in range(NBUF):
        gather(k, rows_bufs[k], sems[k]).start()

    def outer_body(p, _):
        c0 = NBUF * p
        for k in range(NBUF):
            gather(c0 + k, rows_bufs[k], sems[k]).wait()
            accumulate(rows_bufs[k], c0 + k)

            @pl.when(p < NOUTER - 1)
            def _prefetch():
                gather(c0 + k + NBUF, rows_bufs[k], sems[k]).start()
        return 0

    lax.fori_loop(0, NOUTER, outer_body, 0)
    pltpu.sync_copy(acc_v, out_hbm.at[wid])


def _make_sc_kernel():
    mesh = plsc.VectorSubcoreMesh(core_axis_name="c", subcore_axis_name="s")
    return pl.kernel(
        _sc_body,
        out_type=jax.ShapeDtypeStruct((NW, B_BAGS, EMB), jnp.float32),
        mesh=mesh,
        compiler_params=pltpu.CompilerParams(needs_layout_passes=False),
        scratch_types=[
            pltpu.VMEM((TPW,), jnp.int32),
            [pltpu.VMEM((CHUNK, EMB), jnp.float32) for _ in range(NBUF)],
            pltpu.VMEM((B_BAGS, EMB), jnp.float32),
            pltpu.VMEM((B_BAGS,), jnp.int32),
            pltpu.SMEM((B_BAGS + 1,), jnp.int32),
            [pltpu.SemaphoreType.DMA for _ in range(NBUF)],
        ],
    )


def _tc_body(part_ref, off_ref, lin_ref, out_ref):
    sums = jnp.sum(part_ref[...], axis=0)
    off = off_ref[...]
    nxt = jnp.concatenate(
        [off[:, 1:], jnp.full((1, 1), T_TOKENS, jnp.int32)], axis=1)
    counts = (nxt - off).astype(jnp.float32)
    mean = sums / jnp.maximum(counts, 1.0).reshape(B_BAGS, 1)
    out_ref[...] = lax.dot_general(
        mean, lin_ref[...], (((1,), (1,)), ((), ())),
        preferred_element_type=jnp.float32)


@jax.jit
def kernel(feature_seq, offset_seq, emb_weight, lin_weight):
    partials = _make_sc_kernel()(emb_weight, feature_seq, offset_seq)
    return pl.pallas_call(
        _tc_body,
        out_shape=jax.ShapeDtypeStruct((B_BAGS, TYPES), jnp.float32),
    )(partials, offset_seq.reshape(1, B_BAGS), lin_weight)

# --- scband reference (transcript-rebuilt; emitter-appended) ---
"""Pipeline reference for scband-no-cluster-55568286876312 (READ-ONLY COPY).

The authoritative reference and input builder live on the scoring server;
editing this copy changes nothing except your own understanding.
"""

import jax, jax.numpy as jnp
import numpy as np

EMBLEN = 512
WORD_SIZE = 100000
TYPE_SIZE = 128
BATCH = 16
TOTAL_TOKENS = 32768


def setup_inputs(seed: int = 0) -> dict:
    key = jax.random.key(seed)
    k1, k2, k3, k4 = jax.random.split(key, 4)
    # per input_specs: randint for feature_seq, sorted_randint for offset_seq
    feature_seq = jax.random.randint(k1, (TOTAL_TOKENS,), 0, WORD_SIZE, dtype=jnp.int32)
    offset_seq = jnp.sort(jax.random.randint(k2, (BATCH,), 0, TOTAL_TOKENS, dtype=jnp.int32))
    offset_seq = offset_seq.at[0].set(0)  # EmbeddingBag requires offsets[0] == 0
    # learned parameters sized per init_kwargs
    emb_weight = jax.random.normal(k3, (WORD_SIZE, EMBLEN), dtype=jnp.float32) * 0.02
    lin_weight = jax.random.normal(k4, (TYPE_SIZE, EMBLEN), dtype=jnp.float32) * 0.02
    return {"feature_seq": feature_seq, "offset_seq": offset_seq,
            "emb_weight": emb_weight, "lin_weight": lin_weight}


def reference(feature_seq, offset_seq, emb_weight, lin_weight):
    # noCluster.forward, inference path (type != 'train'):
    #   men_embedding = word_emb_bag(feature_seq, offset_seq)   # EmbeddingBag, mode='mean'
    #   return linear(F.dropout(men_embedding, p, training=False))  # dropout is identity in eval
    T = feature_seq.shape[0]
    B = offset_seq.shape[0]
    # bag id for each flat token: which offset interval it falls into
    seg_ids = jnp.searchsorted(offset_seq, jnp.arange(T, dtype=jnp.int32), side="right") - 1
    gathered = jnp.take(emb_weight, feature_seq, axis=0)          # [T, emblen] gather
    sums = jax.ops.segment_sum(gathered, seg_ids, num_segments=B)  # [B, emblen] segment reduce
    counts = jax.ops.segment_sum(jnp.ones((T,), jnp.float32), seg_ids, num_segments=B)
    men_embedding = sums / jnp.maximum(counts, 1.0)[:, None]      # EmbeddingBag mean, empty bags -> 0
    # nn.Linear(emblen, type_size, bias=False): x @ W.T
    return men_embedding @ lin_weight.T

if __name__ == "__main__":
    import jax
    _d = setup_inputs()
    print(jax.jit(kernel)(*tuple(_d.values())))

</pallas_src>

<mosaic_0001>
#map = affine_map<(d0, d1) -> (0, 0)>
#map1 = affine_map<(d0, d1) -> (0)>
#map2 = affine_map<(d0, d1) -> (0, 0, 0)>
module attributes {stable_mosaic.version = 14 : i64} {
  func.func @_sc_body(%arg0: i32, %arg1: i32, %arg2: memref<100000x512xf32, #tpu.memory_space<hbm>>, %arg3: memref<32768xi32, #tpu.memory_space<hbm>>, %arg4: memref<16xi32, #tpu.memory_space<hbm>>, %arg5: memref<32x16x512xf32, #tpu.memory_space<hbm>>, %arg6: memref<1024xi32, #tpu.memory_space<vmem>>, %arg7: memref<32x512xf32, #tpu.memory_space<vmem>>, %arg8: memref<32x512xf32, #tpu.memory_space<vmem>>, %arg9: memref<32x512xf32, #tpu.memory_space<vmem>>, %arg10: memref<32x512xf32, #tpu.memory_space<vmem>>, %arg11: memref<16x512xf32, #tpu.memory_space<vmem>>, %arg12: memref<16xi32, #tpu.memory_space<vmem>>, %arg13: memref<17xi32, #tpu.memory_space<smem>>, %arg14: memref<!tpu.dma_semaphore, #tpu.memory_space<semaphore_mem>>, %arg15: memref<!tpu.dma_semaphore, #tpu.memory_space<semaphore_mem>>, %arg16: memref<!tpu.dma_semaphore, #tpu.memory_space<semaphore_mem>>, %arg17: memref<!tpu.dma_semaphore, #tpu.memory_space<semaphore_mem>>) attributes {dimension_semantics = [#tpu.dimension_semantics<core_parallel>, #tpu.dimension_semantics<subcore_parallel>], iteration_bounds = array<i64: 2, 16>, scalar_prefetch = 0 : i64, scratch_operands = 12 : i64, tpu.core_type = #tpu.core_type<sc_vector_subcore>, window_params = [{transform_indices = #map}, {transform_indices = #map1}, {transform_indices = #map1}, {transform_indices = #map2}]} {
    %mul3A = arith.constant 2 : i32
    %mul3A_0 = arith.muli %arg1, %mul3A : i32
    %add3A = arith.addi %mul3A_0, %arg0 : i32
    %mul3A_1 = arith.constant 1024 : i32
    %mul3A_2 = arith.muli %add3A, %mul3A_1 : i32
    %dma_start3A = tpu.memref_slice %arg3[%mul3A_2] : memref<32768xi32, #tpu.memory_space<hbm>> -> memref<1024xi32, #tpu.memory_space<hbm>>
    %dma_start3A_3 = tpu.memref_slice %arg3[%mul3A_2] : memref<32768xi32, #tpu.memory_space<hbm>> -> memref<1024xi32, #tpu.memory_space<hbm>>
    tpu.enqueue_dma source(%dma_start3A_3 : memref<1024xi32, #tpu.memory_space<hbm>>) target(%arg6 : memref<1024xi32, #tpu.memory_space<vmem>>) target_semaphore(%arg14 : memref<!tpu.dma_semaphore, #tpu.memory_space<semaphore_mem>>)
    "tpu.region"() ({
      %run_scoped3A = tpu.sem_alloc : memref<!tpu.dma_semaphore, #tpu.memory_space<semaphore_mem>>
      tpu.enqueue_dma source(%arg4 : memref<16xi32, #tpu.memory_space<hbm>>) target(%arg12 : memref<16xi32, #tpu.memory_space<vmem>>) target_semaphore(%run_scoped3A : memref<!tpu.dma_semaphore, #tpu.memory_space<semaphore_mem>>)
      tpu.wait_dma2 semaphore(%run_scoped3A : memref<!tpu.dma_semaphore, #tpu.memory_space<semaphore_mem>>) src(%arg4 : memref<16xi32, #tpu.memory_space<hbm>>) dst(%arg12 : memref<16xi32, #tpu.memory_space<vmem>>)
      tpu.yield
    }) : () -> ()
    %broadcast_in_dim3A = arith.constant 0.000000e+00 : f32
    %broadcast_in_dim3A_4 = vector.broadcast %broadcast_in_dim3A : f32 to vector<16xf32>
    %scan3A = arith.constant 0 : i32
    %scan3A_5 = arith.constant 0 : i32
    %scan3A_6 = arith.constant 16 : i32
    %scan3A_7 = arith.addi %scan3A_5, %scan3A_6 : i32
    %scan3A_8 = arith.constant 1 : i32
    %scan3A_9 = scf.for %scan3A_314 = %scan3A_5 to %scan3A_7 step %scan3A_8 iter_args(%scan3A_315 = %scan3A) -> (i32)  : i32 {
      %swap3A_316 = arith.index_cast %scan3A_314 : i32 to index
      %swap3A_317 = arith.constant 0 : index
      %swap3A_318 = tpu.vector_load %arg11[%swap3A_316, %swap3A_317] {strides = array<i32>} : memref<16x512xf32, #tpu.memory_space<vmem>>, vector<16xf32>,
      tpu.vector_store %arg11[%swap3A_316, %swap3A_317], %broadcast_in_dim3A_4 {strides = array<i32>} : memref<16x512xf32, #tpu.memory_space<vmem>>, vector<16xf32>,
      %swap3A_319 = arith.index_cast %scan3A_314 : i32 to index
      %swap3A_320 = arith.constant 16 : index
      %swap3A_321 = tpu.vector_load %arg11[%swap3A_319, %swap3A_320] {strides = array<i32>} : memref<16x512xf32, #tpu.memory_space<vmem>>, vector<16xf32>,
      tpu.vector_store %arg11[%swap3A_319, %swap3A_320], %broadcast_in_dim3A_4 {strides = array<i32>} : memref<16x512xf32, #tpu.memory_space<vmem>>, vector<16xf32>,
      %swap3A_322 = arith.index_cast %scan3A_314 : i32 to index
      %swap3A_323 = arith.constant 32 : index
      %swap3A_324 = tpu.vector_load %arg11[%swap3A_322, %swap3A_323] {strides = array<i32>} : memref<16x512xf32, #tpu.memory_space<vmem>>, vector<16xf32>,
      tpu.vector_store %arg11[%swap3A_322, %swap3A_323], %broadcast_in_dim3A_4 {strides = array<i32>} : memref<16x512xf32, #tpu.memory_space<vmem>>, vector<16xf32>,
      %swap3A_325 = arith.index_cast %scan3A_314 : i32 to index
      %swap3A_326 = arith.constant 48 : index
      %swap3A_327 = tpu.vector_load %arg11[%swap3A_325, %swap3A_326] {strides = array<i32>} : memref<16x512xf32, #tpu.memory_space<vmem>>, vector<16xf32>,
      tpu.vector_store %arg11[%swap3A_325, %swap3A_326], %broadcast_in_dim3A_4 {strides = array<i32>} : memref<16x512xf32, #tpu.memory_space<vmem>>, vector<16xf32>,
      %swap3A_328 = arith.index_cast %scan3A_314 : i32 to index
      %swap3A_329 = arith.constant 64 : index
      %swap3A_330 = tpu.vector_load %arg11[%swap3A_328, %swap3A_329] {strides = array<i32>} : memref<16x512xf32, #tpu.memory_space<vmem>>, vector<16xf32>,
      tpu.vector_store %arg11[%swap3A_328, %swap3A_329], %broadcast_in_dim3A_4 {strides = array<i32>} : memref<16x512xf32, #tpu.memory_space<vmem>>, vector<16xf32>,
      %swap3A_331 = arith.index_cast %scan3A_314 : i32 to index
      %swap3A_332 = arith.constant 80 : index
      %swap3A_333 = tpu.vector_load %arg11[%swap3A_331, %swap3A_332] {strides = array<i32>} : memref<16x512xf32, #tpu.memory_space<vmem>>, vector<16xf32>,
      tpu.vector_store %arg11[%swap3A_331, %swap3A_332], %broadcast_in_dim3A_4 {strides = array<i32>} : memref<16x512xf32, #tpu.memory_space<vmem>>, vector<16xf32>,
      %swap3A_334 = arith.index_cast %scan3A_314 : i32 to index
      %swap3A_335 = arith.constant 96 : index
      %swap3A_336 = tpu.vector_load %arg11[%swap3A_334, %swap3A_335] {strides = array<i32>} : memref<16x512xf32, #tpu.memory_space<vmem>>, vector<16xf32>,
      tpu.vector_store %arg11[%swap3A_334, %swap3A_335], %broadcast_in_dim3A_4 {strides = array<i32>} : memref<16x512xf32, #tpu.memory_space<vmem>>, vector<16xf32>,
      %swap3A_337 = arith.index_cast %scan3A_314 : i32 to index
      %swap3A_338 = arith.constant 112 : index
      %swap3A_339 = tpu.vector_load %arg11[%swap3A_337, %swap3A_338] {strides = array<i32>} : memref<16x512xf32, #tpu.memory_space<vmem>>, vector<16xf32>,
      tpu.vector_store %arg11[%swap3A_337, %swap3A_338], %broadcast_in_dim3A_4 {strides = array<i32>} : memref<16x512xf32, #tpu.memory_space<vmem>>, vector<16xf32>,
      %swap3A_340 = arith.index_cast %scan3A_314 : i32 to index
      %swap3A_341 = arith.constant 128 : index
      %swap3A_342 = tpu.vector_load %arg11[%swap3A_340, %swap3A_341] {strides = array<i32>} : memref<16x512xf32, #tpu.memory_space<vmem>>, vector<16xf32>,
      tpu.vector_store %arg11[%swap3A_340, %swap3A_341], %broadcast_in_dim3A_4 {strides = array<i32>} : memref<16x512xf32, #tpu.memory_space<vmem>>, vector<16xf32>,
      %swap3A_343 = arith.index_cast %scan3A_314 : i32 to index
      %swap3A_344 = arith.constant 144 : index
      %swap3A_345 = tpu.vector_load %arg11[%swap3A_343, %swap3A_344] {strides = array<i32>} : memref<16x512xf32, #tpu.memory_space<vmem>>, vector<16xf32>,
      tpu.vector_store %arg11[%swap3A_343, %swap3A_344], %broadcast_in_dim3A_4 {strides = array<i32>} : memref<16x512xf32, #tpu.memory_space<vmem>>, vector<16xf32>,
      %swap3A_346 = arith.index_cast %scan3A_314 : i32 to index
      %swap3A_347 = arith.constant 160 : index
      %swap3A_348 = tpu.vector_load %arg11[%swap3A_346, %swap3A_347] {strides = array<i32>} : memref<16x512xf32, #tpu.memory_space<vmem>>, vector<16xf32>,
      tpu.vector_store %arg11[%swap3A_346, %swap3A_347], %broadcast_in_dim3A_4 {strides = array<i32>} : memref<16x512xf32, #tpu.memory_space<vmem>>, vector<16xf32>,
      %swap3A_349 = arith.index_cast %scan3A_314 : i32 to index
      %swap3A_350 = arith.constant 176 : index
      %swap3A_351 = tpu.vector_load %arg11[%swap3A_349, %swap3A_350] {strides = array<i32>} : memref<16x512xf32, #tpu.memory_space<vmem>>, vector<16xf32>,
      tpu.vector_store %arg11[%swap3A_349, %swap3A_350], %broadcast_in_dim3A_4 {strides = array<i32>} : memref<16x512xf32, #tpu.memory_space<vmem>>, vector<16xf32>,
      %swap3A_352 = arith.index_cast %scan3A_314 : i32 to index
      %swap3A_353 = arith.constant 192 : index
      %swap3A_354 = tpu.vector_load %arg11[%swap3A_352, %swap3A_353] {strides = array<i32>} : memref<16x512xf32, #tpu.memory_space<vmem>>, vector<16xf32>,
      tpu.vector_store %arg11[%swap3A_352, %swap3A_353], %broadcast_in_dim3A_4 {strides = array<i32>} : memref<16x512xf32, #tpu.memory_space<vmem>>, vector<16xf32>,
      %swap3A_355 = arith.index_cast %scan3A_314 : i32 to index
      %swap3A_356 = arith.constant 208 : index
      %swap3A_357 = tpu.vector_load %arg11[%swap3A_355, %swap3A_356] {strides = array<i32>} : memref<16x512xf32, #tpu.memory_space<vmem>>, vector<16xf32>,
      tpu.vector_store %arg11[%swap3A_355, %swap3A_356], %broadcast_in_dim3A_4 {strides = array<i32>} : memref<16x512xf32, #tpu.memory_space<vmem>>, vector<16xf32>,
      %swap3A_358 = arith.index_cast %scan3A_314 : i32 to index
      %swap3A_359 = arith.constant 224 : index
      %swap3A_360 = tpu.vector_load %arg11[%swap3A_358, %swap3A_359] {strides = array<i32>} : memref<16x512xf32, #tpu.memory_space<vmem>>, vector<16xf32>,
      tpu.vector_store %arg11[%swap3A_358, %swap3A_359], %broadcast_in_dim3A_4 {strides = array<i32>} : memref<16x512xf32, #tpu.memory_space<vmem>>, vector<16xf32>,
      %swap3A_361 = arith.index_cast %scan3A_314 : i32 to index
      %swap3A_362 = arith.constant 240 : index
      %swap3A_363 = tpu.vector_load %arg11[%swap3A_361, %swap3A_362] {strides = array<i32>} : memref<16x512xf32, #tpu.memory_space<vmem>>, vector<16xf32>,
      tpu.vector_store %arg11[%swap3A_361, %swap3A_362], %broadcast_in_dim3A_4 {strides = array<i32>} : memref<16x512xf32, #tpu.memory_space<vmem>>, vector<16xf32>,
      %swap3A_364 = arith.index_cast %scan3A_314 : i32 to index
      %swap3A_365 = arith.constant 256 : index
      %swap3A_366 = tpu.vector_load %arg11[%swap3A_364, %swap3A_365] {strides = array<i32>} : memref<16x512xf32, #tpu.memory_space<vmem>>, vector<16xf32>,
      tpu.vector_store %arg11[%swap3A_364, %swap3A_365], %broadcast_in_dim3A_4 {strides = array<i32>} : memref<16x512xf32, #tpu.memory_space<vmem>>, vector<16xf32>,
      %swap3A_367 = arith.index_cast %scan3A_314 : i32 to index
      %swap3A_368 = arith.constant 272 : index
      %swap3A_369 = tpu.vector_load %arg11[%swap3A_367, %swap3A_368] {strides = array<i32>} : memref<16x512xf32, #tpu.memory_space<vmem>>, vector<16xf32>,
      tpu.vector_store %arg11[%swap3A_367, %swap3A_368], %broadcast_in_dim3A_4 {strides = array<i32>} : memref<16x512xf32, #tpu.memory_space<vmem>>, vector<16xf32>,
      %swap3A_370 = arith.index_cast %scan3A_314 : i32 to index
      %swap3A_371 = arith.constant 288 : index
      %swap3A_372 = tpu.vector_load %arg11[%swap3A_370, %swap3A_371] {strides = array<i32>} : memref<16x512xf32, #tpu.memory_space<vmem>>, vector<16xf32>,
      tpu.vector_store %arg11[%swap3A_370, %swap3A_371], %broadcast_in_dim3A_4 {strides = array<i32>} : memref<16x512xf32, #tpu.memory_space<vmem>>, vector<16xf32>,
      %swap3A_373 = arith.index_cast %scan3A_314 : i32 to index
      %swap3A_374 = arith.constant 304 : index
      %swap3A_375 = tpu.vector_load %arg11[%swap3A_373, %swap3A_374] {strides = array<i32>} : memref<16x512xf32, #tpu.memory_space<vmem>>, vector<16xf32>,
      tpu.vector_store %arg11[%swap3A_373, %swap3A_374], %broadcast_in_dim3A_4 {strides = array<i32>} : memref<16x512xf32, #tpu.memory_space<vmem>>, vector<16xf32>,
      %swap3A_376 = arith.index_cast %scan3A_314 : i32 to index
      %swap3A_377 = arith.constant 320 : index
      %swap3A_378 = tpu.vector_load %arg11[%swap3A_376, %swap3A_377] {strides = array<i32>} : memref<16x512xf32, #tpu.memory_space<vmem>>, vector<16xf32>,
      tpu.vector_store %arg11[%swap3A_376, %swap3A_377], %broadcast_in_dim3A_4 {strides = array<i32>} : memref<16x512xf32, #tpu.memory_space<vmem>>, vector<16xf32>,
      %swap3A_379 = arith.index_cast %scan3A_314 : i32 to index
      %swap3A_380 = arith.constant 336 : index
      %swap3A_381 = tpu.vector_load %arg11[%swap3A_379, %swap3A_380] {strides = array<i32>} : memref<16x512xf32, #tpu.memory_space<vmem>>, vector<16xf32>,
      tpu.vector_store %arg11[%swap3A_379, %swap3A_380], %broadcast_in_dim3A_4 {strides = array<i32>} : memref<16x512xf32, #tpu.memory_space<vmem>>, vector<16xf32>,
      %swap3A_382 = arith.index_cast %scan3A_314 : i32 to index
      %swap3A_383 = arith.constant 352 : index
      %swap3A_384 = tpu.vector_load %arg11[%swap3A_382, %swap3A_383] {strides = array<i32>} : memref<16x512xf32, #tpu.memory_space<vmem>>, vector<16xf32>,
      tpu.vector_store %arg11[%swap3A_382, %swap3A_383], %broadcast_in_dim3A_4 {strides = array<i32>} : memref<16x512xf32, #tpu.memory_space<vmem>>, vector<16xf32>,
      %swap3A_385 = arith.index_cast %scan3A_314 : i32 to index
      %swap3A_386 = arith.constant 368 : index
      %swap3A_387 = tpu.vector_load %arg11[%swap3A_385, %swap3A_386] {strides = array<i32>} : memref<16x512xf32, #tpu.memory_space<vmem>>, vector<16xf32>,
      tpu.vector_store %arg11[%swap3A_385, %swap3A_386], %broadcast_in_dim3A_4 {strides = array<i32>} : memref<16x512xf32, #tpu.memory_space<vmem>>, vector<16xf32>,
      %swap3A_388 = arith.index_cast %scan3A_314 : i32 to index
      %swap3A_389 = arith.constant 384 : index
      %swap3A_390 = tpu.vector_load %arg11[%swap3A_388, %swap3A_389] {strides = array<i32>} : memref<16x512xf32, #tpu.memory_space<vmem>>, vector<16xf32>,
      tpu.vector_store %arg11[%swap3A_388, %swap3A_389], %broadcast_in_dim3A_4 {strides = array<i32>} : memref<16x512xf32, #tpu.memory_space<vmem>>, vector<16xf32>,
      %swap3A_391 = arith.index_cast %scan3A_314 : i32 to index
      %swap3A_392 = arith.constant 400 : index
      %swap3A_393 = tpu.vector_load %arg11[%swap3A_391, %swap3A_392] {strides = array<i32>} : memref<16x512xf32, #tpu.memory_space<vmem>>, vector<16xf32>,
      tpu.vector_store %arg11[%swap3A_391, %swap3A_392], %broadcast_in_dim3A_4 {strides = array<i32>} : memref<16x512xf32, #tpu.memory_space<vmem>>, vector<16xf32>,
      %swap3A_394 = arith.index_cast %scan3A_314 : i32 to index
      %swap3A_395 = arith.constant 416 : index
      %swap3A_396 = tpu.vector_load %arg11[%swap3A_394, %swap3A_395] {strides = array<i32>} : memref<16x512xf32, #tpu.memory_space<vmem>>, vector<16xf32>,
      tpu.vector_store %arg11[%swap3A_394, %swap3A_395], %broadcast_in_dim3A_4 {strides = array<i32>} : memref<16x512xf32, #tpu.memory_space<vmem>>, vector<16xf32>,
      %swap3A_397 = arith.index_cast %scan3A_314 : i32 to index
      %swap3A_398 = arith.constant 432 : index
      %swap3A_399 = tpu.vector_load %arg11[%swap3A_397, %swap3A_398] {strides = array<i32>} : memref<16x512xf32, #tpu.memory_space<vmem>>, vector<16xf32>,
      tpu.vector_store %arg11[%swap3A_397, %swap3A_398], %broadcast_in_dim3A_4 {strides = array<i32>} : memref<16x512xf32, #tpu.memory_space<vmem>>, vector<16xf32>,
      %swap3A_400 = arith.index_cast %scan3A_314 : i32 to index
      %swap3A_401 = arith.constant 448 : index
      %swap3A_402 = tpu.vector_load %arg11[%swap3A_400, %swap3A_401] {strides = array<i32>} : memref<16x512xf32, #tpu.memory_space<vmem>>, vector<16xf32>,
      tpu.vector_store %arg11[%swap3A_400, %swap3A_401], %broadcast_in_dim3A_4 {strides = array<i32>} : memref<16x512xf32, #tpu.memory_space<vmem>>, vector<16xf32>,
      %swap3A_403 = arith.index_cast %scan3A_314 : i32 to index
      %swap3A_404 = arith.constant 464 : index
      %swap3A_405 = tpu.vector_load %arg11[%swap3A_403, %swap3A_404] {strides = array<i32>} : memref<16x512xf32, #tpu.memory_space<vmem>>, vector<16xf32>,
      tpu.vector_store %arg11[%swap3A_403, %swap3A_404], %broadcast_in_dim3A_4 {strides = array<i32>} : memref<16x512xf32, #tpu.memory_space<vmem>>, vector<16xf32>,
      %swap3A_406 = arith.index_cast %scan3A_314 : i32 to index
      %swap3A_407 = arith.constant 480 : index
      %swap3A_408 = tpu.vector_load %arg11[%swap3A_406, %swap3A_407] {strides = array<i32>} : memref<16x512xf32, #tpu.memory_space<vmem>>, vector<16xf32>,
      tpu.vector_store %arg11[%swap3A_406, %swap3A_407], %broadcast_in_dim3A_4 {strides = array<i32>} : memref<16x512xf32, #tpu.memory_space<vmem>>, vector<16xf32>,
      %swap3A_409 = arith.index_cast %scan3A_314 : i32 to index
      %swap3A_410 = arith.constant 496 : index
      %swap3A_411 = tpu.vector_load %arg11[%swap3A_409, %swap3A_410] {strides = array<i32>} : memref<16x512xf32, #tpu.memory_space<vmem>>, vector<16xf32>,
      tpu.vector_store %arg11[%swap3A_409, %swap3A_410], %broadcast_in_dim3A_4 {strides = array<i32>} : memref<16x512xf32, #tpu.memory_space<vmem>>, vector<16xf32>,
      %scan3A_412 = arith.constant 0 : i32
      scf.yield %scan3A_412 : i32
    }
    %scan3A_10 = arith.constant 16 : i32
    %get3A = arith.constant 0 : index
    %get3A_11 = tpu.vector_load %arg12[%get3A] {strides = array<i32>} : memref<16xi32, #tpu.memory_space<vmem>>, vector<16xi32>,
    %iota3A = tpu.iota {dimensions = array<i32: 0>} : vector<16xi32>
    %eq3A = arith.constant 0 : i32
    %eq3A_12 = vector.broadcast %eq3A : i32 to vector<16xi32>
    %eq3A_13 = arith.cmpi eq, %iota3A, %eq3A_12 : vector<16xi32>
    %jit3A = arith.constant 0 : i32
    %broadcast_in_dim3A_14 = vector.broadcast %jit3A : i32 to vector<16xi32>
    %select_n3A = arith.select %eq3A_13, %get3A_11, %broadcast_in_dim3A_14 : vector<16xi1>, vector<16xi32>
    %reduce_max3A = arith.constant true
    %reduce_max3A_15 = vector.broadcast %reduce_max3A : i1 to vector<16xi1>
    %reduce_max3A_16 = arith.constant -2147483648 : i32
    %reduce_max3A_17 = vector.broadcast %reduce_max3A_16 : i32 to vector<16xi32>
    %reduce_max3A_18 = arith.xori %select_n3A, %reduce_max3A_17 : vector<16xi32>
    %reduce_max3A_19 = tpu.scan <max>, %reduce_max3A_18 masked %reduce_max3A_15 : vector<16xi32>, vector<16xi1> -> vector<16xi32>
    %reduce_max3A_20 = arith.xori %reduce_max3A_19, %reduce_max3A_17 : vector<16xi32>
    %reduce_max3A_21 = vector.extract %reduce_max3A_20[15] : i32 from vector<16xi32>
    %swap3A = arith.constant 0 : i32
    %swap3A_22 = arith.index_cast %swap3A : i32 to index
    %swap3A_23 = memref.load %arg13[%swap3A_22] : memref<17xi32, #tpu.memory_space<smem>>
    memref.store %reduce_max3A_21, %arg13[%swap3A_22] : memref<17xi32, #tpu.memory_space<smem>>
    %eq3A_24 = arith.constant 1 : i32
    %eq3A_25 = vector.broadcast %eq3A_24 : i32 to vector<16xi32>
    %eq3A_26 = arith.cmpi eq, %iota3A, %eq3A_25 : vector<16xi32>
    %jit3A_27 = arith.constant 0 : i32
    %broadcast_in_dim3A_28 = vector.broadcast %jit3A_27 : i32 to vector<16xi32>
    %select_n3A_29 = arith.select %eq3A_26, %get3A_11, %broadcast_in_dim3A_28 : vector<16xi1>, vector<16xi32>
    %reduce_max3A_30 = arith.constant true
    %reduce_max3A_31 = vector.broadcast %reduce_max3A_30 : i1 to vector<16xi1>
    %reduce_max3A_32 = arith.constant -2147483648 : i32
    %reduce_max3A_33 = vector.broadcast %reduce_max3A_32 : i32 to vector<16xi32>
    %reduce_max3A_34 = arith.xori %select_n3A_29, %reduce_max3A_33 : vector<16xi32>
    %reduce_max3A_35 = tpu.scan <max>, %reduce_max3A_34 masked %reduce_max3A_31 : vector<16xi32>, vector<16xi1> -> vector<16xi32>
    %reduce_max3A_36 = arith.xori %reduce_max3A_35, %reduce_max3A_33 : vector<16xi32>
    %reduce_max3A_37 = vector.extract %reduce_max3A_36[15] : i32 from vector<16xi32>
    %swap3A_38 = arith.constant 1 : i32
    %swap3A_39 = arith.index_cast %swap3A_38 : i32 to index
    %swap3A_40 = memref.load %arg13[%swap3A_39] : memref<17xi32, #tpu.memory_space<smem>>
    memref.store %reduce_max3A_37, %arg13[%swap3A_39] : memref<17xi32, #tpu.memory_space<smem>>
    %eq3A_41 = arith.constant 2 : i32
    %eq3A_42 = vector.broadcast %eq3A_41 : i32 to vector<16xi32>
    %eq3A_43 = arith.cmpi eq, %iota3A, %eq3A_42 : vector<16xi32>
    %jit3A_44 = arith.constant 0 : i32
    %broadcast_in_dim3A_45 = vector.broadcast %jit3A_44 : i32 to vector<16xi32>
    %select_n3A_46 = arith.select %eq3A_43, %get3A_11, %broadcast_in_dim3A_45 : vector<16xi1>, vector<16xi32>
    %reduce_max3A_47 = arith.constant true
    %reduce_max3A_48 = vector.broadcast %reduce_max3A_47 : i1 to vector<16xi1>
    %reduce_max3A_49 = arith.constant -2147483648 : i32
    %reduce_max3A_50 = vector.broadcast %reduce_max3A_49 : i32 to vector<16xi32>
    %reduce_max3A_51 = arith.xori %select_n3A_46, %reduce_max3A_50 : vector<16xi32>
    %reduce_max3A_52 = tpu.scan <max>, %reduce_max3A_51 masked %reduce_max3A_48 : vector<16xi32>, vector<16xi1> -> vector<16xi32>
    %reduce_max3A_53 = arith.xori %reduce_max3A_52, %reduce_max3A_50 : vector<16xi32>
    %reduce_max3A_54 = vector.extract %reduce_max3A_53[15] : i32 from vector<16xi32>
    %swap3A_55 = arith.constant 2 : i32
    %swap3A_56 = arith.index_cast %swap3A_55 : i32 to index
    %swap3A_57 = memref.load %arg13[%swap3A_56] : memref<17xi32, #tpu.memory_space<smem>>
    memref.store %reduce_max3A_54, %arg13[%swap3A_56] : memref<17xi32, #tpu.memory_space<smem>>
    %eq3A_58 = arith.constant 3 : i32
    %eq3A_59 = vector.broadcast %eq3A_58 : i32 to vector<16xi32>
    %eq3A_60 = arith.cmpi eq, %iota3A, %eq3A_59 : vector<16xi32>
    %jit3A_61 = arith.constant 0 : i32
    %broadcast_in_dim3A_62 = vector.broadcast %jit3A_61 : i32 to vector<16xi32>
    %select_n3A_63 = arith.select %eq3A_60, %get3A_11, %broadcast_in_dim3A_62 : vector<16xi1>, vector<16xi32>
    %reduce_max3A_64 = arith.constant true
    %reduce_max3A_65 = vector.broadcast %reduce_max3A_64 : i1 to vector<16xi1>
    %reduce_max3A_66 = arith.constant -2147483648 : i32
    %reduce_max3A_67 = vector.broadcast %reduce_max3A_66 : i32 to vector<16xi32>
    %reduce_max3A_68 = arith.xori %select_n3A_63, %reduce_max3A_67 : vector<16xi32>
    %reduce_max3A_69 = tpu.scan <max>, %reduce_max3A_68 masked %reduce_max3A_65 : vector<16xi32>, vector<16xi1> -> vector<16xi32>
    %reduce_max3A_70 = arith.xori %reduce_max3A_69, %reduce_max3A_67 : vector<16xi32>
    %reduce_max3A_71 = vector.extract %reduce_max3A_70[15] : i32 from vector<16xi32>
    %swap3A_72 = arith.constant 3 : i32
    %swap3A_73 = arith.index_cast %swap3A_72 : i32 to index
    %swap3A_74 = memref.load %arg13[%swap3A_73] : memref<17xi32, #tpu.memory_space<smem>>
    memref.store %reduce_max3A_71, %arg13[%swap3A_73] : memref<17xi32, #tpu.memory_space<smem>>
    %eq3A_75 = arith.constant 4 : i32
    %eq3A_76 = vector.broadcast %eq3A_75 : i32 to vector<16xi32>
    %eq3A_77 = arith.cmpi eq, %iota3A, %eq3A_76 : vector<16xi32>
    %jit3A_78 = arith.constant 0 : i32
    %broadcast_in_dim3A_79 = vector.broadcast %jit3A_78 : i32 to vector<16xi32>
    %select_n3A_80 = arith.select %eq3A_77, %get3A_11, %broadcast_in_dim3A_79 : vector<16xi1>, vector<16xi32>
    %reduce_max3A_81 = arith.constant true
    %reduce_max3A_82 = vector.broadcast %reduce_max3A_81 : i1 to vector<16xi1>
    %reduce_max3A_83 = arith.constant -2147483648 : i32
    %reduce_max3A_84 = vector.broadcast %reduce_max3A_83 : i32 to vector<16xi32>
    %reduce_max3A_85 = arith.xori %select_n3A_80, %reduce_max3A_84 : vector<16xi32>
    %reduce_max3A_86 = tpu.scan <max>, %reduce_max3A_85 masked %reduce_max3A_82 : vector<16xi32>, vector<16xi1> -> vector<16xi32>
    %reduce_max3A_87 = arith.xori %reduce_max3A_86, %reduce_max3A_84 : vector<16xi32>
    %reduce_max3A_88 = vector.extract %reduce_max3A_87[15] : i32 from vector<16xi32>
    %swap3A_89 = arith.constant 4 : i32
    %swap3A_90 = arith.index_cast %swap3A_89 : i32 to index
    %swap3A_91 = memref.load %arg13[%swap3A_90] : memref<17xi32, #tpu.memory_space<smem>>
    memref.store %reduce_max3A_88, %arg13[%swap3A_90] : memref<17xi32, #tpu.memory_space<smem>>
    %eq3A_92 = arith.constant 5 : i32
    %eq3A_93 = vector.broadcast %eq3A_92 : i32 to vector<16xi32>
    %eq3A_94 = arith.cmpi eq, %iota3A, %eq3A_93 : vector<16xi32>
    %jit3A_95 = arith.constant 0 : i32
    %broadcast_in_dim3A_96 = vector.broadcast %jit3A_95 : i32 to vector<16xi32>
    %select_n3A_97 = arith.select %eq3A_94, %get3A_11, %broadcast_in_dim3A_96 : vector<16xi1>, vector<16xi32>
    %reduce_max3A_98 = arith.constant true
    %reduce_max3A_99 = vector.broadcast %reduce_max3A_98 : i1 to vector<16xi1>
    %reduce_max3A_100 = arith.constant -2147483648 : i32
    %reduce_max3A_101 = vector.broadcast %reduce_max3A_100 : i32 to vector<16xi32>
    %reduce_max3A_102 = arith.xori %select_n3A_97, %reduce_max3A_101 : vector<16xi32>
    %reduce_max3A_103 = tpu.scan <max>, %reduce_max3A_102 masked %reduce_max3A_99 : vector<16xi32>, vector<16xi1> -> vector<16xi32>
    %reduce_max3A_104 = arith.xori %reduce_max3A_103, %reduce_max3A_101 : vector<16xi32>
    %reduce_max3A_105 = vector.extract %reduce_max3A_104[15] : i32 from vector<16xi32>
    %swap3A_106 = arith.constant 5 : i32
    %swap3A_107 = arith.index_cast %swap3A_106 : i32 to index
    %swap3A_108 = memref.load %arg13[%swap3A_107] : memref<17xi32, #tpu.memory_space<smem>>
    memref.store %reduce_max3A_105, %arg13[%swap3A_107] : memref<17xi32, #tpu.memory_space<smem>>
    %eq3A_109 = arith.constant 6 : i32
    %eq3A_110 = vector.broadcast %eq3A_109 : i32 to vector<16xi32>
    %eq3A_111 = arith.cmpi eq, %iota3A, %eq3A_110 : vector<16xi32>
    %jit3A_112 = arith.constant 0 : i32
    %broadcast_in_dim3A_113 = vector.broadcast %jit3A_112 : i32 to vector<16xi32>
    %select_n3A_114 = arith.select %eq3A_111, %get3A_11, %broadcast_in_dim3A_113 : vector<16xi1>, vector<16xi32>
    %reduce_max3A_115 = arith.constant true
    %reduce_max3A_116 = vector.broadcast %reduce_max3A_115 : i1 to vector<16xi1>
    %reduce_max3A_117 = arith.constant -2147483648 : i32
    %reduce_max3A_118 = vector.broadcast %reduce_max3A_117 : i32 to vector<16xi32>
    %reduce_max3A_119 = arith.xori %select_n3A_114, %reduce_max3A_118 : vector<16xi32>
    %reduce_max3A_120 = tpu.scan <max>, %reduce_max3A_119 masked %reduce_max3A_116 : vector<16xi32>, vector<16xi1> -> vector<16xi32>
    %reduce_max3A_121 = arith.xori %reduce_max3A_120, %reduce_max3A_118 : vector<16xi32>
    %reduce_max3A_122 = vector.extract %reduce_max3A_121[15] : i32 from vector<16xi32>
    %swap3A_123 = arith.constant 6 : i32
    %swap3A_124 = arith.index_cast %swap3A_123 : i32 to index
    %swap3A_125 = memref.load %arg13[%swap3A_124] : memref<17xi32, #tpu.memory_space<smem>>
    memref.store %reduce_max3A_122, %arg13[%swap3A_124] : memref<17xi32, #tpu.memory_space<smem>>
    %eq3A_126 = arith.constant 7 : i32
    %eq3A_127 = vector.broadcast %eq3A_126 : i32 to vector<16xi32>
    %eq3A_128 = arith.cmpi eq, %iota3A, %eq3A_127 : vector<16xi32>
    %jit3A_129 = arith.constant 0 : i32
    %broadcast_in_dim3A_130 = vector.broadcast %jit3A_129 : i32 to vector<16xi32>
    %select_n3A_131 = arith.select %eq3A_128, %get3A_11, %broadcast_in_dim3A_130 : vector<16xi1>, vector<16xi32>
    %reduce_max3A_132 = arith.constant true
    %reduce_max3A_133 = vector.broadcast %reduce_max3A_132 : i1 to vector<16xi1>
    %reduce_max3A_134 = arith.constant -2147483648 : i32
    %reduce_max3A_135 = vector.broadcast %reduce_max3A_134 : i32 to vector<16xi32>
    %reduce_max3A_136 = arith.xori %select_n3A_131, %reduce_max3A_135 : vector<16xi32>
    %reduce_max3A_137 = tpu.scan <max>, %reduce_max3A_136 masked %reduce_max3A_133 : vector<16xi32>, vector<16xi1> -> vector<16xi32>
    %reduce_max3A_138 = arith.xori %reduce_max3A_137, %reduce_max3A_135 : vector<16xi32>
    %reduce_max3A_139 = vector.extract %reduce_max3A_138[15] : i32 from vector<16xi32>
    %swap3A_140 = arith.constant 7 : i32
    %swap3A_141 = arith.index_cast %swap3A_140 : i32 to index
    %swap3A_142 = memref.load %arg13[%swap3A_141] : memref<17xi32, #tpu.memory_space<smem>>
    memref.store %reduce_max3A_139, %arg13[%swap3A_141] : memref<17xi32, #tpu.memory_space<smem>>
    %eq3A_143 = arith.constant 8 : i32
    %eq3A_144 = vector.broadcast %eq3A_143 : i32 to vector<16xi32>
    %eq3A_145 = arith.cmpi eq, %iota3A, %eq3A_144 : vector<16xi32>
    %jit3A_146 = arith.constant 0 : i32
    %broadcast_in_dim3A_147 = vector.broadcast %jit3A_146 : i32 to vector<16xi32>
    %select_n3A_148 = arith.select %eq3A_145, %get3A_11, %broadcast_in_dim3A_147 : vector<16xi1>, vector<16xi32>
    %reduce_max3A_149 = arith.constant true
    %reduce_max3A_150 = vector.broadcast %reduce_max3A_149 : i1 to vector<16xi1>
    %reduce_max3A_151 = arith.constant -2147483648 : i32
    %reduce_max3A_152 = vector.broadcast %reduce_max3A_151 : i32 to vector<16xi32>
    %reduce_max3A_153 = arith.xori %select_n3A_148, %reduce_max3A_152 : vector<16xi32>
    %reduce_max3A_154 = tpu.scan <max>, %reduce_max3A_153 masked %reduce_max3A_150 : vector<16xi32>, vector<16xi1> -> vector<16xi32>
    %reduce_max3A_155 = arith.xori %reduce_max3A_154, %reduce_max3A_152 : vector<16xi32>
    %reduce_max3A_156 = vector.extract %reduce_max3A_155[15] : i32 from vector<16xi32>
    %swap3A_157 = arith.constant 8 : i32
    %swap3A_158 = arith.index_cast %swap3A_157 : i32 to index
    %swap3A_159 = memref.load %arg13[%swap3A_158] : memref<17xi32, #tpu.memory_space<smem>>
    memref.store %reduce_max3A_156, %arg13[%swap3A_158] : memref<17xi32, #tpu.memory_space<smem>>
    %eq3A_160 = arith.constant 9 : i32
    %eq3A_161 = vector.broadcast %eq3A_160 : i32 to vector<16xi32>
    %eq3A_162 = arith.cmpi eq, %iota3A, %eq3A_161 : vector<16xi32>
    %jit3A_163 = arith.constant 0 : i32
    %broadcast_in_dim3A_164 = vector.broadcast %jit3A_163 : i32 to vector<16xi32>
    %select_n3A_165 = arith.select %eq3A_162, %get3A_11, %broadcast_in_dim3A_164 : vector<16xi1>, vector<16xi32>
    %reduce_max3A_166 = arith.constant true
    %reduce_max3A_167 = vector.broadcast %reduce_max3A_166 : i1 to vector<16xi1>
    %reduce_max3A_168 = arith.constant -2147483648 : i32
    %reduce_max3A_169 = vector.broadcast %reduce_max3A_168 : i32 to vector<16xi32>
    %reduce_max3A_170 = arith.xori %select_n3A_165, %reduce_max3A_169 : vector<16xi32>
    %reduce_max3A_171 = tpu.scan <max>, %reduce_max3A_170 masked %reduce_max3A_167 : vector<16xi32>, vector<16xi1> -> vector<16xi32>
    %reduce_max3A_172 = arith.xori %reduce_max3A_171, %reduce_max3A_169 : vector<16xi32>
    %reduce_max3A_173 = vector.extract %reduce_max3A_172[15] : i32 from vector<16xi32>
    %swap3A_174 = arith.constant 9 : i32
    %swap3A_175 = arith.index_cast %swap3A_174 : i32 to index
    %swap3A_176 = memref.load %arg13[%swap3A_175] : memref<17xi32, #tpu.memory_space<smem>>
    memref.store %reduce_max3A_173, %arg13[%swap3A_175] : memref<17xi32, #tpu.memory_space<smem>>
    %eq3A_177 = arith.constant 10 : i32
    %eq3A_178 = vector.broadcast %eq3A_177 : i32 to vector<16xi32>
    %eq3A_179 = arith.cmpi eq, %iota3A, %eq3A_178 : vector<16xi32>
    %jit3A_180 = arith.constant 0 : i32
    %broadcast_in_dim3A_181 = vector.broadcast %jit3A_180 : i32 to vector<16xi32>
    %select_n3A_182 = arith.select %eq3A_179, %get3A_11, %broadcast_in_dim3A_181 : vector<16xi1>, vector<16xi32>
    %reduce_max3A_183 = arith.constant true
    %reduce_max3A_184 = vector.broadcast %reduce_max3A_183 : i1 to vector<16xi1>
    %reduce_max3A_185 = arith.constant -2147483648 : i32
    %reduce_max3A_186 = vector.broadcast %reduce_max3A_185 : i32 to vector<16xi32>
    %reduce_max3A_187 = arith.xori %select_n3A_182, %reduce_max3A_186 : vector<16xi32>
    %reduce_max3A_188 = tpu.scan <max>, %reduce_max3A_187 masked %reduce_max3A_184 : vector<16xi32>, vector<16xi1> -> vector<16xi32>
    %reduce_max3A_189 = arith.xori %reduce_max3A_188, %reduce_max3A_186 : vector<16xi32>
    %reduce_max3A_190 = vector.extract %reduce_max3A_189[15] : i32 from vector<16xi32>
    %swap3A_191 = arith.constant 10 : i32
    %swap3A_192 = arith.index_cast %swap3A_191 : i32 to index
    %swap3A_193 = memref.load %arg13[%swap3A_192] : memref<17xi32, #tpu.memory_space<smem>>
    memref.store %reduce_max3A_190, %arg13[%swap3A_192] : memref<17xi32, #tpu.memory_space<smem>>
    %eq3A_194 = arith.constant 11 : i32
    %eq3A_195 = vector.broadcast %eq3A_194 : i32 to vector<16xi32>
    %eq3A_196 = arith.cmpi eq, %iota3A, %eq3A_195 : vector<16xi32>
    %jit3A_197 = arith.constant 0 : i32
    %broadcast_in_dim3A_198 = vector.broadcast %jit3A_197 : i32 to vector<16xi32>
    %select_n3A_199 = arith.select %eq3A_196, %get3A_11, %broadcast_in_dim3A_198 : vector<16xi1>, vector<16xi32>
    %reduce_max3A_200 = arith.constant true
    %reduce_max3A_201 = vector.broadcast %reduce_max3A_200 : i1 to vector<16xi1>
    %reduce_max3A_202 = arith.constant -2147483648 : i32
    %reduce_max3A_203 = vector.broadcast %reduce_max3A_202 : i32 to vector<16xi32>
    %reduce_max3A_204 = arith.xori %select_n3A_199, %reduce_max3A_203 : vector<16xi32>
    %reduce_max3A_205 = tpu.scan <max>, %reduce_max3A_204 masked %reduce_max3A_201 : vector<16xi32>, vector<16xi1> -> vector<16xi32>
    %reduce_max3A_206 = arith.xori %reduce_max3A_205, %reduce_max3A_203 : vector<16xi32>
    %reduce_max3A_207 = vector.extract %reduce_max3A_206[15] : i32 from vector<16xi32>
    %swap3A_208 = arith.constant 11 : i32
    %swap3A_209 = arith.index_cast %swap3A_208 : i32 to index
    %swap3A_210 = memref.load %arg13[%swap3A_209] : memref<17xi32, #tpu.memory_space<smem>>
    memref.store %reduce_max3A_207, %arg13[%swap3A_209] : memref<17xi32, #tpu.memory_space<smem>>
    %eq3A_211 = arith.constant 12 : i32
    %eq3A_212 = vector.broadcast %eq3A_211 : i32 to vector<16xi32>
    %eq3A_213 = arith.cmpi eq, %iota3A, %eq3A_212 : vector<16xi32>
    %jit3A_214 = arith.constant 0 : i32
    %broadcast_in_dim3A_215 = vector.broadcast %jit3A_214 : i32 to vector<16xi32>
    %select_n3A_216 = arith.select %eq3A_213, %get3A_11, %broadcast_in_dim3A_215 : vector<16xi1>, vector<16xi32>
    %reduce_max3A_217 = arith.constant true
    %reduce_max3A_218 = vector.broadcast %reduce_max3A_217 : i1 to vector<16xi1>
    %reduce_max3A_219 = arith.constant -2147483648 : i32
    %reduce_max3A_220 = vector.broadcast %reduce_max3A_219 : i32 to vector<16xi32>
    %reduce_max3A_221 = arith.xori %select_n3A_216, %reduce_max3A_220 : vector<16xi32>
    %reduce_max3A_222 = tpu.scan <max>, %reduce_max3A_221 masked %reduce_max3A_218 : vector<16xi32>, vector<16xi1> -> vector<16xi32>
    %reduce_max3A_223 = arith.xori %reduce_max3A_222, %reduce_max3A_220 : vector<16xi32>
    %reduce_max3A_224 = vector.extract %reduce_max3A_223[15] : i32 from vector<16xi32>
    %swap3A_225 = arith.constant 12 : i32
    %swap3A_226 = arith.index_cast %swap3A_225 : i32 to index
    %swap3A_227 = memref.load %arg13[%swap3A_226] : memref<17xi32, #tpu.memory_space<smem>>
    memref.store %reduce_max3A_224, %arg13[%swap3A_226] : memref<17xi32, #tpu.memory_space<smem>>
    %eq3A_228 = arith.constant 13 : i32
    %eq3A_229 = vector.broadcast %eq3A_228 : i32 to vector<16xi32>
    %eq3A_230 = arith.cmpi eq, %iota3A, %eq3A_229 : vector<16xi32>
    %jit3A_231 = arith.constant 0 : i32
    %broadcast_in_dim3A_232 = vector.broadcast %jit3A_231 : i32 to vector<16xi32>
    %select_n3A_233 = arith.select %eq3A_230, %get3A_11, %broadcast_in_dim3A_232 : vector<16xi1>, vector<16xi32>
    %reduce_max3A_234 = arith.constant true
    %reduce_max3A_235 = vector.broadcast %reduce_max3A_234 : i1 to vector<16xi1>
    %reduce_max3A_236 = arith.constant -2147483648 : i32
    %reduce_max3A_237 = vector.broadcast %reduce_max3A_236 : i32 to vector<16xi32>
    %reduce_max3A_238 = arith.xori %select_n3A_233, %reduce_max3A_237 : vector<16xi32>
    %reduce_max3A_239 = tpu.scan <max>, %reduce_max3A_238 masked %reduce_max3A_235 : vector<16xi32>, vector<16xi1> -> vector<16xi32>
    %reduce_max3A_240 = arith.xori %reduce_max3A_239, %reduce_max3A_237 : vector<16xi32>
    %reduce_max3A_241 = vector.extract %reduce_max3A_240[15] : i32 from vector<16xi32>
    %swap3A_242 = arith.constant 13 : i32
    %swap3A_243 = arith.index_cast %swap3A_242 : i32 to index
    %swap3A_244 = memref.load %arg13[%swap3A_243] : memref<17xi32, #tpu.memory_space<smem>>
    memref.store %reduce_max3A_241, %arg13[%swap3A_243] : memref<17xi32, #tpu.memory_space<smem>>
    %eq3A_245 = arith.constant 14 : i32
    %eq3A_246 = vector.broadcast %eq3A_245 : i32 to vector<16xi32>
    %eq3A_247 = arith.cmpi eq, %iota3A, %eq3A_246 : vector<16xi32>
    %jit3A_248 = arith.constant 0 : i32
    %broadcast_in_dim3A_249 = vector.broadcast %jit3A_248 : i32 to vector<16xi32>
    %select_n3A_250 = arith.select %eq3A_247, %get3A_11, %broadcast_in_dim3A_249 : vector<16xi1>, vector<16xi32>
    %reduce_max3A_251 = arith.constant true
    %reduce_max3A_252 = vector.broadcast %reduce_max3A_251 : i1 to vector<16xi1>
    %reduce_max3A_253 = arith.constant -2147483648 : i32
    %reduce_max3A_254 = vector.broadcast %reduce_max3A_253 : i32 to vector<16xi32>
    %reduce_max3A_255 = arith.xori %select_n3A_250, %reduce_max3A_254 : vector<16xi32>
    %reduce_max3A_256 = tpu.scan <max>, %reduce_max3A_255 masked %reduce_max3A_252 : vector<16xi32>, vector<16xi1> -> vector<16xi32>
    %reduce_max3A_257 = arith.xori %reduce_max3A_256, %reduce_max3A_254 : vector<16xi32>
    %reduce_max3A_258 = vector.extract %reduce_max3A_257[15] : i32 from vector<16xi32>
    %swap3A_259 = arith.constant 14 : i32
    %swap3A_260 = arith.index_cast %swap3A_259 : i32 to index
    %swap3A_261 = memref.load %arg13[%swap3A_260] : memref<17xi32, #tpu.memory_space<smem>>
    memref.store %reduce_max3A_258, %arg13[%swap3A_260] : memref<17xi32, #tpu.memory_space<smem>>
    %eq3A_262 = arith.constant 15 : i32
    %eq3A_263 = vector.broadcast %eq3A_262 : i32 to vector<16xi32>
    %eq3A_264 = arith.cmpi eq, %iota3A, %eq3A_263 : vector<16xi32>
    %jit3A_265 = arith.constant 0 : i32
    %broadcast_in_dim3A_266 = vector.broadcast %jit3A_265 : i32 to vector<16xi32>
    %select_n3A_267 = arith.select %eq3A_264, %get3A_11, %broadcast_in_dim3A_266 : vector<16xi1>, vector<16xi32>
    %reduce_max3A_268 = arith.constant true
    %reduce_max3A_269 = vector.broadcast %reduce_max3A_268 : i1 to vector<16xi1>
    %reduce_max3A_270 = arith.constant -2147483648 : i32
    %reduce_max3A_271 = vector.broadcast %reduce_max3A_270 : i32 to vector<16xi32>
    %reduce_max3A_272 = arith.xori %select_n3A_267, %reduce_max3A_271 : vector<16xi32>
    %reduce_max3A_273 = tpu.scan <max>, %reduce_max3A_272 masked %reduce_max3A_269 : vector<16xi32>, vector<16xi1> -> vector<16xi32>
    %reduce_max3A_274 = arith.xori %reduce_max3A_273, %reduce_max3A_271 : vector<16xi32>
    %reduce_max3A_275 = vector.extract %reduce_max3A_274[15] : i32 from vector<16xi32>
    %swap3A_276 = arith.constant 15 : i32
    %swap3A_277 = arith.index_cast %swap3A_276 : i32 to index
    %swap3A_278 = memref.load %arg13[%swap3A_277] : memref<17xi32, #tpu.memory_space<smem>>
    memref.store %reduce_max3A_275, %arg13[%swap3A_277] : memref<17xi32, #tpu.memory_space<smem>>
    %swap3A_279 = arith.constant 32768 : i32
    %swap3A_280 = arith.constant 16 : i32
    %swap3A_281 = arith.index_cast %swap3A_280 : i32 to index
    %swap3A_282 = memref.load %arg13[%swap3A_281] : memref<17xi32, #tpu.memory_space<smem>>
    memref.store %swap3A_279, %arg13[%swap3A_281] : memref<17xi32, #tpu.memory_space<smem>>
    %dma_wait3A = tpu.memref_slice %arg3[%mul3A_2] : memref<32768xi32, #tpu.memory_space<hbm>> -> memref<1024xi32, #tpu.memory_space<hbm>>
    %dma_wait3A_283 = tpu.memref_slice %arg3[%mul3A_2] : memref<32768xi32, #tpu.memory_space<hbm>> -> memref<1024xi32, #tpu.memory_space<hbm>>
    tpu.wait_dma2 semaphore(%arg14 : memref<!tpu.dma_semaphore, #tpu.memory_space<semaphore_mem>>) src(%dma_wait3A_283 : memref<1024xi32, #tpu.memory_space<hbm>>) dst(%arg6 : memref<1024xi32, #tpu.memory_space<vmem>>)
    %multiple_of3A = arith.constant 0 : i32
    %multiple_of3A_284 = tpu.assume_multiple %multiple_of3A, 32 : i32
    %dma_start3A_285 = tpu.memref_slice %arg6[%multiple_of3A_284] : memref<1024xi32, #tpu.memory_space<vmem>> -> memref<32xi32, #tpu.memory_space<vmem>>
    %dma_start3A_286 = arith.constant 0 : i32
    %dma_start3A_287 = arith.constant 0 : i32
    %dma_start3A_288 = tpu.memref_slice %arg2[%dma_start3A_286, %dma_start3A_287] : memref<100000x512xf32, #tpu.memory_space<hbm>> -> memref<100000x512xf32, #tpu.memory_space<hbm>>
    tpu.enqueue_indirect_dma source(%dma_start3A_288 : memref<100000x512xf32, #tpu.memory_space<hbm>>) target(%arg7 : memref<32x512xf32, #tpu.memory_space<vmem>>) offsets(%dma_start3A_285 : memref<32xi32, #tpu.memory_space<vmem>>) semaphore(%arg14 : memref<!tpu.dma_semaphore, #tpu.memory_space<semaphore_mem>>)
    %multiple_of3A_289 = arith.constant 32 : i32
    %multiple_of3A_290 = tpu.assume_multiple %multiple_of3A_289, 32 : i32
    %dma_start3A_291 = tpu.memref_slice %arg6[%multiple_of3A_290] : memref<1024xi32, #tpu.memory_space<vmem>> -> memref<32xi32, #tpu.memory_space<vmem>>
    %dma_start3A_292 = arith.constant 0 : i32
    %dma_start3A_293 = arith.constant 0 : i32
    %dma_start3A_294 = tpu.memref_slice %arg2[%dma_start3A_292, %dma_start3A_293] : memref<100000x512xf32, #tpu.memory_space<hbm>> -> memref<100000x512xf32, #tpu.memory_space<hbm>>
    tpu.enqueue_indirect_dma source(%dma_start3A_294 : memref<100000x512xf32, #tpu.memory_space<hbm>>) target(%arg8 : memref<32x512xf32, #tpu.memory_space<vmem>>) offsets(%dma_start3A_291 : memref<32xi32, #tpu.memory_space<vmem>>) semaphore(%arg15 : memref<!tpu.dma_semaphore, #tpu.memory_space<semaphore_mem>>)
    %multiple_of3A_295 = arith.constant 64 : i32
    %multiple_of3A_296 = tpu.assume_multiple %multiple_of3A_295, 32 : i32
    %dma_start3A_297 = tpu.memref_slice %arg6[%multiple_of3A_296] : memref<1024xi32, #tpu.memory_space<vmem>> -> memref<32xi32, #tpu.memory_space<vmem>>
    %dma_start3A_298 = arith.constant 0 : i32
    %dma_start3A_299 = arith.constant 0 : i32
    %dma_start3A_300 = tpu.memref_slice %arg2[%dma_start3A_298, %dma_start3A_299] : memref<100000x512xf32, #tpu.memory_space<hbm>> -> memref<100000x512xf32, #tpu.memory_space<hbm>>
    tpu.enqueue_indirect_dma source(%dma_start3A_300 : memref<100000x512xf32, #tpu.memory_space<hbm>>) target(%arg9 : memref<32x512xf32, #tpu.memory_space<vmem>>) offsets(%dma_start3A_297 : memref<32xi32, #tpu.memory_space<vmem>>) semaphore(%arg16 : memref<!tpu.dma_semaphore, #tpu.memory_space<semaphore_mem>>)
    %multiple_of3A_301 = arith.constant 96 : i32
    %multiple_of3A_302 = tpu.assume_multiple %multiple_of3A_301, 32 : i32
    %dma_start3A_303 = tpu.memref_slice %arg6[%multiple_of3A_302] : memref<1024xi32, #tpu.memory_space<vmem>> -> memref<32xi32, #tpu.memory_space<vmem>>
    %dma_start3A_304 = arith.constant 0 : i32
    %dma_start3A_305 = arith.constant 0 : i32
    %dma_start3A_306 = tpu.memref_slice %arg2[%dma_start3A_304, %dma_start3A_305] : memref<100000x512xf32, #tpu.memory_space<hbm>> -> memref<100000x512xf32, #tpu.memory_space<hbm>>
    tpu.enqueue_indirect_dma source(%dma_start3A_306 : memref<100000x512xf32, #tpu.memory_space<hbm>>) target(%arg10 : memref<32x512xf32, #tpu.memory_space<vmem>>) offsets(%dma_start3A_303 : memref<32xi32, #tpu.memory_space<vmem>>) semaphore(%arg17 : memref<!tpu.dma_semaphore, #tpu.memory_space<semaphore_mem>>)
    %scan3A_307 = arith.constant 0 : i32
    %scan3A_308 = arith.constant 0 : i32
    %scan3A_309 = arith.constant 8 : i32
    %scan3A_310 = arith.addi %scan3A_308, %scan3A_309 : i32
    %scan3A_311 = arith.constant 1 : i32
    %scan3A_312 = scf.for %scan3A_314 = %scan3A_308 to %scan3A_310 step %scan3A_311 iter_args(%scan3A_315 = %scan3A_307) -> (i32)  : i32 {
      %mul3A_316 = arith.constant 4 : i32
      %mul3A_317 = arith.muli %mul3A_316, %scan3A_314 : i32
      %add3A_318 = arith.constant 0 : i32
      %add3A_319 = arith.addi %mul3A_317, %add3A_318 : i32
      %mul3A_320 = arith.constant 32 : i32
      %mul3A_321 = arith.muli %add3A_319, %mul3A_320 : i32
      %multiple_of3A_322 = tpu.assume_multiple %mul3A_321, 32 : i32
      %dma_wait3A_323 = tpu.memref_slice %arg6[%multiple_of3A_322] : memref<1024xi32, #tpu.memory_space<vmem>> -> memref<32xi32, #tpu.memory_space<vmem>>
      %dma_wait3A_324 = arith.constant 0 : i32
      %dma_wait3A_325 = arith.constant 0 : i32
      %dma_wait3A_326 = tpu.memref_slice %arg2[%dma_wait3A_324, %dma_wait3A_325] : memref<100000x512xf32, #tpu.memory_space<hbm>> -> memref<100000x512xf32, #tpu.memory_space<hbm>>
      tpu.wait_indirect_dma semaphore(%arg14 : memref<!tpu.dma_semaphore, #tpu.memory_space<semaphore_mem>>) src(%dma_wait3A_326 : memref<100000x512xf32, #tpu.memory_space<hbm>>) dst(%arg7 : memref<32x512xf32, #tpu.memory_space<vmem>>)
      %add3A_327 = arith.constant 0 : i32
      %add3A_328 = arith.addi %mul3A_317, %add3A_327 : i32
      %mul3A_329 = arith.constant 32 : i32
      %mul3A_330 = arith.muli %add3A_328, %mul3A_329 : i32
      %add3A_331 = arith.addi %mul3A_2, %mul3A_330 : i32
      %scan3A_332 = arith.constant 0 : i32
      %scan3A_333 = arith.constant 0 : i32
      %scan3A_334 = arith.constant 16 : i32
      %scan3A_335 = arith.addi %scan3A_333, %scan3A_334 : i32
      %scan3A_336 = arith.constant 1 : i32
      %scan3A_337 = scf.for %scan3A_420 = %scan3A_333 to %scan3A_335 step %scan3A_336 iter_args(%scan3A_421 = %scan3A_332) -> (i32)  : i32 {
        %get3A_422 = arith.index_cast %scan3A_420 : i32 to index
        %get3A_423 = memref.load %arg13[%get3A_422] : memref<17xi32, #tpu.memory_space<smem>>
        %sub3A = arith.subi %get3A_423, %add3A_331 : i32
        %jit3A_424 = arith.constant 0 : i32
        %jit3A_425 = arith.constant 32 : i32
        %max3A = arith.maxsi %jit3A_424, %sub3A : i32
        %min3A = arith.minsi %jit3A_425, %max3A : i32
        %add3A_426 = arith.constant 1 : i32
        %add3A_427 = arith.addi %scan3A_420, %add3A_426 : i32
        %get3A_428 = arith.index_cast %add3A_427 : i32 to index
        %get3A_429 = memref.load %arg13[%get3A_428] : memref<17xi32, #tpu.memory_space<smem>>
        %sub3A_430 = arith.subi %get3A_429, %add3A_331 : i32
        %jit3A_431 = arith.constant 0 : i32
        %jit3A_432 = arith.constant 32 : i32
        %max3A_433 = arith.maxsi %jit3A_431, %sub3A_430 : i32
        %min3A_434 = arith.minsi %jit3A_432, %max3A_433 : i32
        %gt3A = arith.cmpi sgt, %min3A_434, %min3A : i32
        %convert_element_type3A_435 = arith.extui %gt3A : i1 to i32
        %cond3A_436 = arith.constant 0 : i32
        %cond3A_437 = arith.cmpi ne, %convert_element_type3A_435, %cond3A_436 : i32
        scf.if %cond3A_437 {
          %broadcast_in_dim3A_439 = arith.constant 0.000000e+00 : f32
          %broadcast_in_dim3A_440 = vector.broadcast %broadcast_in_dim3A_439 : f32 to vector<16xf32>
          %broadcast_in_dim3A_441 = arith.constant 0.000000e+00 : f32
          %broadcast_in_dim3A_442 = vector.broadcast %broadcast_in_dim3A_441 : f32 to vector<16xf32>
          %broadcast_in_dim3A_443 = arith.constant 0.000000e+00 : f32
          %broadcast_in_dim3A_444 = vector.broadcast %broadcast_in_dim3A_443 : f32 to vector<16xf32>
          %broadcast_in_dim3A_445 = arith.constant 0.000000e+00 : f32
          %broadcast_in_dim3A_446 = vector.broadcast %broadcast_in_dim3A_445 : f32 to vector<16xf32>
          %broadcast_in_dim3A_447 = arith.constant 0.000000e+00 : f32
          %broadcast_in_dim3A_448 = vector.broadcast %broadcast_in_dim3A_447 : f32 to vector<16xf32>
          %broadcast_in_dim3A_449 = arith.constant 0.000000e+00 : f32
          %broadcast_in_dim3A_450 = vector.broadcast %broadcast_in_dim3A_449 : f32 to vector<16xf32>
          %broadcast_in_dim3A_451 = arith.constant 0.000000e+00 : f32
          %broadcast_in_dim3A_452 = vector.broadcast %broadcast_in_dim3A_451 : f32 to vector<16xf32>
          %broadcast_in_dim3A_453 = arith.constant 0.000000e+00 : f32
          %broadcast_in_dim3A_454 = vector.broadcast %broadcast_in_dim3A_453 : f32 to vector<16xf32>
          %broadcast_in_dim3A_455 = arith.constant 0.000000e+00 : f32
          %broadcast_in_dim3A_456 = vector.broadcast %broadcast_in_dim3A_455 : f32 to vector<16xf32>
          %broadcast_in_dim3A_457 = arith.constant 0.000000e+00 : f32
          %broadcast_in_dim3A_458 = vector.broadcast %broadcast_in_dim3A_457 : f32 to vector<16xf32>
          %broadcast_in_dim3A_459 = arith.constant 0.000000e+00 : f32
          %broadcast_in_dim3A_460 = vector.broadcast %broadcast_in_dim3A_459 : f32 to vector<16xf32>
          %broadcast_in_dim3A_461 = arith.constant 0.000000e+00 : f32
          %broadcast_in_dim3A_462 = vector.broadcast %broadcast_in_dim3A_461 : f32 to vector<16xf32>
          %broadcast_in_dim3A_463 = arith.constant 0.000000e+00 : f32
          %broadcast_in_dim3A_464 = vector.broadcast %broadcast_in_dim3A_463 : f32 to vector<16xf32>
          %broadcast_in_dim3A_465 = arith.constant 0.000000e+00 : f32
          %broadcast_in_dim3A_466 = vector.broadcast %broadcast_in_dim3A_465 : f32 to vector<16xf32>
          %broadcast_in_dim3A_467 = arith.constant 0.000000e+00 : f32
          %broadcast_in_dim3A_468 = vector.broadcast %broadcast_in_dim3A_467 : f32 to vector<16xf32>
          %broadcast_in_dim3A_469 = arith.constant 0.000000e+00 : f32
          %broadcast_in_dim3A_470 = vector.broadcast %broadcast_in_dim3A_469 : f32 to vector<16xf32>
          %broadcast_in_dim3A_471 = arith.constant 0.000000e+00 : f32
          %broadcast_in_dim3A_472 = vector.broadcast %broadcast_in_dim3A_471 : f32 to vector<16xf32>
          %broadcast_in_dim3A_473 = arith.constant 0.000000e+00 : f32
          %broadcast_in_dim3A_474 = vector.broadcast %broadcast_in_dim3A_473 : f32 to vector<16xf32>
          %broadcast_in_dim3A_475 = arith.constant 0.000000e+00 : f32
          %broadcast_in_dim3A_476 = vector.broadcast %broadcast_in_dim3A_475 : f32 to vector<16xf32>
          %broadcast_in_dim3A_477 = arith.constant 0.000000e+00 : f32
          %broadcast_in_dim3A_478 = vector.broadcast %broadcast_in_dim3A_477 : f32 to vector<16xf32>
          %broadcast_in_dim3A_479 = arith.constant 0.000000e+00 : f32
          %broadcast_in_dim3A_480 = vector.broadcast %broadcast_in_dim3A_479 : f32 to vector<16xf32>
          %broadcast_in_dim3A_481 = arith.constant 0.000000e+00 : f32
          %broadcast_in_dim3A_482 = vector.broadcast %broadcast_in_dim3A_481 : f32 to vector<16xf32>
          %broadcast_in_dim3A_483 = arith.constant 0.000000e+00 : f32
          %broadcast_in_dim3A_484 = vector.broadcast %broadcast_in_dim3A_483 : f32 to vector<16xf32>
          %broadcast_in_dim3A_485 = arith.constant 0.000000e+00 : f32
          %broadcast_in_dim3A_486 = vector.broadcast %broadcast_in_dim3A_485 : f32 to vector<16xf32>
          %broadcast_in_dim3A_487 = arith.constant 0.000000e+00 : f32
          %broadcast_in_dim3A_488 = vector.broadcast %broadcast_in_dim3A_487 : f32 to vector<16xf32>
          %broadcast_in_dim3A_489 = arith.constant 0.000000e+00 : f32
          %broadcast_in_dim3A_490 = vector.broadcast %broadcast_in_dim3A_489 : f32 to vector<16xf32>
          %broadcast_in_dim3A_491 = arith.constant 0.000000e+00 : f32
          %broadcast_in_dim3A_492 = vector.broadcast %broadcast_in_dim3A_491 : f32 to vector<16xf32>
          %broadcast_in_dim3A_493 = arith.constant 0.000000e+00 : f32
          %broadcast_in_dim3A_494 = vector.broadcast %broadcast_in_dim3A_493 : f32 to vector<16xf32>
          %broadcast_in_dim3A_495 = arith.constant 0.000000e+00 : f32
          %broadcast_in_dim3A_496 = vector.broadcast %broadcast_in_dim3A_495 : f32 to vector<16xf32>
          %broadcast_in_dim3A_497 = arith.constant 0.000000e+00 : f32
          %broadcast_in_dim3A_498 = vector.broadcast %broadcast_in_dim3A_497 : f32 to vector<16xf32>
          %broadcast_in_dim3A_499 = arith.constant 0.000000e+00 : f32
          %broadcast_in_dim3A_500 = vector.broadcast %broadcast_in_dim3A_499 : f32 to vector<16xf32>
          %broadcast_in_dim3A_501 = arith.constant 0.000000e+00 : f32
          %broadcast_in_dim3A_502 = vector.broadcast %broadcast_in_dim3A_501 : f32 to vector<16xf32>
          %while3A = arith.subi %min3A_434, %min3A : i32
          %while3A_503 = arith.addi %min3A, %while3A : i32
          %while3A_504 = arith.constant 1 : i32
          %while3A_505 = arith.divsi %while3A, %while3A_504 : i32
          %while3A_506 = arith.muli %while3A_505, %while3A_504 : i32
          %while3A_507 = arith.addi %min3A, %while3A_506 : i32
          %while3A_508 = arith.constant 1 : i32
          %while3A_509:32 = scf.for %while3A_736 = %min3A to %while3A_507 step %while3A_508 iter_args(%while3A_737 = %broadcast_in_dim3A_440, %while3A_738 = %broadcast_in_dim3A_442, %while3A_739 = %broadcast_in_dim3A_444, %while3A_740 = %broadcast_in_dim3A_446, %while3A_741 = %broadcast_in_dim3A_448, %while3A_742 = %broadcast_in_dim3A_450, %while3A_743 = %broadcast_in_dim3A_452, %while3A_744 = %broadcast_in_dim3A_454, %while3A_745 = %broadcast_in_dim3A_456, %while3A_746 = %broadcast_in_dim3A_458, %while3A_747 = %broadcast_in_dim3A_460, %while3A_748 = %broadcast_in_dim3A_462, %while3A_749 = %broadcast_in_dim3A_464, %while3A_750 = %broadcast_in_dim3A_466, %while3A_751 = %broadcast_in_dim3A_468, %while3A_752 = %broadcast_in_dim3A_470, %while3A_753 = %broadcast_in_dim3A_472, %while3A_754 = %broadcast_in_dim3A_474, %while3A_755 = %broadcast_in_dim3A_476, %while3A_756 = %broadcast_in_dim3A_478, %while3A_757 = %broadcast_in_dim3A_480, %while3A_758 = %broadcast_in_dim3A_482, %while3A_759 = %broadcast_in_dim3A_484, %while3A_760 = %broadcast_in_dim3A_486, %while3A_761 = %broadcast_in_dim3A_488, %while3A_762 = %broadcast_in_dim3A_490, %while3A_763 = %broadcast_in_dim3A_492, %while3A_764 = %broadcast_in_dim3A_494, %while3A_765 = %broadcast_in_dim3A_496, %while3A_766 = %broadcast_in_dim3A_498, %while3A_767 = %broadcast_in_dim3A_500, %while3A_768 = %broadcast_in_dim3A_502) -> (vector<16xf32>, vector<16xf32>, vector<16xf32>, vector<16xf32>, vector<16xf32>, vector<16xf32>, vector<16xf32>, vector<16xf32>, vector<16xf32>, vector<16xf32>, vector<16xf32>, vector<16xf32>, vector<16xf32>, vector<16xf32>, vector<16xf32>, vector<16xf32>, vector<16xf32>, vector<16xf32>, vector<16xf32>, vector<16xf32>, vector<16xf32>, vector<16xf32>, vector<16xf32>, vector<16xf32>, vector<16xf32>, vector<16xf32>, vector<16xf32>, vector<16xf32>, vector<16xf32>, vector<16xf32>, vector<16xf32>, vector<16xf32>)  : i32 {
            %get3A_769 = arith.index_cast %while3A_736 : i32 to index
            %get3A_770 = arith.constant 0 : index
            %get3A_771 = tpu.vector_load %arg7[%get3A_769, %get3A_770] {strides = array<i32>} : memref<32x512xf32, #tpu.memory_space<vmem>>, vector<16xf32>,
            %add3A_772 = arith.addf %while3A_737, %get3A_771 : vector<16xf32>
            %get3A_773 = arith.index_cast %while3A_736 : i32 to index
            %get3A_774 = arith.constant 16 : index
            %get3A_775 = tpu.vector_load %arg7[%get3A_773, %get3A_774] {strides = array<i32>} : memref<32x512xf32, #tpu.memory_space<vmem>>, vector<16xf32>,
            %add3A_776 = arith.addf %while3A_738, %get3A_775 : vector<16xf32>
            %get3A_777 = arith.index_cast %while3A_736 : i32 to index
            %get3A_778 = arith.constant 32 : index
            %get3A_779 = tpu.vector_load %arg7[%get3A_777, %get3A_778] {strides = array<i32>} : memref<32x512xf32, #tpu.memory_space<vmem>>, vector<16xf32>,
            %add3A_780 = arith.addf %while3A_739, %get3A_779 : vector<16xf32>
            %get3A_781 = arith.index_cast %while3A_736 : i32 to index
            %get3A_782 = arith.constant 48 : index
            %get3A_783 = tpu.vector_load %arg7[%get3A_781, %get3A_782] {strides = array<i32>} : memref<32x512xf32, #tpu.memory_space<vmem>>, vector<16xf32>,
            %add3A_784 = arith.addf %while3A_740, %get3A_783 : vector<16xf32>
            %get3A_785 = arith.index_cast %while3A_736 : i32 to index
            %get3A_786 = arith.constant 64 : index
            %get3A_787 = tpu.vector_load %arg7[%get3A_785, %get3A_786] {strides = array<i32>} : memref<32x512xf32, #tpu.memory_space<vmem>>, vector<16xf32>,
            %add3A_788 = arith.addf %while3A_741, %get3A_787 : vector<16xf32>
            %get3A_789 = arith.index_cast %while3A_736 : i32 to index
            %get3A_790 = arith.constant 80 : index
            %get3A_791 = tpu.vector_load %arg7[%get3A_789, %get3A_790] {strides = array<i32>} : memref<32x512xf32, #tpu.memory_space<vmem>>, vector<16xf32>,
            %add3A_792 = arith.addf %while3A_742, %get3A_791 : vector<16xf32>
            %get3A_793 = arith.index_cast %while3A_736 : i32 to index
            %get3A_794 = arith.constant 96 : index
            %get3A_795 = tpu.vector_load %arg7[%get3A_793, %get3A_794] {strides = array<i32>} : memref<32x512xf32, #tpu.memory_space<vmem>>, vector<16xf32>,
            %add3A_796 = arith.addf %while3A_743, %get3A_795 : vector<16xf32>
            %get3A_797 = arith.index_cast %while3A_736 : i32 to index
            %get3A_798 = arith.constant 112 : index
            %get3A_799 = tpu.vector_load %arg7[%get3A_797, %get3A_798] {strides = array<i32>} : memref<32x512xf32, #tpu.memory_space<vmem>>, vector<16xf32>,
            %add3A_800 = arith.addf %while3A_744, %get3A_799 : vector<16xf32>
            %get3A_801 = arith.index_cast %while3A_736 : i32 to index
            %get3A_802 = arith.constant 128 : index
            %get3A_803 = tpu.vector_load %arg7[%get3A_801, %get3A_802] {strides = array<i32>} : memref<32x512xf32, #tpu.memory_space<vmem>>, vector<16xf32>,
            %add3A_804 = arith.addf %while3A_745, %get3A_803 : vector<16xf32>
            %get3A_805 = arith.index_cast %while3A_736 : i32 to index
            %get3A_806 = arith.constant 144 : index
            %get3A_807 = tpu.vector_load %arg7[%get3A_805, %get3A_806] {strides = array<i32>} : memref<32x512xf32, #tpu.memory_space<vmem>>, vector<16xf32>,
            %add3A_808 = arith.addf %while3A_746, %get3A_807 : vector<16xf32>
            %get3A_809 = arith.index_cast %while3A_736 : i32 to index
            %get3A_810 = arith.constant 160 : index
            %get3A_811 = tpu.vector_load %arg7[%get3A_809, %get3A_810] {strides = array<i32>} : memref<32x512xf32, #tpu.memory_space<vmem>>, vector<16xf32>,
            %add3A_812 = arith.addf %while3A_747, %get3A_811 : vector<16xf32>
            %get3A_813 = arith.index_cast %while3A_736 : i32 to index
            %get3A_814 = arith.constant 176 : index
            %get3A_815 = tpu.vector_load %arg7[%get3A_813, %get3A_814] {strides = array<i32>} : memref<32x512xf32, #tpu.memory_space<vmem>>, vector<16xf32>,
            %add3A_816 = arith.addf %while3A_748, %get3A_815 : vector<16xf32>
            %get3A_817 = arith.index_cast %while3A_736 : i32 to index
            %get3A_818 = arith.constant 192 : index
            %get3A_819 = tpu.vector_load %arg7[%get3A_817, %get3A_818] {strides = array<i32>} : memref<32x512xf32, #tpu.memory_space<vmem>>, vector<16xf32>,
            %add3A_820 = arith.addf %while3A_749, %get3A_819 : vector<16xf32>
            %get3A_821 = arith.index_cast %while3A_736 : i32 to index
            %get3A_822 = arith.constant 208 : index
            %get3A_823 = tpu.vector_load %arg7[%get3A_821, %get3A_822] {strides = array<i32>} : memref<32x512xf32, #tpu.memory_space<vmem>>, vector<16xf32>,
            %add3A_824 = arith.addf %while3A_750, %get3A_823 : vector<16xf32>
            %get3A_825 = arith.index_cast %while3A_736 : i32 to index
            %get3A_826 = arith.constant 224 : index
            %get3A_827 = tpu.vector_load %arg7[%get3A_825, %get3A_826] {strides = array<i32>} : memref<32x512xf32, #tpu.memory_space<vmem>>, vector<16xf32>,
            %add3A_828 = arith.addf %while3A_751, %get3A_827 : vector<16xf32>
            %get3A_829 = arith.index_cast %while3A_736 : i32 to index
            %get3A_830 = arith.constant 240 : index
            %get3A_831 = tpu.vector_load %arg7[%get3A_829, %get3A_830] {strides = array<i32>} : memref<32x512xf32, #tpu.memory_space<vmem>>, vector<16xf32>,
            %add3A_832 = arith.addf %while3A_752, %get3A_831 : vector<16xf32>
            %get3A_833 = arith.index_cast %while3A_736 : i32 to index
            %get3A_834 = arith.constant 256 : index
            %get3A_835 = tpu.vector_load %arg7[%get3A_833, %get3A_834] {strides = array<i32>} : memref<32x512xf32, #tpu.memory_space<vmem>>, vector<16xf32>,
            %add3A_836 = arith.addf %while3A_753, %get3A_835 : vector<16xf32>
            %get3A_837 = arith.index_cast %while3A_736 : i32 to index
            %get3A_838 = arith.constant 272 : index
            %get3A_839 = tpu.vector_load %arg7[%get3A_837, %get3A_838] {strides = array<i32>} : memref<32x512xf32, #tpu.memory_space<vmem>>, vector<16xf32>,
            %add3A_840 = arith.addf %while3A_754, %get3A_839 : vector<16xf32>
            %get3A_841 = arith.index_cast %while3A_736 : i32 to index
            %get3A_842 = arith.constant 288 : index
            %get3A_843 = tpu.vector_load %arg7[%get3A_841, %get3A_842] {strides = array<i32>} : memref<32x512xf32, #tpu.memory_space<vmem>>, vector<16xf32>,
            %add3A_844 = arith.addf %while3A_755, %get3A_843 : vector<16xf32>
            %get3A_845 = arith.index_cast %while3A_736 : i32 to index
            %get3A_846 = arith.constant 304 : index
            %get3A_847 = tpu.vector_load %arg7[%get3A_845, %get3A_846] {strides = array<i32>} : memref<32x512xf32, #tpu.memory_space<vmem>>, vector<16xf32>,
            %add3A_848 = arith.addf %while3A_756, %get3A_847 : vector<16xf32>
            %get3A_849 = arith.index_cast %while3A_736 : i32 to index
            %get3A_850 = arith.constant 320 : index
            %get3A_851 = tpu.vector_load %arg7[%get3A_849, %get3A_850] {strides = array<i32>} : memref<32x512xf32, #tpu.memory_space<vmem>>, vector<16xf32>,
            %add3A_852 = arith.addf %while3A_757, %get3A_851 : vector<16xf32>
            %get3A_853 = arith.index_cast %while3A_736 : i32 to index
            %get3A_854 = arith.constant 336 : index
            %get3A_855 = tpu.vector_load %arg7[%get3A_853, %get3A_854] {strides = array<i32>} : memref<32x512xf32, #tpu.memory_space<vmem>>, vector<16xf32>,
            %add3A_856 = arith.addf %while3A_758, %get3A_855 : vector<16xf32>
            %get3A_857 = arith.index_cast %while3A_736 : i32 to index
            %get3A_858 = arith.constant 352 : index
            %get3A_859 = tpu.vector_load %arg7[%get3A_857, %get3A_858] {strides = array<i32>} : memref<32x512xf32, #tpu.memory_space<vmem>>, vector<16xf32>,
            %add3A_860 = arith.addf %while3A_759, %get3A_859 : vector<16xf32>
            %get3A_861 = arith.index_cast %while3A_736 : i32 to index
            %get3A_862 = arith.constant 368 : index
            %get3A_863 = tpu.vector_load %arg7[%get3A_861, %get3A_862] {strides = array<i32>} : memref<32x512xf32, #tpu.memory_space<vmem>>, vector<16xf32>,
            %add3A_864 = arith.addf %while3A_760, %get3A_863 : vector<16xf32>
            %get3A_865 = arith.index_cast %while3A_736 : i32 to index
            %get3A_866 = arith.constant 384 : index
            %get3A_867 = tpu.vector_load %arg7[%get3A_865, %get3A_866] {strides = array<i32>} : memref<32x512xf32, #tpu.memory_space<vmem>>, vector<16xf32>,
            %add3A_868 = arith.addf %while3A_761, %get3A_867 : vector<16xf32>
            %get3A_869 = arith.index_cast %while3A_736 : i32 to index
            %get3A_870 = arith.constant 400 : index
            %get3A_871 = tpu.vector_load %arg7[%get3A_869, %get3A_870] {strides = array<i32>} : memref<32x512xf32, #tpu.memory_space<vmem>>, vector<16xf32>,
            %add3A_872 = arith.addf %while3A_762, %get3A_871 : vector<16xf32>
            %get3A_873 = arith.index_cast %while3A_736 : i32 to index
            %get3A_874 = arith.constant 416 : index
            %get3A_875 = tpu.vector_load %arg7[%get3A_873, %get3A_874] {strides = array<i32>} : memref<32x512xf32, #tpu.memory_space<vmem>>, vector<16xf32>,
            %add3A_876 = arith.addf %while3A_763, %get3A_875 : vector<16xf32>
            %get3A_877 = arith.index_cast %while3A_736 : i32 to index
            %get3A_878 = arith.constant 432 : index
            %get3A_879 = tpu.vector_load %arg7[%get3A_877, %get3A_878] {strides = array<i32>} : memref<32x512xf32, #tpu.memory_space<vmem>>, vector<16xf32>,
            %add3A_880 = arith.addf %while3A_764, %get3A_879 : vector<16xf32>
            %get3A_881 = arith.index_cast %while3A_736 : i32 to index
            %get3A_882 = arith.constant 448 : index
            %get3A_883 = tpu.vector_load %arg7[%get3A_881, %get3A_882] {strides = array<i32>} : memref<32x512xf32, #tpu.memory_space<vmem>>, vector<16xf32>,
            %add3A_884 = arith.addf %while3A_765, %get3A_883 : vector<16xf32>
            %get3A_885 = arith.index_cast %while3A_736 : i32 to index
            %get3A_886 = arith.constant 464 : index
            %get3A_887 = tpu.vector_load %arg7[%get3A_885, %get3A_886] {strides = array<i32>} : memref<32x512xf32, #tpu.memory_space<vmem>>, vector<16xf32>,
            %add3A_888 = arith.addf %while3A_766, %get3A_887 : vector<16xf32>
            %get3A_889 = arith.index_cast %while3A_736 : i32 to index
            %get3A_890 = arith.constant 480 : index
            %get3A_891 = tpu.vector_load %arg7[%get3A_889, %get3A_890] {strides = array<i32>} : memref<32x512xf32, #tpu.memory_space<vmem>>, vector<16xf32>,
            %add3A_892 = arith.addf %while3A_767, %get3A_891 : vector<16xf32>
            %get3A_893 = arith.index_cast %while3A_736 : i32 to index
            %get3A_894 = arith.constant 496 : index
            %get3A_895 = tpu.vector_load %arg7[%get3A_893, %get3A_894] {strides = array<i32>} : memref<32x512xf32, #tpu.memory_space<vmem>>, vector<16xf32>,
            %add3A_896 = arith.addf %while3A_768, %get3A_895 : vector<16xf32>
            scf.yield %add3A_772, %add3A_776, %add3A_780, %add3A_784, %add3A_788, %add3A_792, %add3A_796, %add3A_800, %add3A_804, %add3A_808, %add3A_812, %add3A_816, %add3A_820, %add3A_824, %add3A_828, %add3A_832, %add3A_836, %add3A_840, %add3A_844, %add3A_848, %add3A_852, %add3A_856, %add3A_860, %add3A_864, %add3A_868, %add3A_872, %add3A_876, %add3A_880, %add3A_884, %add3A_888, %add3A_892, %add3A_896 : vector<16xf32>, vector<16xf32>, vector<16xf32>, vector<16xf32>, vector<16xf32>, vector<16xf32>, vector<16xf32>, vector<16xf32>, vector<16xf32>, vector<16xf32>, vector<16xf32>, vector<16xf32>, vector<16xf32>, vector<16xf32>, vector<16xf32>, vector<16xf32>, vector<16xf32>, vector<16xf32>, vector<16xf32>, vector<16xf32>, vector<16xf32>, vector<16xf32>, vector<16xf32>, vector<16xf32>, vector<16xf32>, vector<16xf32>, vector<16xf32>, vector<16xf32>, vector<16xf32>, vector<16xf32>, vector<16xf32>, vector<16xf32>
          }
          %while3A_510 = arith.constant 1 : i32
          %while3A_511:32 = scf.for %while3A_736 = %while3A_507 to %while3A_503 step %while3A_510 iter_args(%while3A_737 = %while3A_509#0, %while3A_738 = %while3A_509#1, %while3A_739 = %while3A_509#2, %while3A_740 = %while3A_509#3, %while3A_741 = %while3A_509#4, %while3A_742 = %while3A_509#5, %while3A_743 = %while3A_509#6, %while3A_744 = %while3A_509#7, %while3A_745 = %while3A_509#8, %while3A_746 = %while3A_509#9, %while3A_747 = %while3A_509#10, %while3A_748 = %while3A_509#11, %while3A_749 = %while3A_509#12, %while3A_750 = %while3A_509#13, %while3A_751 = %while3A_509#14, %while3A_752 = %while3A_509#15, %while3A_753 = %while3A_509#16, %while3A_754 = %while3A_509#17, %while3A_755 = %while3A_509#18, %while3A_756 = %while3A_509#19, %while3A_757 = %while3A_509#20, %while3A_758 = %while3A_509#21, %while3A_759 = %while3A_509#22, %while3A_760 = %while3A_509#23, %while3A_761 = %while3A_509#24, %while3A_762 = %while3A_509#25, %while3A_763 = %while3A_509#26, %while3A_764 = %while3A_509#27, %while3A_765 = %while3A_509#28, %while3A_766 = %while3A_509#29, %while3A_767 = %while3A_509#30, %while3A_768 = %while3A_509#31) -> (vector<16xf32>, vector<16xf32>, vector<16xf32>, vector<16xf32>, vector<16xf32>, vector<16xf32>, vector<16xf32>, vector<16xf32>, vector<16xf32>, vector<16xf32>, vector<16xf32>, vector<16xf32>, vector<16xf32>, vector<16xf32>, vector<16xf32>, vector<16xf32>, vector<16xf32>, vector<16xf32>, vector<16xf32>, vector<16xf32>, vector<16xf32>, vector<16xf32>, vector<16xf32>, vector<16xf32>, vector<16xf32>, vector<16xf32>, vector<16xf32>, vector<16xf32>, vector<16xf32>, vector<16xf32>, vector<16xf32>, vector<16xf32>)  : i32 {
            %get3A_769 = arith.index_cast %while3A_736 : i32 to index
            %get3A_770 = arith.constant 0 : index
            %get3A_771 = tpu.vector_load %arg7[%get3A_769, %get3A_770] {strides = array<i32>} : memref<32x512xf32, #tpu.memory_space<vmem>>, vector<16xf32>,
            %add3A_772 = arith.addf %while3A_737, %get3A_771 : vector<16xf32>
            %get3A_773 = arith.index_cast %while3A_736 : i32 to index
            %get3A_774 = arith.constant 16 : index
            %get3A_775 = tpu.vector_load %arg7[%get3A_773, %get3A_774] {strides = array<i32>} : memref<32x512xf32, #tpu.memory_space<vmem>>, vector<16xf32>,
            %add3A_776 = arith.addf %while3A_738, %get3A_775 : vector<16xf32>
            %get3A_777 = arith.index_cast %while3A_736 : i32 to index
            %get3A_778 = arith.constant 32 : index
            %get3A_779 = tpu.vector_load %arg7[%get3A_777, %get3A_778] {strides = array<i32>} : memref<32x512xf32, #tpu.memory_space<vmem>>, vector<16xf32>,
            %add3A_780 = arith.addf %while3A_739, %get3A_779 : vector<16xf32>
            %get3A_781 = arith.index_cast %while3A_736 : i32 to index
            %get3A_782 = arith.constant 48 : index
            %get3A_783 = tpu.vector_load %arg7[%get3A_781, %get3A_782] {strides = array<i32>} : memref<32x512xf32, #tpu.memory_space<vmem>>, vector<16xf32>,
            %add3A_784 = arith.addf %while3A_740, %get3A_783 : vector<16xf32>
            %get3A_785 = arith.index_cast %while3A_736 : i32 to index
            %get3A_786 = arith.constant 64 : index
            %get3A_787 = tpu.vector_load %arg7[%get3A_785, %get3A_786] {strides = array<i32>} : memref<32x512xf32, #tpu.memory_space<vmem>>, vector<16xf32>,
            %add3A_788 = arith.addf %while3A_741, %get3A_787 : vector<16xf32>
            %get3A_789 = arith.index_cast %while3A_736 : i32 to index
            %get3A_790 = arith.constant 80 : index
            %get3A_791 = tpu.vector_load %arg7[%get3A_789, %get3A_790] {strides = array<i32>} : memref<32x512xf32, #tpu.memory_space<vmem>>, vector<16xf32>,
            %add3A_792 = arith.addf %while3A_742, %get3A_791 : vector<16xf32>
            %get3A_793 = arith.index_cast %while3A_736 : i32 to index
            %get3A_794 = arith.constant 96 : index
            %get3A_795 = tpu.vector_load %arg7[%get3A_793, %get3A_794] {strides = array<i32>} : memref<32x512xf32, #tpu.memory_space<vmem>>, vector<16xf32>,
            %add3A_796 = arith.addf %while3A_743, %get3A_795 : vector<16xf32>
            %get3A_797 = arith.index_cast %while3A_736 : i32 to index
            %get3A_798 = arith.constant 112 : index
            %get3A_799 = tpu.vector_load %arg7[%get3A_797, %get3A_798] {strides = array<i32>} : memref<32x512xf32, #tpu.memory_space<vmem>>, vector<16xf32>,
            %add3A_800 = arith.addf %while3A_744, %get3A_799 : vector<16xf32>
            %get3A_801 = arith.index_cast %while3A_736 : i32 to index
            %get3A_802 = arith.constant 128 : index
            %get3A_803 = tpu.vector_load %arg7[%get3A_801, %get3A_802] {strides = array<i32>} : memref<32x512xf32, #tpu.memory_space<vmem>>, vector<16xf32>,
            %add3A_804 = arith.addf %while3A_745, %get3A_803 : vector<16xf32>
            %get3A_805 = arith.index_cast %while3A_736 : i32 to index
            %get3A_806 = arith.constant 144 : index
            %get3A_807 = tpu.vector_load %arg7[%get3A_805, %get3A_806] {strides = array<i32>} : memref<32x512xf32, #tpu.memory_space<vmem>>, vector<16xf32>,
            %add3A_808 = arith.addf %while3A_746, %get3A_807 : vector<16xf32>
            %get3A_809 = arith.index_cast %while3A_736 : i32 to index
            %get3A_810 = arith.constant 160 : index
            %get3A_811 = tpu.vector_load %arg7[%get3A_809, %get3A_810] {strides = array<i32>} : memref<32x512xf32, #tpu.memory_space<vmem>>, vector<16xf32>,
            %add3A_812 = arith.addf %while3A_747, %get3A_811 : vector<16xf32>
            %get3A_813 = arith.index_cast %while3A_736 : i32 to index
            %get3A_814 = arith.constant 176 : index
            %get3A_815 = tpu.vector_load %arg7[%get3A_813, %get3A_814] {strides = array<i32>} : memref<32x512xf32, #tpu.memory_space<vmem>>, vector<16xf32>,
            %add3A_816 = arith.addf %while3A_748, %get3A_815 : vector<16xf32>
            %get3A_817 = arith.index_cast %while3A_736 : i32 to index
            %get3A_818 = arith.constant 192 : index
            %get3A_819 = tpu.vector_load %arg7[%get3A_817, %get3A_818] {strides = array<i32>} : memref<32x512xf32, #tpu.memory_space<vmem>>, vector<16xf32>,
            %add3A_820 = arith.addf %while3A_749, %get3A_819 : vector<16xf32>
            %get3A_821 = arith.index_cast %while3A_736 : i32 to index
            %get3A_822 = arith.constant 208 : index
            %get3A_823 = tpu.vector_load %arg7[%get3A_821, %get3A_822] {strides = array<i32>} : memref<32x512xf32, #tpu.memory_space<vmem>>, vector<16xf32>,
            %add3A_824 = arith.addf %while3A_750, %get3A_823 : vector<16xf32>
            %get3A_825 = arith.index_cast %while3A_736 : i32 to index
            %get3A_826 = arith.constant 224 : index
            %get3A_827 = tpu.vector_load %arg7[%get3A_825, %get3A_826] {strides = array<i32>} : memref<32x512xf32, #tpu.memory_space<vmem>>, vector<16xf32>,
            %add3A_828 = arith.addf %while3A_751, %get3A_827 : vector<16xf32>
            %get3A_829 = arith.index_cast %while3A_736 : i32 to index
            %get3A_830 = arith.constant 240 : index
            %get3A_831 = tpu.vector_load %arg7[%get3A_829, %get3A_830] {strides = array<i32>} : memref<32x512xf32, #tpu.memory_space<vmem>>, vector<16xf32>,
            %add3A_832 = arith.addf %while3A_752, %get3A_831 : vector<16xf32>
            %get3A_833 = arith.index_cast %while3A_736 : i32 to index
            %get3A_834 = arith.constant 256 : index
            %get3A_835 = tpu.vector_load %arg7[%get3A_833, %get3A_834] {strides = array<i32>} : memref<32x512xf32, #tpu.memory_space<vmem>>, vector<16xf32>,
            %add3A_836 = arith.addf %while3A_753, %get3A_835 : vector<16xf32>
            %get3A_837 = arith.index_cast %while3A_736 : i32 to index
            %get3A_838 = arith.constant 272 : index
            %get3A_839 = tpu.vector_load %arg7[%get3A_837, %get3A_838] {strides = array<i32>} : memref<32x512xf32, #tpu.memory_space<vmem>>, vector<16xf32>,
            %add3A_840 = arith.addf %while3A_754, %get3A_839 : vector<16xf32>
            %get3A_841 = arith.index_cast %while3A_736 : i32 to index
            %get3A_842 = arith.constant 288 : index
            %get3A_843 = tpu.vector_load %arg7[%get3A_841, %get3A_842] {strides = array<i32>} : memref<32x512xf32, #tpu.memory_space<vmem>>, vector<16xf32>,
            %add3A_844 = arith.addf %while3A_755, %get3A_843 : vector<16xf32>
            %get3A_845 = arith.index_cast %while3A_736 : i32 to index
            %get3A_846 = arith.constant 304 : index
            %get3A_847 = tpu.vector_load %arg7[%get3A_845, %get3A_846] {strides = array<i32>} : memref<32x512xf32, #tpu.memory_space<vmem>>, vector<16xf32>,
            %add3A_848 = arith.addf %while3A_756, %get3A_847 : vector<16xf32>
            %get3A_849 = arith.index_cast %while3A_736 : i32 to index
            %get3A_850 = arith.constant 320 : index
            %get3A_851 = tpu.vector_load %arg7[%get3A_849, %get3A_850] {strides = array<i32>} : memref<32x512xf32, #tpu.memory_space<vmem>>, vector<16xf32>,
            %add3A_852 = arith.addf %while3A_757, %get3A_851 : vector<16xf32>
            %get3A_853 = arith.index_cast %while3A_736 : i32 to index
            %get3A_854 = arith.constant 336 : index
            %get3A_855 = tpu.vector_load %arg7[%get3A_853, %get3A_854] {strides = array<i32>} : memref<32x512xf32, #tpu.memory_space<vmem>>, vector<16xf32>,
            %add3A_856 = arith.addf %while3A_758, %get3A_855 : vector<16xf32>
            %get3A_857 = arith.index_cast %while3A_736 : i32 to index
            %get3A_858 = arith.constant 352 : index
            %get3A_859 = tpu.vector_load %arg7[%get3A_857, %get3A_858] {strides = array<i32>} : memref<32x512xf32, #tpu.memory_space<vmem>>, vector<16xf32>,
            %add3A_860 = arith.addf %while3A_759, %get3A_859 : vector<16xf32>
            %get3A_861 = arith.index_cast %while3A_736 : i32 to index
            %get3A_862 = arith.constant 368 : index
            %get3A_863 = tpu.vector_load %arg7[%get3A_861, %get3A_862] {strides = array<i32>} : memref<32x512xf32, #tpu.memory_space<vmem>>, vector<16xf32>,
            %add3A_864 = arith.addf %while3A_760, %get3A_863 : vector<16xf32>
            %get3A_865 = arith.index_cast %while3A_736 : i32 to index
            %get3A_866 = arith.constant 384 : index
            %get3A_867 = tpu.vector_load %arg7[%get3A_865, %get3A_866] {strides = array<i32>} : memref<32x512xf32, #tpu.memory_space<vmem>>, vector<16xf32>,
            %add3A_868 = arith.addf %while3A_761, %get3A_867 : vector<16xf32>
            %get3A_869 = arith.index_cast %while3A_736 : i32 to index
            %get3A_870 = arith.constant 400 : index
            %get3A_871 = tpu.vector_load %arg7[%get3A_869, %get3A_870] {strides = array<i32>} : memref<32x512xf32, #tpu.memory_space<vmem>>, vector<16xf32>,
            %add3A_872 = arith.addf %while3A_762, %get3A_871 : vector<16xf32>
            %get3A_873 = arith.index_cast %while3A_736 : i32 to index
            %get3A_874 = arith.constant 416 : index
            %get3A_875 = tpu.vector_load %arg7[%get3A_873, %get3A_874] {strides = array<i32>} : memref<32x512xf32, #tpu.memory_space<vmem>>, vector<16xf32>,
            %add3A_876 = arith.addf %while3A_763, %get3A_875 : vector<16xf32>
            %get3A_877 = arith.index_cast %while3A_736 : i32 to index
            %get3A_878 = arith.constant 432 : index
            %get3A_879 = tpu.vector_load %arg7[%get3A_877, %get3A_878] {strides = array<i32>} : memref<32x512xf32, #tpu.memory_space<vmem>>, vector<16xf32>,
            %add3A_880 = arith.addf %while3A_764, %get3A_879 : vector<16xf32>
            %get3A_881 = arith.index_cast %while3A_736 : i32 to index
            %get3A_882 = arith.constant 448 : index
            %get3A_883 = tpu.vector_load %arg7[%get3A_881, %get3A_882] {strides = array<i32>} : memref<32x512xf32, #tpu.memory_space<vmem>>, vector<16xf32>,
            %add3A_884 = arith.addf %while3A_765, %get3A_883 : vector<16xf32>
            %get3A_885 = arith.index_cast %while3A_736 : i32 to index
            %get3A_886 = arith.constant 464 : index
            %get3A_887 = tpu.vector_load %arg7[%get3A_885, %get3A_886] {strides = array<i32>} : memref<32x512xf32, #tpu.memory_space<vmem>>, vector<16xf32>,
            %add3A_888 = arith.addf %while3A_766, %get3A_887 : vector<16xf32>
            %get3A_889 = arith.index_cast %while3A_736 : i32 to index
            %get3A_890 = arith.constant 480 : index
            %get3A_891 = tpu.vector_load %arg7[%get3A_889, %get3A_890] {strides = array<i32>} : memref<32x512xf32, #tpu.memory_space<vmem>>, vector<16xf32>,
            %add3A_892 = arith.addf %while3A_767, %get3A_891 : vector<16xf32>
            %get3A_893 = arith.index_cast %while3A_736 : i32 to index
            %get3A_894 = arith.constant 496 : index
            %get3A_895 = tpu.vector_load %arg7[%get3A_893, %get3A_894] {strides = array<i32>} : memref<32x512xf32, #tpu.memory_space<vmem>>, vector<16xf32>,
            %add3A_896 = arith.addf %while3A_768, %get3A_895 : vector<16xf32>
            scf.yield %add3A_772, %add3A_776, %add3A_780, %add3A_784, %add3A_788, %add3A_792, %add3A_796, %add3A_800, %add3A_804, %add3A_808, %add3A_812, %add3A_816, %add3A_820, %add3A_824, %add3A_828, %add3A_832, %add3A_836, %add3A_840, %add3A_844, %add3A_848, %add3A_852, %add3A_856, %add3A_860, %add3A_864, %add3A_868, %add3A_872, %add3A_876, %add3A_880, %add3A_884, %add3A_888, %add3A_892, %add3A_896 : vector<16xf32>, vector<16xf32>, vector<16xf32>, vector<16xf32>, vector<16xf32>, vector<16xf32>, vector<16xf32>, vector<16xf32>, vector<16xf32>, vector<16xf32>, vector<16xf32>, vector<16xf32>, vector<16xf32>, vector<16xf32>, vector<16xf32>, vector<16xf32>, vector<16xf32>, vector<16xf32>, vector<16xf32>, vector<16xf32>, vector<16xf32>, vector<16xf32>, vector<16xf32>, vector<16xf32>, vector<16xf32>, vector<16xf32>, vector<16xf32>, vector<16xf32>, vector<16xf32>, vector<16xf32>, vector<16xf32>, vector<16xf32>
          }
          %get3A_512 = arith.index_cast %scan3A_420 : i32 to index
          %get3A_513 = arith.constant 0 : index
          %get3A_514 = tpu.vector_load %arg11[%get3A_512, %get3A_513] {strides = array<i32>} : memref<16x512xf32, #tpu.memory_space<vmem>>, vector<16xf32>,
          %add3A_515 = arith.addf %get3A_514, %while3A_511#0 : vector<16xf32>
          %swap3A_516 = arith.index_cast %scan3A_420 : i32 to index
          %swap3A_517 = arith.constant 0 : index
          %swap3A_518 = tpu.vector_load %arg11[%swap3A_516, %swap3A_517] {strides = array<i32>} : memref<16x512xf32, #tpu.memory_space<vmem>>, vector<16xf32>,
          tpu.vector_store %arg11[%swap3A_516, %swap3A_517], %add3A_515 {strides = array<i32>} : memref<16x512xf32, #tpu.memory_space<vmem>>, vector<16xf32>,
          %get3A_519 = arith.index_cast %scan3A_420 : i32 to index
          %get3A_520 = arith.constant 16 : index
          %get3A_521 = tpu.vector_load %arg11[%get3A_519, %get3A_520] {strides = array<i32>} : memref<16x512xf32, #tpu.memory_space<vmem>>, vector<16xf32>,
          %add3A_522 = arith.addf %get3A_521, %while3A_511#1 : vector<16xf32>
          %swap3A_523 = arith.index_cast %scan3A_420 : i32 to index
          %swap3A_524 = arith.constant 16 : index
          %swap3A_525 = tpu.vector_load %arg11[%swap3A_523, %swap3A_524] {strides = array<i32>} : memref<16x512xf32, #tpu.memory_space<vmem>>, vector<16xf32>,
          tpu.vector_store %arg11[%swap3A_523, %swap3A_524], %add3A_522 {strides = array<i32>} : memref<16x512xf32, #tpu.memory_space<vmem>>, vector<16xf32>,
          %get3A_526 = arith.index_cast %scan3A_420 : i32 to index
          %get3A_527 = arith.constant 32 : index
          %get3A_528 = tpu.vector_load %arg11[%get3A_526, %get3A_527] {strides = array<i32>} : memref<16x512xf32, #tpu.memory_space<vmem>>, vector<16xf32>,
          %add3A_529 = arith.addf %get3A_528, %while3A_511#2 : vector<16xf32>
          %swap3A_530 = arith.index_cast %scan3A_420 : i32 to index
          %swap3A_531 = arith.constant 32 : index
          %swap3A_532 = tpu.vector_load %arg11[%swap3A_530, %swap3A_531] {strides = array<i32>} : memref<16x512xf32, #tpu.memory_space<vmem>>, vector<16xf32>,
          tpu.vector_store %arg11[%swap3A_530, %swap3A_531], %add3A_529 {strides = array<i32>} : memref<16x512xf32, #tpu.memory_space<vmem>>, vector<16xf32>,
          %get3A_533 = arith.index_cast %scan3A_420 : i32 to index
          %get3A_534 = arith.constant 48 : index
          %get3A_535 = tpu.vector_load %arg11[%get3A_533, %get3A_534] {strides = array<i32>} : memref<16x512xf32, #tpu.memory_space<vmem>>, vector<16xf32>,
          %add3A_536 = arith.addf %get3A_535, %while3A_511#3 : vector<16xf32>
          %swap3A_537 = arith.index_cast %scan3A_420 : i32 to index
          %swap3A_538 = arith.constant 48 : index
          %swap3A_539 = tpu.vector_load %arg11[%swap3A_537, %swap3A_538] {strides = array<i32>} : memref<16x512xf32, #tpu.memory_space<vmem>>, vector<16xf32>,
          tpu.vector_store %arg11[%swap3A_537, %swap3A_538], %add3A_536 {strides = array<i32>} : memref<16x512xf32, #tpu.memory_space<vmem>>, vector<16xf32>,
          %get3A_540 = arith.index_cast %scan3A_420 : i32 to index
          %get3A_541 = arith.constant 64 : index
          %get3A_542 = tpu.vector_load %arg11[%get3A_540, %get3A_541] {strides = array<i32>} : memref<16x512xf32, #tpu.memory_space<vmem>>, vector<16xf32>,
          %add3A_543 = arith.addf %get3A_542, %while3A_511#4 : vector<16xf32>
          %swap3A_544 = arith.index_cast %scan3A_420 : i32 to index
          %swap3A_545 = arith.constant 64 : index
          %swap3A_546 = tpu.vector_load %arg11[%swap3A_544, %swap3A_545] {strides = array<i32>} : memref<16x512xf32, #tpu.memory_space<vmem>>, vector<16xf32>,
          tpu.vector_store %arg11[%swap3A_544, %swap3A_545], %add3A_543 {strides = array<i32>} : memref<16x512xf32, #tpu.memory_space<vmem>>, vector<16xf32>,
          %get3A_547 = arith.index_cast %scan3A_420 : i32 to index
          %get3A_548 = arith.constant 80 : index
          %get3A_549 = tpu.vector_load %arg11[%get3A_547, %get3A_548] {strides = array<i32>} : memref<16x512xf32, #tpu.memory_space<vmem>>, vector<16xf32>,
          %add3A_550 = arith.addf %get3A_549, %while3A_511#5 : vector<16xf32>
          %swap3A_551 = arith.index_cast %scan3A_420 : i32 to index
          %swap3A_552 = arith.constant 80 : index
          %swap3A_553 = tpu.vector_load %arg11[%swap3A_551, %swap3A_552] {strides = array<i32>} : memref<16x512xf32, #tpu.memory_space<vmem>>, vector<16xf32>,
          tpu.vector_store %arg11[%swap3A_551, %swap3A_552], %add3A_550 {strides = array<i32>} : memref<16x512xf32, #tpu.memory_space<vmem>>, vector<16xf32>,
          %get3A_554 = arith.index_cast %scan3A_420 : i32 to index
          %get3A_555 = arith.constant 96 : index
          %get3A_556 = tpu.vector_load %arg11[%get3A_554, %get3A_555] {strides = array<i32>} : memref<16x512xf32, #tpu.memory_space<vmem>>, vector<16xf32>,
          %add3A_557 = arith.addf %get3A_556, %while3A_511#6 : vector<16xf32>
          %swap3A_558 = arith.index_cast %scan3A_420 : i32 to index
          %swap3A_559 = arith.constant 96 : index
          %swap3A_560 = tpu.vector_load %arg11[%swap3A_558, %swap3A_559] {strides = array<i32>} : memref<16x512xf32, #tpu.memory_space<vmem>>, vector<16xf32>,
          tpu.vector_store %arg11[%swap3A_558, %swap3A_559], %add3A_557 {strides = array<i32>} : memref<16x512xf32, #tpu.memory_space<vmem>>, vector<16xf32>,
          %get3A_561 = arith.index_cast %scan3A_420 : i32 to index
          %get3A_562 = arith.constant 112 : index
          %get3A_563 = tpu.vector_load %arg11[%get3A_561, %get3A_562] {strides = array<i32>} : memref<16x512xf32, #tpu.memory_space<vmem>>, vector<16xf32>,
          %add3A_564 = arith.addf %get3A_563, %while3A_511#7 : vector<16xf32>
          %swap3A_565 = arith.index_cast %scan3A_420 : i32 to index
          %swap3A_566 = arith.constant 112 : index
          %swap3A_567 = tpu.vector_load %arg11[%swap3A_565, %swap3A_566] {strides = array<i32>} : memref<16x512xf32, #tpu.memory_space<vmem>>, vector<16xf32>,
          tpu.vector_store %arg11[%swap3A_565, %swap3A_566], %add3A_564 {strides = array<i32>} : memref<16x512xf32, #tpu.memory_space<vmem>>, vector<16xf32>,
          %get3A_568 = arith.index_cast %scan3A_420 : i32 to index
          %get3A_569 = arith.constant 128 : index
          %get3A_570 = tpu.vector_load %arg11[%get3A_568, %get3A_569] {strides = array<i32>} : memref<16x512xf32, #tpu.memory_space<vmem>>, vector<16xf32>,
          %add3A_571 = arith.addf %get3A_570, %while3A_511#8 : vector<16xf32>
          %swap3A_572 = arith.index_cast %scan3A_420 : i32 to index
          %swap3A_573 = arith.constant 128 : index
          %swap3A_574 = tpu.vector_load %arg11[%swap3A_572, %swap3A_573] {strides = array<i32>} : memref<16x512xf32, #tpu.memory_space<vmem>>, vector<16xf32>,
          tpu.vector_store %arg11[%swap3A_572, %swap3A_573], %add3A_571 {strides = array<i32>} : memref<16x512xf32, #tpu.memory_space<vmem>>, vector<16xf32>,
          %get3A_575 = arith.index_cast %scan3A_420 : i32 to index
          %get3A_576 = arith.constant 144 : index
          %get3A_577 = tpu.vector_load %arg11[%get3A_575, %get3A_576] {strides = array<i32>} : memref<16x512xf32, #tpu.memory_space<vmem>>, vector<16xf32>,
          %add3A_578 = arith.addf %get3A_577, %while3A_511#9 : vector<16xf32>
          %swap3A_579 = arith.index_cast %scan3A_420 : i32 to index
          %swap3A_580 = arith.constant 144 : index
          %swap3A_581 = tpu.vector_load %arg11[%swap3A_579, %swap3A_580] {strides = array<i32>} : memref<16x512xf32, #tpu.memory_space<vmem>>, vector<16xf32>,
          tpu.vector_store %arg11[%swap3A_579, %swap3A_580], %add3A_578 {strides = array<i32>} : memref<16x512xf32, #tpu.memory_space<vmem>>, vector<16xf32>,
          %get3A_582 = arith.index_cast %scan3A_420 : i32 to index
          %get3A_583 = arith.constant 160 : index
          %get3A_584 = tpu.vector_load %arg11[%get3A_582, %get3A_583] {strides = array<i32>} : memref<16x512xf32, #tpu.memory_space<vmem>>, vector<16xf32>,
          %add3A_585 = arith.addf %get3A_584, %while3A_511#10 : vector<16xf32>
          %swap3A_586 = arith.index_cast %scan3A_420 : i32 to index
          %swap3A_587 = arith.constant 160 : index
          %swap3A_588 = tpu.vector_load %arg11[%swap3A_586, %swap3A_587] {strides = array<i32>} : memref<16x512xf32, #tpu.memory_space<vmem>>, vector<16xf32>,
          tpu.vector_store %arg11[%swap3A_586, %swap3A_587], %add3A_585 {strides = array<i32>} : memref<16x512xf32, #tpu.memory_space<vmem>>, vector<16xf32>,
          %get3A_589 = arith.index_cast %scan3A_420 : i32 to index
          %get3A_590 = arith.constant 176 : index
          %get3A_591 = tpu.vector_load %arg11[%get3A_589, %get3A_590] {strides = array<i32>} : memref<16x512xf32, #tpu.memory_space<vmem>>, vector<16xf32>,
          %add3A_592 = arith.addf %get3A_591, %while3A_511#11 : vector<16xf32>
          %swap3A_593 = arith.index_cast %scan3A_420 : i32 to index
          %swap3A_594 = arith.constant 176 : index
          %swap3A_595 = tpu.vector_load %arg11[%swap3A_593, %swap3A_594] {strides = array<i32>} : memref<16x512xf32, #tpu.memory_space<vmem>>, vector<16xf32>,
          tpu.vector_store %arg11[%swap3A_593, %swap3A_594], %add3A_592 {strides = array<i32>} : memref<16x512xf32, #tpu.memory_space<vmem>>, vector<16xf32>,
          %get3A_596 = arith.index_cast %scan3A_420 : i32 to index
          %get3A_597 = arith.constant 192 : index
          %get3A_598 = tpu.vector_load %arg11[%get3A_596, %get3A_597] {strides = array<i32>} : memref<16x512xf32, #tpu.memory_space<vmem>>, vector<16xf32>,
          %add3A_599 = arith.addf %get3A_598, %while3A_511#12 : vector<16xf32>
          %swap3A_600 = arith.index_cast %scan3A_420 : i32 to index
          %swap3A_601 = arith.constant 192 : index
          %swap3A_602 = tpu.vector_load %arg11[%swap3A_600, %swap3A_601] {strides = array<i32>} : memref<16x512xf32, #tpu.memory_space<vmem>>, vector<16xf32>,
          tpu.vector_store %arg11[%swap3A_600, %swap3A_601], %add3A_599 {strides = array<i32>} : memref<16x512xf32, #tpu.memory_space<vmem>>, vector<16xf32>,
          %get3A_603 = arith.index_cast %scan3A_420 : i32 to index
          %get3A_604 = arith.constant 208 : index
          %get3A_605 = tpu.vector_load %arg11[%get3A_603, %get3A_604] {strides = array<i32>} : memref<16x512xf32, #tpu.memory_space<vmem>>, vector<16xf32>,
          %add3A_606 = arith.addf %get3A_605, %while3A_511#13 : vector<16xf32>
          %swap3A_607 = arith.index_cast %scan3A_420 : i32 to index
          %swap3A_608 = arith.constant 208 : index
          %swap3A_609 = tpu.vector_load %arg11[%swap3A_607, %swap3A_608] {strides = array<i32>} : memref<16x512xf32, #tpu.memory_space<vmem>>, vector<16xf32>,
          tpu.vector_store %arg11[%swap3A_607, %swap3A_608], %add3A_606 {strides = array<i32>} : memref<16x512xf32, #tpu.memory_space<vmem>>, vector<16xf32>,
          %get3A_610 = arith.index_cast %scan3A_420 : i32 to index
          %get3A_611 = arith.constant 224 : index
          %get3A_612 = tpu.vector_load %arg11[%get3A_610, %get3A_611] {strides = array<i32>} : memref<16x512xf32, #tpu.memory_space<vmem>>, vector<16xf32>,
          %add3A_613 = arith.addf %get3A_612, %while3A_511#14 : vector<16xf32>
          %swap3A_614 = arith.index_cast %scan3A_420 : i32 to index
          %swap3A_615 = arith.constant 224 : index
          %swap3A_616 = tpu.vector_load %arg11[%swap3A_614, %swap3A_615] {strides = array<i32>} : memref<16x512xf32, #tpu.memory_space<vmem>>, vector<16xf32>,
          tpu.vector_store %arg11[%swap3A_614, %swap3A_615], %add3A_613 {strides = array<i32>} : memref<16x512xf32, #tpu.memory_space<vmem>>, vector<16xf32>,
          %get3A_617 = arith.index_cast %scan3A_420 : i32 to index
          %get3A_618 = arith.constant 240 : index
          %get3A_619 = tpu.vector_load %arg11[%get3A_617, %get3A_618] {strides = array<i32>} : memref<16x512xf32, #tpu.memory_space<vmem>>, vector<16xf32>,
          %add3A_620 = arith.addf %get3A_619, %while3A_511#15 : vector<16xf32>
          %swap3A_621 = arith.index_cast %scan3A_420 : i32 to index
          %swap3A_622 = arith.constant 240 : index
          %swap3A_623 = tpu.vector_load %arg11[%swap3A_621, %swap3A_622] {strides = array<i32>} : memref<16x512xf32, #tpu.memory_space<vmem>>, vector<16xf32>,
          tpu.vector_store %arg11[%swap3A_621, %swap3A_622], %add3A_620 {strides = array<i32>} : memref<16x512xf32, #tpu.memory_space<vmem>>, vector<16xf32>,
          %get3A_624 = arith.index_cast %scan3A_420 : i32 to index
          %get3A_625 = arith.constant 256 : index
          %get3A_626 = tpu.vector_load %arg11[%get3A_624, %get3A_625] {strides = array<i32>} : memref<16x512xf32, #tpu.memory_space<vmem>>, vector<16xf32>,
          %add3A_627 = arith.addf %get3A_626, %while3A_511#16 : vector<16xf32>
          %swap3A_628 = arith.index_cast %scan3A_420 : i32 to index
          %swap3A_629 = arith.constant 256 : index
          %swap3A_630 = tpu.vector_load %arg11[%swap3A_628, %swap3A_629] {strides = array<i32>} : memref<16x512xf32, #tpu.memory_space<vmem>>, vector<16xf32>,
          tpu.vector_store %arg11[%swap3A_628, %swap3A_629], %add3A_627 {strides = array<i32>} : memref<16x512xf32, #tpu.memory_space<vmem>>, vector<16xf32>,
          %get3A_631 = arith.index_cast %scan3A_420 : i32 to index
          %get3A_632 = arith.constant 272 : index
          %get3A_633 = tpu.vector_load %arg11[%get3A_631, %get3A_632] {strides = array<i32>} : memref<16x512xf32, #tpu.memory_space<vmem>>, vector<16xf32>,
          %add3A_634 = arith.addf %get3A_633, %while3A_511#17 : vector<16xf32>
          %swap3A_635 = arith.index_cast %scan3A_420 : i32 to index
          %swap3A_636 = arith.constant 272 : index
          %swap3A_637 = tpu.vector_load %arg11[%swap3A_635, %swap3A_636] {strides = array<i32>} : memref<16x512xf32, #tpu.memory_space<vmem>>, vector<16xf32>,
          tpu.vector_store %arg11[%swap3A_635, %swap3A_636], %add3A_634 {strides = array<i32>} : memref<16x512xf32, #tpu.memory_space<vmem>>, vector<16xf32>,
          %get3A_638 = arith.index_cast %scan3A_420 : i32 to index
          %get3A_639 = arith.constant 288 : index
          %get3A_640 = tpu.vector_load %arg11[%get3A_638, %get3A_639] {strides = array<i32>} : memref<16x512xf32, #tpu.memory_space<vmem>>, vector<16xf32>,
          %add3A_641 = arith.addf %get3A_640, %while3A_511#18 : vector<16xf32>
          %swap3A_642 = arith.index_cast %scan3A_420 : i32 to index
          %swap3A_643 = arith.constant 288 : index
          %swap3A_644 = tpu.vector_load %arg11[%swap3A_642, %swap3A_643] {strides = array<i32>} : memref<16x512xf32, #tpu.memory_space<vmem>>, vector<16xf32>,
          tpu.vector_store %arg11[%swap3A_642, %swap3A_643], %add3A_641 {strides = array<i32>} : memref<16x512xf32, #tpu.memory_space<vmem>>, vector<16xf32>,
          %get3A_645 = arith.index_cast %scan3A_420 : i32 to index
          %get3A_646 = arith.constant 304 : index
          %get3A_647 = tpu.vector_load %arg11[%get3A_645, %get3A_646] {strides = array<i32>} : memref<16x512xf32, #tpu.memory_space<vmem>>, vector<16xf32>,
          %add3A_648 = arith.addf %get3A_647, %while3A_511#19 : vector<16xf32>
          %swap3A_649 = arith.index_cast %scan3A_420 : i32 to index
          %swap3A_650 = arith.constant 304 : index
          %swap3A_651 = tpu.vector_load %arg11[%swap3A_649, %swap3A_650] {strides = array<i32>} : memref<16x512xf32, #tpu.memory_space<vmem>>, vector<16xf32>,
          tpu.vector_store %arg11[%swap3A_649, %swap3A_650], %add3A_648 {strides = array<i32>} : memref<16x512xf32, #tpu.memory_space<vmem>>, vector<16xf32>,
          %get3A_652 = arith.index_cast %scan3A_420 : i32 to index
          %get3A_653 = arith.constant 320 : index
          %get3A_654 = tpu.vector_load %arg11[%get3A_652, %get3A_653] {strides = array<i32>} : memref<16x512xf32, #tpu.memory_space<vmem>>, vector<16xf32>,
          %add3A_655 = arith.addf %get3A_654, %while3A_511#20 : vector<16xf32>
          %swap3A_656 = arith.index_cast %scan3A_420 : i32 to index
          %swap3A_657 = arith.constant 320 : index
          %swap3A_658 = tpu.vector_load %arg11[%swap3A_656, %swap3A_657] {strides = array<i32>} : memref<16x512xf32, #tpu.memory_space<vmem>>, vector<16xf32>,
          tpu.vector_store %arg11[%swap3A_656, %swap3A_657], %add3A_655 {strides = array<i32>} : memref<16x512xf32, #tpu.memory_space<vmem>>, vector<16xf32>,
          %get3A_659 = arith.index_cast %scan3A_420 : i32 to index
          %get3A_660 = arith.constant 336 : index
          %get3A_661 = tpu.vector_load %arg11[%get3A_659, %get3A_660] {strides = array<i32>} : memref<16x512xf32, #tpu.memory_space<vmem>>, vector<16xf32>,
          %add3A_662 = arith.addf %get3A_661, %while3A_511#21 : vector<16xf32>
          %swap3A_663 = arith.index_cast %scan3A_420 : i32 to index
          %swap3A_664 = arith.constant 336 : index
          %swap3A_665 = tpu.vector_load %arg11[%swap3A_663, %swap3A_664] {strides = array<i32>} : memref<16x512xf32, #tpu.memory_space<vmem>>, vector<16xf32>,
          tpu.vector_store %arg11[%swap3A_663, %swap3A_664], %add3A_662 {strides = array<i32>} : memref<16x512xf32, #tpu.memory_space<vmem>>, vector<16xf32>,
          %get3A_666 = arith.index_cast %scan3A_420 : i32 to index
          %get3A_667 = arith.constant 352 : index
          %get3A_668 = tpu.vector_load %arg11[%get3A_666, %get3A_667] {strides = array<i32>} : memref<16x512xf32, #tpu.memory_space<vmem>>, vector<16xf32>,
          %add3A_669 = arith.addf %get3A_668, %while3A_511#22 : vector<16xf32>
          %swap3A_670 = arith.index_cast %scan3A_420 : i32 to index
          %swap3A_671 = arith.constant 352 : index
          %swap3A_672 = tpu.vector_load %arg11[%swap3A_670, %swap3A_671] {strides = array<i32>} : memref<16x512xf32, #tpu.memory_space<vmem>>, vector<16xf32>,
          tpu.vector_store %arg11[%swap3A_670, %swap3A_671], %add3A_669 {strides = array<i32>} : memref<16x512xf32, #tpu.memory_space<vmem>>, vector<16xf32>,
          %get3A_673 = arith.index_cast %scan3A_420 : i32 to index
          %get3A_674 = arith.constant 368 : index
          %get3A_675 = tpu.vector_load %arg11[%get3A_673, %get3A_674] {strides = array<i32>} : memref<16x512xf32, #tpu.memory_space<vmem>>, vector<16xf32>,
          %add3A_676 = arith.addf %get3A_675, %while3A_511#23 : vector<16xf32>
          %swap3A_677 = arith.index_cast %scan3A_420 : i32 to index
          %swap3A_678 = arith.constant 368 : index
          %swap3A_679 = tpu.vector_load %arg11[%swap3A_677, %swap3A_678] {strides = array<i32>} : memref<16x512xf32, #tpu.memory_space<vmem>>, vector<16xf32>,
          tpu.vector_store %arg11[%swap3A_677, %swap3A_678], %add3A_676 {strides = array<i32>} : memref<16x512xf32, #tpu.memory_space<vmem>>, vector<16xf32>,
          %get3A_680 = arith.index_cast %scan3A_420 : i32 to index
          %get3A_681 = arith.constant 384 : index
          %get3A_682 = tpu.vector_load %arg11[%get3A_680, %get3A_681] {strides = array<i32>} : memref<16x512xf32, #tpu.memory_space<vmem>>, vector<16xf32>,
          %add3A_683 = arith.addf %get3A_682, %while3A_511#24 : vector<16xf32>
          %swap3A_684 = arith.index_cast %scan3A_420 : i32 to index
          %swap3A_685 = arith.constant 384 : index
          %swap3A_686 = tpu.vector_load %arg11[%swap3A_684, %swap3A_685] {strides = array<i32>} : memref<16x512xf32, #tpu.memory_space<vmem>>, vector<16xf32>,
          tpu.vector_store %arg11[%swap3A_684, %swap3A_685], %add3A_683 {strides = array<i32>} : memref<16x512xf32, #tpu.memory_space<vmem>>, vector<16xf32>,
          %get3A_687 = arith.index_cast %scan3A_420 : i32 to index
          %get3A_688 = arith.constant 400 : index
          %get3A_689 = tpu.vector_load %arg11[%get3A_687, %get3A_688] {strides = array<i32>} : memref<16x512xf32, #tpu.memory_space<vmem>>, vector<16xf32>,
          %add3A_690 = arith.addf %get3A_689, %while3A_511#25 : vector<16xf32>
          %swap3A_691 = arith.index_cast %scan3A_420 : i32 to index
          %swap3A_692 = arith.constant 400 : index
          %swap3A_693 = tpu.vector_load %arg11[%swap3A_691, %swap3A_692] {strides = array<i32>} : memref<16x512xf32, #tpu.memory_space<vmem>>, vector<16xf32>,
          tpu.vector_store %arg11[%swap3A_691, %swap3A_692], %add3A_690 {strides = array<i32>} : memref<16x512xf32, #tpu.memory_space<vmem>>, vector<16xf32>,
          %get3A_694 = arith.index_cast %scan3A_420 : i32 to index
          %get3A_695 = arith.constant 416 : index
          %get3A_696 = tpu.vector_load %arg11[%get3A_694, %get3A_695] {strides = array<i32>} : memref<16x512xf32, #tpu.memory_space<vmem>>, vector<16xf32>,
          %add3A_697 = arith.addf %get3A_696, %while3A_511#26 : vector<16xf32>
          %swap3A_698 = arith.index_cast %scan3A_420 : i32 to index
          %swap3A_699 = arith.constant 416 : index
          %swap3A_700 = tpu.vector_load %arg11[%swap3A_698, %swap3A_699] {strides = array<i32>} : memref<16x512xf32, #tpu.memory_space<vmem>>, vector<16xf32>,
          tpu.vector_store %arg11[%swap3A_698, %swap3A_699], %add3A_697 {strides = array<i32>} : memref<16x512xf32, #tpu.memory_space<vmem>>, vector<16xf32>,
          %get3A_701 = arith.index_cast %scan3A_420 : i32 to index
          %get3A_702 = arith.constant 432 : index
          %get3A_703 = tpu.vector_load %arg11[%get3A_701, %get3A_702] {strides = array<i32>} : memref<16x512xf32, #tpu.memory_space<vmem>>, vector<16xf32>,
          %add3A_704 = arith.addf %get3A_703, %while3A_511#27 : vector<16xf32>
          %swap3A_705 = arith.index_cast %scan3A_420 : i32 to index
          %swap3A_706 = arith.constant 432 : index
          %swap3A_707 = tpu.vector_load %arg11[%swap3A_705, %swap3A_706] {strides = array<i32>} : memref<16x512xf32, #tpu.memory_space<vmem>>, vector<16xf32>,
          tpu.vector_store %arg11[%swap3A_705, %swap3A_706], %add3A_704 {strides = array<i32>} : memref<16x512xf32, #tpu.memory_space<vmem>>, vector<16xf32>,
          %get3A_708 = arith.index_cast %scan3A_420 : i32 to index
          %get3A_709 = arith.constant 448 : index
          %get3A_710 = tpu.vector_load %arg11[%get3A_708, %get3A_709] {strides = array<i32>} : memref<16x512xf32, #tpu.memory_space<vmem>>, vector<16xf32>,
          %add3A_711 = arith.addf %get3A_710, %while3A_511#28 : vector<16xf32>
          %swap3A_712 = arith.index_cast %scan3A_420 : i32 to index
          %swap3A_713 = arith.constant 448 : index
          %swap3A_714 = tpu.vector_load %arg11[%swap3A_712, %swap3A_713] {strides = array<i32>} : memref<16x512xf32, #tpu.memory_space<vmem>>, vector<16xf32>,
          tpu.vector_store %arg11[%swap3A_712, %swap3A_713], %add3A_711 {strides = array<i32>} : memref<16x512xf32, #tpu.memory_space<vmem>>, vector<16xf32>,
          %get3A_715 = arith.index_cast %scan3A_420 : i32 to index
          %get3A_716 = arith.constant 464 : index
          %get3A_717 = tpu.vector_load %arg11[%get3A_715, %get3A_716] {strides = array<i32>} : memref<16x512xf32, #tpu.memory_space<vmem>>, vector<16xf32>,
          %add3A_718 = arith.addf %get3A_717, %while3A_511#29 : vector<16xf32>
          %swap3A_719 = arith.index_cast %scan3A_420 : i32 to index
          %swap3A_720 = arith.constant 464 : index
          %swap3A_721 = tpu.vector_load %arg11[%swap3A_719, %swap3A_720] {strides = array<i32>} : memref<16x512xf32, #tpu.memory_space<vmem>>, vector<16xf32>,
          tpu.vector_store %arg11[%swap3A_719, %swap3A_720], %add3A_718 {strides = array<i32>} : memref<16x512xf32, #tpu.memory_space<vmem>>, vector<16xf32>,
          %get3A_722 = arith.index_cast %scan3A_420 : i32 to index
          %get3A_723 = arith.constant 480 : index
          %get3A_724 = tpu.vector_load %arg11[%get3A_722, %get3A_723] {strides = array<i32>} : memref<16x512xf32, #tpu.memory_space<vmem>>, vector<16xf32>,
          %add3A_725 = arith.addf %get3A_724, %while3A_511#30 : vector<16xf32>
          %swap3A_726 = arith.index_cast %scan3A_420 : i32 to index
          %swap3A_727 = arith.constant 480 : index
          %swap3A_728 = tpu.vector_load %arg11[%swap3A_726, %swap3A_727] {strides = array<i32>} : memref<16x512xf32, #tpu.memory_space<vmem>>, vector<16xf32>,
          tpu.vector_store %arg11[%swap3A_726, %swap3A_727], %add3A_725 {strides = array<i32>} : memref<16x512xf32, #tpu.memory_space<vmem>>, vector<16xf32>,
          %get3A_729 = arith.index_cast %scan3A_420 : i32 to index
          %get3A_730 = arith.constant 496 : index
          %get3A_731 = tpu.vector_load %arg11[%get3A_729, %get3A_730] {strides = array<i32>} : memref<16x512xf32, #tpu.memory_space<vmem>>, vector<16xf32>,
          %add3A_732 = arith.addf %get3A_731, %while3A_511#31 : vector<16xf32>
          %swap3A_733 = arith.index_cast %scan3A_420 : i32 to index
          %swap3A_734 = arith.constant 496 : index
          %swap3A_735 = tpu.vector_load %arg11[%swap3A_733, %swap3A_734] {strides = array<i32>} : memref<16x512xf32, #tpu.memory_space<vmem>>, vector<16xf32>,
          tpu.vector_store %arg11[%swap3A_733, %swap3A_734], %add3A_732 {strides = array<i32>} : memref<16x512xf32, #tpu.memory_space<vmem>>, vector<16xf32>,
        } else {
        }
        %scan3A_438 = arith.constant 0 : i32
        scf.yield %scan3A_438 : i32
      }
      %scan3A_338 = arith.constant 16 : i32
      %lt3A = arith.constant 7 : i32
      %lt3A_339 = arith.cmpi slt, %scan3A_314, %lt3A : i32
      %convert_element_type3A = arith.extui %lt3A_339 : i1 to i32
      %cond3A = arith.constant 0 : i32
      %cond3A_340 = arith.cmpi ne, %convert_element_type3A, %cond3A : i32
      scf.if %cond3A_340 {
        %add3A_420 = arith.constant 0 : i32
        %add3A_421 = arith.addi %mul3A_317, %add3A_420 : i32
        %add3A_422 = arith.constant 4 : i32
        %add3A_423 = arith.addi %add3A_421, %add3A_422 : i32
        %mul3A_424 = arith.constant 32 : i32
        %mul3A_425 = arith.muli %add3A_423, %mul3A_424 : i32
        %multiple_of3A_426 = tpu.assume_multiple %mul3A_425, 32 : i32
        %dma_start3A_427 = tpu.memref_slice %arg6[%multiple_of3A_426] : memref<1024xi32, #tpu.memory_space<vmem>> -> memref<32xi32, #tpu.memory_space<vmem>>
        %dma_start3A_428 = arith.constant 0 : i32
        %dma_start3A_429 = arith.constant 0 : i32
        %dma_start3A_430 = tpu.memref_slice %arg2[%dma_start3A_428, %dma_start3A_429] : memref<100000x512xf32, #tpu.memory_space<hbm>> -> memref<100000x512xf32, #tpu.memory_space<hbm>>
        tpu.enqueue_indirect_dma source(%dma_start3A_430 : memref<100000x512xf32, #tpu.memory_space<hbm>>) target(%arg7 : memref<32x512xf32, #tpu.memory_space<vmem>>) offsets(%dma_start3A_427 : memref<32xi32, #tpu.memory_space<vmem>>) semaphore(%arg14 : memref<!tpu.dma_semaphore, #tpu.memory_space<semaphore_mem>>)
      } else {
      }
      %add3A_341 = arith.constant 1 : i32
      %add3A_342 = arith.addi %mul3A_317, %add3A_341 : i32
      %mul3A_343 = arith.constant 32 : i32
      %mul3A_344 = arith.muli %add3A_342, %mul3A_343 : i32
      %multiple_of3A_345 = tpu.assume_multiple %mul3A_344, 32 : i32
      %dma_wait3A_346 = tpu.memref_slice %arg6[%multiple_of3A_345] : memref<1024xi32, #tpu.memory_space<vmem>> -> memref<32xi32, #tpu.memory_space<vmem>>
      %dma_wait3A_347 = arith.constant 0 : i32
      %dma_wait3A_348 = arith.constant 0 : i32
      %dma_wait3A_349 = tpu.memref_slice %arg2[%dma_wait3A_347, %dma_wait3A_348] : memref<100000x512xf32, #tpu.memory_space<hbm>> -> memref<100000x512xf32, #tpu.memory_space<hbm>>
      tpu.wait_indirect_dma semaphore(%arg15 : memref<!tpu.dma_semaphore, #tpu.memory_space<semaphore_mem>>) src(%dma_wait3A_349 : memref<100000x512xf32, #tpu.memory_space<hbm>>) dst(%arg8 : memref<32x512xf32, #tpu.memory_space<vmem>>)
      %add3A_350 = arith.constant 1 : i32
      %add3A_351 = arith.addi %mul3A_317, %add3A_350 : i32
      %mul3A_352 = arith.constant 32 : i32
      %mul3A_353 = arith.muli %add3A_351, %mul3A_352 : i32
      %add3A_354 = arith.addi %mul3A_2, %mul3A_353 : i32
      %scan3A_355 = arith.constant 0 : i32
      %scan3A_356 = arith.constant 0 : i32
      %scan3A_357 = arith.constant 16 : i32
      %scan3A_358 = arith.addi %scan3A_356, %scan3A_357 : i32
      %scan3A_359 = arith.constant 1 : i32
      %scan3A_360 = scf.for %scan3A_420 = %scan3A_356 to %scan3A_358 step %scan3A_359 iter_args(%scan3A_421 = %scan3A_355) -> (i32)  : i32 {
        %get3A_422 = arith.index_cast %scan3A_420 : i32 to index
        %get3A_423 = memref.load %arg13[%get3A_422] : memref<17xi32, #tpu.memory_space<smem>>
        %sub3A = arith.subi %get3A_423, %add3A_354 : i32
        %jit3A_424 = arith.constant 0 : i32
        %jit3A_425 = arith.constant 32 : i32
        %max3A = arith.maxsi %jit3A_424, %sub3A : i32
        %min3A = arith.minsi %jit3A_425, %max3A : i32
        %add3A_426 = arith.constant 1 : i32
        %add3A_427 = arith.addi %scan3A_420, %add3A_426 : i32
        %get3A_428 = arith.index_cast %add3A_427 : i32 to index
        %get3A_429 = memref.load %arg13[%get3A_428] : memref<17xi32, #tpu.memory_space<smem>>
        %sub3A_430 = arith.subi %get3A_429, %add3A_354 : i32
        %jit3A_431 = arith.constant 0 : i32
        %jit3A_432 = arith.constant 32 : i32
        %max3A_433 = arith.maxsi %jit3A_431, %sub3A_430 : i32
        %min3A_434 = arith.minsi %jit3A_432, %max3A_433 : i32
        %gt3A = arith.cmpi sgt, %min3A_434, %min3A : i32
        %convert_element_type3A_435 = arith.extui %gt3A : i1 to i32
        %cond3A_436 = arith.constant 0 : i32
        %cond3A_437 = arith.cmpi ne, %convert_element_type3A_435, %cond3A_436 : i32
        scf.if %cond3A_437 {
          %broadcast_in_dim3A_439 = arith.constant 0.000000e+00 : f32
          %broadcast_in_dim3A_440 = vector.broadcast %broadcast_in_dim3A_439 : f32 to vector<16xf32>
          %broadcast_in_dim3A_441 = arith.constant 0.000000e+00 : f32
          %broadcast_in_dim3A_442 = vector.broadcast %broadcast_in_dim3A_441 : f32 to vector<16xf32>
          %broadcast_in_dim3A_443 = arith.constant 0.000000e+00 : f32
          %broadcast_in_dim3A_444 = vector.broadcast %broadcast_in_dim3A_443 : f32 to vector<16xf32>
          %broadcast_in_dim3A_445 = arith.constant 0.000000e+00 : f32
          %broadcast_in_dim3A_446 = vector.broadcast %broadcast_in_dim3A_445 : f32 to vector<16xf32>
          %broadcast_in_dim3A_447 = arith.constant 0.000000e+00 : f32
          %broadcast_in_dim3A_448 = vector.broadcast %broadcast_in_dim3A_447 : f32 to vector<16xf32>
          %broadcast_in_dim3A_449 = arith.constant 0.000000e+00 : f32
          %broadcast_in_dim3A_450 = vector.broadcast %broadcast_in_dim3A_449 : f32 to vector<16xf32>
          %broadcast_in_dim3A_451 = arith.constant 0.000000e+00 : f32
          %broadcast_in_dim3A_452 = vector.broadcast %broadcast_in_dim3A_451 : f32 to vector<16xf32>
          %broadcast_in_dim3A_453 = arith.constant 0.000000e+00 : f32
          %broadcast_in_dim3A_454 = vector.broadcast %broadcast_in_dim3A_453 : f32 to vector<16xf32>
          %broadcast_in_dim3A_455 = arith.constant 0.000000e+00 : f32
          %broadcast_in_dim3A_456 = vector.broadcast %broadcast_in_dim3A_455 : f32 to vector<16xf32>
          %broadcast_in_dim3A_457 = arith.constant 0.000000e+00 : f32
          %broadcast_in_dim3A_458 = vector.broadcast %broadcast_in_dim3A_457 : f32 to vector<16xf32>
          %broadcast_in_dim3A_459 = arith.constant 0.000000e+00 : f32
          %broadcast_in_dim3A_460 = vector.broadcast %broadcast_in_dim3A_459 : f32 to vector<16xf32>
          %broadcast_in_dim3A_461 = arith.constant 0.000000e+00 : f32
          %broadcast_in_dim3A_462 = vector.broadcast %broadcast_in_dim3A_461 : f32 to vector<16xf32>
          %broadcast_in_dim3A_463 = arith.constant 0.000000e+00 : f32
          %broadcast_in_dim3A_464 = vector.broadcast %broadcast_in_dim3A_463 : f32 to vector<16xf32>
          %broadcast_in_dim3A_465 = arith.constant 0.000000e+00 : f32
          %broadcast_in_dim3A_466 = vector.broadcast %broadcast_in_dim3A_465 : f32 to vector<16xf32>
          %broadcast_in_dim3A_467 = arith.constant 0.000000e+00 : f32
          %broadcast_in_dim3A_468 = vector.broadcast %broadcast_in_dim3A_467 : f32 to vector<16xf32>
          %broadcast_in_dim3A_469 = arith.constant 0.000000e+00 : f32
          %broadcast_in_dim3A_470 = vector.broadcast %broadcast_in_dim3A_469 : f32 to vector<16xf32>
          %broadcast_in_dim3A_471 = arith.constant 0.000000e+00 : f32
          %broadcast_in_dim3A_472 = vector.broadcast %broadcast_in_dim3A_471 : f32 to vector<16xf32>
          %broadcast_in_dim3A_473 = arith.constant 0.000000e+00 : f32
          %broadcast_in_dim3A_474 = vector.broadcast %broadcast_in_dim3A_473 : f32 to vector<16xf32>
          %broadcast_in_dim3A_475 = arith.constant 0.000000e+00 : f32
          %broadcast_in_dim3A_476 = vector.broadcast %broadcast_in_dim3A_475 : f32 to vector<16xf32>
          %broadcast_in_dim3A_477 = arith.constant 0.000000e+00 : f32
          %broadcast_in_dim3A_478 = vector.broadcast %broadcast_in_dim3A_477 : f32 to vector<16xf32>
          %broadcast_in_dim3A_479 = arith.constant 0.000000e+00 : f32
          %broadcast_in_dim3A_480 = vector.broadcast %broadcast_in_dim3A_479 : f32 to vector<16xf32>
          %broadcast_in_dim3A_481 = arith.constant 0.000000e+00 : f32
          %broadcast_in_dim3A_482 = vector.broadcast %broadcast_in_dim3A_481 : f32 to vector<16xf32>
          %broadcast_in_dim3A_483 = arith.constant 0.000000e+00 : f32
          %broadcast_in_dim3A_484 = vector.broadcast %broadcast_in_dim3A_483 : f32 to vector<16xf32>
          %broadcast_in_dim3A_485 = arith.constant 0.000000e+00 : f32
          %broadcast_in_dim3A_486 = vector.broadcast %broadcast_in_dim3A_485 : f32 to vector<16xf32>
          %broadcast_in_dim3A_487 = arith.constant 0.000000e+00 : f32
          %broadcast_in_dim3A_488 = vector.broadcast %broadcast_in_dim3A_487 : f32 to vector<16xf32>
          %broadcast_in_dim3A_489 = arith.constant 0.000000e+00 : f32
          %broadcast_in_dim3A_490 = vector.broadcast %broadcast_in_dim3A_489 : f32 to vector<16xf32>
          %broadcast_in_dim3A_491 = arith.constant 0.000000e+00 : f32
          %broadcast_in_dim3A_492 = vector.broadcast %broadcast_in_dim3A_491 : f32 to vector<16xf32>
          %broadcast_in_dim3A_493 = arith.constant 0.000000e+00 : f32
          %broadcast_in_dim3A_494 = vector.broadcast %broadcast_in_dim3A_493 : f32 to vector<16xf32>
          %broadcast_in_dim3A_495 = arith.constant 0.000000e+00 : f32
          %broadcast_in_dim3A_496 = vector.broadcast %broadcast_in_dim3A_495 : f32 to vector<16xf32>
          %broadcast_in_dim3A_497 = arith.constant 0.000000e+00 : f32
          %broadcast_in_dim3A_498 = vector.broadcast %broadcast_in_dim3A_497 : f32 to vector<16xf32>
          %broadcast_in_dim3A_499 = arith.constant 0.000000e+00 : f32
          %broadcast_in_dim3A_500 = vector.broadcast %broadcast_in_dim3A_499 : f32 to vector<16xf32>
          %broadcast_in_dim3A_501 = arith.constant 0.000000e+00 : f32
          %broadcast_in_dim3A_502 = vector.broadcast %broadcast_in_dim3A_501 : f32 to vector<16xf32>
          %while3A = arith.subi %min3A_434, %min3A : i32
          %while3A_503 = arith.addi %min3A, %while3A : i32
          %while3A_504 = arith.constant 1 : i32
          %while3A_505 = arith.divsi %while3A, %while3A_504 : i32
          %while3A_506 = arith.muli %while3A_505, %while3A_504 : i32
          %while3A_507 = arith.addi %min3A, %while3A_506 : i32
          %while3A_508 = arith.constant 1 : i32
          %while3A_509:32 = scf.for %while3A_736 = %min3A to %while3A_507 step %while3A_508 iter_args(%while3A_737 = %broadcast_in_dim3A_440, %while3A_738 = %broadcast_in_dim3A_442, %while3A_739 = %broadcast_in_dim3A_444, %while3A_740 = %broadcast_in_dim3A_446, %while3A_741 = %broadcast_in_dim3A_448, %while3A_742 = %broadcast_in_dim3A_450, %while3A_743 = %broadcast_in_dim3A_452, %while3A_744 = %broadcast_in_dim3A_454, %while3A_745 = %broadcast_in_dim3A_456, %while3A_746 = %broadcast_in_dim3A_458, %while3A_747 = %broadcast_in_dim3A_460, %while3A_748 = %broadcast_in_dim3A_462, %while3A_749 = %broadcast_in_dim3A_464, %while3A_750 = %broadcast_in_dim3A_466, %while3A_751 = %broadcast_in_dim3A_468, %while3A_752 = %broadcast_in_dim3A_470, %while3A_753 = %broadcast_in_dim3A_472, %while3A_754 = %broadcast_in_dim3A_474, %while3A_755 = %broadcast_in_dim3A_476, %while3A_756 = %broadcast_in_dim3A_478, %while3A_757 = %broadcast_in_dim3A_480, %while3A_758 = %broadcast_in_dim3A_482, %while3A_759 = %broadcast_in_dim3A_484, %while3A_760 = %broadcast_in_dim3A_486, %while3A_761 = %broadcast_in_dim3A_488, %while3A_762 = %broadcast_in_dim3A_490, %while3A_763 = %broadcast_in_dim3A_492, %while3A_764 = %broadcast_in_dim3A_494, %while3A_765 = %broadcast_in_dim3A_496, %while3A_766 = %broadcast_in_dim3A_498, %while3A_767 = %broadcast_in_dim3A_500, %while3A_768 = %broadcast_in_dim3A_502) -> (vector<16xf32>, vector<16xf32>, vector<16xf32>, vector<16xf32>, vector<16xf32>, vector<16xf32>, vector<16xf32>, vector<16xf32>, vector<16xf32>, vector<16xf32>, vector<16xf32>, vector<16xf32>, vector<16xf32>, vector<16xf32>, vector<16xf32>, vector<16xf32>, vector<16xf32>, vector<16xf32>, vector<16xf32>, vector<16xf32>, vector<16xf32>, vector<16xf32>, vector<16xf32>, vector<16xf32>, vector<16xf32>, vector<16xf32>, vector<16xf32>, vector<16xf32>, vector<16xf32>, vector<16xf32>, vector<16xf32>, vector<16xf32>)  : i32 {
            %get3A_769 = arith.index_cast %while3A_736 : i32 to index
            %get3A_770 = arith.constant 0 : index
            %get3A_771 = tpu.vector_load %arg8[%get3A_769, %get3A_770] {strides = array<i32>} : memref<32x512xf32, #tpu.memory_space<vmem>>, vector<16xf32>,
            %add3A_772 = arith.addf %while3A_737, %get3A_771 : vector<16xf32>
            %get3A_773 = arith.index_cast %while3A_736 : i32 to index
            %get3A_774 = arith.constant 16 : index
            %get3A_775 = tpu.vector_load %arg8[%get3A_773, %get3A_774] {strides = array<i32>} : memref<32x512xf32, #tpu.memory_space<vmem>>, vector<16xf32>,
            %add3A_776 = arith.addf %while3A_738, %get3A_775 : vector<16xf32>
            %get3A_777 = arith.index_cast %while3A_736 : i32 to index
            %get3A_778 = arith.constant 32 : index
            %get3A_779 = tpu.vector_load %arg8[%get3A_777, %get3A_778] {strides = array<i32>} : memref<32x512xf32, #tpu.memory_space<vmem>>, vector<16xf32>,
            %add3A_780 = arith.addf %while3A_739, %get3A_779 : vector<16xf32>
            %get3A_781 = arith.index_cast %while3A_736 : i32 to index
            %get3A_782 = arith.constant 48 : index
            %get3A_783 = tpu.vector_load %arg8[%get3A_781, %get3A_782] {strides = array<i32>} : memref<32x512xf32, #tpu.memory_space<vmem>>, vector<16xf32>,
            %add3A_784 = arith.addf %while3A_740, %get3A_783 : vector<16xf32>
            %get3A_785 = arith.index_cast %while3A_736 : i32 to index
            %get3A_786 = arith.constant 64 : index
            %get3A_787 = tpu.vector_load %arg8[%get3A_785, %get3A_786] {strides = array<i32>} : memref<32x512xf32, #tpu.memory_space<vmem>>, vector<16xf32>,
            %add3A_788 = arith.addf %while3A_741, %get3A_787 : vector<16xf32>
            %get3A_789 = arith.index_cast %while3A_736 : i32 to index
            %get3A_790 = arith.constant 80 : index
            %get3A_791 = tpu.vector_load %arg8[%get3A_789, %get3A_790] {strides = array<i32>} : memref<32x512xf32, #tpu.memory_space<vmem>>, vector<16xf32>,
            %add3A_792 = arith.addf %while3A_742, %get3A_791 : vector<16xf32>
            %get3A_793 = arith.index_cast %while3A_736 : i32 to index
            %get3A_794 = arith.constant 96 : index
            %get3A_795 = tpu.vector_load %arg8[%get3A_793, %get3A_794] {strides = array<i32>} : memref<32x512xf32, #tpu.memory_space<vmem>>, vector<16xf32>,
            %add3A_796 = arith.addf %while3A_743, %get3A_795 : vector<16xf32>
            %get3A_797 = arith.index_cast %while3A_736 : i32 to index
            %get3A_798 = arith.constant 112 : index
            %get3A_799 = tpu.vector_load %arg8[%get3A_797, %get3A_798] {strides = array<i32>} : memref<32x512xf32, #tpu.memory_space<vmem>>, vector<16xf32>,
            %add3A_800 = arith.addf %while3A_744, %get3A_799 : vector<16xf32>
            %get3A_801 = arith.index_cast %while3A_736 : i32 to index
            %get3A_802 = arith.constant 128 : index
            %get3A_803 = tpu.vector_load %arg8[%get3A_801, %get3A_802] {strides = array<i32>} : memref<32x512xf32, #tpu.memory_space<vmem>>, vector<16xf32>,
            %add3A_804 = arith.addf %while3A_745, %get3A_803 : vector<16xf32>
            %get3A_805 = arith.index_cast %while3A_736 : i32 to index
            %get3A_806 = arith.constant 144 : index
            %get3A_807 = tpu.vector_load %arg8[%get3A_805, %get3A_806] {strides = array<i32>} : memref<32x512xf32, #tpu.memory_space<vmem>>, vector<16xf32>,
            %add3A_808 = arith.addf %while3A_746, %get3A_807 : vector<16xf32>
            %get3A_809 = arith.index_cast %while3A_736 : i32 to index
            %get3A_810 = arith.constant 160 : index
            %get3A_811 = tpu.vector_load %arg8[%get3A_809, %get3A_810] {strides = array<i32>} : memref<32x512xf32, #tpu.memory_space<vmem>>, vector<16xf32>,
            %add3A_812 = arith.addf %while3A_747, %get3A_811 : vector<16xf32>
            %get3A_813 = arith.index_cast %while3A_736 : i32 to index
            %get3A_814 = arith.constant 176 : index
            %get3A_815 = tpu.vector_load %arg8[%get3A_813, %get3A_814] {strides = array<i32>} : memref<32x512xf32, #tpu.memory_space<vmem>>, vector<16xf32>,
            %add3A_816 = arith.addf %while3A_748, %get3A_815 : vector<16xf32>
            %get3A_817 = arith.index_cast %while3A_736 : i32 to index
            %get3A_818 = arith.constant 192 : index
            %get3A_819 = tpu.vector_load %arg8[%get3A_817, %get3A_818] {strides = array<i32>} : memref<32x512xf32, #tpu.memory_space<vmem>>, vector<16xf32>,
            %add3A_820 = arith.addf %while3A_749, %get3A_819 : vector<16xf32>
            %get3A_821 = arith.index_cast %while3A_736 : i32 to index
            %get3A_822 = arith.constant 208 : index
            %get3A_823 = tpu.vector_load %arg8[%get3A_821, %get3A_822] {strides = array<i32>} : memref<32x512xf32, #tpu.memory_space<vmem>>, vector<16xf32>,
            %add3A_824 = arith.addf %while3A_750, %get3A_823 : vector<16xf32>
            %get3A_825 = arith.index_cast %while3A_736 : i32 to index
            %get3A_826 = arith.constant 224 : index
            %get3A_827 = tpu.vector_load %arg8[%get3A_825, %get3A_826] {strides = array<i32>} : memref<32x512xf32, #tpu.memory_space<vmem>>, vector<16xf32>,
            %add3A_828 = arith.addf %while3A_751, %get3A_827 : vector<16xf32>
            %get3A_829 = arith.index_cast %while3A_736 : i32 to index
            %get3A_830 = arith.constant 240 : index
            %get3A_831 = tpu.vector_load %arg8[%get3A_829, %get3A_830] {strides = array<i32>} : memref<32x512xf32, #tpu.memory_space<vmem>>, vector<16xf32>,
            %add3A_832 = arith.addf %while3A_752, %get3A_831 : vector<16xf32>
            %get3A_833 = arith.index_cast %while3A_736 : i32 to index
            %get3A_834 = arith.constant 256 : index
            %get3A_835 = tpu.vector_load %arg8[%get3A_833, %get3A_834] {strides = array<i32>} : memref<32x512xf32, #tpu.memory_space<vmem>>, vector<16xf32>,
            %add3A_836 = arith.addf %while3A_753, %get3A_835 : vector<16xf32>
            %get3A_837 = arith.index_cast %while3A_736 : i32 to index
            %get3A_838 = arith.constant 272 : index
            %get3A_839 = tpu.vector_load %arg8[%get3A_837, %get3A_838] {strides = array<i32>} : memref<32x512xf32, #tpu.memory_space<vmem>>, vector<16xf32>,
            %add3A_840 = arith.addf %while3A_754, %get3A_839 : vector<16xf32>
            %get3A_841 = arith.index_cast %while3A_736 : i32 to index
            %get3A_842 = arith.constant 288 : index
            %get3A_843 = tpu.vector_load %arg8[%get3A_841, %get3A_842] {strides = array<i32>} : memref<32x512xf32, #tpu.memory_space<vmem>>, vector<16xf32>,
            %add3A_844 = arith.addf %while3A_755, %get3A_843 : vector<16xf32>
            %get3A_845 = arith.index_cast %while3A_736 : i32 to index
            %get3A_846 = arith.constant 304 : index
            %get3A_847 = tpu.vector_load %arg8[%get3A_845, %get3A_846] {strides = array<i32>} : memref<32x512xf32, #tpu.memory_space<vmem>>, vector<16xf32>,
            %add3A_848 = arith.addf %while3A_756, %get3A_847 : vector<16xf32>
            %get3A_849 = arith.index_cast %while3A_736 : i32 to index
            %get3A_850 = arith.constant 320 : index
            %get3A_851 = tpu.vector_load %arg8[%get3A_849, %get3A_850] {strides = array<i32>} : memref<32x512xf32, #tpu.memory_space<vmem>>, vector<16xf32>,
            %add3A_852 = arith.addf %while3A_757, %get3A_851 : vector<16xf32>
            %get3A_853 = arith.index_cast %while3A_736 : i32 to index
            %get3A_854 = arith.constant 336 : index
            %get3A_855 = tpu.vector_load %arg8[%get3A_853, %get3A_854] {strides = array<i32>} : memref<32x512xf32, #tpu.memory_space<vmem>>, vector<16xf32>,
            %add3A_856 = arith.addf %while3A_758, %get3A_855 : vector<16xf32>
            %get3A_857 = arith.index_cast %while3A_736 : i32 to index
            %get3A_858 = arith.constant 352 : index
            %get3A_859 = tpu.vector_load %arg8[%get3A_857, %get3A_858] {strides = array<i32>} : memref<32x512xf32, #tpu.memory_space<vmem>>, vector<16xf32>,
            %add3A_860 = arith.addf %while3A_759, %get3A_859 : vector<16xf32>
            %get3A_861 = arith.index_cast %while3A_736 : i32 to index
            %get3A_862 = arith.constant 368 : index
            %get3A_863 = tpu.vector_load %arg8[%get3A_861, %get3A_862] {strides = array<i32>} : memref<32x512xf32, #tpu.memory_space<vmem>>, vector<16xf32>,
            %add3A_864 = arith.addf %while3A_760, %get3A_863 : vector<16xf32>
            %get3A_865 = arith.index_cast %while3A_736 : i32 to index
            %get3A_866 = arith.constant 384 : index
            %get3A_867 = tpu.vector_load %arg8[%get3A_865, %get3A_866] {strides = array<i32>} : memref<32x512xf32, #tpu.memory_space<vmem>>, vector<16xf32>,
            %add3A_868 = arith.addf %while3A_761, %get3A_867 : vector<16xf32>
            %get3A_869 = arith.index_cast %while3A_736 : i32 to index
            %get3A_870 = arith.constant 400 : index
            %get3A_871 = tpu.vector_load %arg8[%get3A_869, %get3A_870] {strides = array<i32>} : memref<32x512xf32, #tpu.memory_space<vmem>>, vector<16xf32>,
            %add3A_872 = arith.addf %while3A_762, %get3A_871 : vector<16xf32>
            %get3A_873 = arith.index_cast %while3A_736 : i32 to index
            %get3A_874 = arith.constant 416 : index
            %get3A_875 = tpu.vector_load %arg8[%get3A_873, %get3A_874] {strides = array<i32>} : memref<32x512xf32, #tpu.memory_space<vmem>>, vector<16xf32>,
            %add3A_876 = arith.addf %while3A_763, %get3A_875 : vector<16xf32>
            %get3A_877 = arith.index_cast %while3A_736 : i32 to index
            %get3A_878 = arith.constant 432 : index
            %get3A_879 = tpu.vector_load %arg8[%get3A_877, %get3A_878] {strides = array<i32>} : memref<32x512xf32, #tpu.memory_space<vmem>>, vector<16xf32>,
            %add3A_880 = arith.addf %while3A_764, %get3A_879 : vector<16xf32>
            %get3A_881 = arith.index_cast %while3A_736 : i32 to index
            %get3A_882 = arith.constant 448 : index
            %get3A_883 = tpu.vector_load %arg8[%get3A_881, %get3A_882] {strides = array<i32>} : memref<32x512xf32, #tpu.memory_space<vmem>>, vector<16xf32>,
            %add3A_884 = arith.addf %while3A_765, %get3A_883 : vector<16xf32>
            %get3A_885 = arith.index_cast %while3A_736 : i32 to index
            %get3A_886 = arith.constant 464 : index
            %get3A_887 = tpu.vector_load %arg8[%get3A_885, %get3A_886] {strides = array<i32>} : memref<32x512xf32, #tpu.memory_space<vmem>>, vector<16xf32>,
            %add3A_888 = arith.addf %while3A_766, %get3A_887 : vector<16xf32>
            %get3A_889 = arith.index_cast %while3A_736 : i32 to index
            %get3A_890 = arith.constant 480 : index
            %get3A_891 = tpu.vector_load %arg8[%get3A_889, %get3A_890] {strides = array<i32>} : memref<32x512xf32, #tpu.memory_space<vmem>>, vector<16xf32>,
            %add3A_892 = arith.addf %while3A_767, %get3A_891 : vector<16xf32>
            %get3A_893 = arith.index_cast %while3A_736 : i32 to index
            %get3A_894 = arith.constant 496 : index
            %get3A_895 = tpu.vector_load %arg8[%get3A_893, %get3A_894] {strides = array<i32>} : memref<32x512xf32, #tpu.memory_space<vmem>>, vector<16xf32>,
            %add3A_896 = arith.addf %while3A_768, %get3A_895 : vector<16xf32>
            scf.yield %add3A_772, %add3A_776, %add3A_780, %add3A_784, %add3A_788, %add3A_792, %add3A_796, %add3A_800, %add3A_804, %add3A_808, %add3A_812, %add3A_816, %add3A_820, %add3A_824, %add3A_828, %add3A_832, %add3A_836, %add3A_840, %add3A_844, %add3A_848, %add3A_852, %add3A_856, %add3A_860, %add3A_864, %add3A_868, %add3A_872, %add3A_876, %add3A_880, %add3A_884, %add3A_888, %add3A_892, %add3A_896 : vector<16xf32>, vector<16xf32>, vector<16xf32>, vector<16xf32>, vector<16xf32>, vector<16xf32>, vector<16xf32>, vector<16xf32>, vector<16xf32>, vector<16xf32>, vector<16xf32>, vector<16xf32>, vector<16xf32>, vector<16xf32>, vector<16xf32>, vector<16xf32>, vector<16xf32>, vector<16xf32>, vector<16xf32>, vector<16xf32>, vector<16xf32>, vector<16xf32>, vector<16xf32>, vector<16xf32>, vector<16xf32>, vector<16xf32>, vector<16xf32>, vector<16xf32>, vector<16xf32>, vector<16xf32>, vector<16xf32>, vector<16xf32>
          }
          %while3A_510 = arith.constant 1 : i32
          %while3A_511:32 = scf.for %while3A_736 = %while3A_507 to %while3A_503 step %while3A_510 iter_args(%while3A_737 = %while3A_509#0, %while3A_738 = %while3A_509#1, %while3A_739 = %while3A_509#2, %while3A_740 = %while3A_509#3, %while3A_741 = %while3A_509#4, %while3A_742 = %while3A_509#5, %while3A_743 = %while3A_509#6, %while3A_744 = %while3A_509#7, %while3A_745 = %while3A_509#8, %while3A_746 = %while3A_509#9, %while3A_747 = %while3A_509#10, %while3A_748 = %while3A_509#11, %while3A_749 = %while3A_509#12, %while3A_750 = %while3A_509#13, %while3A_751 = %while3A_509#14, %while3A_752 = %while3A_509#15, %while3A_753 = %while3A_509#16, %while3A_754 = %while3A_509#17, %while3A_755 = %while3A_509#18, %while3A_756 = %while3A_509#19, %while3A_757 = %while3A_509#20, %while3A_758 = %while3A_509#21, %while3A_759 = %while3A_509#22, %while3A_760 = %while3A_509#23, %while3A_761 = %while3A_509#24, %while3A_762 = %while3A_509#25, %while3A_763 = %while3A_509#26, %while3A_764 = %while3A_509#27, %while3A_765 = %while3A_509#28, %while3A_766 = %while3A_509#29, %while3A_767 = %while3A_509#30, %while3A_768 = %while3A_509#31) -> (vector<16xf32>, vector<16xf32>, vector<16xf32>, vector<16xf32>, vector<16xf32>, vector<16xf32>, vector<16xf32>, vector<16xf32>, vector<16xf32>, vector<16xf32>, vector<16xf32>, vector<16xf32>, vector<16xf32>, vector<16xf32>, vector<16xf32>, vector<16xf32>, vector<16xf32>, vector<16xf32>, vector<16xf32>, vector<16xf32>, vector<16xf32>, vector<16xf32>, vector<16xf32>, vector<16xf32>, vector<16xf32>, vector<16xf32>, vector<16xf32>, vector<16xf32>, vector<16xf32>, vector<16xf32>, vector<16xf32>, vector<16xf32>)  : i32 {
            %get3A_769 = arith.index_cast %while3A_736 : i32 to index
            %get3A_770 = arith.constant 0 : index
            %get3A_771 = tpu.vector_load %arg8[%get3A_769, %get3A_770] {strides = array<i32>} : memref<32x512xf32, #tpu.memory_space<vmem>>, vector<16xf32>,
            %add3A_772 = arith.addf %while3A_737, %get3A_771 : vector<16xf32>
            %get3A_773 = arith.index_cast %while3A_736 : i32 to index
            %get3A_774 = arith.constant 16 : index
            %get3A_775 = tpu.vector_load %arg8[%get3A_773, %get3A_774] {strides = array<i32>} : memref<32x512xf32, #tpu.memory_space<vmem>>, vector<16xf32>,
            %add3A_776 = arith.addf %while3A_738, %get3A_775 : vector<16xf32>
            %get3A_777 = arith.index_cast %while3A_736 : i32 to index
            %get3A_778 = arith.constant 32 : index
            %get3A_779 = tpu.vector_load %arg8[%get3A_777, %get3A_778] {strides = array<i32>} : memref<32x512xf32, #tpu.memory_space<vmem>>, vector<16xf32>,
            %add3A_780 = arith.addf %while3A_739, %get3A_779 : vector<16xf32>
            %get3A_781 = arith.index_cast %while3A_736 : i32 to index
            %get3A_782 = arith.constant 48 : index
            %get3A_783 = tpu.vector_load %arg8[%get3A_781, %get3A_782] {strides = array<i32>} : memref<32x512xf32, #tpu.memory_space<vmem>>, vector<16xf32>,
            %add3A_784 = arith.addf %while3A_740, %get3A_783 : vector<16xf32>
            %get3A_785 = arith.index_cast %while3A_736 : i32 to index
            %get3A_786 = arith.constant 64 : index
            %get3A_787 = tpu.vector_load %arg8[%get3A_785, %get3A_786] {strides = array<i32>} : memref<32x512xf32, #tpu.memory_space<vmem>>, vector<16xf32>,
            %add3A_788 = arith.addf %while3A_741, %get3A_787 : vector<16xf32>
            %get3A_789 = arith.index_cast %while3A_736 : i32 to index
            %get3A_790 = arith.constant 80 : index
            %get3A_791 = tpu.vector_load %arg8[%get3A_789, %get3A_790] {strides = array<i32>} : memref<32x512xf32, #tpu.memory_space<vmem>>, vector<16xf32>,
            %add3A_792 = arith.addf %while3A_742, %get3A_791 : vector<16xf32>
            %get3A_793 = arith.index_cast %while3A_736 : i32 to index
            %get3A_794 = arith.constant 96 : index
            %get3A_795 = tpu.vector_load %arg8[%get3A_793, %get3A_794] {strides = array<i32>} : memref<32x512xf32, #tpu.memory_space<vmem>>, vector<16xf32>,
            %add3A_796 = arith.addf %while3A_743, %get3A_795 : vector<16xf32>
            %get3A_797 = arith.index_cast %while3A_736 : i32 to index
            %get3A_798 = arith.constant 112 : index
            %get3A_799 = tpu.vector_load %arg8[%get3A_797, %get3A_798] {strides = array<i32>} : memref<32x512xf32, #tpu.memory_space<vmem>>, vector<16xf32>,
            %add3A_800 = arith.addf %while3A_744, %get3A_799 : vector<16xf32>
            %get3A_801 = arith.index_cast %while3A_736 : i32 to index
            %get3A_802 = arith.constant 128 : index
            %get3A_803 = tpu.vector_load %arg8[%get3A_801, %get3A_802] {strides = array<i32>} : memref<32x512xf32, #tpu.memory_space<vmem>>, vector<16xf32>,
            %add3A_804 = arith.addf %while3A_745, %get3A_803 : vector<16xf32>
            %get3A_805 = arith.index_cast %while3A_736 : i32 to index
            %get3A_806 = arith.constant 144 : index
            %get3A_807 = tpu.vector_load %arg8[%get3A_805, %get3A_806] {strides = array<i32>} : memref<32x512xf32, #tpu.memory_space<vmem>>, vector<16xf32>,
            %add3A_808 = arith.addf %while3A_746, %get3A_807 : vector<16xf32>
            %get3A_809 = arith.index_cast %while3A_736 : i32 to index
            %get3A_810 = arith.constant 160 : index
            %get3A_811 = tpu.vector_load %arg8[%get3A_809, %get3A_810] {strides = array<i32>} : memref<32x512xf32, #tpu.memory_space<vmem>>, vector<16xf32>,
            %add3A_812 = arith.addf %while3A_747, %get3A_811 : vector<16xf32>
            %get3A_813 = arith.index_cast %while3A_736 : i32 to index
            %get3A_814 = arith.constant 176 : index
            %get3A_815 = tpu.vector_load %arg8[%get3A_813, %get3A_814] {strides = array<i32>} : memref<32x512xf32, #tpu.memory_space<vmem>>, vector<16xf32>,
            %add3A_816 = arith.addf %while3A_748, %get3A_815 : vector<16xf32>
            %get3A_817 = arith.index_cast %while3A_736 : i32 to index
            %get3A_818 = arith.constant 192 : index
            %get3A_819 = tpu.vector_load %arg8[%get3A_817, %get3A_818] {strides = array<i32>} : memref<32x512xf32, #tpu.memory_space<vmem>>, vector<16xf32>,
            %add3A_820 = arith.addf %while3A_749, %get3A_819 : vector<16xf32>
            %get3A_821 = arith.index_cast %while3A_736 : i32 to index
            %get3A_822 = arith.constant 208 : index
            %get3A_823 = tpu.vector_load %arg8[%get3A_821, %get3A_822] {strides = array<i32>} : memref<32x512xf32, #tpu.memory_space<vmem>>, vector<16xf32>,
            %add3A_824 = arith.addf %while3A_750, %get3A_823 : vector<16xf32>
            %get3A_825 = arith.index_cast %while3A_736 : i32 to index
            %get3A_826 = arith.constant 224 : index
            %get3A_827 = tpu.vector_load %arg8[%get3A_825, %get3A_826] {strides = array<i32>} : memref<32x512xf32, #tpu.memory_space<vmem>>, vector<16xf32>,
            %add3A_828 = arith.addf %while3A_751, %get3A_827 : vector<16xf32>
            %get3A_829 = arith.index_cast %while3A_736 : i32 to index
            %get3A_830 = arith.constant 240 : index
            %get3A_831 = tpu.vector_load %arg8[%get3A_829, %get3A_830] {strides = array<i32>} : memref<32x512xf32, #tpu.memory_space<vmem>>, vector<16xf32>,
            %add3A_832 = arith.addf %while3A_752, %get3A_831 : vector<16xf32>
            %get3A_833 = arith.index_cast %while3A_736 : i32 to index
            %get3A_834 = arith.constant 256 : index
            %get3A_835 = tpu.vector_load %arg8[%get3A_833, %get3A_834] {strides = array<i32>} : memref<32x512xf32, #tpu.memory_space<vmem>>, vector<16xf32>,
            %add3A_836 = arith.addf %while3A_753, %get3A_835 : vector<16xf32>
            %get3A_837 = arith.index_cast %while3A_736 : i32 to index
            %get3A_838 = arith.constant 272 : index
            %get3A_839 = tpu.vector_load %arg8[%get3A_837, %get3A_838] {strides = array<i32>} : memref<32x512xf32, #tpu.memory_space<vmem>>, vector<16xf32>,
            %add3A_840 = arith.addf %while3A_754, %get3A_839 : vector<16xf32>
            %get3A_841 = arith.index_cast %while3A_736 : i32 to index
            %get3A_842 = arith.constant 288 : index
            %get3A_843 = tpu.vector_load %arg8[%get3A_841, %get3A_842] {strides = array<i32>} : memref<32x512xf32, #tpu.memory_space<vmem>>, vector<16xf32>,
            %add3A_844 = arith.addf %while3A_755, %get3A_843 : vector<16xf32>
            %get3A_845 = arith.index_cast %while3A_736 : i32 to index
            %get3A_846 = arith.constant 304 : index
            %get3A_847 = tpu.vector_load %arg8[%get3A_845, %get3A_846] {strides = array<i32>} : memref<32x512xf32, #tpu.memory_space<vmem>>, vector<16xf32>,
            %add3A_848 = arith.addf %while3A_756, %get3A_847 : vector<16xf32>
            %get3A_849 = arith.index_cast %while3A_736 : i32 to index
            %get3A_850 = arith.constant 320 : index
            %get3A_851 = tpu.vector_load %arg8[%get3A_849, %get3A_850] {strides = array<i32>} : memref<32x512xf32, #tpu.memory_space<vmem>>, vector<16xf32>,
            %add3A_852 = arith.addf %while3A_757, %get3A_851 : vector<16xf32>
            %get3A_853 = arith.index_cast %while3A_736 : i32 to index
            %get3A_854 = arith.constant 336 : index
            %get3A_855 = tpu.vector_load %arg8[%get3A_853, %get3A_854] {strides = array<i32>} : memref<32x512xf32, #tpu.memory_space<vmem>>, vector<16xf32>,
            %add3A_856 = arith.addf %while3A_758, %get3A_855 : vector<16xf32>
            %get3A_857 = arith.index_cast %while3A_736 : i32 to index
            %get3A_858 = arith.constant 352 : index
            %get3A_859 = tpu.vector_load %arg8[%get3A_857, %get3A_858] {strides = array<i32>} : memref<32x512xf32, #tpu.memory_space<vmem>>, vector<16xf32>,
            %add3A_860 = arith.addf %while3A_759, %get3A_859 : vector<16xf32>
            %get3A_861 = arith.index_cast %while3A_736 : i32 to index
            %get3A_862 = arith.constant 368 : index
            %get3A_863 = tpu.vector_load %arg8[%get3A_861, %get3A_862] {strides = array<i32>} : memref<32x512xf32, #tpu.memory_space<vmem>>, vector<16xf32>,
            %add3A_864 = arith.addf %while3A_760, %get3A_863 : vector<16xf32>
            %get3A_865 = arith.index_cast %while3A_736 : i32 to index
            %get3A_866 = arith.constant 384 : index
            %get3A_867 = tpu.vector_load %arg8[%get3A_865, %get3A_866] {strides = array<i32>} : memref<32x512xf32, #tpu.memory_space<vmem>>, vector<16xf32>,
            %add3A_868 = arith.addf %while3A_761, %get3A_867 : vector<16xf32>
            %get3A_869 = arith.index_cast %while3A_736 : i32 to index
            %get3A_870 = arith.constant 400 : index
            %get3A_871 = tpu.vector_load %arg8[%get3A_869, %get3A_870] {strides = array<i32>} : memref<32x512xf32, #tpu.memory_space<vmem>>, vector<16xf32>,
            %add3A_872 = arith.addf %while3A_762, %get3A_871 : vector<16xf32>
            %get3A_873 = arith.index_cast %while3A_736 : i32 to index
            %get3A_874 = arith.constant 416 : index
            %get3A_875 = tpu.vector_load %arg8[%get3A_873, %get3A_874] {strides = array<i32>} : memref<32x512xf32, #tpu.memory_space<vmem>>, vector<16xf32>,
            %add3A_876 = arith.addf %while3A_763, %get3A_875 : vector<16xf32>
            %get3A_877 = arith.index_cast %while3A_736 : i32 to index
            %get3A_878 = arith.constant 432 : index
            %get3A_879 = tpu.vector_load %arg8[%get3A_877, %get3A_878] {strides = array<i32>} : memref<32x512xf32, #tpu.memory_space<vmem>>, vector<16xf32>,
            %add3A_880 = arith.addf %while3A_764, %get3A_879 : vector<16xf32>
            %get3A_881 = arith.index_cast %while3A_736 : i32 to index
            %get3A_882 = arith.constant 448 : index
            %get3A_883 = tpu.vector_load %arg8[%get3A_881, %get3A_882] {strides = array<i32>} : memref<32x512xf32, #tpu.memory_space<vmem>>, vector<16xf32>,
            %add3A_884 = arith.addf %while3A_765, %get3A_883 : vector<16xf32>
            %get3A_885 = arith.index_cast %while3A_736 : i32 to index
            %get3A_886 = arith.constant 464 : index
            %get3A_887 = tpu.vector_load %arg8[%get3A_885, %get3A_886] {strides = array<i32>} : memref<32x512xf32, #tpu.memory_space<vmem>>, vector<16xf32>,
            %add3A_888 = arith.addf %while3A_766, %get3A_887 : vector<16xf32>
            %get3A_889 = arith.index_cast %while3A_736 : i32 to index
            %get3A_890 = arith.constant 480 : index
            %get3A_891 = tpu.vector_load %arg8[%get3A_889, %get3A_890] {strides = array<i32>} : memref<32x512xf32, #tpu.memory_space<vmem>>, vector<16xf32>,
            %add3A_892 = arith.addf %while3A_767, %get3A_891 : vector<16xf32>
            %get3A_893 = arith.index_cast %while3A_736 : i32 to index
            %get3A_894 = arith.constant 496 : index
            %get3A_895 = tpu.vector_load %arg8[%get3A_893, %get3A_894] {strides = array<i32>} : memref<32x512xf32, #tpu.memory_space<vmem>>, vector<16xf32>,
            %add3A_896 = arith.addf %while3A_768, %get3A_895 : vector<16xf32>
            scf.yield %add3A_772, %add3A_776, %add3A_780, %add3A_784, %add3A_788, %add3A_792, %add3A_796, %add3A_800, %add3A_804, %add3A_808, %add3A_812, %add3A_816, %add3A_820, %add3A_824, %add3A_828, %add3A_832, %add3A_836, %add3A_840, %add3A_844, %add3A_848, %add3A_852, %add3A_856, %add3A_860, %add3A_864, %add3A_868, %add3A_872, %add3A_876, %add3A_880, %add3A_884, %add3A_888, %add3A_892, %add3A_896 : vector<16xf32>, vector<16xf32>, vector<16xf32>, vector<16xf32>, vector<16xf32>, vector<16xf32>, vector<16xf32>, vector<16xf32>, vector<16xf32>, vector<16xf32>, vector<16xf32>, vector<16xf32>, vector<16xf32>, vector<16xf32>, vector<16xf32>, vector<16xf32>, vector<16xf32>, vector<16xf32>, vector<16xf32>, vector<16xf32>, vector<16xf32>, vector<16xf32>, vector<16xf32>, vector<16xf32>, vector<16xf32>, vector<16xf32>, vector<16xf32>, vector<16xf32>, vector<16xf32>, vector<16xf32>, vector<16xf32>, vector<16xf32>
          }
          %get3A_512 = arith.index_cast %scan3A_420 : i32 to index
          %get3A_513 = arith.constant 0 : index
          %get3A_514 = tpu.vector_load %arg11[%get3A_512, %get3A_513] {strides = array<i32>} : memref<16x512xf32, #tpu.memory_space<vmem>>, vector<16xf32>,
          %add3A_515 = arith.addf %get3A_514, %while3A_511#0 : vector<16xf32>
          %swap3A_516 = arith.index_cast %scan3A_420 : i32 to index
          %swap3A_517 = arith.constant 0 : index
          %swap3A_518 = tpu.vector_load %arg11[%swap3A_516, %swap3A_517] {strides = array<i32>} : memref<16x512xf32, #tpu.memory_space<vmem>>, vector<16xf32>,
          tpu.vector_store %arg11[%swap3A_516, %swap3A_517], %add3A_515 {strides = array<i32>} : memref<16x512xf32, #tpu.memory_space<vmem>>, vector<16xf32>,
          %get3A_519 = arith.index_cast %scan3A_420 : i32 to index
          %get3A_520 = arith.constant 16 : index
          %get3A_521 = tpu.vector_load %arg11[%get3A_519, %get3A_520] {strides = array<i32>} : memref<16x512xf32, #tpu.memory_space<vmem>>, vector<16xf32>,
          %add3A_522 = arith.addf %get3A_521, %while3A_511#1 : vector<16xf32>
          %swap3A_523 = arith.index_cast %scan3A_420 : i32 to index
          %swap3A_524 = arith.constant 16 : index
          %swap3A_525 = tpu.vector_load %arg11[%swap3A_523, %swap3A_524] {strides = array<i32>} : memref<16x512xf32, #tpu.memory_space<vmem>>, vector<16xf32>,
          tpu.vector_store %arg11[%swap3A_523, %swap3A_524], %add3A_522 {strides = array<i32>} : memref<16x512xf32, #tpu.memory_space<vmem>>, vector<16xf32>,
          %get3A_526 = arith.index_cast %scan3A_420 : i32 to index
          %get3A_527 = arith.constant 32 : index
          %get3A_528 = tpu.vector_load %arg11[%get3A_526, %get3A_527] {strides = array<i32>} : memref<16x512xf32, #tpu.memory_space<vmem>>, vector<16xf32>,
          %add3A_529 = arith.addf %get3A_528, %while3A_511#2 : vector<16xf32>
          %swap3A_530 = arith.index_cast %scan3A_420 : i32 to index
          %swap3A_531 = arith.constant 32 : index
          %swap3A_532 = tpu.vector_load %arg11[%swap3A_530, %swap3A_531] {strides = array<i32>} : memref<16x512xf32, #tpu.memory_space<vmem>>, vector<16xf32>,
          tpu.vector_store %arg11[%swap3A_530, %swap3A_531], %add3A_529 {strides = array<i32>} : memref<16x512xf32, #tpu.memory_space<vmem>>, vector<16xf32>,
          %get3A_533 = arith.index_cast %scan3A_420 : i32 to index
          %get3A_534 = arith.constant 48 : index
          %get3A_535 = tpu.vector_load %arg11[%get3A_533, %get3A_534] {strides = array<i32>} : memref<16x512xf32, #tpu.memory_space<vmem>>, vector<16xf32>,
          %add3A_536 = arith.addf %get3A_535, %while3A_511#3 : vector<16xf32>
          %swap3A_537 = arith.index_cast %scan3A_420 : i32 to index
          %swap3A_538 = arith.constant 48 : index
          %swap3A_539 = tpu.vector_load %arg11[%swap3A_537, %swap3A_538] {strides = array<i32>} : memref<16x512xf32, #tpu.memory_space<vmem>>, vector<16xf32>,
          tpu.vector_store %arg11[%swap3A_537, %swap3A_538], %add3A_536 {strides = array<i32>} : memref<16x512xf32, #tpu.memory_space<vmem>>, vector<16xf32>,
          %get3A_540 = arith.index_cast %scan3A_420 : i32 to index
          %get3A_541 = arith.constant 64 : index
          %get3A_542 = tpu.vector_load %arg11[%get3A_540, %get3A_541] {strides = array<i32>} : memref<16x512xf32, #tpu.memory_space<vmem>>, vector<16xf32>,
          %add3A_543 = arith.addf %get3A_542, %while3A_511#4 : vector<16xf32>
          %swap3A_544 = arith.index_cast %scan3A_420 : i32 to index
          %swap3A_545 = arith.constant 64 : index
          %swap3A_546 = tpu.vector_load %arg11[%swap3A_544, %swap3A_545] {strides = array<i32>} : memref<16x512xf32, #tpu.memory_space<vmem>>, vector<16xf32>,
          tpu.vector_store %arg11[%swap3A_544, %swap3A_545], %add3A_543 {strides = array<i32>} : memref<16x512xf32, #tpu.memory_space<vmem>>, vector<16xf32>,
          %get3A_547 = arith.index_cast %scan3A_420 : i32 to index
          %get3A_548 = arith.constant 80 : index
          %get3A_549 = tpu.vector_load %arg11[%get3A_547, %get3A_548] {strides = array<i32>} : memref<16x512xf32, #tpu.memory_space<vmem>>, vector<16xf32>,
          %add3A_550 = arith.addf %get3A_549, %while3A_511#5 : vector<16xf32>
          %swap3A_551 = arith.index_cast %scan3A_420 : i32 to index
          %swap3A_552 = arith.constant 80 : index
          %swap3A_553 = tpu.vector_load %arg11[%swap3A_551, %swap3A_552] {strides = array<i32>} : memref<16x512xf32, #tpu.memory_space<vmem>>, vector<16xf32>,
          tpu.vector_store %arg11[%swap3A_551, %swap3A_552], %add3A_550 {strides = array<i32>} : memref<16x512xf32, #tpu.memory_space<vmem>>, vector<16xf32>,
          %get3A_554 = arith.index_cast %scan3A_420 : i32 to index
          %get3A_555 = arith.constant 96 : index
          %get3A_556 = tpu.vector_load %arg11[%get3A_554, %get3A_555] {strides = array<i32>} : memref<16x512xf32, #tpu.memory_space<vmem>>, vector<16xf32>,
          %add3A_557 = arith.addf %get3A_556, %while3A_511#6 : vector<16xf32>
          %swap3A_558 = arith.index_cast %scan3A_420 : i32 to index
          %swap3A_559 = arith.constant 96 : index
          %swap3A_560 = tpu.vector_load %arg11[%swap3A_558, %swap3A_559] {strides = array<i32>} : memref<16x512xf32, #tpu.memory_space<vmem>>, vector<16xf32>,
          tpu.vector_store %arg11[%swap3A_558, %swap3A_559], %add3A_557 {strides = array<i32>} : memref<16x512xf32, #tpu.memory_space<vmem>>, vector<16xf32>,
          %get3A_561 = arith.index_cast %scan3A_420 : i32 to index
          %get3A_562 = arith.constant 112 : index
          %get3A_563 = tpu.vector_load %arg11[%get3A_561, %get3A_562] {strides = array<i32>} : memref<16x512xf32, #tpu.memory_space<vmem>>, vector<16xf32>,
          %add3A_564 = arith.addf %get3A_563, %while3A_511#7 : vector<16xf32>
          %swap3A_565 = arith.index_cast %scan3A_420 : i32 to index
          %swap3A_566 = arith.constant 112 : index
          %swap3A_567 = tpu.vector_load %arg11[%swap3A_565, %swap3A_566] {strides = array<i32>} : memref<16x512xf32, #tpu.memory_space<vmem>>, vector<16xf32>,
          tpu.vector_store %arg11[%swap3A_565, %swap3A_566], %add3A_564 {strides = array<i32>} : memref<16x512xf32, #tpu.memory_space<vmem>>, vector<16xf32>,
          %get3A_568 = arith.index_cast %scan3A_420 : i32 to index
          %get3A_569 = arith.constant 128 : index
          %get3A_570 = tpu.vector_load %arg11[%get3A_568, %get3A_569] {strides = array<i32>} : memref<16x512xf32, #tpu.memory_space<vmem>>, vector<16xf32>,
          %add3A_571 = arith.addf %get3A_570, %while3A_511#8 : vector<16xf32>
          %swap3A_572 = arith.index_cast %scan3A_420 : i32 to index
          %swap3A_573 = arith.constant 128 : index
          %swap3A_574 = tpu.vector_load %arg11[%swap3A_572, %swap3A_573] {strides = array<i32>} : memref<16x512xf32, #tpu.memory_space<vmem>>, vector<16xf32>,
          tpu.vector_store %arg11[%swap3A_572, %swap3A_573], %add3A_571 {strides = array<i32>} : memref<16x512xf32, #tpu.memory_space<vmem>>, vector<16xf32>,
          %get3A_575 = arith.index_cast %scan3A_420 : i32 to index
          %get3A_576 = arith.constant 144 : index
          %get3A_577 = tpu.vector_load %arg11[%get3A_575, %get3A_576] {strides = array<i32>} : memref<16x512xf32, #tpu.memory_space<vmem>>, vector<16xf32>,
          %add3A_578 = arith.addf %get3A_577, %while3A_511#9 : vector<16xf32>
          %swap3A_579 = arith.index_cast %scan3A_420 : i32 to index
          %swap3A_580 = arith.constant 144 : index
          %swap3A_581 = tpu.vector_load %arg11[%swap3A_579, %swap3A_580] {strides = array<i32>} : memref<16x512xf32, #tpu.memory_space<vmem>>, vector<16xf32>,
          tpu.vector_store %arg11[%swap3A_579, %swap3A_580], %add3A_578 {strides = array<i32>} : memref<16x512xf32, #tpu.memory_space<vmem>>, vector<16xf32>,
          %get3A_582 = arith.index_cast %scan3A_420 : i32 to index
          %get3A_583 = arith.constant 160 : index
          %get3A_584 = tpu.vector_load %arg11[%get3A_582, %get3A_583] {strides = array<i32>} : memref<16x512xf32, #tpu.memory_space<vmem>>, vector<16xf32>,
          %add3A_585 = arith.addf %get3A_584, %while3A_511#10 : vector<16xf32>
          %swap3A_586 = arith.index_cast %scan3A_420 : i32 to index
          %swap3A_587 = arith.constant 160 : index
          %swap3A_588 = tpu.vector_load %arg11[%swap3A_586, %swap3A_587] {strides = array<i32>} : memref<16x512xf32, #tpu.memory_space<vmem>>, vector<16xf32>,
          tpu.vector_store %arg11[%swap3A_586, %swap3A_587], %add3A_585 {strides = array<i32>} : memref<16x512xf32, #tpu.memory_space<vmem>>, vector<16xf32>,
          %get3A_589 = arith.index_cast %scan3A_420 : i32 to index
          %get3A_590 = arith.constant 176 : index
          %get3A_591 = tpu.vector_load %arg11[%get3A_589, %get3A_590] {strides = array<i32>} : memref<16x512xf32, #tpu.memory_space<vmem>>, vector<16xf32>,
          %add3A_592 = arith.addf %get3A_591, %while3A_511#11 : vector<16xf32>
          %swap3A_593 = arith.index_cast %scan3A_420 : i32 to index
          %swap3A_594 = arith.constant 176 : index
          %swap3A_595 = tpu.vector_load %arg11[%swap3A_593, %swap3A_594] {strides = array<i32>} : memref<16x512xf32, #tpu.memory_space<vmem>>, vector<16xf32>,
          tpu.vector_store %arg11[%swap3A_593, %swap3A_594], %add3A_592 {strides = array<i32>} : memref<16x512xf32, #tpu.memory_space<vmem>>, vector<16xf32>,
          %get3A_596 = arith.index_cast %scan3A_420 : i32 to index
          %get3A_597 = arith.constant 192 : index
          %get3A_598 = tpu.vector_load %arg11[%get3A_596, %get3A_597] {strides = array<i32>} : memref<16x512xf32, #tpu.memory_space<vmem>>, vector<16xf32>,
          %add3A_599 = arith.addf %get3A_598, %while3A_511#12 : vector<16xf32>
          %swap3A_600 = arith.index_cast %scan3A_420 : i32 to index
          %swap3A_601 = arith.constant 192 : index
          %swap3A_602 = tpu.vector_load %arg11[%swap3A_600, %swap3A_601] {strides = array<i32>} : memref<16x512xf32, #tpu.memory_space<vmem>>, vector<16xf32>,
          tpu.vector_store %arg11[%swap3A_600, %swap3A_601], %add3A_599 {strides = array<i32>} : memref<16x512xf32, #tpu.memory_space<vmem>>, vector<16xf32>,
          %get3A_603 = arith.index_cast %scan3A_420 : i32 to index
          %get3A_604 = arith.constant 208 : index
          %get3A_605 = tpu.vector_load %arg11[%get3A_603, %get3A_604] {strides = array<i32>} : memref<16x512xf32, #tpu.memory_space<vmem>>, vector<16xf32>,
          %add3A_606 = arith.addf %get3A_605, %while3A_511#13 : vector<16xf32>
          %swap3A_607 = arith.index_cast %scan3A_420 : i32 to index
          %swap3A_608 = arith.constant 208 : index
          %swap3A_609 = tpu.vector_load %arg11[%swap3A_607, %swap3A_608] {strides = array<i32>} : memref<16x512xf32, #tpu.memory_space<vmem>>, vector<16xf32>,
          tpu.vector_store %arg11[%swap3A_607, %swap3A_608], %add3A_606 {strides = array<i32>} : memref<16x512xf32, #tpu.memory_space<vmem>>, vector<16xf32>,
          %get3A_610 = arith.index_cast %scan3A_420 : i32 to index
          %get3A_611 = arith.constant 224 : index
          %get3A_612 = tpu.vector_load %arg11[%get3A_610, %get3A_611] {strides = array<i32>} : memref<16x512xf32, #tpu.memory_space<vmem>>, vector<16xf32>,
          %add3A_613 = arith.addf %get3A_612, %while3A_511#14 : vector<16xf32>
          %swap3A_614 = arith.index_cast %scan3A_420 : i32 to index
          %swap3A_615 = arith.constant 224 : index
          %swap3A_616 = tpu.vector_load %arg11[%swap3A_614, %swap3A_615] {strides = array<i32>} : memref<16x512xf32, #tpu.memory_space<vmem>>, vector<16xf32>,
          tpu.vector_store %arg11[%swap3A_614, %swap3A_615], %add3A_613 {strides = array<i32>} : memref<16x512xf32, #tpu.memory_space<vmem>>, vector<16xf32>,
          %get3A_617 = arith.index_cast %scan3A_420 : i32 to index
          %get3A_618 = arith.constant 240 : index
          %get3A_619 = tpu.vector_load %arg11[%get3A_617, %get3A_618] {strides = array<i32>} : memref<16x512xf32, #tpu.memory_space<vmem>>, vector<16xf32>,
          %add3A_620 = arith.addf %get3A_619, %while3A_511#15 : vector<16xf32>
          %swap3A_621 = arith.index_cast %scan3A_420 : i32 to index
          %swap3A_622 = arith.constant 240 : index
          %swap3A_623 = tpu.vector_load %arg11[%swap3A_621, %swap3A_622] {strides = array<i32>} : memref<16x512xf32, #tpu.memory_space<vmem>>, vector<16xf32>,
          tpu.vector_store %arg11[%swap3A_621, %swap3A_622], %add3A_620 {strides = array<i32>} : memref<16x512xf32, #tpu.memory_space<vmem>>, vector<16xf32>,
          %get3A_624 = arith.index_cast %scan3A_420 : i32 to index
          %get3A_625 = arith.constant 256 : index
          %get3A_626 = tpu.vector_load %arg11[%get3A_624, %get3A_625] {strides = array<i32>} : memref<16x512xf32, #tpu.memory_space<vmem>>, vector<16xf32>,
          %add3A_627 = arith.addf %get3A_626, %while3A_511#16 : vector<16xf32>
          %swap3A_628 = arith.index_cast %scan3A_420 : i32 to index
          %swap3A_629 = arith.constant 256 : index
          %swap3A_630 = tpu.vector_load %arg11[%swap3A_628, %swap3A_629] {strides = array<i32>} : memref<16x512xf32, #tpu.memory_space<vmem>>, vector<16xf32>,
          tpu.vector_store %arg11[%swap3A_628, %swap3A_629], %add3A_627 {strides = array<i32>} : memref<16x512xf32, #tpu.memory_space<vmem>>, vector<16xf32>,
          %get3A_631 = arith.index_cast %scan3A_420 : i32 to index
          %get3A_632 = arith.constant 272 : index
          %get3A_633 = tpu.vector_load %arg11[%get3A_631, %get3A_632] {strides = array<i32>} : memref<16x512xf32, #tpu.memory_space<vmem>>, vector<16xf32>,
          %add3A_634 = arith.addf %get3A_633, %while3A_511#17 : vector<16xf32>
          %swap3A_635 = arith.index_cast %scan3A_420 : i32 to index
          %swap3A_636 = arith.constant 272 : index
          %swap3A_637 = tpu.vector_load %arg11[%swap3A_635, %swap3A_636] {strides = array<i32>} : memref<16x512xf32, #tpu.memory_space<vmem>>, vector<16xf32>,
          tpu.vector_store %arg11[%swap3A_635, %swap3A_636], %add3A_634 {strides = array<i32>} : memref<16x512xf32, #tpu.memory_space<vmem>>, vector<16xf32>,
          %get3A_638 = arith.index_cast %scan3A_420 : i32 to index
          %get3A_639 = arith.constant 288 : index
          %get3A_640 = tpu.vector_load %arg11[%get3A_638, %get3A_639] {strides = array<i32>} : memref<16x512xf32, #tpu.memory_space<vmem>>, vector<16xf32>,
          %add3A_641 = arith.addf %get3A_640, %while3A_511#18 : vector<16xf32>
          %swap3A_642 = arith.index_cast %scan3A_420 : i32 to index
          %swap3A_643 = arith.constant 288 : index
          %swap3A_644 = tpu.vector_load %arg11[%swap3A_642, %swap3A_643] {strides = array<i32>} : memref<16x512xf32, #tpu.memory_space<vmem>>, vector<16xf32>,
          tpu.vector_store %arg11[%swap3A_642, %swap3A_643], %add3A_641 {strides = array<i32>} : memref<16x512xf32, #tpu.memory_space<vmem>>, vector<16xf32>,
          %get3A_645 = arith.index_cast %scan3A_420 : i32 to index
          %get3A_646 = arith.constant 304 : index
          %get3A_647 = tpu.vector_load %arg11[%get3A_645, %get3A_646] {strides = array<i32>} : memref<16x512xf32, #tpu.memory_space<vmem>>, vector<16xf32>,
          %add3A_648 = arith.addf %get3A_647, %while3A_511#19 : vector<16xf32>
          %swap3A_649 = arith.index_cast %scan3A_420 : i32 to index
          %swap3A_650 = arith.constant 304 : index
          %swap3A_651 = tpu.vector_load %arg11[%swap3A_649, %swap3A_650] {strides = array<i32>} : memref<16x512xf32, #tpu.memory_space<vmem>>, vector<16xf32>,
          tpu.vector_store %arg11[%swap3A_649, %swap3A_650], %add3A_648 {strides = array<i32>} : memref<16x512xf32, #tpu.memory_space<vmem>>, vector<16xf32>,
          %get3A_652 = arith.index_cast %scan3A_420 : i32 to index
          %get3A_653 = arith.constant 320 : index
          %get3A_654 = tpu.vector_load %arg11[%get3A_652, %get3A_653] {strides = array<i32>} : memref<16x512xf32, #tpu.memory_space<vmem>>, vector<16xf32>,
          %add3A_655 = arith.addf %get3A_654, %while3A_511#20 : vector<16xf32>
          %swap3A_656 = arith.index_cast %scan3A_420 : i32 to index
          %swap3A_657 = arith.constant 320 : index
          %swap3A_658 = tpu.vector_load %arg11[%swap3A_656, %swap3A_657] {strides = array<i32>} : memref<16x512xf32, #tpu.memory_space<vmem>>, vector<16xf32>,
          tpu.vector_store %arg11[%swap3A_656, %swap3A_657], %add3A_655 {strides = array<i32>} : memref<16x512xf32, #tpu.memory_space<vmem>>, vector<16xf32>,
          %get3A_659 = arith.index_cast %scan3A_420 : i32 to index
          %get3A_660 = arith.constant 336 : index
          %get3A_661 = tpu.vector_load %arg11[%get3A_659, %get3A_660] {strides = array<i32>} : memref<16x512xf32, #tpu.memory_space<vmem>>, vector<16xf32>,
          %add3A_662 = arith.addf %get3A_661, %while3A_511#21 : vector<16xf32>
          %swap3A_663 = arith.index_cast %scan3A_420 : i32 to index
          %swap3A_664 = arith.constant 336 : index
          %swap3A_665 = tpu.vector_load %arg11[%swap3A_663, %swap3A_664] {strides = array<i32>} : memref<16x512xf32, #tpu.memory_space<vmem>>, vector<16xf32>,
          tpu.vector_store %arg11[%swap3A_663, %swap3A_664], %add3A_662 {strides = array<i32>} : memref<16x512xf32, #tpu.memory_space<vmem>>, vector<16xf32>,
          %get3A_666 = arith.index_cast %scan3A_420 : i32 to index
          %get3A_667 = arith.constant 352 : index
          %get3A_668 = tpu.vector_load %arg11[%get3A_666, %get3A_667] {strides = array<i32>} : memref<16x512xf32, #tpu.memory_space<vmem>>, vector<16xf32>,
          %add3A_669 = arith.addf %get3A_668, %while3A_511#22 : vector<16xf32>
          %swap3A_670 = arith.index_cast %scan3A_420 : i32 to index
          %swap3A_671 = arith.constant 352 : index
          %swap3A_672 = tpu.vector_load %arg11[%swap3A_670, %swap3A_671] {strides = array<i32>} : memref<16x512xf32, #tpu.memory_space<vmem>>, vector<16xf32>,
          tpu.vector_store %arg11[%swap3A_670, %swap3A_671], %add3A_669 {strides = array<i32>} : memref<16x512xf32, #tpu.memory_space<vmem>>, vector<16xf32>,
          %get3A_673 = arith.index_cast %scan3A_420 : i32 to index
          %get3A_674 = arith.constant 368 : index
          %get3A_675 = tpu.vector_load %arg11[%get3A_673, %get3A_674] {strides = array<i32>} : memref<16x512xf32, #tpu.memory_space<vmem>>, vector<16xf32>,
          %add3A_676 = arith.addf %get3A_675, %while3A_511#23 : vector<16xf32>
          %swap3A_677 = arith.index_cast %scan3A_420 : i32 to index
          %swap3A_678 = arith.constant 368 : index
          %swap3A_679 = tpu.vector_load %arg11[%swap3A_677, %swap3A_678] {strides = array<i32>} : memref<16x512xf32, #tpu.memory_space<vmem>>, vector<16xf32>,
          tpu.vector_store %arg11[%swap3A_677, %swap3A_678], %add3A_676 {strides = array<i32>} : memref<16x512xf32, #tpu.memory_space<vmem>>, vector<16xf32>,
          %get3A_680 = arith.index_cast %scan3A_420 : i32 to index
          %get3A_681 = arith.constant 384 : index
          %get3A_682 = tpu.vector_load %arg11[%get3A_680, %get3A_681] {strides = array<i32>} : memref<16x512xf32, #tpu.memory_space<vmem>>, vector<16xf32>,
          %add3A_683 = arith.addf %get3A_682, %while3A_511#24 : vector<16xf32>
          %swap3A_684 = arith.index_cast %scan3A_420 : i32 to index
          %swap3A_685 = arith.constant 384 : index
          %swap3A_686 = tpu.vector_load %arg11[%swap3A_684, %swap3A_685] {strides = array<i32>} : memref<16x512xf32, #tpu.memory_space<vmem>>, vector<16xf32>,
          tpu.vector_store %arg11[%swap3A_684, %swap3A_685], %add3A_683 {strides = array<i32>} : memref<16x512xf32, #tpu.memory_space<vmem>>, vector<16xf32>,
          %get3A_687 = arith.index_cast %scan3A_420 : i32 to index
          %get3A_688 = arith.constant 400 : index
          %get3A_689 = tpu.vector_load %arg11[%get3A_687, %get3A_688] {strides = array<i32>} : memref<16x512xf32, #tpu.memory_space<vmem>>, vector<16xf32>,
          %add3A_690 = arith.addf %get3A_689, %while3A_511#25 : vector<16xf32>
          %swap3A_691 = arith.index_cast %scan3A_420 : i32 to index
          %swap3A_692 = arith.constant 400 : index
          %swap3A_693 = tpu.vector_load %arg11[%swap3A_691, %swap3A_692] {strides = array<i32>} : memref<16x512xf32, #tpu.memory_space<vmem>>, vector<16xf32>,
          tpu.vector_store %arg11[%swap3A_691, %swap3A_692], %add3A_690 {strides = array<i32>} : memref<16x512xf32, #tpu.memory_space<vmem>>, vector<16xf32>,
          %get3A_694 = arith.index_cast %scan3A_420 : i32 to index
          %get3A_695 = arith.constant 416 : index
          %get3A_696 = tpu.vector_load %arg11[%get3A_694, %get3A_695] {strides = array<i32>} : memref<16x512xf32, #tpu.memory_space<vmem>>, vector<16xf32>,
          %add3A_697 = arith.addf %get3A_696, %while3A_511#26 : vector<16xf32>
          %swap3A_698 = arith.index_cast %scan3A_420 : i32 to index
          %swap3A_699 = arith.constant 416 : index
          %swap3A_700 = tpu.vector_load %arg11[%swap3A_698, %swap3A_699] {strides = array<i32>} : memref<16x512xf32, #tpu.memory_space<vmem>>, vector<16xf32>,
          tpu.vector_store %arg11[%swap3A_698, %swap3A_699], %add3A_697 {strides = array<i32>} : memref<16x512xf32, #tpu.memory_space<vmem>>, vector<16xf32>,
          %get3A_701 = arith.index_cast %scan3A_420 : i32 to index
          %get3A_702 = arith.constant 432 : index
          %get3A_703 = tpu.vector_load %arg11[%get3A_701, %get3A_702] {strides = array<i32>} : memref<16x512xf32, #tpu.memory_space<vmem>>, vector<16xf32>,
          %add3A_704 = arith.addf %get3A_703, %while3A_511#27 : vector<16xf32>
          %swap3A_705 = arith.index_cast %scan3A_420 : i32 to index
          %swap3A_706 = arith.constant 432 : index
          %swap3A_707 = tpu.vector_load %arg11[%swap3A_705, %swap3A_706] {strides = array<i32>} : memref<16x512xf32, #tpu.memory_space<vmem>>, vector<16xf32>,
          tpu.vector_store %arg11[%swap3A_705, %swap3A_706], %add3A_704 {strides = array<i32>} : memref<16x512xf32, #tpu.memory_space<vmem>>, vector<16xf32>,
          %get3A_708 = arith.index_cast %scan3A_420 : i32 to index
          %get3A_709 = arith.constant 448 : index
          %get3A_710 = tpu.vector_load %arg11[%get3A_708, %get3A_709] {strides = array<i32>} : memref<16x512xf32, #tpu.memory_space<vmem>>, vector<16xf32>,
          %add3A_711 = arith.addf %get3A_710, %while3A_511#28 : vector<16xf32>
          %swap3A_712 = arith.index_cast %scan3A_420 : i32 to index
          %swap3A_713 = arith.constant 448 : index
          %swap3A_714 = tpu.vector_load %arg11[%swap3A_712, %swap3A_713] {strides = array<i32>} : memref<16x512xf32, #tpu.memory_space<vmem>>, vector<16xf32>,
          tpu.vector_store %arg11[%swap3A_712, %swap3A_713], %add3A_711 {strides = array<i32>} : memref<16x512xf32, #tpu.memory_space<vmem>>, vector<16xf32>,
          %get3A_715 = arith.index_cast %scan3A_420 : i32 to index
          %get3A_716 = arith.constant 464 : index
          %get3A_717 = tpu.vector_load %arg11[%get3A_715, %get3A_716] {strides = array<i32>} : memref<16x512xf32, #tpu.memory_space<vmem>>, vector<16xf32>,
          %add3A_718 = arith.addf %get3A_717, %while3A_511#29 : vector<16xf32>
          %swap3A_719 = arith.index_cast %scan3A_420 : i32 to index
          %swap3A_720 = arith.constant 464 : index
          %swap3A_721 = tpu.vector_load %arg11[%swap3A_719, %swap3A_720] {strides = array<i32>} : memref<16x512xf32, #tpu.memory_space<vmem>>, vector<16xf32>,
          tpu.vector_store %arg11[%swap3A_719, %swap3A_720], %add3A_718 {strides = array<i32>} : memref<16x512xf32, #tpu.memory_space<vmem>>, vector<16xf32>,
          %get3A_722 = arith.index_cast %scan3A_420 : i32 to index
          %get3A_723 = arith.constant 480 : index
          %get3A_724 = tpu.vector_load %arg11[%get3A_722, %get3A_723] {strides = array<i32>} : memref<16x512xf32, #tpu.memory_space<vmem>>, vector<16xf32>,
          %add3A_725 = arith.addf %get3A_724, %while3A_511#30 : vector<16xf32>
          %swap3A_726 = arith.index_cast %scan3A_420 : i32 to index
          %swap3A_727 = arith.constant 480 : index
          %swap3A_728 = tpu.vector_load %arg11[%swap3A_726, %swap3A_727] {strides = array<i32>} : memref<16x512xf32, #tpu.memory_space<vmem>>, vector<16xf32>,
          tpu.vector_store %arg11[%swap3A_726, %swap3A_727], %add3A_725 {strides = array<i32>} : memref<16x512xf32, #tpu.memory_space<vmem>>, vector<16xf32>,
          %get3A_729 = arith.index_cast %scan3A_420 : i32 to index
          %get3A_730 = arith.constant 496 : index
          %get3A_731 = tpu.vector_load %arg11[%get3A_729, %get3A_730] {strides = array<i32>} : memref<16x512xf32, #tpu.memory_space<vmem>>, vector<16xf32>,
          %add3A_732 = arith.addf %get3A_731, %while3A_511#31 : vector<16xf32>
          %swap3A_733 = arith.index_cast %scan3A_420 : i32 to index
          %swap3A_734 = arith.constant 496 : index
          %swap3A_735 = tpu.vector_load %arg11[%swap3A_733, %swap3A_734] {strides = array<i32>} : memref<16x512xf32, #tpu.memory_space<vmem>>, vector<16xf32>,
          tpu.vector_store %arg11[%swap3A_733, %swap3A_734], %add3A_732 {strides = array<i32>} : memref<16x512xf32, #tpu.memory_space<vmem>>, vector<16xf32>,
        } else {
        }
        %scan3A_438 = arith.constant 0 : i32
        scf.yield %scan3A_438 : i32
      }
      %scan3A_361 = arith.constant 16 : i32
      %lt3A_362 = arith.constant 7 : i32
      %lt3A_363 = arith.cmpi slt, %scan3A_314, %lt3A_362 : i32
      %convert_element_type3A_364 = arith.extui %lt3A_363 : i1 to i32
      %cond3A_365 = arith.constant 0 : i32
      %cond3A_366 = arith.cmpi ne, %convert_element_type3A_364, %cond3A_365 : i32
      scf.if %cond3A_366 {
        %add3A_420 = arith.constant 1 : i32
        %add3A_421 = arith.addi %mul3A_317, %add3A_420 : i32
        %add3A_422 = arith.constant 4 : i32
        %add3A_423 = arith.addi %add3A_421, %add3A_422 : i32
        %mul3A_424 = arith.constant 32 : i32
        %mul3A_425 = arith.muli %add3A_423, %mul3A_424 : i32
        %multiple_of3A_426 = tpu.assume_multiple %mul3A_425, 32 : i32
        %dma_start3A_427 = tpu.memref_slice %arg6[%multiple_of3A_426] : memref<1024xi32, #tpu.memory_space<vmem>> -> memref<32xi32, #tpu.memory_space<vmem>>
        %dma_start3A_428 = arith.constant 0 : i32
        %dma_start3A_429 = arith.constant 0 : i32
        %dma_start3A_430 = tpu.memref_slice %arg2[%dma_start3A_428, %dma_start3A_429] : memref<100000x512xf32, #tpu.memory_space<hbm>> -> memref<100000x512xf32, #tpu.memory_space<hbm>>
        tpu.enqueue_indirect_dma source(%dma_start3A_430 : memref<100000x512xf32, #tpu.memory_space<hbm>>) target(%arg8 : memref<32x512xf32, #tpu.memory_space<vmem>>) offsets(%dma_start3A_427 : memref<32xi32, #tpu.memory_space<vmem>>) semaphore(%arg15 : memref<!tpu.dma_semaphore, #tpu.memory_space<semaphore_mem>>)
      } else {
      }
      %add3A_367 = arith.constant 2 : i32
      %add3A_368 = arith.addi %mul3A_317, %add3A_367 : i32
      %mul3A_369 = arith.constant 32 : i32
      %mul3A_370 = arith.muli %add3A_368, %mul3A_369 : i32
      %multiple_of3A_371 = tpu.assume_multiple %mul3A_370, 32 : i32
      %dma_wait3A_372 = tpu.memref_slice %arg6[%multiple_of3A_371] : memref<1024xi32, #tpu.memory_space<vmem>> -> memref<32xi32, #tpu.memory_space<vmem>>
      %dma_wait3A_373 = arith.constant 0 : i32
      %dma_wait3A_374 = arith.constant 0 : i32
      %dma_wait3A_375 = tpu.memref_slice %arg2[%dma_wait3A_373, %dma_wait3A_374] : memref<100000x512xf32, #tpu.memory_space<hbm>> -> memref<100000x512xf32, #tpu.memory_space<hbm>>
      tpu.wait_indirect_dma semaphore(%arg16 : memref<!tpu.dma_semaphore, #tpu.memory_space<semaphore_mem>>) src(%dma_wait3A_375 : memref<100000x512xf32, #tpu.memory_space<hbm>>) dst(%arg9 : memref<32x512xf32, #tpu.memory_space<vmem>>)
      %add3A_376 = arith.constant 2 : i32
      %add3A_377 = arith.addi %mul3A_317, %add3A_376 : i32
      %mul3A_378 = arith.constant 32 : i32
      %mul3A_379 = arith.muli %add3A_377, %mul3A_378 : i32
      %add3A_380 = arith.addi %mul3A_2, %mul3A_379 : i32
      %scan3A_381 = arith.constant 0 : i32
      %scan3A_382 = arith.constant 0 : i32
      %scan3A_383 = arith.constant 16 : i32
      %scan3A_384 = arith.addi %scan3A_382, %scan3A_383 : i32
      %scan3A_385 = arith.constant 1 : i32
      %scan3A_386 = scf.for %scan3A_420 = %scan3A_382 to %scan3A_384 step %scan3A_385 iter_args(%scan3A_421 = %scan3A_381) -> (i32)  : i32 {
        %get3A_422 = arith.index_cast %scan3A_420 : i32 to index
        %get3A_423 = memref.load %arg13[%get3A_422] : memref<17xi32, #tpu.memory_space<smem>>
        %sub3A = arith.subi %get3A_423, %add3A_380 : i32
        %jit3A_424 = arith.constant 0 : i32
        %jit3A_425 = arith.constant 32 : i32
        %max3A = arith.maxsi %jit3A_424, %sub3A : i32
        %min3A = arith.minsi %jit3A_425, %max3A : i32
        %add3A_426 = arith.constant 1 : i32
        %add3A_427 = arith.addi %scan3A_420, %add3A_426 : i32
        %get3A_428 = arith.index_cast %add3A_427 : i32 to index
        %get3A_429 = memref.load %arg13[%get3A_428] : memref<17xi32, #tpu.memory_space<smem>>
        %sub3A_430 = arith.subi %get3A_429, %add3A_380 : i32
        %jit3A_431 = arith.constant 0 : i32
        %jit3A_432 = arith.constant 32 : i32
        %max3A_433 = arith.maxsi %jit3A_431, %sub3A_430 : i32
        %min3A_434 = arith.minsi %jit3A_432, %max3A_433 : i32
        %gt3A = arith.cmpi sgt, %min3A_434, %min3A : i32
        %convert_element_type3A_435 = arith.extui %gt3A : i1 to i32
        %cond3A_436 = arith.constant 0 : i32
        %cond3A_437 = arith.cmpi ne, %convert_element_type3A_435, %cond3A_436 : i32
        scf.if %cond3A_437 {
          %broadcast_in_dim3A_439 = arith.constant 0.000000e+00 : f32
          %broadcast_in_dim3A_440 = vector.broadcast %broadcast_in_dim3A_439 : f32 to vector<16xf32>
          %broadcast_in_dim3A_441 = arith.constant 0.000000e+00 : f32
          %broadcast_in_dim3A_442 = vector.broadcast %broadcast_in_dim3A_441 : f32 to vector<16xf32>
          %broadcast_in_dim3A_443 = arith.constant 0.000000e+00 : f32
          %broadcast_in_dim3A_444 = vector.broadcast %broadcast_in_dim3A_443 : f32 to vector<16xf32>
          %broadcast_in_dim3A_445 = arith.constant 0.000000e+00 : f32
          %broadcast_in_dim3A_446 = vector.broadcast %broadcast_in_dim3A_445 : f32 to vector<16xf32>
          %broadcast_in_dim3A_447 = arith.constant 0.000000e+00 : f32
          %broadcast_in_dim3A_448 = vector.broadcast %broadcast_in_dim3A_447 : f32 to vector<16xf32>
          %broadcast_in_dim3A_449 = arith.constant 0.000000e+00 : f32
          %broadcast_in_dim3A_450 = vector.broadcast %broadcast_in_dim3A_449 : f32 to vector<16xf32>
          %broadcast_in_dim3A_451 = arith.constant 0.000000e+00 : f32
          %broadcast_in_dim3A_452 = vector.broadcast %broadcast_in_dim3A_451 : f32 to vector<16xf32>
          %broadcast_in_dim3A_453 = arith.constant 0.000000e+00 : f32
          %broadcast_in_dim3A_454 = vector.broadcast %broadcast_in_dim3A_453 : f32 to vector<16xf32>
          %broadcast_in_dim3A_455 = arith.constant 0.000000e+00 : f32
          %broadcast_in_dim3A_456 = vector.broadcast %broadcast_in_dim3A_455 : f32 to vector<16xf32>
          %broadcast_in_dim3A_457 = arith.constant 0.000000e+00 : f32
          %broadcast_in_dim3A_458 = vector.broadcast %broadcast_in_dim3A_457 : f32 to vector<16xf32>
          %broadcast_in_dim3A_459 = arith.constant 0.000000e+00 : f32
          %broadcast_in_dim3A_460 = vector.broadcast %broadcast_in_dim3A_459 : f32 to vector<16xf32>
          %broadcast_in_dim3A_461 = arith.constant 0.000000e+00 : f32
          %broadcast_in_dim3A_462 = vector.broadcast %broadcast_in_dim3A_461 : f32 to vector<16xf32>
          %broadcast_in_dim3A_463 = arith.constant 0.000000e+00 : f32
          %broadcast_in_dim3A_464 = vector.broadcast %broadcast_in_dim3A_463 : f32 to vector<16xf32>
          %broadcast_in_dim3A_465 = arith.constant 0.000000e+00 : f32
          %broadcast_in_dim3A_466 = vector.broadcast %broadcast_in_dim3A_465 : f32 to vector<16xf32>
          %broadcast_in_dim3A_467 = arith.constant 0.000000e+00 : f32
          %broadcast_in_dim3A_468 = vector.broadcast %broadcast_in_dim3A_467 : f32 to vector<16xf32>
          %broadcast_in_dim3A_469 = arith.constant 0.000000e+00 : f32
          %broadcast_in_dim3A_470 = vector.broadcast %broadcast_in_dim3A_469 : f32 to vector<16xf32>
          %broadcast_in_dim3A_471 = arith.constant 0.000000e+00 : f32
          %broadcast_in_dim3A_472 = vector.broadcast %broadcast_in_dim3A_471 : f32 to vector<16xf32>
          %broadcast_in_dim3A_473 = arith.constant 0.000000e+00 : f32
          %broadcast_in_dim3A_474 = vector.broadcast %broadcast_in_dim3A_473 : f32 to vector<16xf32>
          %broadcast_in_dim3A_475 = arith.constant 0.000000e+00 : f32
          %broadcast_in_dim3A_476 = vector.broadcast %broadcast_in_dim3A_475 : f32 to vector<16xf32>
          %broadcast_in_dim3A_477 = arith.constant 0.000000e+00 : f32
          %broadcast_in_dim3A_478 = vector.broadcast %broadcast_in_dim3A_477 : f32 to vector<16xf32>
          %broadcast_in_dim3A_479 = arith.constant 0.000000e+00 : f32
          %broadcast_in_dim3A_480 = vector.broadcast %broadcast_in_dim3A_479 : f32 to vector<16xf32>
          %broadcast_in_dim3A_481 = arith.constant 0.000000e+00 : f32
          %broadcast_in_dim3A_482 = vector.broadcast %broadcast_in_dim3A_481 : f32 to vector<16xf32>
          %broadcast_in_dim3A_483 = arith.constant 0.000000e+00 : f32
          %broadcast_in_dim3A_484 = vector.broadcast %broadcast_in_dim3A_483 : f32 to vector<16xf32>
          %broadcast_in_dim3A_485 = arith.constant 0.000000e+00 : f32
          %broadcast_in_dim3A_486 = vector.broadcast %broadcast_in_dim3A_485 : f32 to vector<16xf32>
          %broadcast_in_dim3A_487 = arith.constant 0.000000e+00 : f32
          %broadcast_in_dim3A_488 = vector.broadcast %broadcast_in_dim3A_487 : f32 to vector<16xf32>
          %broadcast_in_dim3A_489 = arith.constant 0.000000e+00 : f32
          %broadcast_in_dim3A_490 = vector.broadcast %broadcast_in_dim3A_489 : f32 to vector<16xf32>
          %broadcast_in_dim3A_491 = arith.constant 0.000000e+00 : f32
          %broadcast_in_dim3A_492 = vector.broadcast %broadcast_in_dim3A_491 : f32 to vector<16xf32>
          %broadcast_in_dim3A_493 = arith.constant 0.000000e+00 : f32
          %broadcast_in_dim3A_494 = vector.broadcast %broadcast_in_dim3A_493 : f32 to vector<16xf32>
          %broadcast_in_dim3A_495 = arith.constant 0.000000e+00 : f32
          %broadcast_in_dim3A_496 = vector.broadcast %broadcast_in_dim3A_495 : f32 to vector<16xf32>
          %broadcast_in_dim3A_497 = arith.constant 0.000000e+00 : f32
          %broadcast_in_dim3A_498 = vector.broadcast %broadcast_in_dim3A_497 : f32 to vector<16xf32>
          %broadcast_in_dim3A_499 = arith.constant 0.000000e+00 : f32
          %broadcast_in_dim3A_500 = vector.broadcast %broadcast_in_dim3A_499 : f32 to vector<16xf32>
          %broadcast_in_dim3A_501 = arith.constant 0.000000e+00 : f32
          %broadcast_in_dim3A_502 = vector.broadcast %broadcast_in_dim3A_501 : f32 to vector<16xf32>
          %while3A = arith.subi %min3A_434, %min3A : i32
          %while3A_503 = arith.addi %min3A, %while3A : i32
          %while3A_504 = arith.constant 1 : i32
          %while3A_505 = arith.divsi %while3A, %while3A_504 : i32
          %while3A_506 = arith.muli %while3A_505, %while3A_504 : i32
          %while3A_507 = arith.addi %min3A, %while3A_506 : i32
          %while3A_508 = arith.constant 1 : i32
          %while3A_509:32 = scf.for %while3A_736 = %min3A to %while3A_507 step %while3A_508 iter_args(%while3A_737 = %broadcast_in_dim3A_440, %while3A_738 = %broadcast_in_dim3A_442, %while3A_739 = %broadcast_in_dim3A_444, %while3A_740 = %broadcast_in_dim3A_446, %while3A_741 = %broadcast_in_dim3A_448, %while3A_742 = %broadcast_in_dim3A_450, %while3A_743 = %broadcast_in_dim3A_452, %while3A_744 = %broadcast_in_dim3A_454, %while3A_745 = %broadcast_in_dim3A_456, %while3A_746 = %broadcast_in_dim3A_458, %while3A_747 = %broadcast_in_dim3A_460, %while3A_748 = %broadcast_in_dim3A_462, %while3A_749 = %broadcast_in_dim3A_464, %while3A_750 = %broadcast_in_dim3A_466, %while3A_751 = %broadcast_in_dim3A_468, %while3A_752 = %broadcast_in_dim3A_470, %while3A_753 = %broadcast_in_dim3A_472, %while3A_754 = %broadcast_in_dim3A_474, %while3A_755 = %broadcast_in_dim3A_476, %while3A_756 = %broadcast_in_dim3A_478, %while3A_757 = %broadcast_in_dim3A_480, %while3A_758 = %broadcast_in_dim3A_482, %while3A_759 = %broadcast_in_dim3A_484, %while3A_760 = %broadcast_in_dim3A_486, %while3A_761 = %broadcast_in_dim3A_488, %while3A_762 = %broadcast_in_dim3A_490, %while3A_763 = %broadcast_in_dim3A_492, %while3A_764 = %broadcast_in_dim3A_494, %while3A_765 = %broadcast_in_dim3A_496, %while3A_766 = %broadcast_in_dim3A_498, %while3A_767 = %broadcast_in_dim3A_500, %while3A_768 = %broadcast_in_dim3A_502) -> (vector<16xf32>, vector<16xf32>, vector<16xf32>, vector<16xf32>, vector<16xf32>, vector<16xf32>, vector<16xf32>, vector<16xf32>, vector<16xf32>, vector<16xf32>, vector<16xf32>, vector<16xf32>, vector<16xf32>, vector<16xf32>, vector<16xf32>, vector<16xf32>, vector<16xf32>, vector<16xf32>, vector<16xf32>, vector<16xf32>, vector<16xf32>, vector<16xf32>, vector<16xf32>, vector<16xf32>, vector<16xf32>, vector<16xf32>, vector<16xf32>, vector<16xf32>, vector<16xf32>, vector<16xf32>, vector<16xf32>, vector<16xf32>)  : i32 {
            %get3A_769 = arith.index_cast %while3A_736 : i32 to index
            %get3A_770 = arith.constant 0 : index
            %get3A_771 = tpu.vector_load %arg9[%get3A_769, %get3A_770] {strides = array<i32>} : memref<32x512xf32, #tpu.memory_space<vmem>>, vector<16xf32>,
            %add3A_772 = arith.addf %while3A_737, %get3A_771 : vector<16xf32>
            %get3A_773 = arith.index_cast %while3A_736 : i32 to index
            %get3A_774 = arith.constant 16 : index
            %get3A_775 = tpu.vector_load %arg9[%get3A_773, %get3A_774] {strides = array<i32>} : memref<32x512xf32, #tpu.memory_space<vmem>>, vector<16xf32>,
            %add3A_776 = arith.addf %while3A_738, %get3A_775 : vector<16xf32>
            %get3A_777 = arith.index_cast %while3A_736 : i32 to index
            %get3A_778 = arith.constant 32 : index
            %get3A_779 = tpu.vector_load %arg9[%get3A_777, %get3A_778] {strides = array<i32>} : memref<32x512xf32, #tpu.memory_space<vmem>>, vector<16xf32>,
            %add3A_780 = arith.addf %while3A_739, %get3A_779 : vector<16xf32>
            %get3A_781 = arith.index_cast %while3A_736 : i32 to index
            %get3A_782 = arith.constant 48 : index
            %get3A_783 = tpu.vector_load %arg9[%get3A_781, %get3A_782] {strides = array<i32>} : memref<32x512xf32, #tpu.memory_space<vmem>>, vector<16xf32>,
            %add3A_784 = arith.addf %while3A_740, %get3A_783 : vector<16xf32>
            %get3A_785 = arith.index_cast %while3A_736 : i32 to index
            %get3A_786 = arith.constant 64 : index
            %get3A_787 = tpu.vector_load %arg9[%get3A_785, %get3A_786] {strides = array<i32>} : memref<32x512xf32, #tpu.memory_space<vmem>>, vector<16xf32>,
            %add3A_788 = arith.addf %while3A_741, %get3A_787 : vector<16xf32>
            %get3A_789 = arith.index_cast %while3A_736 : i32 to index
            %get3A_790 = arith.constant 80 : index
            %get3A_791 = tpu.vector_load %arg9[%get3A_789, %get3A_790] {strides = array<i32>} : memref<32x512xf32, #tpu.memory_space<vmem>>, vector<16xf32>,
            %add3A_792 = arith.addf %while3A_742, %get3A_791 : vector<16xf32>
            %get3A_793 = arith.index_cast %while3A_736 : i32 to index
            %get3A_794 = arith.constant 96 : index
            %get3A_795 = tpu.vector_load %arg9[%get3A_793, %get3A_794] {strides = array<i32>} : memref<32x512xf32, #tpu.memory_space<vmem>>, vector<16xf32>,
            %add3A_796 = arith.addf %while3A_743, %get3A_795 : vector<16xf32>
            %get3A_797 = arith.index_cast %while3A_736 : i32 to index
            %get3A_798 = arith.constant 112 : index
            %get3A_799 = tpu.vector_load %arg9[%get3A_797, %get3A_798] {strides = array<i32>} : memref<32x512xf32, #tpu.memory_space<vmem>>, vector<16xf32>,
            %add3A_800 = arith.addf %while3A_744, %get3A_799 : vector<16xf32>
            %get3A_801 = arith.index_cast %while3A_736 : i32 to index
            %get3A_802 = arith.constant 128 : index
            %get3A_803 = tpu.vector_load %arg9[%get3A_801, %get3A_802] {strides = array<i32>} : memref<32x512xf32, #tpu.memory_space<vmem>>, vector<16xf32>,
            %add3A_804 = arith.addf %while3A_745, %get3A_803 : vector<16xf32>
            %get3A_805 = arith.index_cast %while3A_736 : i32 to index
            %get3A_806 = arith.constant 144 : index
            %get3A_807 = tpu.vector_load %arg9[%get3A_805, %get3A_806] {strides = array<i32>} : memref<32x512xf32, #tpu.memory_space<vmem>>, vector<16xf32>,
            %add3A_808 = arith.addf %while3A_746, %get3A_807 : vector<16xf32>
            %get3A_809 = arith.index_cast %while3A_736 : i32 to index
            %get3A_810 = arith.constant 160 : index
            %get3A_811 = tpu.vector_load %arg9[%get3A_809, %get3A_810] {strides = array<i32>} : memref<32x512xf32, #tpu.memory_space<vmem>>, vector<16xf32>,
            %add3A_812 = arith.addf %while3A_747, %get3A_811 : vector<16xf32>
            %get3A_813 = arith.index_cast %while3A_736 : i32 to index
            %get3A_814 = arith.constant 176 : index
            %get3A_815 = tpu.vector_load %arg9[%get3A_813, %get3A_814] {strides = array<i32>} : memref<32x512xf32, #tpu.memory_space<vmem>>, vector<16xf32>,
            %add3A_816 = arith.addf %while3A_748, %get3A_815 : vector<16xf32>
            %get3A_817 = arith.index_cast %while3A_736 : i32 to index
            %get3A_818 = arith.constant 192 : index
            %get3A_819 = tpu.vector_load %arg9[%get3A_817, %get3A_818] {strides = array<i32>} : memref<32x512xf32, #tpu.memory_space<vmem>>, vector<16xf32>,
            %add3A_820 = arith.addf %while3A_749, %get3A_819 : vector<16xf32>
            %get3A_821 = arith.index_cast %while3A_736 : i32 to index
            %get3A_822 = arith.constant 208 : index
            %get3A_823 = tpu.vector_load %arg9[%get3A_821, %get3A_822] {strides = array<i32>} : memref<32x512xf32, #tpu.memory_space<vmem>>, vector<16xf32>,
            %add3A_824 = arith.addf %while3A_750, %get3A_823 : vector<16xf32>
            %get3A_825 = arith.index_cast %while3A_736 : i32 to index
            %get3A_826 = arith.constant 224 : index
            %get3A_827 = tpu.vector_load %arg9[%get3A_825, %get3A_826] {strides = array<i32>} : memref<32x512xf32, #tpu.memory_space<vmem>>, vector<16xf32>,
            %add3A_828 = arith.addf %while3A_751, %get3A_827 : vector<16xf32>
            %get3A_829 = arith.index_cast %while3A_736 : i32 to index
            %get3A_830 = arith.constant 240 : index
            %get3A_831 = tpu.vector_load %arg9[%get3A_829, %get3A_830] {strides = array<i32>} : memref<32x512xf32, #tpu.memory_space<vmem>>, vector<16xf32>,
            %add3A_832 = arith.addf %while3A_752, %get3A_831 : vector<16xf32>
            %get3A_833 = arith.index_cast %while3A_736 : i32 to index
            %get3A_834 = arith.constant 256 : index
            %get3A_835 = tpu.vector_load %arg9[%get3A_833, %get3A_834] {strides = array<i32>} : memref<32x512xf32, #tpu.memory_space<vmem>>, vector<16xf32>,
            %add3A_836 = arith.addf %while3A_753, %get3A_835 : vector<16xf32>
            %get3A_837 = arith.index_cast %while3A_736 : i32 to index
            %get3A_838 = arith.constant 272 : index
            %get3A_839 = tpu.vector_load %arg9[%get3A_837, %get3A_838] {strides = array<i32>} : memref<32x512xf32, #tpu.memory_space<vmem>>, vector<16xf32>,
            %add3A_840 = arith.addf %while3A_754, %get3A_839 : vector<16xf32>
            %get3A_841 = arith.index_cast %while3A_736 : i32 to index
            %get3A_842 = arith.constant 288 : index
            %get3A_843 = tpu.vector_load %arg9[%get3A_841, %get3A_842] {strides = array<i32>} : memref<32x512xf32, #tpu.memory_space<vmem>>, vector<16xf32>,
            %add3A_844 = arith.addf %while3A_755, %get3A_843 : vector<16xf32>
            %get3A_845 = arith.index_cast %while3A_736 : i32 to index
            %get3A_846 = arith.constant 304 : index
            %get3A_847 = tpu.vector_load %arg9[%get3A_845, %get3A_846] {strides = array<i32>} : memref<32x512xf32, #tpu.memory_space<vmem>>, vector<16xf32>,
            %add3A_848 = arith.addf %while3A_756, %get3A_847 : vector<16xf32>
            %get3A_849 = arith.index_cast %while3A_736 : i32 to index
            %get3A_850 = arith.constant 320 : index
            %get3A_851 = tpu.vector_load %arg9[%get3A_849, %get3A_850] {strides = array<i32>} : memref<32x512xf32, #tpu.memory_space<vmem>>, vector<16xf32>,
            %add3A_852 = arith.addf %while3A_757, %get3A_851 : vector<16xf32>
            %get3A_853 = arith.index_cast %while3A_736 : i32 to index
            %get3A_854 = arith.constant 336 : index
            %get3A_855 = tpu.vector_load %arg9[%get3A_853, %get3A_854] {strides = array<i32>} : memref<32x512xf32, #tpu.memory_space<vmem>>, vector<16xf32>,
            %add3A_856 = arith.addf %while3A_758, %get3A_855 : vector<16xf32>
            %get3A_857 = arith.index_cast %while3A_736 : i32 to index
            %get3A_858 = arith.constant 352 : index
            %get3A_859 = tpu.vector_load %arg9[%get3A_857, %get3A_858] {strides = array<i32>} : memref<32x512xf32, #tpu.memory_space<vmem>>, vector<16xf32>,
            %add3A_860 = arith.addf %while3A_759, %get3A_859 : vector<16xf32>
            %get3A_861 = arith.index_cast %while3A_736 : i32 to index
            %get3A_862 = arith.constant 368 : index
            %get3A_863 = tpu.vector_load %arg9[%get3A_861, %get3A_862] {strides = array<i32>} : memref<32x512xf32, #tpu.memory_space<vmem>>, vector<16xf32>,
            %add3A_864 = arith.addf %while3A_760, %get3A_863 : vector<16xf32>
            %get3A_865 = arith.index_cast %while3A_736 : i32 to index
            %get3A_866 = arith.constant 384 : index
            %get3A_867 = tpu.vector_load %arg9[%get3A_865, %get3A_866] {strides = array<i32>} : memref<32x512xf32, #tpu.memory_space<vmem>>, vector<16xf32>,
            %add3A_868 = arith.addf %while3A_761, %get3A_867 : vector<16xf32>
            %get3A_869 = arith.index_cast %while3A_736 : i32 to index
            %get3A_870 = arith.constant 400 : index
            %get3A_871 = tpu.vector_load %arg9[%get3A_869, %get3A_870] {strides = array<i32>} : memref<32x512xf32, #tpu.memory_space<vmem>>, vector<16xf32>,
            %add3A_872 = arith.addf %while3A_762, %get3A_871 : vector<16xf32>
            %get3A_873 = arith.index_cast %while3A_736 : i32 to index
            %get3A_874 = arith.constant 416 : index
            %get3A_875 = tpu.vector_load %arg9[%get3A_873, %get3A_874] {strides = array<i32>} : memref<32x512xf32, #tpu.memory_space<vmem>>, vector<16xf32>,
            %add3A_876 = arith.addf %while3A_763, %get3A_875 : vector<16xf32>
            %get3A_877 = arith.index_cast %while3A_736 : i32 to index
            %get3A_878 = arith.constant 432 : index
            %get3A_879 = tpu.vector_load %arg9[%get3A_877, %get3A_878] {strides = array<i32>} : memref<32x512xf32, #tpu.memory_space<vmem>>, vector<16xf32>,
            %add3A_880 = arith.addf %while3A_764, %get3A_879 : vector<16xf32>
            %get3A_881 = arith.index_cast %while3A_736 : i32 to index
            %get3A_882 = arith.constant 448 : index
            %get3A_883 = tpu.vector_load %arg9[%get3A_881, %get3A_882] {strides = array<i32>} : memref<32x512xf32, #tpu.memory_space<vmem>>, vector<16xf32>,
            %add3A_884 = arith.addf %while3A_765, %get3A_883 : vector<16xf32>
            %get3A_885 = arith.index_cast %while3A_736 : i32 to index
            %get3A_886 = arith.constant 464 : index
            %get3A_887 = tpu.vector_load %arg9[%get3A_885, %get3A_886] {strides = array<i32>} : memref<32x512xf32, #tpu.memory_space<vmem>>, vector<16xf32>,
            %add3A_888 = arith.addf %while3A_766, %get3A_887 : vector<16xf32>
            %get3A_889 = arith.index_cast %while3A_736 : i32 to index
            %get3A_890 = arith.constant 480 : index
            %get3A_891 = tpu.vector_load %arg9[%get3A_889, %get3A_890] {strides = array<i32>} : memref<32x512xf32, #tpu.memory_space<vmem>>, vector<16xf32>,
            %add3A_892 = arith.addf %while3A_767, %get3A_891 : vector<16xf32>
            %get3A_893 = arith.index_cast %while3A_736 : i32 to index
            %get3A_894 = arith.constant 496 : index
            %get3A_895 = tpu.vector_load %arg9[%get3A_893, %get3A_894] {strides = array<i32>} : memref<32x512xf32, #tpu.memory_space<vmem>>, vector<16xf32>,
            %add3A_896 = arith.addf %while3A_768, %get3A_895 : vector<16xf32>
            scf.yield %add3A_772, %add3A_776, %add3A_780, %add3A_784, %add3A_788, %add3A_792, %add3A_796, %add3A_800, %add3A_804, %add3A_808, %add3A_812, %add3A_816, %add3A_820, %add3A_824, %add3A_828, %add3A_832, %add3A_836, %add3A_840, %add3A_844, %add3A_848, %add3A_852, %add3A_856, %add3A_860, %add3A_864, %add3A_868, %add3A_872, %add3A_876, %add3A_880, %add3A_884, %add3A_888, %add3A_892, %add3A_896 : vector<16xf32>, vector<16xf32>, vector<16xf32>, vector<16xf32>, vector<16xf32>, vector<16xf32>, vector<16xf32>, vector<16xf32>, vector<16xf32>, vector<16xf32>, vector<16xf32>, vector<16xf32>, vector<16xf32>, vector<16xf32>, vector<16xf32>, vector<16xf32>, vector<16xf32>, vector<16xf32>, vector<16xf32>, vector<16xf32>, vector<16xf32>, vector<16xf32>, vector<16xf32>, vector<16xf32>, vector<16xf32>, vector<16xf32>, vector<16xf32>, vector<16xf32>, vector<16xf32>, vector<16xf32>, vector<16xf32>, vector<16xf32>
          }
          %while3A_510 = arith.constant 1 : i32
          %while3A_511:32 = scf.for %while3A_736 = %while3A_507 to %while3A_503 step %while3A_510 iter_args(%while3A_737 = %while3A_509#0, %while3A_738 = %while3A_509#1, %while3A_739 = %while3A_509#2, %while3A_740 = %while3A_509#3, %while3A_741 = %while3A_509#4, %while3A_742 = %while3A_509#5, %while3A_743 = %while3A_509#6, %while3A_744 = %while3A_509#7, %while3A_745 = %while3A_509#8, %while3A_746 = %while3A_509#9, %while3A_747 = %while3A_509#10, %while3A_748 = %while3A_509#11, %while3A_749 = %while3A_509#12, %while3A_750 = %while3A_509#13, %while3A_751 = %while3A_509#14, %while3A_752 = %while3A_509#15, %while3A_753 = %while3A_509#16, %while3A_754 = %while3A_509#17, %while3A_755 = %while3A_509#18, %while3A_756 = %while3A_509#19, %while3A_757 = %while3A_509#20, %while3A_758 = %while3A_509#21, %while3A_759 = %while3A_509#22, %while3A_760 = %while3A_509#23, %while3A_761 = %while3A_509#24, %while3A_762 = %while3A_509#25, %while3A_763 = %while3A_509#26, %while3A_764 = %while3A_509#27, %while3A_765 = %while3A_509#28, %while3A_766 = %while3A_509#29, %while3A_767 = %while3A_509#30, %while3A_768 = %while3A_509#31) -> (vector<16xf32>, vector<16xf32>, vector<16xf32>, vector<16xf32>, vector<16xf32>, vector<16xf32>, vector<16xf32>, vector<16xf32>, vector<16xf32>, vector<16xf32>, vector<16xf32>, vector<16xf32>, vector<16xf32>, vector<16xf32>, vector<16xf32>, vector<16xf32>, vector<16xf32>, vector<16xf32>, vector<16xf32>, vector<16xf32>, vector<16xf32>, vector<16xf32>, vector<16xf32>, vector<16xf32>, vector<16xf32>, vector<16xf32>, vector<16xf32>, vector<16xf32>, vector<16xf32>, vector<16xf32>, vector<16xf32>, vector<16xf32>)  : i32 {
            %get3A_769 = arith.index_cast %while3A_736 : i32 to index
            %get3A_770 = arith.constant 0 : index
            %get3A_771 = tpu.vector_load %arg9[%get3A_769, %get3A_770] {strides = array<i32>} : memref<32x512xf32, #tpu.memory_space<vmem>>, vector<16xf32>,
            %add3A_772 = arith.addf %while3A_737, %get3A_771 : vector<16xf32>
            %get3A_773 = arith.index_cast %while3A_736 : i32 to index
            %get3A_774 = arith.constant 16 : index
            %get3A_775 = tpu.vector_load %arg9[%get3A_773, %get3A_774] {strides = array<i32>} : memref<32x512xf32, #tpu.memory_space<vmem>>, vector<16xf32>,
            %add3A_776 = arith.addf %while3A_738, %get3A_775 : vector<16xf32>
            %get3A_777 = arith.index_cast %while3A_736 : i32 to index
            %get3A_778 = arith.constant 32 : index
            %get3A_779 = tpu.vector_load %arg9[%get3A_777, %get3A_778] {strides = array<i32>} : memref<32x512xf32, #tpu.memory_space<vmem>>, vector<16xf32>,
            %add3A_780 = arith.addf %while3A_739, %get3A_779 : vector<16xf32>
            %get3A_781 = arith.index_cast %while3A_736 : i32 to index
            %get3A_782 = arith.constant 48 : index
            %get3A_783 = tpu.vector_load %arg9[%get3A_781, %get3A_782] {strides = array<i32>} : memref<32x512xf32, #tpu.memory_space<vmem>>, vector<16xf32>,
            %add3A_784 = arith.addf %while3A_740, %get3A_783 : vector<16xf32>
            %get3A_785 = arith.index_cast %while3A_736 : i32 to index
            %get3A_786 = arith.constant 64 : index
            %get3A_787 = tpu.vector_load %arg9[%get3A_785, %get3A_786] {strides = array<i32>} : memref<32x512xf32, #tpu.memory_space<vmem>>, vector<16xf32>,
            %add3A_788 = arith.addf %while3A_741, %get3A_787 : vector<16xf32>
            %get3A_789 = arith.index_cast %while3A_736 : i32 to index
            %get3A_790 = arith.constant 80 : index
            %get3A_791 = tpu.vector_load %arg9[%get3A_789, %get3A_790] {strides = array<i32>} : memref<32x512xf32, #tpu.memory_space<vmem>>, vector<16xf32>,
            %add3A_792 = arith.addf %while3A_742, %get3A_791 : vector<16xf32>
            %get3A_793 = arith.index_cast %while3A_736 : i32 to index
            %get3A_794 = arith.constant 96 : index
            %get3A_795 = tpu.vector_load %arg9[%get3A_793, %get3A_794] {strides = array<i32>} : memref<32x512xf32, #tpu.memory_space<vmem>>, vector<16xf32>,
            %add3A_796 = arith.addf %while3A_743, %get3A_795 : vector<16xf32>
            %get3A_797 = arith.index_cast %while3A_736 : i32 to index
            %get3A_798 = arith.constant 112 : index
            %get3A_799 = tpu.vector_load %arg9[%get3A_797, %get3A_798] {strides = array<i32>} : memref<32x512xf32, #tpu.memory_space<vmem>>, vector<16xf32>,
            %add3A_800 = arith.addf %while3A_744, %get3A_799 : vector<16xf32>
            %get3A_801 = arith.index_cast %while3A_736 : i32 to index
            %get3A_802 = arith.constant 128 : index
            %get3A_803 = tpu.vector_load %arg9[%get3A_801, %get3A_802] {strides = array<i32>} : memref<32x512xf32, #tpu.memory_space<vmem>>, vector<16xf32>,
            %add3A_804 = arith.addf %while3A_745, %get3A_803 : vector<16xf32>
            %get3A_805 = arith.index_cast %while3A_736 : i32 to index
            %get3A_806 = arith.constant 144 : index
            %get3A_807 = tpu.vector_load %arg9[%get3A_805, %get3A_806] {strides = array<i32>} : memref<32x512xf32, #tpu.memory_space<vmem>>, vector<16xf32>,
            %add3A_808 = arith.addf %while3A_746, %get3A_807 : vector<16xf32>
            %get3A_809 = arith.index_cast %while3A_736 : i32 to index
            %get3A_810 = arith.constant 160 : index
            %get3A_811 = tpu.vector_load %arg9[%get3A_809, %get3A_810] {strides = array<i32>} : memref<32x512xf32, #tpu.memory_space<vmem>>, vector<16xf32>,
            %add3A_812 = arith.addf %while3A_747, %get3A_811 : vector<16xf32>
            %get3A_813 = arith.index_cast %while3A_736 : i32 to index
            %get3A_814 = arith.constant 176 : index
            %get3A_815 = tpu.vector_load %arg9[%get3A_813, %get3A_814] {strides = array<i32>} : memref<32x512xf32, #tpu.memory_space<vmem>>, vector<16xf32>,
            %add3A_816 = arith.addf %while3A_748, %get3A_815 : vector<16xf32>
            %get3A_817 = arith.index_cast %while3A_736 : i32 to index
            %get3A_818 = arith.constant 192 : index
            %get3A_819 = tpu.vector_load %arg9[%get3A_817, %get3A_818] {strides = array<i32>} : memref<32x512xf32, #tpu.memory_space<vmem>>, vector<16xf32>,
            %add3A_820 = arith.addf %while3A_749, %get3A_819 : vector<16xf32>
            %get3A_821 = arith.index_cast %while3A_736 : i32 to index
            %get3A_822 = arith.constant 208 : index
            %get3A_823 = tpu.vector_load %arg9[%get3A_821, %get3A_822] {strides = array<i32>} : memref<32x512xf32, #tpu.memory_space<vmem>>, vector<16xf32>,
            %add3A_824 = arith.addf %while3A_750, %get3A_823 : vector<16xf32>
            %get3A_825 = arith.index_cast %while3A_736 : i32 to index
            %get3A_826 = arith.constant 224 : index
            %get3A_827 = tpu.vector_load %arg9[%get3A_825, %get3A_826] {strides = array<i32>} : memref<32x512xf32, #tpu.memory_space<vmem>>, vector<16xf32>,
            %add3A_828 = arith.addf %while3A_751, %get3A_827 : vector<16xf32>
            %get3A_829 = arith.index_cast %while3A_736 : i32 to index
            %get3A_830 = arith.constant 240 : index
            %get3A_831 = tpu.vector_load %arg9[%get3A_829, %get3A_830] {strides = array<i32>} : memref<32x512xf32, #tpu.memory_space<vmem>>, vector<16xf32>,
            %add3A_832 = arith.addf %while3A_752, %get3A_831 : vector<16xf32>
            %get3A_833 = arith.index_cast %while3A_736 : i32 to index
            %get3A_834 = arith.constant 256 : index
            %get3A_835 = tpu.vector_load %arg9[%get3A_833, %get3A_834] {strides = array<i32>} : memref<32x512xf32, #tpu.memory_space<vmem>>, vector<16xf32>,
            %add3A_836 = arith.addf %while3A_753, %get3A_835 : vector<16xf32>
            %get3A_837 = arith.index_cast %while3A_736 : i32 to index
            %get3A_838 = arith.constant 272 : index
            %get3A_839 = tpu.vector_load %arg9[%get3A_837, %get3A_838] {strides = array<i32>} : memref<32x512xf32, #tpu.memory_space<vmem>>, vector<16xf32>,
            %add3A_840 = arith.addf %while3A_754, %get3A_839 : vector<16xf32>
            %get3A_841 = arith.index_cast %while3A_736 : i32 to index
            %get3A_842 = arith.constant 288 : index
            %get3A_843 = tpu.vector_load %arg9[%get3A_841, %get3A_842] {strides = array<i32>} : memref<32x512xf32, #tpu.memory_space<vmem>>, vector<16xf32>,
            %add3A_844 = arith.addf %while3A_755, %get3A_843 : vector<16xf32>
            %get3A_845 = arith.index_cast %while3A_736 : i32 to index
            %get3A_846 = arith.constant 304 : index
            %get3A_847 = tpu.vector_load %arg9[%get3A_845, %get3A_846] {strides = array<i32>} : memref<32x512xf32, #tpu.memory_space<vmem>>, vector<16xf32>,
            %add3A_848 = arith.addf %while3A_756, %get3A_847 : vector<16xf32>
            %get3A_849 = arith.index_cast %while3A_736 : i32 to index
            %get3A_850 = arith.constant 320 : index
            %get3A_851 = tpu.vector_load %arg9[%get3A_849, %get3A_850] {strides = array<i32>} : memref<32x512xf32, #tpu.memory_space<vmem>>, vector<16xf32>,
            %add3A_852 = arith.addf %while3A_757, %get3A_851 : vector<16xf32>
            %get3A_853 = arith.index_cast %while3A_736 : i32 to index
            %get3A_854 = arith.constant 336 : index
            %get3A_855 = tpu.vector_load %arg9[%get3A_853, %get3A_854] {strides = array<i32>} : memref<32x512xf32, #tpu.memory_space<vmem>>, vector<16xf32>,
            %add3A_856 = arith.addf %while3A_758, %get3A_855 : vector<16xf32>
            %get3A_857 = arith.index_cast %while3A_736 : i32 to index
            %get3A_858 = arith.constant 352 : index
            %get3A_859 = tpu.vector_load %arg9[%get3A_857, %get3A_858] {strides = array<i32>} : memref<32x512xf32, #tpu.memory_space<vmem>>, vector<16xf32>,
            %add3A_860 = arith.addf %while3A_759, %get3A_859 : vector<16xf32>
            %get3A_861 = arith.index_cast %while3A_736 : i32 to index
            %get3A_862 = arith.constant 368 : index
            %get3A_863 = tpu.vector_load %arg9[%get3A_861, %get3A_862] {strides = array<i32>} : memref<32x512xf32, #tpu.memory_space<vmem>>, vector<16xf32>,
            %add3A_864 = arith.addf %while3A_760, %get3A_863 : vector<16xf32>
            %get3A_865 = arith.index_cast %while3A_736 : i32 to index
            %get3A_866 = arith.constant 384 : index
            %get3A_867 = tpu.vector_load %arg9[%get3A_865, %get3A_866] {strides = array<i32>} : memref<32x512xf32, #tpu.memory_space<vmem>>, vector<16xf32>,
            %add3A_868 = arith.addf %while3A_761, %get3A_867 : vector<16xf32>
            %get3A_869 = arith.index_cast %while3A_736 : i32 to index
            %get3A_870 = arith.constant 400 : index
            %get3A_871 = tpu.vector_load %arg9[%get3A_869, %get3A_870] {strides = array<i32>} : memref<32x512xf32, #tpu.memory_space<vmem>>, vector<16xf32>,
            %add3A_872 = arith.addf %while3A_762, %get3A_871 : vector<16xf32>
            %get3A_873 = arith.index_cast %while3A_736 : i32 to index
            %get3A_874 = arith.constant 416 : index
            %get3A_875 = tpu.vector_load %arg9[%get3A_873, %get3A_874] {strides = array<i32>} : memref<32x512xf32, #tpu.memory_space<vmem>>, vector<16xf32>,
            %add3A_876 = arith.addf %while3A_763, %get3A_875 : vector<16xf32>
            %get3A_877 = arith.index_cast %while3A_736 : i32 to index
            %get3A_878 = arith.constant 432 : index
            %get3A_879 = tpu.vector_load %arg9[%get3A_877, %get3A_878] {strides = array<i32>} : memref<32x512xf32, #tpu.memory_space<vmem>>, vector<16xf32>,
            %add3A_880 = arith.addf %while3A_764, %get3A_879 : vector<16xf32>
            %get3A_881 = arith.index_cast %while3A_736 : i32 to index
            %get3A_882 = arith.constant 448 : index
            %get3A_883 = tpu.vector_load %arg9[%get3A_881, %get3A_882] {strides = array<i32>} : memref<32x512xf32, #tpu.memory_space<vmem>>, vector<16xf32>,
            %add3A_884 = arith.addf %while3A_765, %get3A_883 : vector<16xf32>
            %get3A_885 = arith.index_cast %while3A_736 : i32 to index
            %get3A_886 = arith.constant 464 : index
            %get3A_887 = tpu.vector_load %arg9[%get3A_885, %get3A_886] {strides = array<i32>} : memref<32x512xf32, #tpu.memory_space<vmem>>, vector<16xf32>,
            %add3A_888 = arith.addf %while3A_766, %get3A_887 : vector<16xf32>
            %get3A_889 = arith.index_cast %while3A_736 : i32 to index
            %get3A_890 = arith.constant 480 : index
            %get3A_891 = tpu.vector_load %arg9[%get3A_889, %get3A_890] {strides = array<i32>} : memref<32x512xf32, #tpu.memory_space<vmem>>, vector<16xf32>,
            %add3A_892 = arith.addf %while3A_767, %get3A_891 : vector<16xf32>
            %get3A_893 = arith.index_cast %while3A_736 : i32 to index
            %get3A_894 = arith.constant 496 : index
            %get3A_895 = tpu.vector_load %arg9[%get3A_893, %get3A_894] {strides = array<i32>} : memref<32x512xf32, #tpu.memory_space<vmem>>, vector<16xf32>,
            %add3A_896 = arith.addf %while3A_768, %get3A_895 : vector<16xf32>
            scf.yield %add3A_772, %add3A_776, %add3A_780, %add3A_784, %add3A_788, %add3A_792, %add3A_796, %add3A_800, %add3A_804, %add3A_808, %add3A_812, %add3A_816, %add3A_820, %add3A_824, %add3A_828, %add3A_832, %add3A_836, %add3A_840, %add3A_844, %add3A_848, %add3A_852, %add3A_856, %add3A_860, %add3A_864, %add3A_868, %add3A_872, %add3A_876, %add3A_880, %add3A_884, %add3A_888, %add3A_892, %add3A_896 : vector<16xf32>, vector<16xf32>, vector<16xf32>, vector<16xf32>, vector<16xf32>, vector<16xf32>, vector<16xf32>, vector<16xf32>, vector<16xf32>, vector<16xf32>, vector<16xf32>, vector<16xf32>, vector<16xf32>, vector<16xf32>, vector<16xf32>, vector<16xf32>, vector<16xf32>, vector<16xf32>, vector<16xf32>, vector<16xf32>, vector<16xf32>, vector<16xf32>, vector<16xf32>, vector<16xf32>, vector<16xf32>, vector<16xf32>, vector<16xf32>, vector<16xf32>, vector<16xf32>, vector<16xf32>, vector<16xf32>, vector<16xf32>
          }
          %get3A_512 = arith.index_cast %scan3A_420 : i32 to index
          %get3A_513 = arith.constant 0 : index
          %get3A_514 = tpu.vector_load %arg11[%get3A_512, %get3A_513] {strides = array<i32>} : memref<16x512xf32, #tpu.memory_space<vmem>>, vector<16xf32>,
          %add3A_515 = arith.addf %get3A_514, %while3A_511#0 : vector<16xf32>
          %swap3A_516 = arith.index_cast %scan3A_420 : i32 to index
          %swap3A_517 = arith.constant 0 : index
          %swap3A_518 = tpu.vector_load %arg11[%swap3A_516, %swap3A_517] {strides = array<i32>} : memref<16x512xf32, #tpu.memory_space<vmem>>, vector<16xf32>,
          tpu.vector_store %arg11[%swap3A_516, %swap3A_517], %add3A_515 {strides = array<i32>} : memref<16x512xf32, #tpu.memory_space<vmem>>, vector<16xf32>,
          %get3A_519 = arith.index_cast %scan3A_420 : i32 to index
          %get3A_520 = arith.constant 16 : index
          %get3A_521 = tpu.vector_load %arg11[%get3A_519, %get3A_520] {strides = array<i32>} : memref<16x512xf32, #tpu.memory_space<vmem>>, vector<16xf32>,
          %add3A_522 = arith.addf %get3A_521, %while3A_511#1 : vector<16xf32>
          %swap3A_523 = arith.index_cast %scan3A_420 : i32 to index
          %swap3A_524 = arith.constant 16 : index
          %swap3A_525 = tpu.vector_load %arg11[%swap3A_523, %swap3A_524] {strides = array<i32>} : memref<16x512xf32, #tpu.memory_space<vmem>>, vector<16xf32>,
          tpu.vector_store %arg11[%swap3A_523, %swap3A_524], %add3A_522 {strides = array<i32>} : memref<16x512xf32, #tpu.memory_space<vmem>>, vector<16xf32>,
          %get3A_526 = arith.index_cast %scan3A_420 : i32 to index
          %get3A_527 = arith.constant 32 : index
          %get3A_528 = tpu.vector_load %arg11[%get3A_526, %get3A_527] {strides = array<i32>} : memref<16x512xf32, #tpu.memory_space<vmem>>, vector<16xf32>,
          %add3A_529 = arith.addf %get3A_528, %while3A_511#2 : vector<16xf32>
          %swap3A_530 = arith.index_cast %scan3A_420 : i32 to index
          %swap3A_531 = arith.constant 32 : index
          %swap3A_532 = tpu.vector_load %arg11[%swap3A_530, %swap3A_531] {strides = array<i32>} : memref<16x512xf32, #tpu.memory_space<vmem>>, vector<16xf32>,
          tpu.vector_store %arg11[%swap3A_530, %swap3A_531], %add3A_529 {strides = array<i32>} : memref<16x512xf32, #tpu.memory_space<vmem>>, vector<16xf32>,
          %get3A_533 = arith.index_cast %scan3A_420 : i32 to index
          %get3A_534 = arith.constant 48 : index
          %get3A_535 = tpu.vector_load %arg11[%get3A_533, %get3A_534] {strides = array<i32>} : memref<16x512xf32, #tpu.memory_space<vmem>>, vector<16xf32>,
          %add3A_536 = arith.addf %get3A_535, %while3A_511#3 : vector<16xf32>
          %swap3A_537 = arith.index_cast %scan3A_420 : i32 to index
          %swap3A_538 = arith.constant 48 : index
          %swap3A_539 = tpu.vector_load %arg11[%swap3A_537, %swap3A_538] {strides = array<i32>} : memref<16x512xf32, #tpu.memory_space<vmem>>, vector<16xf32>,
          tpu.vector_store %arg11[%swap3A_537, %swap3A_538], %add3A_536 {strides = array<i32>} : memref<16x512xf32, #tpu.memory_space<vmem>>, vector<16xf32>,
          %get3A_540 = arith.index_cast %scan3A_420 : i32 to index
          %get3A_541 = arith.constant 64 : index
          %get3A_542 = tpu.vector_load %arg11[%get3A_540, %get3A_541] {strides = array<i32>} : memref<16x512xf32, #tpu.memory_space<vmem>>, vector<16xf32>,
          %add3A_543 = arith.addf %get3A_542, %while3A_511#4 : vector<16xf32>
          %swap3A_544 = arith.index_cast %scan3A_420 : i32 to index
          %swap3A_545 = arith.constant 64 : index
          %swap3A_546 = tpu.vector_load %arg11[%swap3A_544, %swap3A_545] {strides = array<i32>} : memref<16x512xf32, #tpu.memory_space<vmem>>, vector<16xf32>,
          tpu.vector_store %arg11[%swap3A_544, %swap3A_545], %add3A_543 {strides = array<i32>} : memref<16x512xf32, #tpu.memory_space<vmem>>, vector<16xf32>,
          %get3A_547 = arith.index_cast %scan3A_420 : i32 to index
          %get3A_548 = arith.constant 80 : index
          %get3A_549 = tpu.vector_load %arg11[%get3A_547, %get3A_548] {strides = array<i32>} : memref<16x512xf32, #tpu.memory_space<vmem>>, vector<16xf32>,
          %add3A_550 = arith.addf %get3A_549, %while3A_511#5 : vector<16xf32>
          %swap3A_551 = arith.index_cast %scan3A_420 : i32 to index
          %swap3A_552 = arith.constant 80 : index
          %swap3A_553 = tpu.vector_load %arg11[%swap3A_551, %swap3A_552] {strides = array<i32>} : memref<16x512xf32, #tpu.memory_space<vmem>>, vector<16xf32>,
          tpu.vector_store %arg11[%swap3A_551, %swap3A_552], %add3A_550 {strides = array<i32>} : memref<16x512xf32, #tpu.memory_space<vmem>>, vector<16xf32>,
          %get3A_554 = arith.index_cast %scan3A_420 : i32 to index
          %get3A_555 = arith.constant 96 : index
          %get3A_556 = tpu.vector_load %arg11[%get3A_554, %get3A_555] {strides = array<i32>} : memref<16x512xf32, #tpu.memory_space<vmem>>, vector<16xf32>,
          %add3A_557 = arith.addf %get3A_556, %while3A_511#6 : vector<16xf32>
          %swap3A_558 = arith.index_cast %scan3A_420 : i32 to index
          %swap3A_559 = arith.constant 96 : index
          %swap3A_560 = tpu.vector_load %arg11[%swap3A_558, %swap3A_559] {strides = array<i32>} : memref<16x512xf32, #tpu.memory_space<vmem>>, vector<16xf32>,
          tpu.vector_store %arg11[%swap3A_558, %swap3A_559], %add3A_557 {strides = array<i32>} : memref<16x512xf32, #tpu.memory_space<vmem>>, vector<16xf32>,
          %get3A_561 = arith.index_cast %scan3A_420 : i32 to index
          %get3A_562 = arith.constant 112 : index
          %get3A_563 = tpu.vector_load %arg11[%get3A_561, %get3A_562] {strides = array<i32>} : memref<16x512xf32, #tpu.memory_space<vmem>>, vector<16xf32>,
          %add3A_564 = arith.addf %get3A_563, %while3A_511#7 : vector<16xf32>
          %swap3A_565 = arith.index_cast %scan3A_420 : i32 to index
          %swap3A_566 = arith.constant 112 : index
          %swap3A_567 = tpu.vector_load %arg11[%swap3A_565, %swap3A_566] {strides = array<i32>} : memref<16x512xf32, #tpu.memory_space<vmem>>, vector<16xf32>,
          tpu.vector_store %arg11[%swap3A_565, %swap3A_566], %add3A_564 {strides = array<i32>} : memref<16x512xf32, #tpu.memory_space<vmem>>, vector<16xf32>,
          %get3A_568 = arith.index_cast %scan3A_420 : i32 to index
          %get3A_569 = arith.constant 128 : index
          %get3A_570 = tpu.vector_load %arg11[%get3A_568, %get3A_569] {strides = array<i32>} : memref<16x512xf32, #tpu.memory_space<vmem>>, vector<16xf32>,
          %add3A_571 = arith.addf %get3A_570, %while3A_511#8 : vector<16xf32>
          %swap3A_572 = arith.index_cast %scan3A_420 : i32 to index
          %swap3A_573 = arith.constant 128 : index
          %swap3A_574 = tpu.vector_load %arg11[%swap3A_572, %swap3A_573] {strides = array<i32>} : memref<16x512xf32, #tpu.memory_space<vmem>>, vector<16xf32>,
          tpu.vector_store %arg11[%swap3A_572, %swap3A_573], %add3A_571 {strides = array<i32>} : memref<16x512xf32, #tpu.memory_space<vmem>>, vector<16xf32>,
          %get3A_575 = arith.index_cast %scan3A_420 : i32 to index
          %get3A_576 = arith.constant 144 : index
          %get3A_577 = tpu.vector_load %arg11[%get3A_575, %get3A_576] {strides = array<i32>} : memref<16x512xf32, #tpu.memory_space<vmem>>, vector<16xf32>,
          %add3A_578 = arith.addf %get3A_577, %while3A_511#9 : vector<16xf32>
          %swap3A_579 = arith.index_cast %scan3A_420 : i32 to index
          %swap3A_580 = arith.constant 144 : index
          %swap3A_581 = tpu.vector_load %arg11[%swap3A_579, %swap3A_580] {strides = array<i32>} : memref<16x512xf32, #tpu.memory_space<vmem>>, vector<16xf32>,
          tpu.vector_store %arg11[%swap3A_579, %swap3A_580], %add3A_578 {strides = array<i32>} : memref<16x512xf32, #tpu.memory_space<vmem>>, vector<16xf32>,
          %get3A_582 = arith.index_cast %scan3A_420 : i32 to index
          %get3A_583 = arith.constant 160 : index
          %get3A_584 = tpu.vector_load %arg11[%get3A_582, %get3A_583] {strides = array<i32>} : memref<16x512xf32, #tpu.memory_space<vmem>>, vector<16xf32>,
          %add3A_585 = arith.addf %get3A_584, %while3A_511#10 : vector<16xf32>
          %swap3A_586 = arith.index_cast %scan3A_420 : i32 to index
          %swap3A_587 = arith.constant 160 : index
          %swap3A_588 = tpu.vector_load %arg11[%swap3A_586, %swap3A_587] {strides = array<i32>} : memref<16x512xf32, #tpu.memory_space<vmem>>, vector<16xf32>,
          tpu.vector_store %arg11[%swap3A_586, %swap3A_587], %add3A_585 {strides = array<i32>} : memref<16x512xf32, #tpu.memory_space<vmem>>, vector<16xf32>,
          %get3A_589 = arith.index_cast %scan3A_420 : i32 to index
          %get3A_590 = arith.constant 176 : index
          %get3A_591 = tpu.vector_load %arg11[%get3A_589, %get3A_590] {strides = array<i32>} : memref<16x512xf32, #tpu.memory_space<vmem>>, vector<16xf32>,
          %add3A_592 = arith.addf %get3A_591, %while3A_511#11 : vector<16xf32>
          %swap3A_593 = arith.index_cast %scan3A_420 : i32 to index
          %swap3A_594 = arith.constant 176 : index
          %swap3A_595 = tpu.vector_load %arg11[%swap3A_593, %swap3A_594] {strides = array<i32>} : memref<16x512xf32, #tpu.memory_space<vmem>>, vector<16xf32>,
          tpu.vector_store %arg11[%swap3A_593, %swap3A_594], %add3A_592 {strides = array<i32>} : memref<16x512xf32, #tpu.memory_space<vmem>>, vector<16xf32>,
          %get3A_596 = arith.index_cast %scan3A_420 : i32 to index
          %get3A_597 = arith.constant 192 : index
          %get3A_598 = tpu.vector_load %arg11[%get3A_596, %get3A_597] {strides = array<i32>} : memref<16x512xf32, #tpu.memory_space<vmem>>, vector<16xf32>,
          %add3A_599 = arith.addf %get3A_598, %while3A_511#12 : vector<16xf32>
          %swap3A_600 = arith.index_cast %scan3A_420 : i32 to index
          %swap3A_601 = arith.constant 192 : index
          %swap3A_602 = tpu.vector_load %arg11[%swap3A_600, %swap3A_601] {strides = array<i32>} : memref<16x512xf32, #tpu.memory_space<vmem>>, vector<16xf32>,
          tpu.vector_store %arg11[%swap3A_600, %swap3A_601], %add3A_599 {strides = array<i32>} : memref<16x512xf32, #tpu.memory_space<vmem>>, vector<16xf32>,
          %get3A_603 = arith.index_cast %scan3A_420 : i32 to index
          %get3A_604 = arith.constant 208 : index
          %get3A_605 = tpu.vector_load %arg11[%get3A_603, %get3A_604] {strides = array<i32>} : memref<16x512xf32, #tpu.memory_space<vmem>>, vector<16xf32>,
          %add3A_606 = arith.addf %get3A_605, %while3A_511#13 : vector<16xf32>
          %swap3A_607 = arith.index_cast %scan3A_420 : i32 to index
          %swap3A_608 = arith.constant 208 : index
          %swap3A_609 = tpu.vector_load %arg11[%swap3A_607, %swap3A_608] {strides = array<i32>} : memref<16x512xf32, #tpu.memory_space<vmem>>, vector<16xf32>,
          tpu.vector_store %arg11[%swap3A_607, %swap3A_608], %add3A_606 {strides = array<i32>} : memref<16x512xf32, #tpu.memory_space<vmem>>, vector<16xf32>,
          %get3A_610 = arith.index_cast %scan3A_420 : i32 to index
          %get3A_611 = arith.constant 224 : index
          %get3A_612 = tpu.vector_load %arg11[%get3A_610, %get3A_611] {strides = array<i32>} : memref<16x512xf32, #tpu.memory_space<vmem>>, vector<16xf32>,
          %add3A_613 = arith.addf %get3A_612, %while3A_511#14 : vector<16xf32>
          %swap3A_614 = arith.index_cast %scan3A_420 : i32 to index
          %swap3A_615 = arith.constant 224 : index
          %swap3A_616 = tpu.vector_load %arg11[%swap3A_614, %swap3A_615] {strides = array<i32>} : memref<16x512xf32, #tpu.memory_space<vmem>>, vector<16xf32>,
          tpu.vector_store %arg11[%swap3A_614, %swap3A_615], %add3A_613 {strides = array<i32>} : memref<16x512xf32, #tpu.memory_space<vmem>>, vector<16xf32>,
          %get3A_617 = arith.index_cast %scan3A_420 : i32 to index
          %get3A_618 = arith.constant 240 : index
          %get3A_619 = tpu.vector_load %arg11[%get3A_617, %get3A_618] {strides = array<i32>} : memref<16x512xf32, #tpu.memory_space<vmem>>, vector<16xf32>,
          %add3A_620 = arith.addf %get3A_619, %while3A_511#15 : vector<16xf32>
          %swap3A_621 = arith.index_cast %scan3A_420 : i32 to index
          %swap3A_622 = arith.constant 240 : index
          %swap3A_623 = tpu.vector_load %arg11[%swap3A_621, %swap3A_622] {strides = array<i32>} : memref<16x512xf32, #tpu.memory_space<vmem>>, vector<16xf32>,
          tpu.vector_store %arg11[%swap3A_621, %swap3A_622], %add3A_620 {strides = array<i32>} : memref<16x512xf32, #tpu.memory_space<vmem>>, vector<16xf32>,
          %get3A_624 = arith.index_cast %scan3A_420 : i32 to index
          %get3A_625 = arith.constant 256 : index
          %get3A_626 = tpu.vector_load %arg11[%get3A_624, %get3A_625] {strides = array<i32>} : memref<16x512xf32, #tpu.memory_space<vmem>>, vector<16xf32>,
          %add3A_627 = arith.addf %get3A_626, %while3A_511#16 : vector<16xf32>
          %swap3A_628 = arith.index_cast %scan3A_420 : i32 to index
          %swap3A_629 = arith.constant 256 : index
          %swap3A_630 = tpu.vector_load %arg11[%swap3A_628, %swap3A_629] {strides = array<i32>} : memref<16x512xf32, #tpu.memory_space<vmem>>, vector<16xf32>,
          tpu.vector_store %arg11[%swap3A_628, %swap3A_629], %add3A_627 {strides = array<i32>} : memref<16x512xf32, #tpu.memory_space<vmem>>, vector<16xf32>,
          %get3A_631 = arith.index_cast %scan3A_420 : i32 to index
          %get3A_632 = arith.constant 272 : index
          %get3A_633 = tpu.vector_load %arg11[%get3A_631, %get3A_632] {strides = array<i32>} : memref<16x512xf32, #tpu.memory_space<vmem>>, vector<16xf32>,
          %add3A_634 = arith.addf %get3A_633, %while3A_511#17 : vector<16xf32>
          %swap3A_635 = arith.index_cast %scan3A_420 : i32 to index
          %swap3A_636 = arith.constant 272 : index
          %swap3A_637 = tpu.vector_load %arg11[%swap3A_635, %swap3A_636] {strides = array<i32>} : memref<16x512xf32, #tpu.memory_space<vmem>>, vector<16xf32>,
          tpu.vector_store %arg11[%swap3A_635, %swap3A_636], %add3A_634 {strides = array<i32>} : memref<16x512xf32, #tpu.memory_space<vmem>>, vector<16xf32>,
          %get3A_638 = arith.index_cast %scan3A_420 : i32 to index
          %get3A_639 = arith.constant 288 : index
          %get3A_640 = tpu.vector_load %arg11[%get3A_638, %get3A_639] {strides = array<i32>} : memref<16x512xf32, #tpu.memory_space<vmem>>, vector<16xf32>,
          %add3A_641 = arith.addf %get3A_640, %while3A_511#18 : vector<16xf32>
          %swap3A_642 = arith.index_cast %scan3A_420 : i32 to index
          %swap3A_643 = arith.constant 288 : index
          %swap3A_644 = tpu.vector_load %arg11[%swap3A_642, %swap3A_643] {strides = array<i32>} : memref<16x512xf32, #tpu.memory_space<vmem>>, vector<16xf32>,
          tpu.vector_store %arg11[%swap3A_642, %swap3A_643], %add3A_641 {strides = array<i32>} : memref<16x512xf32, #tpu.memory_space<vmem>>, vector<16xf32>,
          %get3A_645 = arith.index_cast %scan3A_420 : i32 to index
          %get3A_646 = arith.constant 304 : index
          %get3A_647 = tpu.vector_load %arg11[%get3A_645, %get3A_646] {strides = array<i32>} : memref<16x512xf32, #tpu.memory_space<vmem>>, vector<16xf32>,
          %add3A_648 = arith.addf %get3A_647, %while3A_511#19 : vector<16xf32>
          %swap3A_649 = arith.index_cast %scan3A_420 : i32 to index
          %swap3A_650 = arith.constant 304 : index
          %swap3A_651 = tpu.vector_load %arg11[%swap3A_649, %swap3A_650] {strides = array<i32>} : memref<16x512xf32, #tpu.memory_space<vmem>>, vector<16xf32>,
          tpu.vector_store %arg11[%swap3A_649, %swap3A_650], %add3A_648 {strides = array<i32>} : memref<16x512xf32, #tpu.memory_space<vmem>>, vector<16xf32>,
          %get3A_652 = arith.index_cast %scan3A_420 : i32 to index
          %get3A_653 = arith.constant 320 : index
          %get3A_654 = tpu.vector_load %arg11[%get3A_652, %get3A_653] {strides = array<i32>} : memref<16x512xf32, #tpu.memory_space<vmem>>, vector<16xf32>,
          %add3A_655 = arith.addf %get3A_654, %while3A_511#20 : vector<16xf32>
          %swap3A_656 = arith.index_cast %scan3A_420 : i32 to index
          %swap3A_657 = arith.constant 320 : index
          %swap3A_658 = tpu.vector_load %arg11[%swap3A_656, %swap3A_657] {strides = array<i32>} : memref<16x512xf32, #tpu.memory_space<vmem>>, vector<16xf32>,
          tpu.vector_store %arg11[%swap3A_656, %swap3A_657], %add3A_655 {strides = array<i32>} : memref<16x512xf32, #tpu.memory_space<vmem>>, vector<16xf32>,
          %get3A_659 = arith.index_cast %scan3A_420 : i32 to index
          %get3A_660 = arith.constant 336 : index
          %get3A_661 = tpu.vector_load %arg11[%get3A_659, %get3A_660] {strides = array<i32>} : memref<16x512xf32, #tpu.memory_space<vmem>>, vector<16xf32>,
          %add3A_662 = arith.addf %get3A_661, %while3A_511#21 : vector<16xf32>
          %swap3A_663 = arith.index_cast %scan3A_420 : i32 to index
          %swap3A_664 = arith.constant 336 : index
          %swap3A_665 = tpu.vector_load %arg11[%swap3A_663, %swap3A_664] {strides = array<i32>} : memref<16x512xf32, #tpu.memory_space<vmem>>, vector<16xf32>,
          tpu.vector_store %arg11[%swap3A_663, %swap3A_664], %add3A_662 {strides = array<i32>} : memref<16x512xf32, #tpu.memory_space<vmem>>, vector<16xf32>,
          %get3A_666 = arith.index_cast %scan3A_420 : i32 to index
          %get3A_667 = arith.constant 352 : index
          %get3A_668 = tpu.vector_load %arg11[%get3A_666, %get3A_667] {strides = array<i32>} : memref<16x512xf32, #tpu.memory_space<vmem>>, vector<16xf32>,
          %add3A_669 = arith.addf %get3A_668, %while3A_511#22 : vector<16xf32>
          %swap3A_670 = arith.index_cast %scan3A_420 : i32 to index
          %swap3A_671 = arith.constant 352 : index
          %swap3A_672 = tpu.vector_load %arg11[%swap3A_670, %swap3A_671] {strides = array<i32>} : memref<16x512xf32, #tpu.memory_space<vmem>>, vector<16xf32>,
          tpu.vector_store %arg11[%swap3A_670, %swap3A_671], %add3A_669 {strides = array<i32>} : memref<16x512xf32, #tpu.memory_space<vmem>>, vector<16xf32>,
          %get3A_673 = arith.index_cast %scan3A_420 : i32 to index
          %get3A_674 = arith.constant 368 : index
          %get3A_675 = tpu.vector_load %arg11[%get3A_673, %get3A_674] {strides = array<i32>} : memref<16x512xf32, #tpu.memory_space<vmem>>, vector<16xf32>,
          %add3A_676 = arith.addf %get3A_675, %while3A_511#23 : vector<16xf32>
          %swap3A_677 = arith.index_cast %scan3A_420 : i32 to index
          %swap3A_678 = arith.constant 368 : index
          %swap3A_679 = tpu.vector_load %arg11[%swap3A_677, %swap3A_678] {strides = array<i32>} : memref<16x512xf32, #tpu.memory_space<vmem>>, vector<16xf32>,
          tpu.vector_store %arg11[%swap3A_677, %swap3A_678], %add3A_676 {strides = array<i32>} : memref<16x512xf32, #tpu.memory_space<vmem>>, vector<16xf32>,
          %get3A_680 = arith.index_cast %scan3A_420 : i32 to index
          %get3A_681 = arith.constant 384 : index
          %get3A_682 = tpu.vector_load %arg11[%get3A_680, %get3A_681] {strides = array<i32>} : memref<16x512xf32, #tpu.memory_space<vmem>>, vector<16xf32>,
          %add3A_683 = arith.addf %get3A_682, %while3A_511#24 : vector<16xf32>
          %swap3A_684 = arith.index_cast %scan3A_420 : i32 to index
          %swap3A_685 = arith.constant 384 : index
          %swap3A_686 = tpu.vector_load %arg11[%swap3A_684, %swap3A_685] {strides = array<i32>} : memref<16x512xf32, #tpu.memory_space<vmem>>, vector<16xf32>,
          tpu.vector_store %arg11[%swap3A_684, %swap3A_685], %add3A_683 {strides = array<i32>} : memref<16x512xf32, #tpu.memory_space<vmem>>, vector<16xf32>,
          %get3A_687 = arith.index_cast %scan3A_420 : i32 to index
          %get3A_688 = arith.constant 400 : index
          %get3A_689 = tpu.vector_load %arg11[%get3A_687, %get3A_688] {strides = array<i32>} : memref<16x512xf32, #tpu.memory_space<vmem>>, vector<16xf32>,
          %add3A_690 = arith.addf %get3A_689, %while3A_511#25 : vector<16xf32>
          %swap3A_691 = arith.index_cast %scan3A_420 : i32 to index
          %swap3A_692 = arith.constant 400 : index
          %swap3A_693 = tpu.vector_load %arg11[%swap3A_691, %swap3A_692] {strides = array<i32>} : memref<16x512xf32, #tpu.memory_space<vmem>>, vector<16xf32>,
          tpu.vector_store %arg11[%swap3A_691, %swap3A_692], %add3A_690 {strides = array<i32>} : memref<16x512xf32, #tpu.memory_space<vmem>>, vector<16xf32>,
          %get3A_694 = arith.index_cast %scan3A_420 : i32 to index
          %get3A_695 = arith.constant 416 : index
          %get3A_696 = tpu.vector_load %arg11[%get3A_694, %get3A_695] {strides = array<i32>} : memref<16x512xf32, #tpu.memory_space<vmem>>, vector<16xf32>,
          %add3A_697 = arith.addf %get3A_696, %while3A_511#26 : vector<16xf32>
          %swap3A_698 = arith.index_cast %scan3A_420 : i32 to index
          %swap3A_699 = arith.constant 416 : index
          %swap3A_700 = tpu.vector_load %arg11[%swap3A_698, %swap3A_699] {strides = array<i32>} : memref<16x512xf32, #tpu.memory_space<vmem>>, vector<16xf32>,
          tpu.vector_store %arg11[%swap3A_698, %swap3A_699], %add3A_697 {strides = array<i32>} : memref<16x512xf32, #tpu.memory_space<vmem>>, vector<16xf32>,
          %get3A_701 = arith.index_cast %scan3A_420 : i32 to index
          %get3A_702 = arith.constant 432 : index
          %get3A_703 = tpu.vector_load %arg11[%get3A_701, %get3A_702] {strides = array<i32>} : memref<16x512xf32, #tpu.memory_space<vmem>>, vector<16xf32>,
          %add3A_704 = arith.addf %get3A_703, %while3A_511#27 : vector<16xf32>
          %swap3A_705 = arith.index_cast %scan3A_420 : i32 to index
          %swap3A_706 = arith.constant 432 : index
          %swap3A_707 = tpu.vector_load %arg11[%swap3A_705, %swap3A_706] {strides = array<i32>} : memref<16x512xf32, #tpu.memory_space<vmem>>, vector<16xf32>,
          tpu.vector_store %arg11[%swap3A_705, %swap3A_706], %add3A_704 {strides = array<i32>} : memref<16x512xf32, #tpu.memory_space<vmem>>, vector<16xf32>,
          %get3A_708 = arith.index_cast %scan3A_420 : i32 to index
          %get3A_709 = arith.constant 448 : index
          %get3A_710 = tpu.vector_load %arg11[%get3A_708, %get3A_709] {strides = array<i32>} : memref<16x512xf32, #tpu.memory_space<vmem>>, vector<16xf32>,
          %add3A_711 = arith.addf %get3A_710, %while3A_511#28 : vector<16xf32>
          %swap3A_712 = arith.index_cast %scan3A_420 : i32 to index
          %swap3A_713 = arith.constant 448 : index
          %swap3A_714 = tpu.vector_load %arg11[%swap3A_712, %swap3A_713] {strides = array<i32>} : memref<16x512xf32, #tpu.memory_space<vmem>>, vector<16xf32>,
          tpu.vector_store %arg11[%swap3A_712, %swap3A_713], %add3A_711 {strides = array<i32>} : memref<16x512xf32, #tpu.memory_space<vmem>>, vector<16xf32>,
          %get3A_715 = arith.index_cast %scan3A_420 : i32 to index
          %get3A_716 = arith.constant 464 : index
          %get3A_717 = tpu.vector_load %arg11[%get3A_715, %get3A_716] {strides = array<i32>} : memref<16x512xf32, #tpu.memory_space<vmem>>, vector<16xf32>,
          %add3A_718 = arith.addf %get3A_717, %while3A_511#29 : vector<16xf32>
          %swap3A_719 = arith.index_cast %scan3A_420 : i32 to index
          %swap3A_720 = arith.constant 464 : index
          %swap3A_721 = tpu.vector_load %arg11[%swap3A_719, %swap3A_720] {strides = array<i32>} : memref<16x512xf32, #tpu.memory_space<vmem>>, vector<16xf32>,
          tpu.vector_store %arg11[%swap3A_719, %swap3A_720], %add3A_718 {strides = array<i32>} : memref<16x512xf32, #tpu.memory_space<vmem>>, vector<16xf32>,
          %get3A_722 = arith.index_cast %scan3A_420 : i32 to index
          %get3A_723 = arith.constant 480 : index
          %get3A_724 = tpu.vector_load %arg11[%get3A_722, %get3A_723] {strides = array<i32>} : memref<16x512xf32, #tpu.memory_space<vmem>>, vector<16xf32>,
          %add3A_725 = arith.addf %get3A_724, %while3A_511#30 : vector<16xf32>
          %swap3A_726 = arith.index_cast %scan3A_420 : i32 to index
          %swap3A_727 = arith.constant 480 : index
          %swap3A_728 = tpu.vector_load %arg11[%swap3A_726, %swap3A_727] {strides = array<i32>} : memref<16x512xf32, #tpu.memory_space<vmem>>, vector<16xf32>,
          tpu.vector_store %arg11[%swap3A_726, %swap3A_727], %add3A_725 {strides = array<i32>} : memref<16x512xf32, #tpu.memory_space<vmem>>, vector<16xf32>,
          %get3A_729 = arith.index_cast %scan3A_420 : i32 to index
          %get3A_730 = arith.constant 496 : index
          %get3A_731 = tpu.vector_load %arg11[%get3A_729, %get3A_730] {strides = array<i32>} : memref<16x512xf32, #tpu.memory_space<vmem>>, vector<16xf32>,
          %add3A_732 = arith.addf %get3A_731, %while3A_511#31 : vector<16xf32>
          %swap3A_733 = arith.index_cast %scan3A_420 : i32 to index
          %swap3A_734 = arith.constant 496 : index
          %swap3A_735 = tpu.vector_load %arg11[%swap3A_733, %swap3A_734] {strides = array<i32>} : memref<16x512xf32, #tpu.memory_space<vmem>>, vector<16xf32>,
          tpu.vector_store %arg11[%swap3A_733, %swap3A_734], %add3A_732 {strides = array<i32>} : memref<16x512xf32, #tpu.memory_space<vmem>>, vector<16xf32>,
        } else {
        }
        %scan3A_438 = arith.constant 0 : i32
        scf.yield %scan3A_438 : i32
      }
      %scan3A_387 = arith.constant 16 : i32
      %lt3A_388 = arith.constant 7 : i32
      %lt3A_389 = arith.cmpi slt, %scan3A_314, %lt3A_388 : i32
      %convert_element_type3A_390 = arith.extui %lt3A_389 : i1 to i32
      %cond3A_391 = arith.constant 0 : i32
      %cond3A_392 = arith.cmpi ne, %convert_element_type3A_390, %cond3A_391 : i32
      scf.if %cond3A_392 {
        %add3A_420 = arith.constant 2 : i32
        %add3A_421 = arith.addi %mul3A_317, %add3A_420 : i32
        %add3A_422 = arith.constant 4 : i32
        %add3A_423 = arith.addi %add3A_421, %add3A_422 : i32
        %mul3A_424 = arith.constant 32 : i32
        %mul3A_425 = arith.muli %add3A_423, %mul3A_424 : i32
        %multiple_of3A_426 = tpu.assume_multiple %mul3A_425, 32 : i32
        %dma_start3A_427 = tpu.memref_slice %arg6[%multiple_of3A_426] : memref<1024xi32, #tpu.memory_space<vmem>> -> memref<32xi32, #tpu.memory_space<vmem>>
        %dma_start3A_428 = arith.constant 0 : i32
        %dma_start3A_429 = arith.constant 0 : i32
        %dma_start3A_430 = tpu.memref_slice %arg2[%dma_start3A_428, %dma_start3A_429] : memref<100000x512xf32, #tpu.memory_space<hbm>> -> memref<100000x512xf32, #tpu.memory_space<hbm>>
        tpu.enqueue_indirect_dma source(%dma_start3A_430 : memref<100000x512xf32, #tpu.memory_space<hbm>>) target(%arg9 : memref<32x512xf32, #tpu.memory_space<vmem>>) offsets(%dma_start3A_427 : memref<32xi32, #tpu.memory_space<vmem>>) semaphore(%arg16 : memref<!tpu.dma_semaphore, #tpu.memory_space<semaphore_mem>>)
      } else {
      }
      %add3A_393 = arith.constant 3 : i32
      %add3A_394 = arith.addi %mul3A_317, %add3A_393 : i32
      %mul3A_395 = arith.constant 32 : i32
      %mul3A_396 = arith.muli %add3A_394, %mul3A_395 : i32
      %multiple_of3A_397 = tpu.assume_multiple %mul3A_396, 32 : i32
      %dma_wait3A_398 = tpu.memref_slice %arg6[%multiple_of3A_397] : memref<1024xi32, #tpu.memory_space<vmem>> -> memref<32xi32, #tpu.memory_space<vmem>>
      %dma_wait3A_399 = arith.constant 0 : i32
      %dma_wait3A_400 = arith.constant 0 : i32
      %dma_wait3A_401 = tpu.memref_slice %arg2[%dma_wait3A_399, %dma_wait3A_400] : memref<100000x512xf32, #tpu.memory_space<hbm>> -> memref<100000x512xf32, #tpu.memory_space<hbm>>
      tpu.wait_indirect_dma semaphore(%arg17 : memref<!tpu.dma_semaphore, #tpu.memory_space<semaphore_mem>>) src(%dma_wait3A_401 : memref<100000x512xf32, #tpu.memory_space<hbm>>) dst(%arg10 : memref<32x512xf32, #tpu.memory_space<vmem>>)
      %add3A_402 = arith.constant 3 : i32
      %add3A_403 = arith.addi %mul3A_317, %add3A_402 : i32
      %mul3A_404 = arith.constant 32 : i32
      %mul3A_405 = arith.muli %add3A_403, %mul3A_404 : i32
      %add3A_406 = arith.addi %mul3A_2, %mul3A_405 : i32
      %scan3A_407 = arith.constant 0 : i32
      %scan3A_408 = arith.constant 0 : i32
      %scan3A_409 = arith.constant 16 : i32
      %scan3A_410 = arith.addi %scan3A_408, %scan3A_409 : i32
      %scan3A_411 = arith.constant 1 : i32
      %scan3A_412 = scf.for %scan3A_420 = %scan3A_408 to %scan3A_410 step %scan3A_411 iter_args(%scan3A_421 = %scan3A_407) -> (i32)  : i32 {
        %get3A_422 = arith.index_cast %scan3A_420 : i32 to index
        %get3A_423 = memref.load %arg13[%get3A_422] : memref<17xi32, #tpu.memory_space<smem>>
        %sub3A = arith.subi %get3A_423, %add3A_406 : i32
        %jit3A_424 = arith.constant 0 : i32
        %jit3A_425 = arith.constant 32 : i32
        %max3A = arith.maxsi %jit3A_424, %sub3A : i32
        %min3A = arith.minsi %jit3A_425, %max3A : i32
        %add3A_426 = arith.constant 1 : i32
        %add3A_427 = arith.addi %scan3A_420, %add3A_426 : i32
        %get3A_428 = arith.index_cast %add3A_427 : i32 to index
        %get3A_429 = memref.load %arg13[%get3A_428] : memref<17xi32, #tpu.memory_space<smem>>
        %sub3A_430 = arith.subi %get3A_429, %add3A_406 : i32
        %jit3A_431 = arith.constant 0 : i32
        %jit3A_432 = arith.constant 32 : i32
        %max3A_433 = arith.maxsi %jit3A_431, %sub3A_430 : i32
        %min3A_434 = arith.minsi %jit3A_432, %max3A_433 : i32
        %gt3A = arith.cmpi sgt, %min3A_434, %min3A : i32
        %convert_element_type3A_435 = arith.extui %gt3A : i1 to i32
        %cond3A_436 = arith.constant 0 : i32
        %cond3A_437 = arith.cmpi ne, %convert_element_type3A_435, %cond3A_436 : i32
        scf.if %cond3A_437 {
          %broadcast_in_dim3A_439 = arith.constant 0.000000e+00 : f32
          %broadcast_in_dim3A_440 = vector.broadcast %broadcast_in_dim3A_439 : f32 to vector<16xf32>
          %broadcast_in_dim3A_441 = arith.constant 0.000000e+00 : f32
          %broadcast_in_dim3A_442 = vector.broadcast %broadcast_in_dim3A_441 : f32 to vector<16xf32>
          %broadcast_in_dim3A_443 = arith.constant 0.000000e+00 : f32
          %broadcast_in_dim3A_444 = vector.broadcast %broadcast_in_dim3A_443 : f32 to vector<16xf32>
          %broadcast_in_dim3A_445 = arith.constant 0.000000e+00 : f32
          %broadcast_in_dim3A_446 = vector.broadcast %broadcast_in_dim3A_445 : f32 to vector<16xf32>
          %broadcast_in_dim3A_447 = arith.constant 0.000000e+00 : f32
          %broadcast_in_dim3A_448 = vector.broadcast %broadcast_in_dim3A_447 : f32 to vector<16xf32>
          %broadcast_in_dim3A_449 = arith.constant 0.000000e+00 : f32
          %broadcast_in_dim3A_450 = vector.broadcast %broadcast_in_dim3A_449 : f32 to vector<16xf32>
          %broadcast_in_dim3A_451 = arith.constant 0.000000e+00 : f32
          %broadcast_in_dim3A_452 = vector.broadcast %broadcast_in_dim3A_451 : f32 to vector<16xf32>
          %broadcast_in_dim3A_453 = arith.constant 0.000000e+00 : f32
          %broadcast_in_dim3A_454 = vector.broadcast %broadcast_in_dim3A_453 : f32 to vector<16xf32>
          %broadcast_in_dim3A_455 = arith.constant 0.000000e+00 : f32
          %broadcast_in_dim3A_456 = vector.broadcast %broadcast_in_dim3A_455 : f32 to vector<16xf32>
          %broadcast_in_dim3A_457 = arith.constant 0.000000e+00 : f32
          %broadcast_in_dim3A_458 = vector.broadcast %broadcast_in_dim3A_457 : f32 to vector<16xf32>
          %broadcast_in_dim3A_459 = arith.constant 0.000000e+00 : f32
          %broadcast_in_dim3A_460 = vector.broadcast %broadcast_in_dim3A_459 : f32 to vector<16xf32>
          %broadcast_in_dim3A_461 = arith.constant 0.000000e+00 : f32
          %broadcast_in_dim3A_462 = vector.broadcast %broadcast_in_dim3A_461 : f32 to vector<16xf32>
          %broadcast_in_dim3A_463 = arith.constant 0.000000e+00 : f32
          %broadcast_in_dim3A_464 = vector.broadcast %broadcast_in_dim3A_463 : f32 to vector<16xf32>
          %broadcast_in_dim3A_465 = arith.constant 0.000000e+00 : f32
          %broadcast_in_dim3A_466 = vector.broadcast %broadcast_in_dim3A_465 : f32 to vector<16xf32>
          %broadcast_in_dim3A_467 = arith.constant 0.000000e+00 : f32
          %broadcast_in_dim3A_468 = vector.broadcast %broadcast_in_dim3A_467 : f32 to vector<16xf32>
          %broadcast_in_dim3A_469 = arith.constant 0.000000e+00 : f32
          %broadcast_in_dim3A_470 = vector.broadcast %broadcast_in_dim3A_469 : f32 to vector<16xf32>
          %broadcast_in_dim3A_471 = arith.constant 0.000000e+00 : f32
          %broadcast_in_dim3A_472 = vector.broadcast %broadcast_in_dim3A_471 : f32 to vector<16xf32>
          %broadcast_in_dim3A_473 = arith.constant 0.000000e+00 : f32
          %broadcast_in_dim3A_474 = vector.broadcast %broadcast_in_dim3A_473 : f32 to vector<16xf32>
          %broadcast_in_dim3A_475 = arith.constant 0.000000e+00 : f32
          %broadcast_in_dim3A_476 = vector.broadcast %broadcast_in_dim3A_475 : f32 to vector<16xf32>
          %broadcast_in_dim3A_477 = arith.constant 0.000000e+00 : f32
          %broadcast_in_dim3A_478 = vector.broadcast %broadcast_in_dim3A_477 : f32 to vector<16xf32>
          %broadcast_in_dim3A_479 = arith.constant 0.000000e+00 : f32
          %broadcast_in_dim3A_480 = vector.broadcast %broadcast_in_dim3A_479 : f32 to vector<16xf32>
          %broadcast_in_dim3A_481 = arith.constant 0.000000e+00 : f32
          %broadcast_in_dim3A_482 = vector.broadcast %broadcast_in_dim3A_481 : f32 to vector<16xf32>
          %broadcast_in_dim3A_483 = arith.constant 0.000000e+00 : f32
          %broadcast_in_dim3A_484 = vector.broadcast %broadcast_in_dim3A_483 : f32 to vector<16xf32>
          %broadcast_in_dim3A_485 = arith.constant 0.000000e+00 : f32
          %broadcast_in_dim3A_486 = vector.broadcast %broadcast_in_dim3A_485 : f32 to vector<16xf32>
          %broadcast_in_dim3A_487 = arith.constant 0.000000e+00 : f32
          %broadcast_in_dim3A_488 = vector.broadcast %broadcast_in_dim3A_487 : f32 to vector<16xf32>
          %broadcast_in_dim3A_489 = arith.constant 0.000000e+00 : f32
          %broadcast_in_dim3A_490 = vector.broadcast %broadcast_in_dim3A_489 : f32 to vector<16xf32>
          %broadcast_in_dim3A_491 = arith.constant 0.000000e+00 : f32
          %broadcast_in_dim3A_492 = vector.broadcast %broadcast_in_dim3A_491 : f32 to vector<16xf32>
          %broadcast_in_dim3A_493 = arith.constant 0.000000e+00 : f32
          %broadcast_in_dim3A_494 = vector.broadcast %broadcast_in_dim3A_493 : f32 to vector<16xf32>
          %broadcast_in_dim3A_495 = arith.constant 0.000000e+00 : f32
          %broadcast_in_dim3A_496 = vector.broadcast %broadcast_in_dim3A_495 : f32 to vector<16xf32>
          %broadcast_in_dim3A_497 = arith.constant 0.000000e+00 : f32
          %broadcast_in_dim3A_498 = vector.broadcast %broadcast_in_dim3A_497 : f32 to vector<16xf32>
          %broadcast_in_dim3A_499 = arith.constant 0.000000e+00 : f32
          %broadcast_in_dim3A_500 = vector.broadcast %broadcast_in_dim3A_499 : f32 to vector<16xf32>
          %broadcast_in_dim3A_501 = arith.constant 0.000000e+00 : f32
          %broadcast_in_dim3A_502 = vector.broadcast %broadcast_in_dim3A_501 : f32 to vector<16xf32>
          %while3A = arith.subi %min3A_434, %min3A : i32
          %while3A_503 = arith.addi %min3A, %while3A : i32
          %while3A_504 = arith.constant 1 : i32
          %while3A_505 = arith.divsi %while3A, %while3A_504 : i32
          %while3A_506 = arith.muli %while3A_505, %while3A_504 : i32
          %while3A_507 = arith.addi %min3A, %while3A_506 : i32
          %while3A_508 = arith.constant 1 : i32
          %while3A_509:32 = scf.for %while3A_736 = %min3A to %while3A_507 step %while3A_508 iter_args(%while3A_737 = %broadcast_in_dim3A_440, %while3A_738 = %broadcast_in_dim3A_442, %while3A_739 = %broadcast_in_dim3A_444, %while3A_740 = %broadcast_in_dim3A_446, %while3A_741 = %broadcast_in_dim3A_448, %while3A_742 = %broadcast_in_dim3A_450, %while3A_743 = %broadcast_in_dim3A_452, %while3A_744 = %broadcast_in_dim3A_454, %while3A_745 = %broadcast_in_dim3A_456, %while3A_746 = %broadcast_in_dim3A_458, %while3A_747 = %broadcast_in_dim3A_460, %while3A_748 = %broadcast_in_dim3A_462, %while3A_749 = %broadcast_in_dim3A_464, %while3A_750 = %broadcast_in_dim3A_466, %while3A_751 = %broadcast_in_dim3A_468, %while3A_752 = %broadcast_in_dim3A_470, %while3A_753 = %broadcast_in_dim3A_472, %while3A_754 = %broadcast_in_dim3A_474, %while3A_755 = %broadcast_in_dim3A_476, %while3A_756 = %broadcast_in_dim3A_478, %while3A_757 = %broadcast_in_dim3A_480, %while3A_758 = %broadcast_in_dim3A_482, %while3A_759 = %broadcast_in_dim3A_484, %while3A_760 = %broadcast_in_dim3A_486, %while3A_761 = %broadcast_in_dim3A_488, %while3A_762 = %broadcast_in_dim3A_490, %while3A_763 = %broadcast_in_dim3A_492, %while3A_764 = %broadcast_in_dim3A_494, %while3A_765 = %broadcast_in_dim3A_496, %while3A_766 = %broadcast_in_dim3A_498, %while3A_767 = %broadcast_in_dim3A_500, %while3A_768 = %broadcast_in_dim3A_502) -> (vector<16xf32>, vector<16xf32>, vector<16xf32>, vector<16xf32>, vector<16xf32>, vector<16xf32>, vector<16xf32>, vector<16xf32>, vector<16xf32>, vector<16xf32>, vector<16xf32>, vector<16xf32>, vector<16xf32>, vector<16xf32>, vector<16xf32>, vector<16xf32>, vector<16xf32>, vector<16xf32>, vector<16xf32>, vector<16xf32>, vector<16xf32>, vector<16xf32>, vector<16xf32>, vector<16xf32>, vector<16xf32>, vector<16xf32>, vector<16xf32>, vector<16xf32>, vector<16xf32>, vector<16xf32>, vector<16xf32>, vector<16xf32>)  : i32 {
            %get3A_769 = arith.index_cast %while3A_736 : i32 to index
            %get3A_770 = arith.constant 0 : index
            %get3A_771 = tpu.vector_load %arg10[%get3A_769, %get3A_770] {strides = array<i32>} : memref<32x512xf32, #tpu.memory_space<vmem>>, vector<16xf32>,
            %add3A_772 = arith.addf %while3A_737, %get3A_771 : vector<16xf32>
            %get3A_773 = arith.index_cast %while3A_736 : i32 to index
            %get3A_774 = arith.constant 16 : index
            %get3A_775 = tpu.vector_load %arg10[%get3A_773, %get3A_774] {strides = array<i32>} : memref<32x512xf32, #tpu.memory_space<vmem>>, vector<16xf32>,
            %add3A_776 = arith.addf %while3A_738, %get3A_775 : vector<16xf32>
            %get3A_777 = arith.index_cast %while3A_736 : i32 to index
            %get3A_778 = arith.constant 32 : index
            %get3A_779 = tpu.vector_load %arg10[%get3A_777, %get3A_778] {strides = array<i32>} : memref<32x512xf32, #tpu.memory_space<vmem>>, vector<16xf32>,
            %add3A_780 = arith.addf %while3A_739, %get3A_779 : vector<16xf32>
            %get3A_781 = arith.index_cast %while3A_736 : i32 to index
            %get3A_782 = arith.constant 48 : index
            %get3A_783 = tpu.vector_load %arg10[%get3A_781, %get3A_782] {strides = array<i32>} : memref<32x512xf32, #tpu.memory_space<vmem>>, vector<16xf32>,
            %add3A_784 = arith.addf %while3A_740, %get3A_783 : vector<16xf32>
            %get3A_785 = arith.index_cast %while3A_736 : i32 to index
            %get3A_786 = arith.constant 64 : index
            %get3A_787 = tpu.vector_load %arg10[%get3A_785, %get3A_786] {strides = array<i32>} : memref<32x512xf32, #tpu.memory_space<vmem>>, vector<16xf32>,
            %add3A_788 = arith.addf %while3A_741, %get3A_787 : vector<16xf32>
            %get3A_789 = arith.index_cast %while3A_736 : i32 to index
            %get3A_790 = arith.constant 80 : index
            %get3A_791 = tpu.vector_load %arg10[%get3A_789, %get3A_790] {strides = array<i32>} : memref<32x512xf32, #tpu.memory_space<vmem>>, vector<16xf32>,
            %add3A_792 = arith.addf %while3A_742, %get3A_791 : vector<16xf32>
            %get3A_793 = arith.index_cast %while3A_736 : i32 to index
            %get3A_794 = arith.constant 96 : index
            %get3A_795 = tpu.vector_load %arg10[%get3A_793, %get3A_794] {strides = array<i32>} : memref<32x512xf32, #tpu.memory_space<vmem>>, vector<16xf32>,
            %add3A_796 = arith.addf %while3A_743, %get3A_795 : vector<16xf32>
            %get3A_797 = arith.index_cast %while3A_736 : i32 to index
            %get3A_798 = arith.constant 112 : index
            %get3A_799 = tpu.vector_load %arg10[%get3A_797, %get3A_798] {strides = array<i32>} : memref<32x512xf32, #tpu.memory_space<vmem>>, vector<16xf32>,
            %add3A_800 = arith.addf %while3A_744, %get3A_799 : vector<16xf32>
            %get3A_801 = arith.index_cast %while3A_736 : i32 to index
            %get3A_802 = arith.constant 128 : index
            %get3A_803 = tpu.vector_load %arg10[%get3A_801, %get3A_802] {strides = array<i32>} : memref<32x512xf32, #tpu.memory_space<vmem>>, vector<16xf32>,
            %add3A_804 = arith.addf %while3A_745, %get3A_803 : vector<16xf32>
            %get3A_805 = arith.index_cast %while3A_736 : i32 to index
            %get3A_806 = arith.constant 144 : index
            %get3A_807 = tpu.vector_load %arg10[%get3A_805, %get3A_806] {strides = array<i32>} : memref<32x512xf32, #tpu.memory_space<vmem>>, vector<16xf32>,
            %add3A_808 = arith.addf %while3A_746, %get3A_807 : vector<16xf32>
            %get3A_809 = arith.index_cast %while3A_736 : i32 to index
            %get3A_810 = arith.constant 160 : index
            %get3A_811 = tpu.vector_load %arg10[%get3A_809, %get3A_810] {strides = array<i32>} : memref<32x512xf32, #tpu.memory_space<vmem>>, vector<16xf32>,
            %add3A_812 = arith.addf %while3A_747, %get3A_811 : vector<16xf32>
            %get3A_813 = arith.index_cast %while3A_736 : i32 to index
            %get3A_814 = arith.constant 176 : index
            %get3A_815 = tpu.vector_load %arg10[%get3A_813, %get3A_814] {strides = array<i32>} : memref<32x512xf32, #tpu.memory_space<vmem>>, vector<16xf32>,
            %add3A_816 = arith.addf %while3A_748, %get3A_815 : vector<16xf32>
            %get3A_817 = arith.index_cast %while3A_736 : i32 to index
            %get3A_818 = arith.constant 192 : index
            %get3A_819 = tpu.vector_load %arg10[%get3A_817, %get3A_818] {strides = array<i32>} : memref<32x512xf32, #tpu.memory_space<vmem>>, vector<16xf32>,
            %add3A_820 = arith.addf %while3A_749, %get3A_819 : vector<16xf32>
            %get3A_821 = arith.index_cast %while3A_736 : i32 to index
            %get3A_822 = arith.constant 208 : index
            %get3A_823 = tpu.vector_load %arg10[%get3A_821, %get3A_822] {strides = array<i32>} : memref<32x512xf32, #tpu.memory_space<vmem>>, vector<16xf32>,
            %add3A_824 = arith.addf %while3A_750, %get3A_823 : vector<16xf32>
            %get3A_825 = arith.index_cast %while3A_736 : i32 to index
            %get3A_826 = arith.constant 224 : index
            %get3A_827 = tpu.vector_load %arg10[%get3A_825, %get3A_826] {strides = array<i32>} : memref<32x512xf32, #tpu.memory_space<vmem>>, vector<16xf32>,
            %add3A_828 = arith.addf %while3A_751, %get3A_827 : vector<16xf32>
            %get3A_829 = arith.index_cast %while3A_736 : i32 to index
            %get3A_830 = arith.constant 240 : index
            %get3A_831 = tpu.vector_load %arg10[%get3A_829, %get3A_830] {strides = array<i32>} : memref<32x512xf32, #tpu.memory_space<vmem>>, vector<16xf32>,
            %add3A_832 = arith.addf %while3A_752, %get3A_831 : vector<16xf32>
            %get3A_833 = arith.index_cast %while3A_736 : i32 to index
            %get3A_834 = arith.constant 256 : index
            %get3A_835 = tpu.vector_load %arg10[%get3A_833, %get3A_834] {strides = array<i32>} : memref<32x512xf32, #tpu.memory_space<vmem>>, vector<16xf32>,
            %add3A_836 = arith.addf %while3A_753, %get3A_835 : vector<16xf32>
            %get3A_837 = arith.index_cast %while3A_736 : i32 to index
            %get3A_838 = arith.constant 272 : index
            %get3A_839 = tpu.vector_load %arg10[%get3A_837, %get3A_838] {strides = array<i32>} : memref<32x512xf32, #tpu.memory_space<vmem>>, vector<16xf32>,
            %add3A_840 = arith.addf %while3A_754, %get3A_839 : vector<16xf32>
            %get3A_841 = arith.index_cast %while3A_736 : i32 to index
            %get3A_842 = arith.constant 288 : index
            %get3A_843 = tpu.vector_load %arg10[%get3A_841, %get3A_842] {strides = array<i32>} : memref<32x512xf32, #tpu.memory_space<vmem>>, vector<16xf32>,
            %add3A_844 = arith.addf %while3A_755, %get3A_843 : vector<16xf32>
            %get3A_845 = arith.index_cast %while3A_736 : i32 to index
            %get3A_846 = arith.constant 304 : index
            %get3A_847 = tpu.vector_load %arg10[%get3A_845, %get3A_846] {strides = array<i32>} : memref<32x512xf32, #tpu.memory_space<vmem>>, vector<16xf32>,
            %add3A_848 = arith.addf %while3A_756, %get3A_847 : vector<16xf32>
            %get3A_849 = arith.index_cast %while3A_736 : i32 to index
            %get3A_850 = arith.constant 320 : index
            %get3A_851 = tpu.vector_load %arg10[%get3A_849, %get3A_850] {strides = array<i32>} : memref<32x512xf32, #tpu.memory_space<vmem>>, vector<16xf32>,
            %add3A_852 = arith.addf %while3A_757, %get3A_851 : vector<16xf32>
            %get3A_853 = arith.index_cast %while3A_736 : i32 to index
            %get3A_854 = arith.constant 336 : index
            %get3A_855 = tpu.vector_load %arg10[%get3A_853, %get3A_854] {strides = array<i32>} : memref<32x512xf32, #tpu.memory_space<vmem>>, vector<16xf32>,
            %add3A_856 = arith.addf %while3A_758, %get3A_855 : vector<16xf32>
            %get3A_857 = arith.index_cast %while3A_736 : i32 to index
            %get3A_858 = arith.constant 352 : index
            %get3A_859 = tpu.vector_load %arg10[%get3A_857, %get3A_858] {strides = array<i32>} : memref<32x512xf32, #tpu.memory_space<vmem>>, vector<16xf32>,
            %add3A_860 = arith.addf %while3A_759, %get3A_859 : vector<16xf32>
            %get3A_861 = arith.index_cast %while3A_736 : i32 to index
            %get3A_862 = arith.constant 368 : index
            %get3A_863 = tpu.vector_load %arg10[%get3A_861, %get3A_862] {strides = array<i32>} : memref<32x512xf32, #tpu.memory_space<vmem>>, vector<16xf32>,
            %add3A_864 = arith.addf %while3A_760, %get3A_863 : vector<16xf32>
            %get3A_865 = arith.index_cast %while3A_736 : i32 to index
            %get3A_866 = arith.constant 384 : index
            %get3A_867 = tpu.vector_load %arg10[%get3A_865, %get3A_866] {strides = array<i32>} : memref<32x512xf32, #tpu.memory_space<vmem>>, vector<16xf32>,
            %add3A_868 = arith.addf %while3A_761, %get3A_867 : vector<16xf32>
            %get3A_869 = arith.index_cast %while3A_736 : i32 to index
            %get3A_870 = arith.constant 400 : index
            %get3A_871 = tpu.vector_load %arg10[%get3A_869, %get3A_870] {strides = array<i32>} : memref<32x512xf32, #tpu.memory_space<vmem>>, vector<16xf32>,
            %add3A_872 = arith.addf %while3A_762, %get3A_871 : vector<16xf32>
            %get3A_873 = arith.index_cast %while3A_736 : i32 to index
            %get3A_874 = arith.constant 416 : index
            %get3A_875 = tpu.vector_load %arg10[%get3A_873, %get3A_874] {strides = array<i32>} : memref<32x512xf32, #tpu.memory_space<vmem>>, vector<16xf32>,
            %add3A_876 = arith.addf %while3A_763, %get3A_875 : vector<16xf32>
            %get3A_877 = arith.index_cast %while3A_736 : i32 to index
            %get3A_878 = arith.constant 432 : index
            %get3A_879 = tpu.vector_load %arg10[%get3A_877, %get3A_878] {strides = array<i32>} : memref<32x512xf32, #tpu.memory_space<vmem>>, vector<16xf32>,
            %add3A_880 = arith.addf %while3A_764, %get3A_879 : vector<16xf32>
            %get3A_881 = arith.index_cast %while3A_736 : i32 to index
            %get3A_882 = arith.constant 448 : index
            %get3A_883 = tpu.vector_load %arg10[%get3A_881, %get3A_882] {strides = array<i32>} : memref<32x512xf32, #tpu.memory_space<vmem>>, vector<16xf32>,
            %add3A_884 = arith.addf %while3A_765, %get3A_883 : vector<16xf32>
            %get3A_885 = arith.index_cast %while3A_736 : i32 to index
            %get3A_886 = arith.constant 464 : index
            %get3A_887 = tpu.vector_load %arg10[%get3A_885, %get3A_886] {strides = array<i32>} : memref<32x512xf32, #tpu.memory_space<vmem>>, vector<16xf32>,
            %add3A_888 = arith.addf %while3A_766, %get3A_887 : vector<16xf32>
            %get3A_889 = arith.index_cast %while3A_736 : i32 to index
            %get3A_890 = arith.constant 480 : index
            %get3A_891 = tpu.vector_load %arg10[%get3A_889, %get3A_890] {strides = array<i32>} : memref<32x512xf32, #tpu.memory_space<vmem>>, vector<16xf32>,
            %add3A_892 = arith.addf %while3A_767, %get3A_891 : vector<16xf32>
            %get3A_893 = arith.index_cast %while3A_736 : i32 to index
            %get3A_894 = arith.constant 496 : index
            %get3A_895 = tpu.vector_load %arg10[%get3A_893, %get3A_894] {strides = array<i32>} : memref<32x512xf32, #tpu.memory_space<vmem>>, vector<16xf32>,
            %add3A_896 = arith.addf %while3A_768, %get3A_895 : vector<16xf32>
            scf.yield %add3A_772, %add3A_776, %add3A_780, %add3A_784, %add3A_788, %add3A_792, %add3A_796, %add3A_800, %add3A_804, %add3A_808, %add3A_812, %add3A_816, %add3A_820, %add3A_824, %add3A_828, %add3A_832, %add3A_836, %add3A_840, %add3A_844, %add3A_848, %add3A_852, %add3A_856, %add3A_860, %add3A_864, %add3A_868, %add3A_872, %add3A_876, %add3A_880, %add3A_884, %add3A_888, %add3A_892, %add3A_896 : vector<16xf32>, vector<16xf32>, vector<16xf32>, vector<16xf32>, vector<16xf32>, vector<16xf32>, vector<16xf32>, vector<16xf32>, vector<16xf32>, vector<16xf32>, vector<16xf32>, vector<16xf32>, vector<16xf32>, vector<16xf32>, vector<16xf32>, vector<16xf32>, vector<16xf32>, vector<16xf32>, vector<16xf32>, vector<16xf32>, vector<16xf32>, vector<16xf32>, vector<16xf32>, vector<16xf32>, vector<16xf32>, vector<16xf32>, vector<16xf32>, vector<16xf32>, vector<16xf32>, vector<16xf32>, vector<16xf32>, vector<16xf32>
          }
          %while3A_510 = arith.constant 1 : i32
          %while3A_511:32 = scf.for %while3A_736 = %while3A_507 to %while3A_503 step %while3A_510 iter_args(%while3A_737 = %while3A_509#0, %while3A_738 = %while3A_509#1, %while3A_739 = %while3A_509#2, %while3A_740 = %while3A_509#3, %while3A_741 = %while3A_509#4, %while3A_742 = %while3A_509#5, %while3A_743 = %while3A_509#6, %while3A_744 = %while3A_509#7, %while3A_745 = %while3A_509#8, %while3A_746 = %while3A_509#9, %while3A_747 = %while3A_509#10, %while3A_748 = %while3A_509#11, %while3A_749 = %while3A_509#12, %while3A_750 = %while3A_509#13, %while3A_751 = %while3A_509#14, %while3A_752 = %while3A_509#15, %while3A_753 = %while3A_509#16, %while3A_754 = %while3A_509#17, %while3A_755 = %while3A_509#18, %while3A_756 = %while3A_509#19, %while3A_757 = %while3A_509#20, %while3A_758 = %while3A_509#21, %while3A_759 = %while3A_509#22, %while3A_760 = %while3A_509#23, %while3A_761 = %while3A_509#24, %while3A_762 = %while3A_509#25, %while3A_763 = %while3A_509#26, %while3A_764 = %while3A_509#27, %while3A_765 = %while3A_509#28, %while3A_766 = %while3A_509#29, %while3A_767 = %while3A_509#30, %while3A_768 = %while3A_509#31) -> (vector<16xf32>, vector<16xf32>, vector<16xf32>, vector<16xf32>, vector<16xf32>, vector<16xf32>, vector<16xf32>, vector<16xf32>, vector<16xf32>, vector<16xf32>, vector<16xf32>, vector<16xf32>, vector<16xf32>, vector<16xf32>, vector<16xf32>, vector<16xf32>, vector<16xf32>, vector<16xf32>, vector<16xf32>, vector<16xf32>, vector<16xf32>, vector<16xf32>, vector<16xf32>, vector<16xf32>, vector<16xf32>, vector<16xf32>, vector<16xf32>, vector<16xf32>, vector<16xf32>, vector<16xf32>, vector<16xf32>, vector<16xf32>)  : i32 {
            %get3A_769 = arith.index_cast %while3A_736 : i32 to index
            %get3A_770 = arith.constant 0 : index
            %get3A_771 = tpu.vector_load %arg10[%get3A_769, %get3A_770] {strides = array<i32>} : memref<32x512xf32, #tpu.memory_space<vmem>>, vector<16xf32>,
            %add3A_772 = arith.addf %while3A_737, %get3A_771 : vector<16xf32>
            %get3A_773 = arith.index_cast %while3A_736 : i32 to index
            %get3A_774 = arith.constant 16 : index
            %get3A_775 = tpu.vector_load %arg10[%get3A_773, %get3A_774] {strides = array<i32>} : memref<32x512xf32, #tpu.memory_space<vmem>>, vector<16xf32>,
            %add3A_776 = arith.addf %while3A_738, %get3A_775 : vector<16xf32>
            %get3A_777 = arith.index_cast %while3A_736 : i32 to index
            %get3A_778 = arith.constant 32 : index
            %get3A_779 = tpu.vector_load %arg10[%get3A_777, %get3A_778] {strides = array<i32>} : memref<32x512xf32, #tpu.memory_space<vmem>>, vector<16xf32>,
            %add3A_780 = arith.addf %while3A_739, %get3A_779 : vector<16xf32>
            %get3A_781 = arith.index_cast %while3A_736 : i32 to index
            %get3A_782 = arith.constant 48 : index
            %get3A_783 = tpu.vector_load %arg10[%get3A_781, %get3A_782] {strides = array<i32>} : memref<32x512xf32, #tpu.memory_space<vmem>>, vector<16xf32>,
            %add3A_784 = arith.addf %while3A_740, %get3A_783 : vector<16xf32>
            %get3A_785 = arith.index_cast %while3A_736 : i32 to index
            %get3A_786 = arith.constant 64 : index
            %get3A_787 = tpu.vector_load %arg10[%get3A_785, %get3A_786] {strides = array<i32>} : memref<32x512xf32, #tpu.memory_space<vmem>>, vector<16xf32>,
            %add3A_788 = arith.addf %while3A_741, %get3A_787 : vector<16xf32>
            %get3A_789 = arith.index_cast %while3A_736 : i32 to index
            %get3A_790 = arith.constant 80 : index
            %get3A_791 = tpu.vector_load %arg10[%get3A_789, %get3A_790] {strides = array<i32>} : memref<32x512xf32, #tpu.memory_space<vmem>>, vector<16xf32>,
            %add3A_792 = arith.addf %while3A_742, %get3A_791 : vector<16xf32>
            %get3A_793 = arith.index_cast %while3A_736 : i32 to index
            %get3A_794 = arith.constant 96 : index
            %get3A_795 = tpu.vector_load %arg10[%get3A_793, %get3A_794] {strides = array<i32>} : memref<32x512xf32, #tpu.memory_space<vmem>>, vector<16xf32>,
            %add3A_796 = arith.addf %while3A_743, %get3A_795 : vector<16xf32>
            %get3A_797 = arith.index_cast %while3A_736 : i32 to index
            %get3A_798 = arith.constant 112 : index
            %get3A_799 = tpu.vector_load %arg10[%get3A_797, %get3A_798] {strides = array<i32>} : memref<32x512xf32, #tpu.memory_space<vmem>>, vector<16xf32>,
            %add3A_800 = arith.addf %while3A_744, %get3A_799 : vector<16xf32>
            %get3A_801 = arith.index_cast %while3A_736 : i32 to index
            %get3A_802 = arith.constant 128 : index
            %get3A_803 = tpu.vector_load %arg10[%get3A_801, %get3A_802] {strides = array<i32>} : memref<32x512xf32, #tpu.memory_space<vmem>>, vector<16xf32>,
            %add3A_804 = arith.addf %while3A_745, %get3A_803 : vector<16xf32>
            %get3A_805 = arith.index_cast %while3A_736 : i32 to index
            %get3A_806 = arith.constant 144 : index
            %get3A_807 = tpu.vector_load %arg10[%get3A_805, %get3A_806] {strides = array<i32>} : memref<32x512xf32, #tpu.memory_space<vmem>>, vector<16xf32>,
            %add3A_808 = arith.addf %while3A_746, %get3A_807 : vector<16xf32>
            %get3A_809 = arith.index_cast %while3A_736 : i32 to index
            %get3A_810 = arith.constant 160 : index
            %get3A_811 = tpu.vector_load %arg10[%get3A_809, %get3A_810] {strides = array<i32>} : memref<32x512xf32, #tpu.memory_space<vmem>>, vector<16xf32>,
            %add3A_812 = arith.addf %while3A_747, %get3A_811 : vector<16xf32>
            %get3A_813 = arith.index_cast %while3A_736 : i32 to index
            %get3A_814 = arith.constant 176 : index
            %get3A_815 = tpu.vector_load %arg10[%get3A_813, %get3A_814] {strides = array<i32>} : memref<32x512xf32, #tpu.memory_space<vmem>>, vector<16xf32>,
            %add3A_816 = arith.addf %while3A_748, %get3A_815 : vector<16xf32>
            %get3A_817 = arith.index_cast %while3A_736 : i32 to index
            %get3A_818 = arith.constant 192 : index
            %get3A_819 = tpu.vector_load %arg10[%get3A_817, %get3A_818] {strides = array<i32>} : memref<32x512xf32, #tpu.memory_space<vmem>>, vector<16xf32>,
            %add3A_820 = arith.addf %while3A_749, %get3A_819 : vector<16xf32>
            %get3A_821 = arith.index_cast %while3A_736 : i32 to index
            %get3A_822 = arith.constant 208 : index
            %get3A_823 = tpu.vector_load %arg10[%get3A_821, %get3A_822] {strides = array<i32>} : memref<32x512xf32, #tpu.memory_space<vmem>>, vector<16xf32>,
            %add3A_824 = arith.addf %while3A_750, %get3A_823 : vector<16xf32>
            %get3A_825 = arith.index_cast %while3A_736 : i32 to index
            %get3A_826 = arith.constant 224 : index
            %get3A_827 = tpu.vector_load %arg10[%get3A_825, %get3A_826] {strides = array<i32>} : memref<32x512xf32, #tpu.memory_space<vmem>>, vector<16xf32>,
            %add3A_828 = arith.addf %while3A_751, %get3A_827 : vector<16xf32>
            %get3A_829 = arith.index_cast %while3A_736 : i32 to index
            %get3A_830 = arith.constant 240 : index
            %get3A_831 = tpu.vector_load %arg10[%get3A_829, %get3A_830] {strides = array<i32>} : memref<32x512xf32, #tpu.memory_space<vmem>>, vector<16xf32>,
            %add3A_832 = arith.addf %while3A_752, %get3A_831 : vector<16xf32>
            %get3A_833 = arith.index_cast %while3A_736 : i32 to index
            %get3A_834 = arith.constant 256 : index
            %get3A_835 = tpu.vector_load %arg10[%get3A_833, %get3A_834] {strides = array<i32>} : memref<32x512xf32, #tpu.memory_space<vmem>>, vector<16xf32>,
            %add3A_836 = arith.addf %while3A_753, %get3A_835 : vector<16xf32>
            %get3A_837 = arith.index_cast %while3A_736 : i32 to index
            %get3A_838 = arith.constant 272 : index
            %get3A_839 = tpu.vector_load %arg10[%get3A_837, %get3A_838] {strides = array<i32>} : memref<32x512xf32, #tpu.memory_space<vmem>>, vector<16xf32>,
            %add3A_840 = arith.addf %while3A_754, %get3A_839 : vector<16xf32>
            %get3A_841 = arith.index_cast %while3A_736 : i32 to index
            %get3A_842 = arith.constant 288 : index
            %get3A_843 = tpu.vector_load %arg10[%get3A_841, %get3A_842] {strides = array<i32>} : memref<32x512xf32, #tpu.memory_space<vmem>>, vector<16xf32>,
            %add3A_844 = arith.addf %while3A_755, %get3A_843 : vector<16xf32>
            %get3A_845 = arith.index_cast %while3A_736 : i32 to index
            %get3A_846 = arith.constant 304 : index
            %get3A_847 = tpu.vector_load %arg10[%get3A_845, %get3A_846] {strides = array<i32>} : memref<32x512xf32, #tpu.memory_space<vmem>>, vector<16xf32>,
            %add3A_848 = arith.addf %while3A_756, %get3A_847 : vector<16xf32>
            %get3A_849 = arith.index_cast %while3A_736 : i32 to index
            %get3A_850 = arith.constant 320 : index
            %get3A_851 = tpu.vector_load %arg10[%get3A_849, %get3A_850] {strides = array<i32>} : memref<32x512xf32, #tpu.memory_space<vmem>>, vector<16xf32>,
            %add3A_852 = arith.addf %while3A_757, %get3A_851 : vector<16xf32>
            %get3A_853 = arith.index_cast %while3A_736 : i32 to index
            %get3A_854 = arith.constant 336 : index
            %get3A_855 = tpu.vector_load %arg10[%get3A_853, %get3A_854] {strides = array<i32>} : memref<32x512xf32, #tpu.memory_space<vmem>>, vector<16xf32>,
            %add3A_856 = arith.addf %while3A_758, %get3A_855 : vector<16xf32>
            %get3A_857 = arith.index_cast %while3A_736 : i32 to index
            %get3A_858 = arith.constant 352 : index
            %get3A_859 = tpu.vector_load %arg10[%get3A_857, %get3A_858] {strides = array<i32>} : memref<32x512xf32, #tpu.memory_space<vmem>>, vector<16xf32>,
            %add3A_860 = arith.addf %while3A_759, %get3A_859 : vector<16xf32>
            %get3A_861 = arith.index_cast %while3A_736 : i32 to index
            %get3A_862 = arith.constant 368 : index
            %get3A_863 = tpu.vector_load %arg10[%get3A_861, %get3A_862] {strides = array<i32>} : memref<32x512xf32, #tpu.memory_space<vmem>>, vector<16xf32>,
            %add3A_864 = arith.addf %while3A_760, %get3A_863 : vector<16xf32>
            %get3A_865 = arith.index_cast %while3A_736 : i32 to index
            %get3A_866 = arith.constant 384 : index
            %get3A_867 = tpu.vector_load %arg10[%get3A_865, %get3A_866] {strides = array<i32>} : memref<32x512xf32, #tpu.memory_space<vmem>>, vector<16xf32>,
            %add3A_868 = arith.addf %while3A_761, %get3A_867 : vector<16xf32>
            %get3A_869 = arith.index_cast %while3A_736 : i32 to index
            %get3A_870 = arith.constant 400 : index
            %get3A_871 = tpu.vector_load %arg10[%get3A_869, %get3A_870] {strides = array<i32>} : memref<32x512xf32, #tpu.memory_space<vmem>>, vector<16xf32>,
            %add3A_872 = arith.addf %while3A_762, %get3A_871 : vector<16xf32>
            %get3A_873 = arith.index_cast %while3A_736 : i32 to index
            %get3A_874 = arith.constant 416 : index
            %get3A_875 = tpu.vector_load %arg10[%get3A_873, %get3A_874] {strides = array<i32>} : memref<32x512xf32, #tpu.memory_space<vmem>>, vector<16xf32>,
            %add3A_876 = arith.addf %while3A_763, %get3A_875 : vector<16xf32>
            %get3A_877 = arith.index_cast %while3A_736 : i32 to index
            %get3A_878 = arith.constant 432 : index
            %get3A_879 = tpu.vector_load %arg10[%get3A_877, %get3A_878] {strides = array<i32>} : memref<32x512xf32, #tpu.memory_space<vmem>>, vector<16xf32>,
            %add3A_880 = arith.addf %while3A_764, %get3A_879 : vector<16xf32>
            %get3A_881 = arith.index_cast %while3A_736 : i32 to index
            %get3A_882 = arith.constant 448 : index
            %get3A_883 = tpu.vector_load %arg10[%get3A_881, %get3A_882] {strides = array<i32>} : memref<32x512xf32, #tpu.memory_space<vmem>>, vector<16xf32>,
            %add3A_884 = arith.addf %while3A_765, %get3A_883 : vector<16xf32>
            %get3A_885 = arith.index_cast %while3A_736 : i32 to index
            %get3A_886 = arith.constant 464 : index
            %get3A_887 = tpu.vector_load %arg10[%get3A_885, %get3A_886] {strides = array<i32>} : memref<32x512xf32, #tpu.memory_space<vmem>>, vector<16xf32>,
            %add3A_888 = arith.addf %while3A_766, %get3A_887 : vector<16xf32>
            %get3A_889 = arith.index_cast %while3A_736 : i32 to index
            %get3A_890 = arith.constant 480 : index
            %get3A_891 = tpu.vector_load %arg10[%get3A_889, %get3A_890] {strides = array<i32>} : memref<32x512xf32, #tpu.memory_space<vmem>>, vector<16xf32>,
            %add3A_892 = arith.addf %while3A_767, %get3A_891 : vector<16xf32>
            %get3A_893 = arith.index_cast %while3A_736 : i32 to index
            %get3A_894 = arith.constant 496 : index
            %get3A_895 = tpu.vector_load %arg10[%get3A_893, %get3A_894] {strides = array<i32>} : memref<32x512xf32, #tpu.memory_space<vmem>>, vector<16xf32>,
            %add3A_896 = arith.addf %while3A_768, %get3A_895 : vector<16xf32>
            scf.yield %add3A_772, %add3A_776, %add3A_780, %add3A_784, %add3A_788, %add3A_792, %add3A_796, %add3A_800, %add3A_804, %add3A_808, %add3A_812, %add3A_816, %add3A_820, %add3A_824, %add3A_828, %add3A_832, %add3A_836, %add3A_840, %add3A_844, %add3A_848, %add3A_852, %add3A_856, %add3A_860, %add3A_864, %add3A_868, %add3A_872, %add3A_876, %add3A_880, %add3A_884, %add3A_888, %add3A_892, %add3A_896 : vector<16xf32>, vector<16xf32>, vector<16xf32>, vector<16xf32>, vector<16xf32>, vector<16xf32>, vector<16xf32>, vector<16xf32>, vector<16xf32>, vector<16xf32>, vector<16xf32>, vector<16xf32>, vector<16xf32>, vector<16xf32>, vector<16xf32>, vector<16xf32>, vector<16xf32>, vector<16xf32>, vector<16xf32>, vector<16xf32>, vector<16xf32>, vector<16xf32>, vector<16xf32>, vector<16xf32>, vector<16xf32>, vector<16xf32>, vector<16xf32>, vector<16xf32>, vector<16xf32>, vector<16xf32>, vector<16xf32>, vector<16xf32>
          }
          %get3A_512 = arith.index_cast %scan3A_420 : i32 to index
          %get3A_513 = arith.constant 0 : index
          %get3A_514 = tpu.vector_load %arg11[%get3A_512, %get3A_513] {strides = array<i32>} : memref<16x512xf32, #tpu.memory_space<vmem>>, vector<16xf32>,
          %add3A_515 = arith.addf %get3A_514, %while3A_511#0 : vector<16xf32>
          %swap3A_516 = arith.index_cast %scan3A_420 : i32 to index
          %swap3A_517 = arith.constant 0 : index
          %swap3A_518 = tpu.vector_load %arg11[%swap3A_516, %swap3A_517] {strides = array<i32>} : memref<16x512xf32, #tpu.memory_space<vmem>>, vector<16xf32>,
          tpu.vector_store %arg11[%swap3A_516, %swap3A_517], %add3A_515 {strides = array<i32>} : memref<16x512xf32, #tpu.memory_space<vmem>>, vector<16xf32>,
          %get3A_519 = arith.index_cast %scan3A_420 : i32 to index
          %get3A_520 = arith.constant 16 : index
          %get3A_521 = tpu.vector_load %arg11[%get3A_519, %get3A_520] {strides = array<i32>} : memref<16x512xf32, #tpu.memory_space<vmem>>, vector<16xf32>,
          %add3A_522 = arith.addf %get3A_521, %while3A_511#1 : vector<16xf32>
          %swap3A_523 = arith.index_cast %scan3A_420 : i32 to index
          %swap3A_524 = arith.constant 16 : index
          %swap3A_525 = tpu.vector_load %arg11[%swap3A_523, %swap3A_524] {strides = array<i32>} : memref<16x512xf32, #tpu.memory_space<vmem>>, vector<16xf32>,
          tpu.vector_store %arg11[%swap3A_523, %swap3A_524], %add3A_522 {strides = array<i32>} : memref<16x512xf32, #tpu.memory_space<vmem>>, vector<16xf32>,
          %get3A_526 = arith.index_cast %scan3A_420 : i32 to index
          %get3A_527 = arith.constant 32 : index
          %get3A_528 = tpu.vector_load %arg11[%get3A_526, %get3A_527] {strides = array<i32>} : memref<16x512xf32, #tpu.memory_space<vmem>>, vector<16xf32>,
          %add3A_529 = arith.addf %get3A_528, %while3A_511#2 : vector<16xf32>
          %swap3A_530 = arith.index_cast %scan3A_420 : i32 to index
          %swap3A_531 = arith.constant 32 : index
          %swap3A_532 = tpu.vector_load %arg11[%swap3A_530, %swap3A_531] {strides = array<i32>} : memref<16x512xf32, #tpu.memory_space<vmem>>, vector<16xf32>,
          tpu.vector_store %arg11[%swap3A_530, %swap3A_531], %add3A_529 {strides = array<i32>} : memref<16x512xf32, #tpu.memory_space<vmem>>, vector<16xf32>,
          %get3A_533 = arith.index_cast %scan3A_420 : i32 to index
          %get3A_534 = arith.constant 48 : index
          %get3A_535 = tpu.vector_load %arg11[%get3A_533, %get3A_534] {strides = array<i32>} : memref<16x512xf32, #tpu.memory_space<vmem>>, vector<16xf32>,
          %add3A_536 = arith.addf %get3A_535, %while3A_511#3 : vector<16xf32>
          %swap3A_537 = arith.index_cast %scan3A_420 : i32 to index
          %swap3A_538 = arith.constant 48 : index
          %swap3A_539 = tpu.vector_load %arg11[%swap3A_537, %swap3A_538] {strides = array<i32>} : memref<16x512xf32, #tpu.memory_space<vmem>>, vector<16xf32>,
          tpu.vector_store %arg11[%swap3A_537, %swap3A_538], %add3A_536 {strides = array<i32>} : memref<16x512xf32, #tpu.memory_space<vmem>>, vector<16xf32>,
          %get3A_540 = arith.index_cast %scan3A_420 : i32 to index
          %get3A_541 = arith.constant 64 : index
          %get3A_542 = tpu.vector_load %arg11[%get3A_540, %get3A_541] {strides = array<i32>} : memref<16x512xf32, #tpu.memory_space<vmem>>, vector<16xf32>,
          %add3A_543 = arith.addf %get3A_542, %while3A_511#4 : vector<16xf32>
          %swap3A_544 = arith.index_cast %scan3A_420 : i32 to index
          %swap3A_545 = arith.constant 64 : index
          %swap3A_546 = tpu.vector_load %arg11[%swap3A_544, %swap3A_545] {strides = array<i32>} : memref<16x512xf32, #tpu.memory_space<vmem>>, vector<16xf32>,
          tpu.vector_store %arg11[%swap3A_544, %swap3A_545], %add3A_543 {strides = array<i32>} : memref<16x512xf32, #tpu.memory_space<vmem>>, vector<16xf32>,
          %get3A_547 = arith.index_cast %scan3A_420 : i32 to index
          %get3A_548 = arith.constant 80 : index
          %get3A_549 = tpu.vector_load %arg11[%get3A_547, %get3A_548] {strides = array<i32>} : memref<16x512xf32, #tpu.memory_space<vmem>>, vector<16xf32>,
          %add3A_550 = arith.addf %get3A_549, %while3A_511#5 : vector<16xf32>
          %swap3A_551 = arith.index_cast %scan3A_420 : i32 to index
          %swap3A_552 = arith.constant 80 : index
          %swap3A_553 = tpu.vector_load %arg11[%swap3A_551, %swap3A_552] {strides = array<i32>} : memref<16x512xf32, #tpu.memory_space<vmem>>, vector<16xf32>,
          tpu.vector_store %arg11[%swap3A_551, %swap3A_552], %add3A_550 {strides = array<i32>} : memref<16x512xf32, #tpu.memory_space<vmem>>, vector<16xf32>,
          %get3A_554 = arith.index_cast %scan3A_420 : i32 to index
          %get3A_555 = arith.constant 96 : index
          %get3A_556 = tpu.vector_load %arg11[%get3A_554, %get3A_555] {strides = array<i32>} : memref<16x512xf32, #tpu.memory_space<vmem>>, vector<16xf32>,
          %add3A_557 = arith.addf %get3A_556, %while3A_511#6 : vector<16xf32>
          %swap3A_558 = arith.index_cast %scan3A_420 : i32 to index
          %swap3A_559 = arith.constant 96 : index
          %swap3A_560 = tpu.vector_load %arg11[%swap3A_558, %swap3A_559] {strides = array<i32>} : memref<16x512xf32, #tpu.memory_space<vmem>>, vector<16xf32>,
          tpu.vector_store %arg11[%swap3A_558, %swap3A_559], %add3A_557 {strides = array<i32>} : memref<16x512xf32, #tpu.memory_space<vmem>>, vector<16xf32>,
          %get3A_561 = arith.index_cast %scan3A_420 : i32 to index
          %get3A_562 = arith.constant 112 : index
          %get3A_563 = tpu.vector_load %arg11[%get3A_561, %get3A_562] {strides = array<i32>} : memref<16x512xf32, #tpu.memory_space<vmem>>, vector<16xf32>,
          %add3A_564 = arith.addf %get3A_563, %while3A_511#7 : vector<16xf32>
          %swap3A_565 = arith.index_cast %scan3A_420 : i32 to index
          %swap3A_566 = arith.constant 112 : index
          %swap3A_567 = tpu.vector_load %arg11[%swap3A_565, %swap3A_566] {strides = array<i32>} : memref<16x512xf32, #tpu.memory_space<vmem>>, vector<16xf32>,
          tpu.vector_store %arg11[%swap3A_565, %swap3A_566], %add3A_564 {strides = array<i32>} : memref<16x512xf32, #tpu.memory_space<vmem>>, vector<16xf32>,
          %get3A_568 = arith.index_cast %scan3A_420 : i32 to index
          %get3A_569 = arith.constant 128 : index
          %get3A_570 = tpu.vector_load %arg11[%get3A_568, %get3A_569] {strides = array<i32>} : memref<16x512xf32, #tpu.memory_space<vmem>>, vector<16xf32>,
          %add3A_571 = arith.addf %get3A_570, %while3A_511#8 : vector<16xf32>
          %swap3A_572 = arith.index_cast %scan3A_420 : i32 to index
          %swap3A_573 = arith.constant 128 : index
          %swap3A_574 = tpu.vector_load %arg11[%swap3A_572, %swap3A_573] {strides = array<i32>} : memref<16x512xf32, #tpu.memory_space<vmem>>, vector<16xf32>,
          tpu.vector_store %arg11[%swap3A_572, %swap3A_573], %add3A_571 {strides = array<i32>} : memref<16x512xf32, #tpu.memory_space<vmem>>, vector<16xf32>,
          %get3A_575 = arith.index_cast %scan3A_420 : i32 to index
          %get3A_576 = arith.constant 144 : index
          %get3A_577 = tpu.vector_load %arg11[%get3A_575, %get3A_576] {strides = array<i32>} : memref<16x512xf32, #tpu.memory_space<vmem>>, vector<16xf32>,
          %add3A_578 = arith.addf %get3A_577, %while3A_511#9 : vector<16xf32>
          %swap3A_579 = arith.index_cast %scan3A_420 : i32 to index
          %swap3A_580 = arith.constant 144 : index
          %swap3A_581 = tpu.vector_load %arg11[%swap3A_579, %swap3A_580] {strides = array<i32>} : memref<16x512xf32, #tpu.memory_space<vmem>>, vector<16xf32>,
          tpu.vector_store %arg11[%swap3A_579, %swap3A_580], %add3A_578 {strides = array<i32>} : memref<16x512xf32, #tpu.memory_space<vmem>>, vector<16xf32>,
          %get3A_582 = arith.index_cast %scan3A_420 : i32 to index
          %get3A_583 = arith.constant 160 : index
          %get3A_584 = tpu.vector_load %arg11[%get3A_582, %get3A_583] {strides = array<i32>} : memref<16x512xf32, #tpu.memory_space<vmem>>, vector<16xf32>,
          %add3A_585 = arith.addf %get3A_584, %while3A_511#10 : vector<16xf32>
          %swap3A_586 = arith.index_cast %scan3A_420 : i32 to index
          %swap3A_587 = arith.constant 160 : index
          %swap3A_588 = tpu.vector_load %arg11[%swap3A_586, %swap3A_587] {strides = array<i32>} : memref<16x512xf32, #tpu.memory_space<vmem>>, vector<16xf32>,
          tpu.vector_store %arg11[%swap3A_586, %swap3A_587], %add3A_585 {strides = array<i32>} : memref<16x512xf32, #tpu.memory_space<vmem>>, vector<16xf32>,
          %get3A_589 = arith.index_cast %scan3A_420 : i32 to index
          %get3A_590 = arith.constant 176 : index
          %get3A_591 = tpu.vector_load %arg11[%get3A_589, %get3A_590] {strides = array<i32>} : memref<16x512xf32, #tpu.memory_space<vmem>>, vector<16xf32>,
          %add3A_592 = arith.addf %get3A_591, %while3A_511#11 : vector<16xf32>
          %swap3A_593 = arith.index_cast %scan3A_420 : i32 to index
          %swap3A_594 = arith.constant 176 : index
          %swap3A_595 = tpu.vector_load %arg11[%swap3A_593, %swap3A_594] {strides = array<i32>} : memref<16x512xf32, #tpu.memory_space<vmem>>, vector<16xf32>,
          tpu.vector_store %arg11[%swap3A_593, %swap3A_594], %add3A_592 {strides = array<i32>} : memref<16x512xf32, #tpu.memory_space<vmem>>, vector<16xf32>,
          %get3A_596 = arith.index_cast %scan3A_420 : i32 to index
          %get3A_597 = arith.constant 192 : index
          %get3A_598 = tpu.vector_load %arg11[%get3A_596, %get3A_597] {strides = array<i32>} : memref<16x512xf32, #tpu.memory_space<vmem>>, vector<16xf32>,
          %add3A_599 = arith.addf %get3A_598, %while3A_511#12 : vector<16xf32>
          %swap3A_600 = arith.index_cast %scan3A_420 : i32 to index
          %swap3A_601 = arith.constant 192 : index
          %swap3A_602 = tpu.vector_load %arg11[%swap3A_600, %swap3A_601] {strides = array<i32>} : memref<16x512xf32, #tpu.memory_space<vmem>>, vector<16xf32>,
          tpu.vector_store %arg11[%swap3A_600, %swap3A_601], %add3A_599 {strides = array<i32>} : memref<16x512xf32, #tpu.memory_space<vmem>>, vector<16xf32>,
          %get3A_603 = arith.index_cast %scan3A_420 : i32 to index
          %get3A_604 = arith.constant 208 : index
          %get3A_605 = tpu.vector_load %arg11[%get3A_603, %get3A_604] {strides = array<i32>} : memref<16x512xf32, #tpu.memory_space<vmem>>, vector<16xf32>,
          %add3A_606 = arith.addf %get3A_605, %while3A_511#13 : vector<16xf32>
          %swap3A_607 = arith.index_cast %scan3A_420 : i32 to index
          %swap3A_608 = arith.constant 208 : index
          %swap3A_609 = tpu.vector_load %arg11[%swap3A_607, %swap3A_608] {strides = array<i32>} : memref<16x512xf32, #tpu.memory_space<vmem>>, vector<16xf32>,
          tpu.vector_store %arg11[%swap3A_607, %swap3A_608], %add3A_606 {strides = array<i32>} : memref<16x512xf32, #tpu.memory_space<vmem>>, vector<16xf32>,
          %get3A_610 = arith.index_cast %scan3A_420 : i32 to index
          %get3A_611 = arith.constant 224 : index
          %get3A_612 = tpu.vector_load %arg11[%get3A_610, %get3A_611] {strides = array<i32>} : memref<16x512xf32, #tpu.memory_space<vmem>>, vector<16xf32>,
          %add3A_613 = arith.addf %get3A_612, %while3A_511#14 : vector<16xf32>
          %swap3A_614 = arith.index_cast %scan3A_420 : i32 to index
          %swap3A_615 = arith.constant 224 : index
          %swap3A_616 = tpu.vector_load %arg11[%swap3A_614, %swap3A_615] {strides = array<i32>} : memref<16x512xf32, #tpu.memory_space<vmem>>, vector<16xf32>,
          tpu.vector_store %arg11[%swap3A_614, %swap3A_615], %add3A_613 {strides = array<i32>} : memref<16x512xf32, #tpu.memory_space<vmem>>, vector<16xf32>,
          %get3A_617 = arith.index_cast %scan3A_420 : i32 to index
          %get3A_618 = arith.constant 240 : index
          %get3A_619 = tpu.vector_load %arg11[%get3A_617, %get3A_618] {strides = array<i32>} : memref<16x512xf32, #tpu.memory_space<vmem>>, vector<16xf32>,
          %add3A_620 = arith.addf %get3A_619, %while3A_511#15 : vector<16xf32>
          %swap3A_621 = arith.index_cast %scan3A_420 : i32 to index
          %swap3A_622 = arith.constant 240 : index
          %swap3A_623 = tpu.vector_load %arg11[%swap3A_621, %swap3A_622] {strides = array<i32>} : memref<16x512xf32, #tpu.memory_space<vmem>>, vector<16xf32>,
          tpu.vector_store %arg11[%swap3A_621, %swap3A_622], %add3A_620 {strides = array<i32>} : memref<16x512xf32, #tpu.memory_space<vmem>>, vector<16xf32>,
          %get3A_624 = arith.index_cast %scan3A_420 : i32 to index
          %get3A_625 = arith.constant 256 : index
          %get3A_626 = tpu.vector_load %arg11[%get3A_624, %get3A_625] {strides = array<i32>} : memref<16x512xf32, #tpu.memory_space<vmem>>, vector<16xf32>,
          %add3A_627 = arith.addf %get3A_626, %while3A_511#16 : vector<16xf32>
          %swap3A_628 = arith.index_cast %scan3A_420 : i32 to index
          %swap3A_629 = arith.constant 256 : index
          %swap3A_630 = tpu.vector_load %arg11[%swap3A_628, %swap3A_629] {strides = array<i32>} : memref<16x512xf32, #tpu.memory_space<vmem>>, vector<16xf32>,
          tpu.vector_store %arg11[%swap3A_628, %swap3A_629], %add3A_627 {strides = array<i32>} : memref<16x512xf32, #tpu.memory_space<vmem>>, vector<16xf32>,
          %get3A_631 = arith.index_cast %scan3A_420 : i32 to index
          %get3A_632 = arith.constant 272 : index
          %get3A_633 = tpu.vector_load %arg11[%get3A_631, %get3A_632] {strides = array<i32>} : memref<16x512xf32, #tpu.memory_space<vmem>>, vector<16xf32>,
          %add3A_634 = arith.addf %get3A_633, %while3A_511#17 : vector<16xf32>
          %swap3A_635 = arith.index_cast %scan3A_420 : i32 to index
          %swap3A_636 = arith.constant 272 : index
          %swap3A_637 = tpu.vector_load %arg11[%swap3A_635, %swap3A_636] {strides = array<i32>} : memref<16x512xf32, #tpu.memory_space<vmem>>, vector<16xf32>,
          tpu.vector_store %arg11[%swap3A_635, %swap3A_636], %add3A_634 {strides = array<i32>} : memref<16x512xf32, #tpu.memory_space<vmem>>, vector<16xf32>,
          %get3A_638 = arith.index_cast %scan3A_420 : i32 to index
          %get3A_639 = arith.constant 288 : index
          %get3A_640 = tpu.vector_load %arg11[%get3A_638, %get3A_639] {strides = array<i32>} : memref<16x512xf32, #tpu.memory_space<vmem>>, vector<16xf32>,
          %add3A_641 = arith.addf %get3A_640, %while3A_511#18 : vector<16xf32>
          %swap3A_642 = arith.index_cast %scan3A_420 : i32 to index
          %swap3A_643 = arith.constant 288 : index
          %swap3A_644 = tpu.vector_load %arg11[%swap3A_642, %swap3A_643] {strides = array<i32>} : memref<16x512xf32, #tpu.memory_space<vmem>>, vector<16xf32>,
          tpu.vector_store %arg11[%swap3A_642, %swap3A_643], %add3A_641 {strides = array<i32>} : memref<16x512xf32, #tpu.memory_space<vmem>>, vector<16xf32>,
          %get3A_645 = arith.index_cast %scan3A_420 : i32 to index
          %get3A_646 = arith.constant 304 : index
          %get3A_647 = tpu.vector_load %arg11[%get3A_645, %get3A_646] {strides = array<i32>} : memref<16x512xf32, #tpu.memory_space<vmem>>, vector<16xf32>,
          %add3A_648 = arith.addf %get3A_647, %while3A_511#19 : vector<16xf32>
          %swap3A_649 = arith.index_cast %scan3A_420 : i32 to index
          %swap3A_650 = arith.constant 304 : index
          %swap3A_651 = tpu.vector_load %arg11[%swap3A_649, %swap3A_650] {strides = array<i32>} : memref<16x512xf32, #tpu.memory_space<vmem>>, vector<16xf32>,
          tpu.vector_store %arg11[%swap3A_649, %swap3A_650], %add3A_648 {strides = array<i32>} : memref<16x512xf32, #tpu.memory_space<vmem>>, vector<16xf32>,
          %get3A_652 = arith.index_cast %scan3A_420 : i32 to index
          %get3A_653 = arith.constant 320 : index
          %get3A_654 = tpu.vector_load %arg11[%get3A_652, %get3A_653] {strides = array<i32>} : memref<16x512xf32, #tpu.memory_space<vmem>>, vector<16xf32>,
          %add3A_655 = arith.addf %get3A_654, %while3A_511#20 : vector<16xf32>
          %swap3A_656 = arith.index_cast %scan3A_420 : i32 to index
          %swap3A_657 = arith.constant 320 : index
          %swap3A_658 = tpu.vector_load %arg11[%swap3A_656, %swap3A_657] {strides = array<i32>} : memref<16x512xf32, #tpu.memory_space<vmem>>, vector<16xf32>,
          tpu.vector_store %arg11[%swap3A_656, %swap3A_657], %add3A_655 {strides = array<i32>} : memref<16x512xf32, #tpu.memory_space<vmem>>, vector<16xf32>,
          %get3A_659 = arith.index_cast %scan3A_420 : i32 to index
          %get3A_660 = arith.constant 336 : index
          %get3A_661 = tpu.vector_load %arg11[%get3A_659, %get3A_660] {strides = array<i32>} : memref<16x512xf32, #tpu.memory_space<vmem>>, vector<16xf32>,
          %add3A_662 = arith.addf %get3A_661, %while3A_511#21 : vector<16xf32>
          %swap3A_663 = arith.index_cast %scan3A_420 : i32 to index
          %swap3A_664 = arith.constant 336 : index
          %swap3A_665 = tpu.vector_load %arg11[%swap3A_663, %swap3A_664] {strides = array<i32>} : memref<16x512xf32, #tpu.memory_space<vmem>>, vector<16xf32>,
          tpu.vector_store %arg11[%swap3A_663, %swap3A_664], %add3A_662 {strides = array<i32>} : memref<16x512xf32, #tpu.memory_space<vmem>>, vector<16xf32>,
          %get3A_666 = arith.index_cast %scan3A_420 : i32 to index
          %get3A_667 = arith.constant 352 : index
          %get3A_668 = tpu.vector_load %arg11[%get3A_666, %get3A_667] {strides = array<i32>} : memref<16x512xf32, #tpu.memory_space<vmem>>, vector<16xf32>,
          %add3A_669 = arith.addf %get3A_668, %while3A_511#22 : vector<16xf32>
          %swap3A_670 = arith.index_cast %scan3A_420 : i32 to index
          %swap3A_671 = arith.constant 352 : index
          %swap3A_672 = tpu.vector_load %arg11[%swap3A_670, %swap3A_671] {strides = array<i32>} : memref<16x512xf32, #tpu.memory_space<vmem>>, vector<16xf32>,
          tpu.vector_store %arg11[%swap3A_670, %swap3A_671], %add3A_669 {strides = array<i32>} : memref<16x512xf32, #tpu.memory_space<vmem>>, vector<16xf32>,
          %get3A_673 = arith.index_cast %scan3A_420 : i32 to index
          %get3A_674 = arith.constant 368 : index
          %get3A_675 = tpu.vector_load %arg11[%get3A_673, %get3A_674] {strides = array<i32>} : memref<16x512xf32, #tpu.memory_space<vmem>>, vector<16xf32>,
          %add3A_676 = arith.addf %get3A_675, %while3A_511#23 : vector<16xf32>
          %swap3A_677 = arith.index_cast %scan3A_420 : i32 to index
          %swap3A_678 = arith.constant 368 : index
          %swap3A_679 = tpu.vector_load %arg11[%swap3A_677, %swap3A_678] {strides = array<i32>} : memref<16x512xf32, #tpu.memory_space<vmem>>, vector<16xf32>,
          tpu.vector_store %arg11[%swap3A_677, %swap3A_678], %add3A_676 {strides = array<i32>} : memref<16x512xf32, #tpu.memory_space<vmem>>, vector<16xf32>,
          %get3A_680 = arith.index_cast %scan3A_420 : i32 to index
          %get3A_681 = arith.constant 384 : index
          %get3A_682 = tpu.vector_load %arg11[%get3A_680, %get3A_681] {strides = array<i32>} : memref<16x512xf32, #tpu.memory_space<vmem>>, vector<16xf32>,
          %add3A_683 = arith.addf %get3A_682, %while3A_511#24 : vector<16xf32>
          %swap3A_684 = arith.index_cast %scan3A_420 : i32 to index
          %swap3A_685 = arith.constant 384 : index
          %swap3A_686 = tpu.vector_load %arg11[%swap3A_684, %swap3A_685] {strides = array<i32>} : memref<16x512xf32, #tpu.memory_space<vmem>>, vector<16xf32>,
          tpu.vector_store %arg11[%swap3A_684, %swap3A_685], %add3A_683 {strides = array<i32>} : memref<16x512xf32, #tpu.memory_space<vmem>>, vector<16xf32>,
          %get3A_687 = arith.index_cast %scan3A_420 : i32 to index
          %get3A_688 = arith.constant 400 : index
          %get3A_689 = tpu.vector_load %arg11[%get3A_687, %get3A_688] {strides = array<i32>} : memref<16x512xf32, #tpu.memory_space<vmem>>, vector<16xf32>,
          %add3A_690 = arith.addf %get3A_689, %while3A_511#25 : vector<16xf32>
          %swap3A_691 = arith.index_cast %scan3A_420 : i32 to index
          %swap3A_692 = arith.constant 400 : index
          %swap3A_693 = tpu.vector_load %arg11[%swap3A_691, %swap3A_692] {strides = array<i32>} : memref<16x512xf32, #tpu.memory_space<vmem>>, vector<16xf32>,
          tpu.vector_store %arg11[%swap3A_691, %swap3A_692], %add3A_690 {strides = array<i32>} : memref<16x512xf32, #tpu.memory_space<vmem>>, vector<16xf32>,
          %get3A_694 = arith.index_cast %scan3A_420 : i32 to index
          %get3A_695 = arith.constant 416 : index
          %get3A_696 = tpu.vector_load %arg11[%get3A_694, %get3A_695] {strides = array<i32>} : memref<16x512xf32, #tpu.memory_space<vmem>>, vector<16xf32>,
          %add3A_697 = arith.addf %get3A_696, %while3A_511#26 : vector<16xf32>
          %swap3A_698 = arith.index_cast %scan3A_420 : i32 to index
          %swap3A_699 = arith.constant 416 : index
          %swap3A_700 = tpu.vector_load %arg11[%swap3A_698, %swap3A_699] {strides = array<i32>} : memref<16x512xf32, #tpu.memory_space<vmem>>, vector<16xf32>,
          tpu.vector_store %arg11[%swap3A_698, %swap3A_699], %add3A_697 {strides = array<i32>} : memref<16x512xf32, #tpu.memory_space<vmem>>, vector<16xf32>,
          %get3A_701 = arith.index_cast %scan3A_420 : i32 to index
          %get3A_702 = arith.constant 432 : index
          %get3A_703 = tpu.vector_load %arg11[%get3A_701, %get3A_702] {strides = array<i32>} : memref<16x512xf32, #tpu.memory_space<vmem>>, vector<16xf32>,
          %add3A_704 = arith.addf %get3A_703, %while3A_511#27 : vector<16xf32>
          %swap3A_705 = arith.index_cast %scan3A_420 : i32 to index
          %swap3A_706 = arith.constant 432 : index
          %swap3A_707 = tpu.vector_load %arg11[%swap3A_705, %swap3A_706] {strides = array<i32>} : memref<16x512xf32, #tpu.memory_space<vmem>>, vector<16xf32>,
          tpu.vector_store %arg11[%swap3A_705, %swap3A_706], %add3A_704 {strides = array<i32>} : memref<16x512xf32, #tpu.memory_space<vmem>>, vector<16xf32>,
          %get3A_708 = arith.index_cast %scan3A_420 : i32 to index
          %get3A_709 = arith.constant 448 : index
          %get3A_710 = tpu.vector_load %arg11[%get3A_708, %get3A_709] {strides = array<i32>} : memref<16x512xf32, #tpu.memory_space<vmem>>, vector<16xf32>,
          %add3A_711 = arith.addf %get3A_710, %while3A_511#28 : vector<16xf32>
          %swap3A_712 = arith.index_cast %scan3A_420 : i32 to index
          %swap3A_713 = arith.constant 448 : index
          %swap3A_714 = tpu.vector_load %arg11[%swap3A_712, %swap3A_713] {strides = array<i32>} : memref<16x512xf32, #tpu.memory_space<vmem>>, vector<16xf32>,
          tpu.vector_store %arg11[%swap3A_712, %swap3A_713], %add3A_711 {strides = array<i32>} : memref<16x512xf32, #tpu.memory_space<vmem>>, vector<16xf32>,
          %get3A_715 = arith.index_cast %scan3A_420 : i32 to index
          %get3A_716 = arith.constant 464 : index
          %get3A_717 = tpu.vector_load %arg11[%get3A_715, %get3A_716] {strides = array<i32>} : memref<16x512xf32, #tpu.memory_space<vmem>>, vector<16xf32>,
          %add3A_718 = arith.addf %get3A_717, %while3A_511#29 : vector<16xf32>
          %swap3A_719 = arith.index_cast %scan3A_420 : i32 to index
          %swap3A_720 = arith.constant 464 : index
          %swap3A_721 = tpu.vector_load %arg11[%swap3A_719, %swap3A_720] {strides = array<i32>} : memref<16x512xf32, #tpu.memory_space<vmem>>, vector<16xf32>,
          tpu.vector_store %arg11[%swap3A_719, %swap3A_720], %add3A_718 {strides = array<i32>} : memref<16x512xf32, #tpu.memory_space<vmem>>, vector<16xf32>,
          %get3A_722 = arith.index_cast %scan3A_420 : i32 to index
          %get3A_723 = arith.constant 480 : index
          %get3A_724 = tpu.vector_load %arg11[%get3A_722, %get3A_723] {strides = array<i32>} : memref<16x512xf32, #tpu.memory_space<vmem>>, vector<16xf32>,
          %add3A_725 = arith.addf %get3A_724, %while3A_511#30 : vector<16xf32>
          %swap3A_726 = arith.index_cast %scan3A_420 : i32 to index
          %swap3A_727 = arith.constant 480 : index
          %swap3A_728 = tpu.vector_load %arg11[%swap3A_726, %swap3A_727] {strides = array<i32>} : memref<16x512xf32, #tpu.memory_space<vmem>>, vector<16xf32>,
          tpu.vector_store %arg11[%swap3A_726, %swap3A_727], %add3A_725 {strides = array<i32>} : memref<16x512xf32, #tpu.memory_space<vmem>>, vector<16xf32>,
          %get3A_729 = arith.index_cast %scan3A_420 : i32 to index
          %get3A_730 = arith.constant 496 : index
          %get3A_731 = tpu.vector_load %arg11[%get3A_729, %get3A_730] {strides = array<i32>} : memref<16x512xf32, #tpu.memory_space<vmem>>, vector<16xf32>,
          %add3A_732 = arith.addf %get3A_731, %while3A_511#31 : vector<16xf32>
          %swap3A_733 = arith.index_cast %scan3A_420 : i32 to index
          %swap3A_734 = arith.constant 496 : index
          %swap3A_735 = tpu.vector_load %arg11[%swap3A_733, %swap3A_734] {strides = array<i32>} : memref<16x512xf32, #tpu.memory_space<vmem>>, vector<16xf32>,
          tpu.vector_store %arg11[%swap3A_733, %swap3A_734], %add3A_732 {strides = array<i32>} : memref<16x512xf32, #tpu.memory_space<vmem>>, vector<16xf32>,
        } else {
        }
        %scan3A_438 = arith.constant 0 : i32
        scf.yield %scan3A_438 : i32
      }
      %scan3A_413 = arith.constant 16 : i32
      %lt3A_414 = arith.constant 7 : i32
      %lt3A_415 = arith.cmpi slt, %scan3A_314, %lt3A_414 : i32
      %convert_element_type3A_416 = arith.extui %lt3A_415 : i1 to i32
      %cond3A_417 = arith.constant 0 : i32
      %cond3A_418 = arith.cmpi ne, %convert_element_type3A_416, %cond3A_417 : i32
      scf.if %cond3A_418 {
        %add3A_420 = arith.constant 3 : i32
        %add3A_421 = arith.addi %mul3A_317, %add3A_420 : i32
        %add3A_422 = arith.constant 4 : i32
        %add3A_423 = arith.addi %add3A_421, %add3A_422 : i32
        %mul3A_424 = arith.constant 32 : i32
        %mul3A_425 = arith.muli %add3A_423, %mul3A_424 : i32
        %multiple_of3A_426 = tpu.assume_multiple %mul3A_425, 32 : i32
        %dma_start3A_427 = tpu.memref_slice %arg6[%multiple_of3A_426] : memref<1024xi32, #tpu.memory_space<vmem>> -> memref<32xi32, #tpu.memory_space<vmem>>
        %dma_start3A_428 = arith.constant 0 : i32
        %dma_start3A_429 = arith.constant 0 : i32
        %dma_start3A_430 = tpu.memref_slice %arg2[%dma_start3A_428, %dma_start3A_429] : memref<100000x512xf32, #tpu.memory_space<hbm>> -> memref<100000x512xf32, #tpu.memory_space<hbm>>
        tpu.enqueue_indirect_dma source(%dma_start3A_430 : memref<100000x512xf32, #tpu.memory_space<hbm>>) target(%arg10 : memref<32x512xf32, #tpu.memory_space<vmem>>) offsets(%dma_start3A_427 : memref<32xi32, #tpu.memory_space<vmem>>) semaphore(%arg17 : memref<!tpu.dma_semaphore, #tpu.memory_space<semaphore_mem>>)
      } else {
      }
      %scan3A_419 = arith.constant 0 : i32
      scf.yield %scan3A_419 : i32
    }
    %scan3A_313 = arith.constant 8 : i32
    "tpu.region"() ({
      %run_scoped3A = tpu.sem_alloc : memref<!tpu.dma_semaphore, #tpu.memory_space<semaphore_mem>>
      %dma_start3A_314 = arith.constant 0 : i32
      %dma_start3A_315 = arith.constant 0 : i32
      %dma_start3A_316 = tpu.memref_slice %arg5[%add3A, %dma_start3A_314, %dma_start3A_315] : memref<32x16x512xf32, #tpu.memory_space<hbm>> -> memref<1x16x512xf32, #tpu.memory_space<hbm>>
      %dma_start3A_317 = tpu.memref_squeeze %dma_start3A_316 : memref<1x16x512xf32, #tpu.memory_space<hbm>> -> memref<16x512xf32, #tpu.memory_space<hbm>>
      %dma_start3A_318 = arith.constant 0 : i32
      %dma_start3A_319 = arith.constant 0 : i32
      %dma_start3A_320 = tpu.memref_slice %arg5[%add3A, %dma_start3A_318, %dma_start3A_319] : memref<32x16x512xf32, #tpu.memory_space<hbm>> -> memref<1x16x512xf32, #tpu.memory_space<hbm>>
      %dma_start3A_321 = tpu.memref_squeeze %dma_start3A_320 : memref<1x16x512xf32, #tpu.memory_space<hbm>> -> memref<16x512xf32, #tpu.memory_space<hbm>>
      tpu.enqueue_dma source(%arg11 : memref<16x512xf32, #tpu.memory_space<vmem>>) target(%dma_start3A_321 : memref<16x512xf32, #tpu.memory_space<hbm>>) target_semaphore(%run_scoped3A : memref<!tpu.dma_semaphore, #tpu.memory_space<semaphore_mem>>)
      %dma_wait3A_322 = arith.constant 0 : i32
      %dma_wait3A_323 = arith.constant 0 : i32
      %dma_wait3A_324 = tpu.memref_slice %arg5[%add3A, %dma_wait3A_322, %dma_wait3A_323] : memref<32x16x512xf32, #tpu.memory_space<hbm>> -> memref<1x16x512xf32, #tpu.memory_space<hbm>>
      %dma_wait3A_325 = tpu.memref_squeeze %dma_wait3A_324 : memref<1x16x512xf32, #tpu.memory_space<hbm>> -> memref<16x512xf32, #tpu.memory_space<hbm>>
      %dma_wait3A_326 = arith.constant 0 : i32
      %dma_wait3A_327 = arith.constant 0 : i32
      %dma_wait3A_328 = tpu.memref_slice %arg5[%add3A, %dma_wait3A_326, %dma_wait3A_327] : memref<32x16x512xf32, #tpu.memory_space<hbm>> -> memref<1x16x512xf32, #tpu.memory_space<hbm>>
      %dma_wait3A_329 = tpu.memref_squeeze %dma_wait3A_328 : memref<1x16x512xf32, #tpu.memory_space<hbm>> -> memref<16x512xf32, #tpu.memory_space<hbm>>
      tpu.wait_dma2 semaphore(%run_scoped3A : memref<!tpu.dma_semaphore, #tpu.memory_space<semaphore_mem>>) src(%arg11 : memref<16x512xf32, #tpu.memory_space<vmem>>) dst(%dma_wait3A_329 : memref<16x512xf32, #tpu.memory_space<hbm>>)
      tpu.yield
    }) : () -> ()
    return
  }
}

module attributes {stable_mosaic.version = 14 : i64} {
  func.func @_tc_body(%arg0: memref<32x16x512xf32, #tpu.memory_space<vmem>>, %arg1: memref<1x16xi32, #tpu.memory_space<vmem>>, %arg2: memref<128x512xf32, #tpu.memory_space<vmem>>, %arg3: memref<16x128xf32, #tpu.memory_space<vmem>>) attributes {dimension_semantics = [], scalar_prefetch = 0 : i64, scratch_operands = 0 : i64, tpu.core_type = #tpu.core_type<tc>} {
    %get3A = arith.constant 0 : index
    %get3A_0 = arith.constant 0 : index
    %get3A_1 = arith.constant 0 : index
    %get3A_2 = vector.load %arg0[%get3A, %get3A_0, %get3A_1] : memref<32x16x512xf32, #tpu.memory_space<vmem>>, vector<32x16x512xf32>
    %reduce_sum3A = arith.constant dense<0.000000e+00> : vector<16x512xf32>
    %reduce_sum3A_3 = vector.multi_reduction <add>, %get3A_2, %reduce_sum3A [0] : vector<32x16x512xf32> to vector<16x512xf32>
    %get3A_4 = arith.constant 0 : index
    %get3A_5 = arith.constant 0 : index
    %get3A_6 = vector.load %arg1[%get3A_4, %get3A_5] : memref<1x16xi32, #tpu.memory_space<vmem>>, vector<1x16xi32>
    %slice3A = vector.extract_strided_slice %get3A_6 {offsets = [0, 1], sizes = [1, 15], strides = [1, 1]} : vector<1x16xi32> to vector<1x15xi32>
    %broadcast_in_dim3A = arith.constant 32768 : i32
    %broadcast_in_dim3A_7 = vector.broadcast %broadcast_in_dim3A : i32 to vector<1x1xi32>
    %concatenate3A = tpu.concatenate %slice3A, %broadcast_in_dim3A_7 in 1 : vector<1x15xi32>, vector<1x1xi32> -> vector<1x16xi32>
    %sub3A = arith.subi %concatenate3A, %get3A_6 : vector<1x16xi32>
    %convert_element_type3A = arith.sitofp %sub3A : vector<1x16xi32> to vector<1x16xf32>
    %max3A = arith.constant 1.000000e+00 : f32
    %max3A_8 = vector.broadcast %max3A : f32 to vector<1x16xf32>
    %max3A_9 = arith.maximumf %convert_element_type3A, %max3A_8 : vector<1x16xf32>
    %reshape3A = vector.shape_cast %max3A_9 : vector<1x16xf32> to vector<16x1xf32>
    %div3A = vector.broadcast %reshape3A : vector<16x1xf32> to vector<16x512xf32>
    %div3A_10 = arith.divf %reduce_sum3A_3, %div3A : vector<16x512xf32>
    %get3A_11 = arith.constant 0 : index
    %get3A_12 = arith.constant 0 : index
    %get3A_13 = vector.load %arg2[%get3A_11, %get3A_12] : memref<128x512xf32, #tpu.memory_space<vmem>>, vector<128x512xf32>
    %dot_general3A = arith.constant dense<0.000000e+00> : vector<16x128xf32>
    %dot_general3A_14 = tpu.matmul %div3A_10, %get3A_13, %dot_general3A {dimension_numbers = #tpu.dot_dimension_numbers<[1], [1], [0], [0], [0, 0, 1, 0], [], []>, transpose_lhs_hint = false} : vector<16x512xf32>, vector<128x512xf32>, vector<16x128xf32> -> vector<16x128xf32>
    %swap3A = arith.constant 0 : index
    %swap3A_15 = arith.constant 0 : index
    %swap3A_16 = vector.load %arg3[%swap3A, %swap3A_15] : memref<16x128xf32, #tpu.memory_space<vmem>>, vector<16x128xf32>
    tpu.vector_store %arg3[%swap3A, %swap3A_15], %dot_general3A_14 {strides = array<i32>} : memref<16x128xf32, #tpu.memory_space<vmem>>, vector<16x128xf32>,
    return
  }
}

</mosaic_0001>

<sc_bundles>
// kernel: kernel.4.cloned.1.call-start
scs
__scs_entry_jumppad:
0x0: {  	(pc) =	sbr.rel $0x88, $3  }
0x1: {  	(tag) =	ssettag $0x0;
	lr =	simm.s32 $0x1  }
0x2: {  	[smem:$0x3F9D] =	sst lr;
	_ =	strace $0xD0000000  }
0x3: {  	_ = 	snop  }
0x4: {  	_ = 	snop  }
0x5: {  	_ = 	snop  }
0x6: {  	_ = 	snop  }
0x7: {  	_ = 	snop  }
__scs_overlays_trampoline_lowered:
0x8: {  	[smem:$0x3FAC] =	sst s0  }
0x9: {  	[smem:$0x3FAD] =	sst s1  }
0xa: {  	[smem:$0x3FAE] =	sst s2  }
0xb: {  	[smem:$0x3FAF] =	sst s3  }
0xc: {  	[smem:$0x3FB0] =	sst s4  }
0xd: {  	[smem:$0x3FB1] =	sst s5  }
0xe: {  	[smem:$0x3FB2] =	sst s6  }
0xf: {  	[smem:$0x3FB3] =	sst s7  }
0x10: {  	[smem:$0x3FB4] =	sst s8  }
0x11: {  	[smem:$0x3FB5] =	sst s9;
	s0 =	simm.s32 @!p0 $0x0  }
0x12: {  	s1 =	sld [smem:$0x3F9B];
	s0 =	simm.s32 @p0 $0x1  }
0x13: {  	[smem:$0x3FB6] =	sst s0;
	s0 =	simm.s32 @!p1 $0x0  }
0x14: {  	s2 =	sld [smem:$0x3F9A];
	s0 =	simm.s32 @p1 $0x1  }
0x15: {  	[smem:$0x3FB7] =	sst s0;
	s0 =	simm.s32 @!p2 $0x0  }
0x16: {  	s3 =	sld [smem:$0x3FDB];
	s0 =	simm.s32 @p2 $0x1  }
0x17: {  	s4 =	simm.s32 $0x1BF5;
	[smem:$0x3FB9] =	sst s0  }
0x18: {  	s0 =	sld [smem:$0x3F9C];
	_ =	swait.ge [sflag:s4], $0x0  }
0x19: {  	s7 =	sld [smem:$0x3F9D]  }
0x1a: {  	s8 =	sadd.s32 $0xFFFFE003, lr  }
0x1b: {  	s9 =	sadd.s32 $0xFFFFFEF7, lr;
	s5 =	simm.s32 $0xFFFFFFFF;
	p2 =	slt.u32 s8, $0xFFFFF086  }
0x1c: {  	p1 =	slt.u32 s9, $0xF7A;
	s5 =	simm.s32 @!p2 $0x0  }
0x1d: {  	s5 =	simm.s32 @p1 $0x1;
	p0 =	seq.s32 s7, s2  }
0x1e: {  	s7 =	smul.u32 @!p0 $0xF7A, s2;
	p2 =	seq.s32 @!p0 s5, $0x0  }
0x1f: {  	s9 =	smul.u32 $0xF7A, s1;
	s8 =	simm.s32 @!p0 $0x1BF5;
	p2 =	por !p2, p0  }
0x20: {  	[sflag:s8] =	ssyncset.s32 @!p0 $0xFFFFF086;
	s6 =	sadd.s32 @!p0 s3, s7;
	s7 =	simm.s32 @!p0 $0x108  }
0x21: {  	s3 =	sadd.s32 s3, s9;
	s6 =	sadd.s32 @!p0 $0x88, s6;
	s7 =	simm.s32 @p2 $0x1082  }
0x22: {  	[simem:s7], [sflag:s8] =	dma.local @!p0 [hbm:s6], $0xF7A  }
0x23: {  	s9 =	sor.u32 $0xD0000000, s2;
	s6 =	simm.s32 $0x108;
	_ =	swait.ge @!p0 [sflag:s8], $0x0  }
0x24: {  	s3 =	sadd.s32 $0x88, s3;
	s6 =	simm.s32 @!p1 $0x1082;
	[sflag:s4] =	ssyncset.s32 $0xFFFFF086  }
0x25: {  	[simem:s6], [sflag:s4] =	dma.local [hbm:s3], $0xF7A  }
0x26: {  	[smem:$0x3F9D] =	sst s1;
	(tag) =	ssettag s2;
	_ =	strace s9  }
0x27: {  	s1 =	sld [smem:$0x3FAD]  }
0x28: {  	s2 =	sld [smem:$0x3FAE]  }
0x29: {  	s4 =	sld [smem:$0x3FB0]  }
0x2a: {  	p0 =	seq.s32 s5, $0x0;
	s5 =	sld [smem:$0x3FB1]  }
0x2b: {  	s6 =	sld [smem:$0x3FB2]  }
0x2c: {  	s7 =	sld [smem:$0x3FB3]  }
0x2d: {  	s3 =	simm.s32 $0x108;
	s8 =	sld [smem:$0x3FB4]  }
0x2e: {  	s3 =	simm.s32 @!p0 $0x1082;
	s9 =	sld [smem:$0x3FB5]  }
0x2f: {  	lr =	sadd.s32 s0, s3;
	s0 =	sld [smem:$0x3FAC]  }
0x30: {  	s3 =	sld [smem:$0x3FAF]  }
0x31: {  	[smem:$0x3FB8] =	sst s10  }
0x32: {  	s10 =	sld [smem:$0x3FB6];
	_ =	sdelay $0x3  }
0x33: {  	p0 =	seq.s32 s10, $0x1;
	s10 =	sld [smem:$0x3FB8];
	_ =	sdelay $0x3  }
0x34: {  	[smem:$0x3FB8] =	sst s10  }
0x35: {  	s10 =	sld [smem:$0x3FB7];
	_ =	sdelay $0x3  }
0x36: {  	p1 =	seq.s32 s10, $0x1;
	s10 =	sld [smem:$0x3FB8];
	_ =	sdelay $0x3  }
0x37: {  	[smem:$0x3FB8] =	sst s10  }
0x38: {  	s10 =	sld [smem:$0x3FB9]  }
0x39: {  	_ = 	snop;
	(pc) =	sbr.ind lr, $3  }
0x3a: {  	_ = 	snop  }
0x3b: {  	_ = 	snop  }
0x3c: {  	p2 =	seq.s32 s10, $0x1;
	s10 =	sld [smem:$0x3FB8]  }
0x3d: {  	_ =	shalt  }
0x3e: {  	_ =	shalt  }
0x3f: {  	_ =	shalt  }
0x40: {  	_ =	shalt  }
0x41: {  	_ =	shalt  }
0x42: {  	_ =	shalt  }
0x43: {  	_ =	shalt  }
0x44: {  	_ =	shalt  }
0x45: {  	_ =	shalt  }
0x46: {  	_ =	shalt  }
0x47: {  	_ =	shalt  }
0x48: {  	_ =	shalt  }
0x49: {  	_ =	shalt  }
0x4a: {  	_ =	shalt  }
0x4b: {  	_ =	shalt  }
0x4c: {  	_ =	shalt  }
0x4d: {  	_ =	shalt  }
0x4e: {  	_ =	shalt  }
0x4f: {  	_ =	shalt  }
0x50: {  	_ =	shalt  }
0x51: {  	_ =	shalt  }
0x52: {  	_ =	shalt  }
0x53: {  	_ =	shalt  }
0x54: {  	_ =	shalt  }
0x55: {  	_ =	shalt  }
0x56: {  	_ =	shalt  }
0x57: {  	_ =	shalt  }
0x58: {  	_ =	shalt  }
0x59: {  	_ =	shalt  }
0x5a: {  	_ =	shalt  }
0x5b: {  	_ =	shalt  }
0x5c: {  	_ =	shalt  }
0x5d: {  	_ =	shalt  }
0x5e: {  	_ =	shalt  }
0x5f: {  	_ =	shalt  }
0x60: {  	_ =	shalt  }
0x61: {  	_ =	shalt  }
0x62: {  	_ =	shalt  }
0x63: {  	_ =	shalt  }
0x64: {  	_ =	shalt  }
0x65: {  	_ =	shalt  }
0x66: {  	_ =	shalt  }
0x67: {  	_ =	shalt  }
0x68: {  	_ =	shalt  }
0x69: {  	_ =	shalt  }
0x6a: {  	_ =	shalt  }
0x6b: {  	_ =	shalt  }
0x6c: {  	_ =	shalt  }
0x6d: {  	_ =	shalt  }
0x6e: {  	_ =	shalt  }
0x6f: {  	_ =	shalt  }
0x70: {  	_ =	shalt  }
0x71: {  	_ =	shalt  }
0x72: {  	_ =	shalt  }
0x73: {  	_ =	shalt  }
0x74: {  	_ =	shalt  }
0x75: {  	_ =	shalt  }
0x76: {  	_ =	shalt  }
0x77: {  	_ =	shalt  }
0x78: {  	_ =	shalt  }
0x79: {  	_ =	shalt  }
0x7a: {  	_ =	shalt  }
0x7b: {  	_ =	shalt  }
0x7c: {  	_ =	shalt  }
0x7d: {  	_ =	shalt  }
0x7e: {  	_ =	shalt  }
0x7f: {  	_ =	shalt  }
0x80: {  	_ =	shalt  }
0x81: {  	_ =	shalt  }
0x82: {  	_ =	shalt  }
0x83: {  	_ =	shalt  }
0x84: {  	_ =	shalt  }
0x85: {  	_ =	shalt  }
0x86: {  	_ =	shalt  }
0x87: {  	_ =	shalt  }
.Lfunc_end0:
.L_simem_size_0:
called_computation_lowered:
.L_overlay_start_0:
0x88: {  	s2 =	sld [smem:$0x3FD9]  }
0x89: {  	s3 =	sld [smem:$0x3FFE];
	_ =	sdelay $0x1  }
0x8a: {  	s1 =	srdreg.scid  }
0x8b: {  	s0 =	sand.u32 $0x1, s1  }
0x8c: {  	s17 =	sshll.u32 s0, $0xA;
	s2 =	sadd.s32 s3, s2  }
0x8d: {  	s2 =	sadd.s32 s2, s17  }
0x8e: {  	[smem:$0x3FC4] =	sst s2  }
0x8f: {  	_ = 	snop  }
0x90: {  	s2 =	sld [smem:$0x3FC9]  }
0x91: {  	s18 =	sld [smem:$0x3FC8]  }
0x92: {  	s4 =	sld [smem:$0x3FC7];
	(tm) =	ssettm $0x1  }
0x93: {  	s5 =	sld [smem:$0x3FFB];
	_ =	sdelay $0x3  }
0x94: {  	_ =	strace s5  }
0x95: {  	s5 =	sld [smem:$0x3FFC];
	_ =	sdelay $0x3  }
0x96: {  	_ =	strace s5  }
0x97: {  	s5 =	sld [smem:$0x3FFD];
	_ =	sdelay $0x3  }
0x98: {  	_ =	strace s5  }
0x99: {  	_ =	strace $0x8FFFFFFF  }
0x9a: {  	s19 =	sld [smem:$0x3FDB];
	_ =	sdelay $0x1  }
0x9b: {  	s6 =	simm.s32 $_scs_section_size  }
0x9c: {  	s7 =	simm.s32 $_size__tile_overlayer_lowered;
	s8 =	simm.s32 $_tile_overlayer_lowered  }
0x9d: {  	s22 =	simm.s32 $0x1BFF;
	s21 =	sshll.u32 s8, $0x1;
	s5 =	sadd.s32 s6, s19  }
0x9e: {  	s9 =	simm.s32 $0x0;
	s20 =	sshll.u32 s7, $0x1;
	s7 =	sadd.s32 s21, s5  }
0x9f: {  	[timem:s9], [sflag:s22] =	dma.local [hbm:s7], s20  }
0xa0: {  	_ =	swait.ge [sflag:s22], s20  }
0xa1: {  	s6 =	ssub.s32 $0x0, s20;
	[sflag:s22] =	ssyncset.done $0x0  }
0xa2: {  	[sflag:s22] =	ssyncadd.s32 s6;
	_ =	sdelay $0x1  }
0xa3: {  	s23 =	simm.s32 $0x1B8B  }
0xa4: {  	_ =	swait.ge [sflag:s23], $0x1  }
0xa5: {  	[sflag:s23] =	ssyncset.done $0x0  }
0xa6: {  	s25 =	simm.s32 $0x1B8E;
	s24 =	sld [smem:$0x3FFE];
	[sflag:s23] =	ssyncadd.s32 $0xFFFFFFFF  }
0xa7: {  	s26 =	simm.s32 $execute0_lowered;
	[smem:$0x3FD2] =	sst s25  }
0xa8: {  	s7 =	sshll.u32 s26, $0x1;
	_ =	strace $0x80000046;
	[dreg:$0x1] =	wrdreg $0xFFFFFFFF  }
0xa9: {  	s28 =	simm.s32 $_size_execute0_lowered;
	s5 =	sadd.s32 s5, s7;
	[dreg:$0x0] =	wrdreg $0x0  }
0xaa: {  	s7 =	sshll.u32 s28, $0x1;
	[dreg:$0x2] =	wrdreg s5  }
0xab: {  	[dreg:$0x3] =	wrdreg s7  }
0xac: {  	[dreg:$0x4] =	wrdreg $0xC0  }
0xad: {  	_ =	task [dreg:s9], $0x5FFFF  }
0xae: {  	[dreg:$0x1] =	wrdreg $0xFFFFFFFF  }
0xaf: {  	[dreg:$0x0] =	wrdreg $0x60  }
0xb0: {  	[dreg:$0x2] =	wrdreg s4  }
0xb1: {  	[dreg:$0x3] =	wrdreg s2  }
0xb2: {  	[dreg:$0x4] =	wrdreg s18  }
0xb3: {  	[dreg:$0x5] =	wrdreg s24  }
0xb4: {  	[dreg:$0x6] =	wrdreg $0x9  }
0xb5: {  	_ =	task.clear_ibuf [dreg:s9], $0x7FFFF;
	_ =	strace $0x90000046  }
0xb6: {  	s29 =	simm.s32 $0x9;
	_ =	strace $0x80000048  }
0xb7: {  	_ =	swait.ge [sflag:s29], $0x1  }
0xb8: {  	[sflag:s29] =	ssyncadd.s32 $0xFFFFFFFF  }
0xb9: {  	_ =	strace $0x90000048  }
0xba: {  	_ =	sfence  }
0xbb: {  	s30 =	sld [smem:$0x0];
	_ =	sdelay $0x2  }
0xbc: {  	s31 =	sshll.u32 s1, $0xD;
	s1 =	sshrl.u32 s1, $0x2  }
0xbd: {  	s3 =	sand.u32 $0x4000, s31;
	s1 =	sadd.s32 s1, s30  }
0xbe: {  	s0 =	sor.u32 s3, s0;
	s1 =	sshll.u32 s1, $0x11  }
0xbf: {  	s0 =	sor.u32 s1, s0  }
0xc0: {  	s0 =	sadd.s32 $0x8F2B, s0  }
0xc1: {  	[sflag:s0] =	ssyncadd.remote.s32 $0x1  }
0xc2: {  	_ =	sfence.sel $0xFFFF  }
0xc3: {  	[dreg:$0x0] =	wrdreg $0xFFFFFFFF;
	(pc) =	sbr.abs _section_cstart, $3  }
0xc4: {  	[dreg:$0x1] =	wrdreg $0xFFFFFFFF  }
0xc5: {  	_ =	task.clear_ibuf [dreg:s9], $0x2FFFF;
	_ =	strace $0x9FFFFFFF  }
0xc6: {  	(tm) =	ssettm $0x7FFFFFFF  }
0xc7: {  	_ =	shalt  }
tec
execute0_lowered:
.L_overlay_start_1:
0x0: {  	(tag) =	ssettag $0x1  }
0x1: {  	s1 =	rddreg [dreg:$0x0]  }
0x2: {  	s0 =	rddreg [dreg:$0x1]  }
0x3: {  	s2 =	rddreg [dreg:$0x3]  }
0x4: {  	s4 =	simm.s32 $0x0;
	s3 =	srdreg.scid;
	s9 =	stileid.u32  }
0x5: {  	s17 =	simm.s32 $0x1;
	s28 =	simm.s32 $0xDC00;
	s29 =	simm.s32 $0xE400  }
0x6: {  	s30 =	simm.s32 $0xEC00;
	s31 =	simm.s32 $0xF400;
	s14 =	simm.s32 $0x4  }
0x7: {  	[smem:$0x7FF] =	sst s4;
	s3 =	sand.u32 $0x1, s3;
	s5 =	sshll.u32 s9, $0x1  }
0x8: {  	s22 =	sshll.u32 s9, $0xB;
	s9 =	simm.s32 $0x5;
	_ =	strace $0x80000047  }
0x9: {  	s6 =	sor.u32 s3, s5;
	s7 =	ssub.s32 $0x2, s3;
	s3 =	sshll.u32 s3, $0xA  }
0xa: {  	s5 =	sshll.u32 s6, $0xA;
	s8 =	sshrl.u32 s7, $0x1;
	s6 =	sshll.u32 s6, $0x7  }
0xb: {  	s2 =	sadd.s32 s5, s2;
	s8 =	ssub.s32 s7, s8;
	s0 =	sadd.s32 s0, s6  }
0xc: {  	v0 =	vimm.f32 $0.0e+00;
	vm0 =	vmmov $0x1;
	vm1 =	vmmov $0xffff;
	s7 =	sadd.s32 $0x100, s1;
	[dreg:$0x5] =	wrdreg s0;
	s2 =	sadd.s32 $0xA00, s2  }
0xd: {  	vm4 =	vcmask $0xB10;
	vm5 =	vcmask $0xF14;
	vm6 =	vcmask $0x1318;
	s23 =	smax.u32 s8, $0x1;
	s0 =	sor.u32 s22, s3;
	[dreg:$0x6] =	wrdreg s2  }
.Ltmp0:
0xe: {  	vm7 =	vcmask $0x171C;
	vm8 =	vcmask $0x1B20;
	vm9 =	vcmask $0x1F24;
	[dreg:$0x7] =	wrdreg s23;
	s24 =	ssub.s32 $0x0, s0;
	(pc) =	sbr.rel .LBB2_1-.Ltmp0, $4  }
0xf: {  	vm10 =	vcmask $0x2328;
	vm11 =	vcmask $0x272C;
	vm12 =	vcmask $0x2B30;
	s3 =	simm.s32 $0x2;
	s25 =	sxor.u32 $0xFFFFFFE0, s0;
	[dreg:$0x8] =	wrdreg s24  }
0x10: {  	vm13 =	vcmask $0x2F34;
	vm14 =	vcmask $0x3338;
	v3 =	vlaneseq.u32;
	s8 =	simm.s32 $0x0;
	s26 =	sxor.u32 $0xFFFFFFC0, s0;
	[dreg:$0x9] =	wrdreg s25  }
0x11: {  	vm15 =	vcmask $0x373C;
	vm2 =	vmmov $0x7fff;
	v2 =	vshrl.u32 v3, $0x3;
	s0 =	sxor.u32 $0xFFFFFFA0, s0;
	s2 =	simm.s32 $0x3;
	[dreg:$0xa] =	wrdreg s26  }
0x12: {  	v1 =	vand.u32 $0x7, v3;
	v3 =	vor.u32 $0x8, v3;
	v2 =	vmul.u32 $0x8, v2;
	[dreg:$0xb] =	wrdreg s0;
	s26 =	simm.s32 $0xD400;
	s0 =	simm.s32 $0xFC00  }
.LBB2_30:
0x13: {  	s6 =	rddreg [dreg:$0x6];
	s8 =	simm.s32 $0x10400;
	s9 =	simm.s32 $0x5  }
0x14: {  	[hbm4b:s6+s4] =	stream.linear.scatter [tilespmem:s8], [sflag:$0x5], $0x2000, $0x38;
	[tilespmem:$0x12480] =	vst v63  }
0x15: {  	_ =	swait.ge [sflag:s9], $0x2000  }
0x16: {  	s24 =	rddreg [dreg:$0xc]  }
0x17: {  	s25 =	rddreg [dreg:$0x7];
	s8 =	sadd.s32 $0x1, s24  }
0x18: {  	p0 =	sne.s32 s8, s25  }
.Ltmp1:
0x19: {  	_ = 	snop;
	(pc) =	sbr.rel @!p0 .LBB2_31-.Ltmp1, $3  }
0x1a: {  	_ =	sdelay $0x1  }
0x1b: {  	[sflag:s9] =	ssyncset.done $0x0  }
0x1c: {  	[sflag:s9] =	ssyncadd.s32 $0xFFFFE000  }
.LBB2_1:
0x1d: {  	[dreg:$0xc] =	wrdreg s8  }
0x1e: {  	s6 =	rddreg [dreg:$0x5]  }
0x1f: {  	[tilespmem:s4], [sflag:$0x1] =	stream.linear.gather [hbm4b:s6+s4], $0x400, $0x38;
	[tilespmem:$0x12480] =	vst v63  }
0x20: {  	s21 =	rddreg [dreg:$0x2];
	s22 =	simm.s32 $0x12400  }
0x21: {  	[tilespmem:s22], [sflag:$0x5] =	stream.linear.gather [hbm4b:s21+s4], $0x80, $0x38;
	[tilespmem:$0x12480] =	vst v63  }
0x22: {  	_ =	swait.ge [sflag:s9], $0x80  }
0x23: {  	s23 =	sand.u32 $0x1000, s4;
	s24 =	sand.u32 $0x380, s4;
	[sflag:s9] =	ssyncset.done $0x0  }
0x24: {  	s6 =	sor.u32 s24, s23;
	[sflag:s9] =	ssyncadd.s32 $0xFFFFFF80  }
0x25: {  	[tilespmem:s6+$0x11070] =	vst v0  }
0x26: {  	[tilespmem:s6+$0x10400] =	vst v0  }
0x27: {  	[tilespmem:s6+$0x10410] =	vst v0  }
0x28: {  	[tilespmem:s6+$0x10420] =	vst v0  }
0x29: {  	[tilespmem:s6+$0x10430] =	vst v0  }
0x2a: {  	[tilespmem:s6+$0x10440] =	vst v0  }
0x2b: {  	[tilespmem:s6+$0x10450] =	vst v0  }
0x2c: {  	[tilespmem:s6+$0x10460] =	vst v0  }
0x2d: {  	[tilespmem:s6+$0x10470] =	vst v0  }
0x2e: {  	[tilespmem:s6+$0x10800] =	vst v0  }
0x2f: {  	[tilespmem:s6+$0x10810] =	vst v0  }
0x30: {  	[tilespmem:s6+$0x10820] =	vst v0  }
0x31: {  	[tilespmem:s6+$0x10830] =	vst v0  }
0x32: {  	[tilespmem:s6+$0x10840] =	vst v0  }
0x33: {  	[tilespmem:s6+$0x10850] =	vst v0  }
0x34: {  	[tilespmem:s6+$0x10860] =	vst v0  }
0x35: {  	[tilespmem:s6+$0x10870] =	vst v0  }
0x36: {  	[tilespmem:s6+$0x10C00] =	vst v0  }
0x37: {  	[tilespmem:s6+$0x10C10] =	vst v0  }
0x38: {  	[tilespmem:s6+$0x10C20] =	vst v0  }
0x39: {  	[tilespmem:s6+$0x10C30] =	vst v0  }
0x3a: {  	[tilespmem:s6+$0x10C40] =	vst v0  }
0x3b: {  	[tilespmem:s6+$0x10C50] =	vst v0  }
0x3c: {  	[tilespmem:s6+$0x10C60] =	vst v0  }
0x3d: {  	[tilespmem:s6+$0x10C70] =	vst v0  }
0x3e: {  	[tilespmem:s6+$0x11000] =	vst v0  }
0x3f: {  	[tilespmem:s6+$0x11010] =	vst v0  }
0x40: {  	[tilespmem:s6+$0x11020] =	vst v0  }
0x41: {  	[tilespmem:s6+$0x11030] =	vst v0  }
0x42: {  	s25 =	simm.s32 $0x200;
	s8 =	simm.s32 $0x80;
	[tilespmem:s6+$0x11040] =	vst v0  }
0x43: {  	s10 =	sand.u32 $0x1000, s25;
	s11 =	sand.u32 $0x380, s8;
	s9 =	simm.s32 $0x400;
	[tilespmem:s6+$0x11050] =	vst v0  }
.LBB2_2:
0x44: {  	p0 =	sne.s32 s9, $0x1E00;
	[tilespmem:s6+$0x11060] =	vst v0;
	s6 =	sor.u32 s11, s10  }
0x45: {  	[tilespmem:s6+$0x11070] =	vst v0  }
0x46: {  	[tilespmem:s6+$0x10400] =	vst v0  }
0x47: {  	[tilespmem:s6+$0x10410] =	vst v0  }
0x48: {  	[tilespmem:s6+$0x10420] =	vst v0  }
0x49: {  	[tilespmem:s6+$0x10430] =	vst v0  }
0x4a: {  	[tilespmem:s6+$0x10440] =	vst v0  }
0x4b: {  	[tilespmem:s6+$0x10450] =	vst v0  }
0x4c: {  	[tilespmem:s6+$0x10460] =	vst v0  }
0x4d: {  	[tilespmem:s6+$0x10470] =	vst v0  }
0x4e: {  	[tilespmem:s6+$0x10800] =	vst v0  }
0x4f: {  	[tilespmem:s6+$0x10810] =	vst v0  }
0x50: {  	[tilespmem:s6+$0x10820] =	vst v0  }
0x51: {  	[tilespmem:s6+$0x10830] =	vst v0  }
0x52: {  	[tilespmem:s6+$0x10840] =	vst v0  }
0x53: {  	[tilespmem:s6+$0x10850] =	vst v0  }
0x54: {  	[tilespmem:s6+$0x10860] =	vst v0  }
0x55: {  	[tilespmem:s6+$0x10870] =	vst v0  }
0x56: {  	[tilespmem:s6+$0x10C00] =	vst v0  }
0x57: {  	[tilespmem:s6+$0x10C10] =	vst v0  }
0x58: {  	[tilespmem:s6+$0x10C20] =	vst v0  }
0x59: {  	[tilespmem:s6+$0x10C30] =	vst v0  }
0x5a: {  	[tilespmem:s6+$0x10C40] =	vst v0  }
0x5b: {  	[tilespmem:s6+$0x10C50] =	vst v0  }
0x5c: {  	[tilespmem:s6+$0x10C60] =	vst v0  }
0x5d: {  	[tilespmem:s6+$0x10C70] =	vst v0  }
0x5e: {  	[tilespmem:s6+$0x11000] =	vst v0  }
.Ltmp2:
0x5f: {  	[tilespmem:s6+$0x11010] =	vst v0;
	(pc) =	sbr.rel @p0 .LBB2_2-.Ltmp2, $4  }
0x60: {  	[tilespmem:s6+$0x11020] =	vst v0  }
0x61: {  	[tilespmem:s6+$0x11030] =	vst v0  }
0x62: {  	s8 =	sadd.s32 $0x80, s8;
	[tilespmem:s6+$0x11040] =	vst v0  }
0x63: {  	s10 =	sand.u32 $0x1000, s9;
	s9 =	sadd.s32 $0x200, s9;
	s11 =	sand.u32 $0x380, s8;
	[tilespmem:s6+$0x11050] =	vst v0  }
0x64: {  	s8 =	sor.u32 s11, s10;
	[tilespmem:s6+$0x11060] =	vst v0  }
0x65: {  	[tilespmem:s8+$0x11070] =	vst v0  }
0x66: {  	[tilespmem:s8+$0x10400] =	vst v0  }
0x67: {  	[tilespmem:s8+$0x10410] =	vst v0  }
0x68: {  	[tilespmem:s8+$0x10420] =	vst v0  }
0x69: {  	[tilespmem:s8+$0x10430] =	vst v0  }
0x6a: {  	[tilespmem:s8+$0x10440] =	vst v0  }
0x6b: {  	[tilespmem:s8+$0x10450] =	vst v0  }
0x6c: {  	[tilespmem:s8+$0x10460] =	vst v0  }
0x6d: {  	[tilespmem:s8+$0x10470] =	vst v0  }
0x6e: {  	[tilespmem:s8+$0x10800] =	vst v0  }
0x6f: {  	[tilespmem:s8+$0x10810] =	vst v0  }
0x70: {  	[tilespmem:s8+$0x10820] =	vst v0  }
0x71: {  	[tilespmem:s8+$0x10830] =	vst v0  }
0x72: {  	[tilespmem:s8+$0x10840] =	vst v0  }
0x73: {  	[tilespmem:s8+$0x10850] =	vst v0  }
0x74: {  	[tilespmem:s8+$0x10860] =	vst v0  }
0x75: {  	[tilespmem:s8+$0x10870] =	vst v0  }
0x76: {  	[tilespmem:s8+$0x10C00] =	vst v0  }
0x77: {  	[tilespmem:s8+$0x10C10] =	vst v0  }
0x78: {  	[tilespmem:s8+$0x10C20] =	vst v0  }
0x79: {  	[tilespmem:s8+$0x10C30] =	vst v0  }
0x7a: {  	[tilespmem:s8+$0x10C40] =	vst v0  }
0x7b: {  	[tilespmem:s8+$0x10C50] =	vst v0  }
0x7c: {  	[tilespmem:s8+$0x10C60] =	vst v0  }
0x7d: {  	[tilespmem:s8+$0x10C70] =	vst v0  }
0x7e: {  	[tilespmem:s8+$0x11000] =	vst v0  }
0x7f: {  	[tilespmem:s8+$0x11010] =	vst v0  }
0x80: {  	[tilespmem:s8+$0x11020] =	vst v0  }
0x81: {  	[tilespmem:s8+$0x11030] =	vst v0  }
0x82: {  	[tilespmem:s8+$0x11040] =	vst v0  }
0x83: {  	[tilespmem:s8+$0x11050] =	vst v0  }
0x84: {  	[tilespmem:s8+$0x11060] =	vst v0  }
0x85: {  	v4 =	vld [tilespmem:$0x12400];
	_ =	sdelay $0x4  }
0x86: {  	vm3 =	vcmask $0x308;
	v5 =	vnsel vm0, $0x0, v4  }
0x87: {  	v6 =	vsel vm3, $0x0, v4;
	vm3 =	vcmask $0x70C;
	v5 =	vxor.u32 $0x80000000, v5  }
0x88: {  	v43 =	vsel vm3, $0x0, v4;
	(xrf0) =	vmax.scan.msk.u32 $0xffff, v5;
	v5 =	vxor.u32 $0x80000000, v6  }
0x89: {  	v44 =	vsel vm4, $0x0, v4;
	(xrf0) =	vmax.scan.msk.u32 $0xffff, v5;
	v5 =	vxor.u32 $0x80000000, v43  }
0x8a: {  	v45 =	vsel vm5, $0x0, v4;
	(xrf0) =	vmax.scan.msk.u32 $0xffff, v5;
	v5 =	vxor.u32 $0x80000000, v44  }
0x8b: {  	v46 =	vsel vm6, $0x0, v4;
	(xrf0) =	vmax.scan.msk.u32 $0xffff, v5;
	v5 =	vxor.u32 $0x80000000, v45  }
0x8c: {  	v47 =	vsel vm7, $0x0, v4;
	(xrf0) =	vmax.scan.msk.u32 $0xffff, v5;
	v5 =	vxor.u32 $0x80000000, v46  }
0x8d: {  	v48 =	vsel vm8, $0x0, v4;
	(xrf0) =	vmax.scan.msk.u32 $0xffff, v5;
	v5 =	vxor.u32 $0x80000000, v47  }
0x8e: {  	v49 =	vsel vm9, $0x0, v4;
	v7, _, _ =	vpop (xrf0);
	(xrf0) =	vmax.scan.msk.u32 $0xffff, v5;
	v5 =	vxor.u32 $0x80000000, v48  }
0x8f: {  	v51 =	vsel vm10, $0x0, v4;
	v50, _, _ =	vpop (xrf0);
	(xrf0) =	vmax.scan.msk.u32 $0xffff, v5;
	v5 =	vxor.u32 $0x80000000, v49  }
0x90: {  	v53 =	vsel vm11, $0x0, v4;
	(v2sf) =	vpush v7, $0xF;
	v52, _, _ =	vpop (xrf0);
	(xrf0) =	vmax.scan.msk.u32 $0xffff, v5;
	v5 =	vxor.u32 $0x80000000, v51  }
0x91: {  	v55 =	vsel vm12, $0x0, v4;
	(v2sf) =	vpush v50, $0xF;
	v54, _, _ =	vpop (xrf0);
	(xrf0) =	vmax.scan.msk.u32 $0xffff, v5;
	v5 =	vxor.u32 $0x80000000, v53  }
0x92: {  	v57 =	vsel vm13, $0x0, v4;
	(v2sf) =	vpush v52, $0xF;
	v56, _, _ =	vpop (xrf0);
	(xrf0) =	vmax.scan.msk.u32 $0xffff, v5;
	v5 =	vxor.u32 $0x80000000, v55  }
0x93: {  	v59 =	vsel vm14, $0x0, v4;
	(v2sf) =	vpush v54, $0xF;
	v58, _, _ =	vpop (xrf0);
	(xrf0) =	vmax.scan.msk.u32 $0xffff, v5;
	v5 =	vxor.u32 $0x80000000, v57  }
0x94: {  	v61 =	vsel vm15, $0x0, v4;
	(v2sf) =	vpush v56, $0xF;
	v60, _, _ =	vpop (xrf0);
	(xrf0) =	vmax.scan.msk.u32 $0xffff, v5;
	v5 =	vxor.u32 $0x80000000, v59  }
0x95: {  	v4 =	vsel vm2, $0x0, v4;
	(v2sf) =	vpush v58, $0xF;
	v62, _, _ =	vpop (xrf0);
	(xrf0) =	vmax.scan.msk.u32 $0xffff, v5;
	v5 =	vxor.u32 $0x80000000, v61  }
0x96: {  	v4 =	vxor.u32 $0x80000000, v4;
	(v2sf) =	vpush v60, $0xF  }
0x97: {  	(v2sf) =	vpush v62, $0xF;
	v63, _, _ =	vpop (xrf0);
	(xrf0) =	vmax.scan.msk.u32 $0xffff, v5  }
0x98: {  	(v2sf) =	vpush v63, $0xF;
	v5, _, _ =	vpop (xrf0);
	(xrf0) =	vmax.scan.msk.u32 $0xffff, v4  }
0x99: {  	v4, _, _ =	vpop (xrf0);
	(v2sf) =	vpush v5, $0xF  }
0x9a: {  	v5, _, _ =	vpop (xrf0);
	(v2sf) =	vpush v4, $0xF  }
0x9b: {  	v4, _, _ =	vpop (xrf0);
	(v2sf) =	vpush v5, $0xF  }
0x9c: {  	v5, _, _ =	vpop (xrf0);
	(v2sf) =	vpush v4, $0xF  }
0x9d: {  	v4, _, _ =	vpop (xrf0);
	(v2sf) =	vpush v5, $0xF  }
0x9e: {  	(v2sf) =	vpush v4, $0xF;
	v4, _, _ =	vpop (xrf0)  }
0x9f: {  	s12 =	spop (v2sf);
	(v2sf) =	vpush v4, $0xF  }
0xa0: {  	s13 =	spop (v2sf);
	s6 =	sxor.u32 $0x80000000, s12  }
0xa1: {  	s9 =	spop (v2sf);
	[smem:$0x0] =	sst s6;
	s15 =	sxor.u32 $0x80000000, s13  }
0xa2: {  	s16 =	spop (v2sf);
	[smem:$0x1] =	sst s15;
	s18 =	sxor.u32 $0x80000000, s9  }
0xa3: {  	s19 =	spop (v2sf);
	[smem:$0x2] =	sst s18;
	s20 =	sxor.u32 $0x80000000, s16  }
0xa4: {  	s21 =	spop (v2sf);
	[smem:$0x3] =	sst s20;
	s22 =	sxor.u32 $0x80000000, s19  }
0xa5: {  	s23 =	spop (v2sf);
	[smem:$0x4] =	sst s22;
	s24 =	sxor.u32 $0x80000000, s21  }
0xa6: {  	s25 =	spop (v2sf);
	[smem:$0x5] =	sst s24;
	s9 =	sxor.u32 $0x80000000, s23  }
0xa7: {  	s10 =	spop (v2sf);
	[smem:$0x6] =	sst s9;
	s11 =	sxor.u32 $0x80000000, s25  }
0xa8: {  	[smem:$0x7] =	sst s11;
	s13 =	sxor.u32 $0x80000000, s10;
	s12 =	spop (v2sf)  }
0xa9: {  	[smem:$0x8] =	sst s13;
	s15 =	spop (v2sf);
	s16 =	sxor.u32 $0x80000000, s12  }
0xaa: {  	s18 =	spop (v2sf);
	[smem:$0x9] =	sst s16;
	s19 =	sxor.u32 $0x80000000, s15  }
0xab: {  	s20 =	spop (v2sf);
	[smem:$0xA] =	sst s19;
	s21 =	sxor.u32 $0x80000000, s18  }
0xac: {  	s22 =	spop (v2sf);
	[smem:$0xB] =	sst s21;
	s23 =	sxor.u32 $0x80000000, s20  }
0xad: {  	s24 =	spop (v2sf);
	[smem:$0xC] =	sst s23;
	s25 =	sxor.u32 $0x80000000, s22  }
0xae: {  	[smem:$0xD] =	sst s25;
	s8 =	sxor.u32 $0x80000000, s24;
	s9 =	spop (v2sf)  }
0xaf: {  	[smem:$0xE] =	sst s8;
	s10 =	sxor.u32 $0x80000000, s9  }
0xb0: {  	s11 =	simm.s32 $0x8000;
	[smem:$0xF] =	sst s10  }
0xb1: {  	[smem:$0x10] =	sst s11  }
0xb2: {  	_ =	swait.ge [sflag:s17], $0x400  }
0xb3: {  	[sflag:s17] =	ssyncset.done $0x0  }
0xb4: {  	[sflag:s17] =	ssyncadd.s32 $0xFFFFFC00  }
0xb5: {  	v4 =	vld [tilespmem:$0x0];
	_ =	sdelay $0x4  }
0xb6: {  	v5 =	vshll.u32 v4, $0x2  }
0xb7: {  	v4 =	vand.u32 $0x7, v4;
	v5 =	vand.u32 $0xFFFFFFE0, v5  }
0xb8: {  	v4 =	vor.u32 v4, v5  }
0xb9: {  	v5 =	vperm.xlane v4, v1;
	_ =	sdelay $0x1  }
0xba: {  	v5 =	vadd.s32 v2, v5;
	_ =	sdelay $0x1  }
0xbb: {  	v4 =	vperm.xlane v4, v3;
	_ =	sdelay $0x1  }
0xbc: {  	s12 =	simm.s32 $0x400;
	s19 =	simm.s32 $0x0;
	v4 =	vadd.s32 v2, v4  }
0xbd: {  	[tilespmem:s12], [sflag:$0x1] =	stream.indirect_vreg.gather [hbm4b:s1+s19], $0x80, v5, vm1, $0xb8;
	[tilespmem:$0x12480] =	vst v63  }
0xbe: {  	s13 =	simm.s32 $0xC00  }
0xbf: {  	[tilespmem:s13], [sflag:$0x1] =	stream.indirect_vreg.gather [hbm4b:s7+s19], $0x80, v5, vm1, $0xb8;
	[tilespmem:$0x12480] =	vst v63  }
0xc0: {  	s15 =	simm.s32 $0x1400  }
0xc1: {  	[tilespmem:s15], [sflag:$0x1] =	stream.indirect_vreg.gather [hbm4b:s1+s19], $0x80, v4, vm1, $0xb8;
	[tilespmem:$0x12480] =	vst v63  }
0xc2: {  	s16 =	simm.s32 $0x1C00  }
0xc3: {  	[tilespmem:s16], [sflag:$0x1] =	stream.indirect_vreg.gather [hbm4b:s7+s19], $0x80, v4, vm1, $0xb8;
	[tilespmem:$0x12480] =	vst v63  }
0xc4: {  	v4 =	vld [tilespmem:$0x10];
	_ =	sdelay $0x4  }
0xc5: {  	v5 =	vshll.u32 v4, $0x2  }
0xc6: {  	v4 =	vand.u32 $0x7, v4;
	v5 =	vand.u32 $0xFFFFFFE0, v5  }
0xc7: {  	v4 =	vor.u32 v4, v5  }
0xc8: {  	v5 =	vperm.xlane v4, v1;
	_ =	sdelay $0x1  }
0xc9: {  	v5 =	vadd.s32 v2, v5;
	_ =	sdelay $0x1  }
0xca: {  	v4 =	vperm.xlane v4, v3;
	_ =	sdelay $0x1  }
0xcb: {  	s18 =	simm.s32 $0x2400;
	v4 =	vadd.s32 v2, v4  }
0xcc: {  	[tilespmem:s18], [sflag:$0x1] =	stream.indirect_vreg.gather [hbm4b:s1+s19], $0x80, v5, vm1, $0xb8;
	[tilespmem:$0x12480] =	vst v63  }
0xcd: {  	s20 =	simm.s32 $0x2C00  }
0xce: {  	[tilespmem:s20], [sflag:$0x1] =	stream.indirect_vreg.gather [hbm4b:s7+s19], $0x80, v5, vm1, $0xb8;
	[tilespmem:$0x12480] =	vst v63  }
0xcf: {  	s21 =	simm.s32 $0x3400  }
0xd0: {  	[tilespmem:s21], [sflag:$0x1] =	stream.indirect_vreg.gather [hbm4b:s1+s19], $0x80, v4, vm1, $0xb8;
	[tilespmem:$0x12480] =	vst v63  }
0xd1: {  	s22 =	simm.s32 $0x3C00  }
0xd2: {  	[tilespmem:s22], [sflag:$0x1] =	stream.indirect_vreg.gather [hbm4b:s7+s19], $0x80, v4, vm1, $0xb8;
	[tilespmem:$0x12480] =	vst v63  }
0xd3: {  	v4 =	vld [tilespmem:$0x20];
	_ =	sdelay $0x4  }
0xd4: {  	v5 =	vshll.u32 v4, $0x2  }
0xd5: {  	v4 =	vand.u32 $0x7, v4;
	v5 =	vand.u32 $0xFFFFFFE0, v5  }
0xd6: {  	v4 =	vor.u32 v4, v5  }
0xd7: {  	v5 =	vperm.xlane v4, v1;
	_ =	sdelay $0x1  }
0xd8: {  	v5 =	vadd.s32 v2, v5;
	_ =	sdelay $0x1  }
0xd9: {  	v4 =	vperm.xlane v4, v3;
	_ =	sdelay $0x1  }
0xda: {  	s23 =	simm.s32 $0x4400;
	v4 =	vadd.s32 v2, v4  }
0xdb: {  	[tilespmem:s23], [sflag:$0x2] =	stream.indirect_vreg.gather [hbm4b:s1+s19], $0x80, v5, vm1, $0xb8;
	[tilespmem:$0x12480] =	vst v63  }
0xdc: {  	s24 =	simm.s32 $0x4C00  }
0xdd: {  	[tilespmem:s24], [sflag:$0x2] =	stream.indirect_vreg.gather [hbm4b:s7+s19], $0x80, v5, vm1, $0xb8;
	[tilespmem:$0x12480] =	vst v63  }
0xde: {  	s25 =	simm.s32 $0x5400  }
0xdf: {  	[tilespmem:s25], [sflag:$0x2] =	stream.indirect_vreg.gather [hbm4b:s1+s19], $0x80, v4, vm1, $0xb8;
	[tilespmem:$0x12480] =	vst v63  }
0xe0: {  	s8 =	simm.s32 $0x5C00  }
0xe1: {  	[tilespmem:s8], [sflag:$0x2] =	stream.indirect_vreg.gather [hbm4b:s7+s19], $0x80, v4, vm1, $0xb8;
	[tilespmem:$0x12480] =	vst v63  }
0xe2: {  	v4 =	vld [tilespmem:$0x30];
	_ =	sdelay $0x4  }
0xe3: {  	v5 =	vshll.u32 v4, $0x2  }
0xe4: {  	v4 =	vand.u32 $0x7, v4;
	v5 =	vand.u32 $0xFFFFFFE0, v5  }
0xe5: {  	v4 =	vor.u32 v4, v5  }
0xe6: {  	v5 =	vperm.xlane v4, v1;
	_ =	sdelay $0x1  }
0xe7: {  	v5 =	vadd.s32 v2, v5;
	_ =	sdelay $0x1  }
0xe8: {  	v4 =	vperm.xlane v4, v3;
	_ =	sdelay $0x1  }
0xe9: {  	s9 =	simm.s32 $0x6400;
	v4 =	vadd.s32 v2, v4  }
0xea: {  	[tilespmem:s9], [sflag:$0x2] =	stream.indirect_vreg.gather [hbm4b:s1+s19], $0x80, v5, vm1, $0xb8;
	[tilespmem:$0x12480] =	vst v63  }
0xeb: {  	s10 =	simm.s32 $0x6C00  }
0xec: {  	[tilespmem:s10], [sflag:$0x2] =	stream.indirect_vreg.gather [hbm4b:s7+s19], $0x80, v5, vm1, $0xb8;
	[tilespmem:$0x12480] =	vst v63  }
0xed: {  	s11 =	simm.s32 $0x7400  }
0xee: {  	[tilespmem:s11], [sflag:$0x2] =	stream.indirect_vreg.gather [hbm4b:s1+s19], $0x80, v4, vm1, $0xb8;
	[tilespmem:$0x12480] =	vst v63  }
0xef: {  	s12 =	simm.s32 $0x7C00  }
0xf0: {  	[tilespmem:s12], [sflag:$0x2] =	stream.indirect_vreg.gather [hbm4b:s7+s19], $0x80, v4, vm1, $0xb8;
	[tilespmem:$0x12480] =	vst v63  }
0xf1: {  	v4 =	vld [tilespmem:$0x40];
	_ =	sdelay $0x4  }
0xf2: {  	v5 =	vshll.u32 v4, $0x2  }
0xf3: {  	v4 =	vand.u32 $0x7, v4;
	v5 =	vand.u32 $0xFFFFFFE0, v5  }
0xf4: {  	v4 =	vor.u32 v4, v5  }
0xf5: {  	v5 =	vperm.xlane v4, v1;
	_ =	sdelay $0x1  }
0xf6: {  	v5 =	vadd.s32 v2, v5;
	_ =	sdelay $0x1  }
0xf7: {  	v4 =	vperm.xlane v4, v3;
	_ =	sdelay $0x1  }
0xf8: {  	s13 =	simm.s32 $0x8400;
	v4 =	vadd.s32 v2, v4  }
0xf9: {  	[tilespmem:s13], [sflag:$0x3] =	stream.indirect_vreg.gather [hbm4b:s1+s19], $0x80, v5, vm1, $0xb8;
	[tilespmem:$0x12480] =	vst v63  }
0xfa: {  	s15 =	simm.s32 $0x8C00  }
0xfb: {  	[tilespmem:s15], [sflag:$0x3] =	stream.indirect_vreg.gather [hbm4b:s7+s19], $0x80, v5, vm1, $0xb8;
	[tilespmem:$0x12480] =	vst v63  }
0xfc: {  	s16 =	simm.s32 $0x9400  }
0xfd: {  	[tilespmem:s16], [sflag:$0x3] =	stream.indirect_vreg.gather [hbm4b:s1+s19], $0x80, v4, vm1, $0xb8;
	[tilespmem:$0x12480] =	vst v63  }
0xfe: {  	s18 =	simm.s32 $0x9C00  }
0xff: {  	[tilespmem:s18], [sflag:$0x3] =	stream.indirect_vreg.gather [hbm4b:s7+s19], $0x80, v4, vm1, $0xb8;
	[tilespmem:$0x12480] =	vst v63  }
0x100: {  	v4 =	vld [tilespmem:$0x50];
	_ =	sdelay $0x4  }
0x101: {  	v5 =	vshll.u32 v4, $0x2  }
0x102: {  	v4 =	vand.u32 $0x7, v4;
	v5 =	vand.u32 $0xFFFFFFE0, v5  }
0x103: {  	v4 =	vor.u32 v4, v5  }
0x104: {  	v5 =	vperm.xlane v4, v1;
	_ =	sdelay $0x1  }
0x105: {  	v5 =	vadd.s32 v2, v5;
	_ =	sdelay $0x1  }
0x106: {  	v4 =	vperm.xlane v4, v3;
	_ =	sdelay $0x1  }
0x107: {  	s20 =	simm.s32 $0xA400;
	v4 =	vadd.s32 v2, v4  }
0x108: {  	[tilespmem:s20], [sflag:$0x3] =	stream.indirect_vreg.gather [hbm4b:s1+s19], $0x80, v5, vm1, $0xb8;
	[tilespmem:$0x12480] =	vst v63  }
0x109: {  	s21 =	simm.s32 $0xAC00  }
0x10a: {  	[tilespmem:s21], [sflag:$0x3] =	stream.indirect_vreg.gather [hbm4b:s7+s19], $0x80, v5, vm1, $0xb8;
	[tilespmem:$0x12480] =	vst v63  }
0x10b: {  	s22 =	simm.s32 $0xB400  }
0x10c: {  	[tilespmem:s22], [sflag:$0x3] =	stream.indirect_vreg.gather [hbm4b:s1+s19], $0x80, v4, vm1, $0xb8;
	[tilespmem:$0x12480] =	vst v63  }
0x10d: {  	s23 =	simm.s32 $0xBC00  }
0x10e: {  	[tilespmem:s23], [sflag:$0x3] =	stream.indirect_vreg.gather [hbm4b:s7+s19], $0x80, v4, vm1, $0xb8;
	[tilespmem:$0x12480] =	vst v63  }
0x10f: {  	v4 =	vld [tilespmem:$0x60];
	_ =	sdelay $0x4  }
0x110: {  	v5 =	vshll.u32 v4, $0x2  }
0x111: {  	v4 =	vand.u32 $0x7, v4;
	v5 =	vand.u32 $0xFFFFFFE0, v5  }
0x112: {  	v4 =	vor.u32 v4, v5  }
0x113: {  	v5 =	vperm.xlane v4, v1;
	_ =	sdelay $0x1  }
0x114: {  	v5 =	vadd.s32 v2, v5;
	_ =	sdelay $0x1  }
0x115: {  	v4 =	vperm.xlane v4, v3;
	_ =	sdelay $0x1  }
0x116: {  	s24 =	simm.s32 $0xC400;
	v4 =	vadd.s32 v2, v4  }
0x117: {  	[tilespmem:s24], [sflag:$0x4] =	stream.indirect_vreg.gather [hbm4b:s1+s19], $0x80, v5, vm1, $0xb8;
	[tilespmem:$0x12480] =	vst v63  }
0x118: {  	s25 =	simm.s32 $0xCC00  }
0x119: {  	[tilespmem:s25], [sflag:$0x4] =	stream.indirect_vreg.gather [hbm4b:s7+s19], $0x80, v5, vm1, $0xb8;
	[tilespmem:$0x12480] =	vst v63  }
0x11a: {  	_ = 	snop  }
0x11b: {  	[tilespmem:s26], [sflag:$0x4] =	stream.indirect_vreg.gather [hbm4b:s1+s19], $0x80, v4, vm1, $0xb8;
	[tilespmem:$0x12480] =	vst v63  }
0x11c: {  	_ = 	snop  }
0x11d: {  	[tilespmem:s28], [sflag:$0x4] =	stream.indirect_vreg.gather [hbm4b:s7+s19], $0x80, v4, vm1, $0xb8;
	[tilespmem:$0x12480] =	vst v63  }
0x11e: {  	v4 =	vld [tilespmem:$0x70];
	_ =	sdelay $0x4  }
0x11f: {  	v5 =	vshll.u32 v4, $0x2  }
0x120: {  	v4 =	vand.u32 $0x7, v4;
	v5 =	vand.u32 $0xFFFFFFE0, v5  }
0x121: {  	v4 =	vor.u32 v4, v5  }
0x122: {  	v5 =	vperm.xlane v4, v1;
	_ =	sdelay $0x1  }
0x123: {  	v5 =	vadd.s32 v2, v5;
	_ =	sdelay $0x1  }
0x124: {  	v4 =	vperm.xlane v4, v3;
	_ =	sdelay $0x1  }
0x125: {  	s10 =	rddreg [dreg:$0x8];
	v4 =	vadd.s32 v2, v4  }
0x126: {  	[tilespmem:s29], [sflag:$0x4] =	stream.indirect_vreg.gather [hbm4b:s1+s19], $0x80, v5, vm1, $0xb8;
	[tilespmem:$0x12480] =	vst v63  }
0x127: {  	s11 =	rddreg [dreg:$0x9]  }
0x128: {  	[tilespmem:s30], [sflag:$0x4] =	stream.indirect_vreg.gather [hbm4b:s7+s19], $0x80, v5, vm1, $0xb8;
	[tilespmem:$0x12480] =	vst v63  }
0x129: {  	s12 =	rddreg [dreg:$0xa]  }
0x12a: {  	[tilespmem:s31], [sflag:$0x4] =	stream.indirect_vreg.gather [hbm4b:s1+s19], $0x80, v4, vm1, $0xb8;
	[tilespmem:$0x12480] =	vst v63  }
0x12b: {  	s13 =	rddreg [dreg:$0xb]  }
0x12c: {  	[tilespmem:s0], [sflag:$0x4] =	stream.indirect_vreg.gather [hbm4b:s7+s19], $0x80, v4, vm1, $0xb8;
	[tilespmem:$0x12480] =	vst v63  }
.LBB2_4:
.Ltmp3:
0x12d: {  	(pc) =	sbr.rel .LBB2_5-.Ltmp3, $4  }
0x12e: {  	_ = 	snop  }
0x12f: {  	_ =	swait.ge [sflag:s17], $0x4000  }
0x130: {  	s16 =	sshll.u32 s19, $0x7;
	[sflag:s17] =	ssyncset.done $0x0  }
0x131: {  	s8 =	simm.s32 $0x0;
	s6 =	sor.u32 s5, s16;
	[sflag:s17] =	ssyncadd.s32 $0xFFFFC000  }
.LBB2_8:
0x132: {  	s9 =	sshll.u32 s8, $0x9;
	s15 =	sshll.u32 s8, $0x7  }
0x133: {  	v41 =	vld [tilespmem:s22+$0x1050];
	s9 =	sand.u32 $0x1000, s9;
	s15 =	sand.u32 $0x380, s15  }
0x134: {  	v42 =	vld [tilespmem:s22+$0x1060];
	s9 =	sor.u32 s15, s9  }
0x135: {  	v43 =	vld [tilespmem:s9+$0x10400]  }
0x136: {  	v44 =	vld [tilespmem:s9+$0x10410]  }
0x137: {  	v45 =	vld [tilespmem:s9+$0x10420]  }
0x138: {  	v46 =	vld [tilespmem:s9+$0x10430]  }
0x139: {  	v47 =	vld [tilespmem:s9+$0x10440]  }
0x13a: {  	v57 =	vld [tilespmem:s9+$0x10450];
	v35 =	vadd.f32 v43, v35  }
0x13b: {  	v58 =	vld [tilespmem:s9+$0x10460];
	v34 =	vadd.f32 v44, v34  }
0x13c: {  	v59 =	vld [tilespmem:s9+$0x10470];
	v33 =	vadd.f32 v45, v33;
	[tilespmem:s9+$0x10400] =	vst v35  }
0x13d: {  	v60 =	vld [tilespmem:s9+$0x10800];
	v32 =	vadd.f32 v46, v32;
	[tilespmem:s9+$0x10410] =	vst v34  }
0x13e: {  	v61 =	vld [tilespmem:s9+$0x10810];
	v31 =	vadd.f32 v47, v31;
	[tilespmem:s9+$0x10420] =	vst v33  }
0x13f: {  	v62 =	vld [tilespmem:s9+$0x10820];
	v30 =	vadd.f32 v57, v30;
	[tilespmem:s9+$0x10430] =	vst v32  }
0x140: {  	v63 =	vld [tilespmem:s9+$0x10830];
	v29 =	vadd.f32 v58, v29;
	[tilespmem:s9+$0x10440] =	vst v31  }
0x141: {  	v48 =	vld [tilespmem:s9+$0x10C10];
	v28 =	vadd.f32 v59, v28;
	[tilespmem:s9+$0x10450] =	vst v30  }
0x142: {  	v49 =	vld [tilespmem:s9+$0x10C20];
	v27 =	vadd.f32 v60, v27;
	[tilespmem:s9+$0x10460] =	vst v29  }
0x143: {  	v50 =	vld [tilespmem:s9+$0x10C30];
	v26 =	vadd.f32 v61, v26;
	[tilespmem:s9+$0x10470] =	vst v28  }
0x144: {  	v51 =	vld [tilespmem:s9+$0x10C40];
	v25 =	vadd.f32 v62, v25;
	[tilespmem:s9+$0x10800] =	vst v27  }
0x145: {  	v52 =	vld [tilespmem:s9+$0x10C50];
	v24 =	vadd.f32 v63, v24;
	[tilespmem:s9+$0x10810] =	vst v26  }
0x146: {  	v53 =	vld [tilespmem:s9+$0x10C60];
	v18 =	vadd.f32 v48, v18;
	[tilespmem:s9+$0x10820] =	vst v25  }
0x147: {  	v54 =	vld [tilespmem:s9+$0x10C70];
	v17 =	vadd.f32 v49, v17;
	[tilespmem:s9+$0x10830] =	vst v24  }
0x148: {  	v55 =	vld [tilespmem:s9+$0x11000];
	v16 =	vadd.f32 v50, v16;
	[tilespmem:s9+$0x10C10] =	vst v18  }
0x149: {  	v56 =	vld [tilespmem:s9+$0x11010];
	v15 =	vadd.f32 v51, v15;
	[tilespmem:s9+$0x10C20] =	vst v17  }
0x14a: {  	v43 =	vld [tilespmem:s9+$0x10840];
	v13 =	vadd.f32 v52, v13;
	[tilespmem:s9+$0x10C30] =	vst v16  }
0x14b: {  	v5 =	vadd.f32 v40, v5;
	v44 =	vld [tilespmem:s9+$0x10850];
	v12 =	vadd.f32 v53, v12;
	[tilespmem:s9+$0x10C40] =	vst v15  }
0x14c: {  	v14 =	vadd.f32 v39, v14;
	v45 =	vld [tilespmem:s9+$0x10860];
	v10 =	vadd.f32 v54, v10;
	[tilespmem:s9+$0x10C50] =	vst v13  }
0x14d: {  	v46 =	vld [tilespmem:s9+$0x10870];
	v5 =	vadd.f32 v55, v5;
	[tilespmem:s9+$0x10C60] =	vst v12  }
0x14e: {  	v47 =	vld [tilespmem:s9+$0x10C00];
	v61 =	vadd.f32 v56, v14;
	[tilespmem:s9+$0x10C70] =	vst v10  }
0x14f: {  	v57 =	vld [tilespmem:s9+$0x11020];
	[tilespmem:s9+$0x11000] =	vst v5;
	v23 =	vadd.f32 v43, v23  }
0x150: {  	v58 =	vld [tilespmem:s9+$0x11030];
	[tilespmem:s9+$0x11010] =	vst v61;
	v22 =	vadd.f32 v44, v22  }
0x151: {  	v60 =	vld [tilespmem:s9+$0x11050];
	v21 =	vadd.f32 v45, v21;
	[tilespmem:s9+$0x10840] =	vst v23  }
0x152: {  	v11 =	vadd.f32 v36, v11;
	v59 =	vld [tilespmem:s9+$0x11040];
	v20 =	vadd.f32 v46, v20;
	[tilespmem:s9+$0x10850] =	vst v22  }
0x153: {  	v8 =	vadd.f32 v37, v8;
	v63 =	vld [tilespmem:s9+$0x11070];
	v19 =	vadd.f32 v47, v19;
	[tilespmem:s9+$0x10860] =	vst v21  }
0x154: {  	v7 =	vadd.f32 v41, v7;
	v62 =	vld [tilespmem:s9+$0x11060];
	v5 =	vadd.f32 v57, v11;
	[tilespmem:s9+$0x10870] =	vst v20  }
0x155: {  	v9 =	vadd.f32 v38, v9;
	v8 =	vadd.f32 v58, v8;
	[tilespmem:s9+$0x10C00] =	vst v19  }
0x156: {  	v7 =	vadd.f32 v60, v7;
	[tilespmem:s9+$0x11020] =	vst v5  }
0x157: {  	v6 =	vadd.f32 v42, v6;
	v5 =	vadd.f32 v59, v9;
	[tilespmem:s9+$0x11030] =	vst v8  }
0x158: {  	v4 =	vadd.f32 v63, v4;
	[tilespmem:s9+$0x11050] =	vst v7  }
0x159: {  	[tilespmem:s9+$0x11040] =	vst v5;
	v5 =	vadd.f32 v62, v6  }
0x15a: {  	[tilespmem:s9+$0x11070] =	vst v4  }
0x15b: {  	[tilespmem:s9+$0x11060] =	vst v5  }
.LBB2_9:
0x15c: {  	s8 =	sadd.s32 $0x1, s8  }
0x15d: {  	p0 =	sne.s32 s8, $0x10  }
.Ltmp4:
0x15e: {  	_ = 	snop;
	(pc) =	sbr.rel @!p0 .LBB2_10-.Ltmp4, $1  }
0x15f: {  	_ =	sdelay $0x3  }
.LBB2_5:
0x160: {  	s9 =	sld [smem:s8+$0x1]  }
0x161: {  	s18 =	sld [smem:s8+$0x0];
	_ =	sdelay $0x1  }
0x162: {  	s9 =	ssub.s32 s9, s6  }
0x163: {  	s15 =	ssub.s32 s18, s6;
	p0 =	sgt.s32 s9, $0x0  }
0x164: {  	p1 =	sgt.s32 s15, $0x0;
	s9 =	simm.s32 @!p0 $0x0  }
0x165: {  	s15 =	simm.s32 @!p1 $0x0;
	s9 =	smin.u32 s9, $0x20  }
0x166: {  	p0 =	sge.u32 s15, s9  }
.Ltmp5:
0x167: {  	_ = 	snop;
	(pc) =	sbr.rel @p0 .LBB2_9-.Ltmp5, $1  }
0x168: {  	_ =	sdelay $0x3  }
0x169: {  	s20 =	sadd.s32 s18, s10  }
0x16a: {  	p0 =	sgt.s32 s20, $0x0  }
0x16b: {  	s20 =	simm.s32 @!p0 $0x0  }
0x16c: {  	s25 =	sshll.u32 s20, $0x7;
	s23 =	sshll.u32 s20, $0x9  }
0x16d: {  	s20 =	sand.u32 $0x7FFFF000, s23;
	s21 =	sand.u32 $0x380, s25  }
0x16e: {  	s22 =	sor.u32 s21, s20  }
0x16f: {  	v4 =	vld [tilespmem:s22+$0x1070]  }
0x170: {  	v6 =	vld [tilespmem:s22+$0x400]  }
0x171: {  	v7 =	vld [tilespmem:s22+$0x410]  }
0x172: {  	v8 =	vld [tilespmem:s22+$0x420]  }
0x173: {  	v9 =	vld [tilespmem:s22+$0x430]  }
0x174: {  	v10 =	vld [tilespmem:s22+$0x440]  }
0x175: {  	v11 =	vld [tilespmem:s22+$0x450]  }
0x176: {  	v12 =	vld [tilespmem:s22+$0x460]  }
0x177: {  	v13 =	vld [tilespmem:s22+$0x470]  }
0x178: {  	v14 =	vld [tilespmem:s22+$0x800]  }
0x179: {  	v15 =	vld [tilespmem:s22+$0x810]  }
0x17a: {  	v16 =	vld [tilespmem:s22+$0x820]  }
0x17b: {  	v17 =	vld [tilespmem:s22+$0x830]  }
0x17c: {  	v18 =	vld [tilespmem:s22+$0x840]  }
0x17d: {  	v19 =	vld [tilespmem:s22+$0x850]  }
0x17e: {  	v20 =	vld [tilespmem:s22+$0x860]  }
0x17f: {  	v5 =	vimm.f32 $0.0e+00;
	v36 =	vld [tilespmem:s22+$0x870]  }
0x180: {  	v37 =	vld [tilespmem:s22+$0xC00];
	v4 =	vadd.f32 v4, v5  }
0x181: {  	v35 =	vadd.f32 v6, v5;
	v34 =	vadd.f32 v7, v5;
	v6 =	vld [tilespmem:s22+$0xC10]  }
0x182: {  	v33 =	vadd.f32 v8, v5;
	v32 =	vadd.f32 v9, v5;
	v7 =	vld [tilespmem:s22+$0xC20]  }
0x183: {  	v31 =	vadd.f32 v10, v5;
	v30 =	vadd.f32 v11, v5;
	v8 =	vld [tilespmem:s22+$0xC30]  }
0x184: {  	v29 =	vadd.f32 v12, v5;
	v28 =	vadd.f32 v13, v5;
	v9 =	vld [tilespmem:s22+$0xC40]  }
0x185: {  	v27 =	vadd.f32 v14, v5;
	v26 =	vadd.f32 v15, v5;
	v10 =	vld [tilespmem:s22+$0xC50]  }
0x186: {  	v25 =	vadd.f32 v16, v5;
	v24 =	vadd.f32 v17, v5;
	v11 =	vld [tilespmem:s22+$0xC60]  }
0x187: {  	v23 =	vadd.f32 v18, v5;
	v22 =	vadd.f32 v19, v5;
	v14 =	vld [tilespmem:s22+$0xC70]  }
0x188: {  	s21 =	sadd.s32 $0x1, s15;
	v21 =	vadd.f32 v20, v5;
	v20 =	vadd.f32 v36, v5  }
0x189: {  	p0 =	slt.u32 s21, s9;
	v19 =	vadd.f32 v37, v5;
	v18 =	vadd.f32 v6, v5  }
.Ltmp6:
0x18a: {  	v40 =	vld [tilespmem:s22+$0x1000];
	v17 =	vadd.f32 v7, v5;
	v16 =	vadd.f32 v8, v5;
	(pc) =	sbr.rel @!p0 .LBB2_8-.Ltmp6, $4  }
0x18b: {  	v39 =	vld [tilespmem:s22+$0x1010];
	v15 =	vadd.f32 v9, v5;
	v13 =	vadd.f32 v10, v5  }
0x18c: {  	v36 =	vld [tilespmem:s22+$0x1020];
	v12 =	vadd.f32 v11, v5;
	v10 =	vadd.f32 v14, v5  }
0x18d: {  	v37 =	vld [tilespmem:s22+$0x1030];
	v14 =	vimm.f32 $0.0e+00;
	v11 =	vimm.f32 $0.0e+00;
	v8 =	vimm.f32 $0.0e+00  }
0x18e: {  	s20 =	sadd.s32 $0x80, s25;
	s15 =	sadd.s32 $0x200, s23;
	v38 =	vld [tilespmem:s22+$0x1040];
	v9 =	vimm.f32 $0.0e+00;
	v7 =	vimm.f32 $0.0e+00;
	v6 =	vimm.f32 $0.0e+00  }
.LBB2_7:
0x18f: {  	s18 =	sand.u32 $0x7FFFF000, s15;
	s23 =	sand.u32 $0x380, s20;
	s21 =	sadd.s32 $0x1, s21;
	v5 =	vadd.f32 v40, v5;
	v40 =	vld [tilespmem:s22+$0x1050]  }
0x190: {  	v14 =	vadd.f32 v39, v14;
	p0 =	slt.u32 s21, s9;
	v39 =	vld [tilespmem:s22+$0x1060];
	s22 =	sor.u32 s23, s18  }
0x191: {  	v11 =	vadd.f32 v36, v11;
	v41 =	vld [tilespmem:s22+$0x1070]  }
0x192: {  	v8 =	vadd.f32 v37, v8;
	v36 =	vld [tilespmem:s22+$0x400]  }
0x193: {  	v9 =	vadd.f32 v38, v9;
	v37 =	vld [tilespmem:s22+$0x410]  }
0x194: {  	v38 =	vld [tilespmem:s22+$0x420];
	v7 =	vadd.f32 v40, v7  }
0x195: {  	v40 =	vld [tilespmem:s22+$0x430];
	v6 =	vadd.f32 v39, v6  }
0x196: {  	v39 =	vld [tilespmem:s22+$0x440];
	v4 =	vadd.f32 v41, v4  }
0x197: {  	v35 =	vadd.f32 v36, v35;
	v36 =	vld [tilespmem:s22+$0x450]  }
0x198: {  	v34 =	vadd.f32 v37, v34;
	v37 =	vld [tilespmem:s22+$0x460]  }
0x199: {  	v33 =	vadd.f32 v38, v33;
	v38 =	vld [tilespmem:s22+$0x470]  }
0x19a: {  	v32 =	vadd.f32 v40, v32;
	v40 =	vld [tilespmem:s22+$0x800]  }
0x19b: {  	v31 =	vadd.f32 v39, v31;
	v39 =	vld [tilespmem:s22+$0x810]  }
0x19c: {  	v30 =	vadd.f32 v36, v30;
	v36 =	vld [tilespmem:s22+$0x820]  }
0x19d: {  	v29 =	vadd.f32 v37, v29;
	v37 =	vld [tilespmem:s22+$0x830]  }
0x19e: {  	v28 =	vadd.f32 v38, v28;
	v38 =	vld [tilespmem:s22+$0x840]  }
0x19f: {  	v27 =	vadd.f32 v40, v27;
	v40 =	vld [tilespmem:s22+$0x850]  }
0x1a0: {  	v26 =	vadd.f32 v39, v26;
	v39 =	vld [tilespmem:s22+$0x860]  }
0x1a1: {  	v25 =	vadd.f32 v36, v25;
	v36 =	vld [tilespmem:s22+$0x870]  }
0x1a2: {  	v24 =	vadd.f32 v37, v24;
	v37 =	vld [tilespmem:s22+$0xC00]  }
0x1a3: {  	v23 =	vadd.f32 v38, v23;
	v38 =	vld [tilespmem:s22+$0xC10]  }
0x1a4: {  	v22 =	vadd.f32 v40, v22;
	v40 =	vld [tilespmem:s22+$0xC20]  }
0x1a5: {  	v21 =	vadd.f32 v39, v21;
	v39 =	vld [tilespmem:s22+$0xC30]  }
0x1a6: {  	v20 =	vadd.f32 v36, v20;
	v36 =	vld [tilespmem:s22+$0xC40]  }
0x1a7: {  	v19 =	vadd.f32 v37, v19;
	v37 =	vld [tilespmem:s22+$0xC50]  }
0x1a8: {  	v18 =	vadd.f32 v38, v18;
	v38 =	vld [tilespmem:s22+$0xC60]  }
0x1a9: {  	v17 =	vadd.f32 v40, v17;
	v41 =	vld [tilespmem:s22+$0xC70]  }
.Ltmp7:
0x1aa: {  	v16 =	vadd.f32 v39, v16;
	v40 =	vld [tilespmem:s22+$0x1000];
	(pc) =	sbr.rel @p0 .LBB2_7-.Ltmp7, $4  }
0x1ab: {  	v15 =	vadd.f32 v36, v15;
	v39 =	vld [tilespmem:s22+$0x1010]  }
0x1ac: {  	v13 =	vadd.f32 v37, v13;
	v36 =	vld [tilespmem:s22+$0x1020]  }
0x1ad: {  	v12 =	vadd.f32 v38, v12;
	v37 =	vld [tilespmem:s22+$0x1030]  }
0x1ae: {  	s20 =	sadd.s32 $0x80, s20;
	s15 =	sadd.s32 $0x200, s15;
	v10 =	vadd.f32 v41, v10;
	v38 =	vld [tilespmem:s22+$0x1040]  }
.Ltmp8:
0x1af: {  	_ = 	snop;
	(pc) =	sbr.rel .LBB2_8-.Ltmp8, $1  }
0x1b0: {  	_ =	sdelay $0x3  }
.LBB2_10:
0x1b1: {  	p0 =	seq.s32 s19, $0x7  }
0x1b2: {  	s8 =	sshll.u32 @!p0 s19, $0x7  }
0x1b3: {  	s8 =	sand.u32 @!p0 $0x3FFFFF80, s8  }
0x1b4: {  	v4 =	vld @!p0 [tilespmem:s8+$0x80];
	_ =	sdelay $0x4  }
0x1b5: {  	v5 =	vshll.u32 @!p0 v4, $0x2  }
0x1b6: {  	v6 =	vlaneseq.u32 @!p0;
	v4 =	vand.u32 @!p0 $0x7, v4;
	v5 =	vand.u32 @!p0 $0xFFFFFFE0, v5  }
0x1b7: {  	v7 =	vshrl.u32 @!p0 v6, $0x3;
	v4 =	vor.u32 @!p0 v4, v5;
	v5 =	vand.u32 @!p0 $0x7, v6  }
0x1b8: {  	v7 =	vmul.u32 @!p0 $0x8, v7;
	v8 =	vperm.xlane @!p0 v4, v5;
	_ =	sdelay $0x1  }
0x1b9: {  	v8 =	vadd.s32 @!p0 v7, v8  }
0x1ba: {  	v6 =	vor.u32 @!p0 $0x8, v6  }
0x1bb: {  	v4 =	vperm.xlane @!p0 v4, v6;
	_ =	sdelay $0x1  }
0x1bc: {  	vm3 =	vmmov @!p0 $0xffff;
	s9 =	simm.s32 @!p0 $0x0;
	s15 =	simm.s32 @!p0 $0x400;
	v4 =	vadd.s32 @!p0 v7, v4  }
0x1bd: {  	[tilespmem:s15], [sflag:$0x1] =	stream.indirect_vreg.gather @!p0 [hbm4b:s1+s9], $0x80, v8, vm3, $0xb8;
	[tilespmem:$0x12480] =	vst v63  }
0x1be: {  	s15 =	simm.s32 @!p0 $0xC00  }
0x1bf: {  	[tilespmem:s15], [sflag:$0x1] =	stream.indirect_vreg.gather @!p0 [hbm4b:s7+s9], $0x80, v8, vm3, $0xb8;
	[tilespmem:$0x12480] =	vst v63  }
0x1c0: {  	s15 =	simm.s32 @!p0 $0x1400  }
0x1c1: {  	[tilespmem:s15], [sflag:$0x1] =	stream.indirect_vreg.gather @!p0 [hbm4b:s1+s9], $0x80, v4, vm3, $0xb8;
	[tilespmem:$0x12480] =	vst v63  }
0x1c2: {  	s15 =	simm.s32 @!p0 $0x1C00  }
0x1c3: {  	[tilespmem:s15], [sflag:$0x1] =	stream.indirect_vreg.gather @!p0 [hbm4b:s7+s9], $0x80, v4, vm3, $0xb8;
	[tilespmem:$0x12480] =	vst v63  }
0x1c4: {  	v4 =	vld @!p0 [tilespmem:s8+$0x90];
	_ =	sdelay $0x4  }
0x1c5: {  	v8 =	vshll.u32 @!p0 v4, $0x2  }
0x1c6: {  	v4 =	vand.u32 @!p0 $0x7, v4;
	v8 =	vand.u32 @!p0 $0xFFFFFFE0, v8  }
0x1c7: {  	v4 =	vor.u32 @!p0 v4, v8  }
0x1c8: {  	v5 =	vperm.xlane @!p0 v4, v5;
	_ =	sdelay $0x1  }
0x1c9: {  	v5 =	vadd.s32 @!p0 v7, v5;
	_ =	sdelay $0x1  }
0x1ca: {  	v4 =	vperm.xlane @!p0 v4, v6;
	_ =	sdelay $0x1  }
0x1cb: {  	s15 =	simm.s32 @!p0 $0x2400;
	v4 =	vadd.s32 @!p0 v7, v4  }
0x1cc: {  	[tilespmem:s15], [sflag:$0x1] =	stream.indirect_vreg.gather @!p0 [hbm4b:s1+s9], $0x80, v5, vm3, $0xb8;
	[tilespmem:$0x12480] =	vst v63  }
0x1cd: {  	s15 =	simm.s32 @!p0 $0x2C00  }
0x1ce: {  	[tilespmem:s15], [sflag:$0x1] =	stream.indirect_vreg.gather @!p0 [hbm4b:s7+s9], $0x80, v5, vm3, $0xb8;
	[tilespmem:$0x12480] =	vst v63  }
0x1cf: {  	s15 =	simm.s32 @!p0 $0x3400  }
0x1d0: {  	[tilespmem:s15], [sflag:$0x1] =	stream.indirect_vreg.gather @!p0 [hbm4b:s1+s9], $0x80, v4, vm3, $0xb8;
	[tilespmem:$0x12480] =	vst v63  }
.Ltmp9:
0x1d1: {  	s15 =	simm.s32 @!p0 $0x3C00;
	(pc) =	sbr.rel .LBB2_11-.Ltmp9, $4  }
0x1d2: {  	[tilespmem:s15], [sflag:$0x1] =	stream.indirect_vreg.gather @!p0 [hbm4b:s7+s9], $0x80, v4, vm3, $0xb8;
	[tilespmem:$0x12480] =	vst v63  }
0x1d3: {  	_ =	swait.ge [sflag:s3], $0x4000  }
0x1d4: {  	[sflag:s3] =	ssyncset.done $0x0  }
0x1d5: {  	s23 =	simm.s32 $0x0;
	s9 =	sor.u32 $0x20, s6;
	[sflag:s3] =	ssyncadd.s32 $0xFFFFC000  }
.LBB2_14:
0x1d6: {  	s15 =	sshll.u32 s23, $0x9;
	s18 =	sshll.u32 s23, $0x7  }
0x1d7: {  	v41 =	vld [tilespmem:s21+$0x5050];
	s15 =	sand.u32 $0x1000, s15;
	s18 =	sand.u32 $0x380, s18  }
0x1d8: {  	v42 =	vld [tilespmem:s21+$0x5060];
	s15 =	sor.u32 s18, s15  }
0x1d9: {  	v43 =	vld [tilespmem:s15+$0x10400]  }
0x1da: {  	v44 =	vld [tilespmem:s15+$0x10410]  }
0x1db: {  	v45 =	vld [tilespmem:s15+$0x10420]  }
0x1dc: {  	v46 =	vld [tilespmem:s15+$0x10430]  }
0x1dd: {  	v47 =	vld [tilespmem:s15+$0x10440]  }
0x1de: {  	v57 =	vld [tilespmem:s15+$0x10450];
	v35 =	vadd.f32 v43, v35  }
0x1df: {  	v58 =	vld [tilespmem:s15+$0x10460];
	v34 =	vadd.f32 v44, v34  }
0x1e0: {  	v59 =	vld [tilespmem:s15+$0x10470];
	v33 =	vadd.f32 v45, v33;
	[tilespmem:s15+$0x10400] =	vst v35  }
0x1e1: {  	v60 =	vld [tilespmem:s15+$0x10800];
	v32 =	vadd.f32 v46, v32;
	[tilespmem:s15+$0x10410] =	vst v34  }
0x1e2: {  	v61 =	vld [tilespmem:s15+$0x10810];
	v31 =	vadd.f32 v47, v31;
	[tilespmem:s15+$0x10420] =	vst v33  }
0x1e3: {  	v62 =	vld [tilespmem:s15+$0x10820];
	v30 =	vadd.f32 v57, v30;
	[tilespmem:s15+$0x10430] =	vst v32  }
0x1e4: {  	v63 =	vld [tilespmem:s15+$0x10830];
	v29 =	vadd.f32 v58, v29;
	[tilespmem:s15+$0x10440] =	vst v31  }
0x1e5: {  	v48 =	vld [tilespmem:s15+$0x10C10];
	v28 =	vadd.f32 v59, v28;
	[tilespmem:s15+$0x10450] =	vst v30  }
0x1e6: {  	v49 =	vld [tilespmem:s15+$0x10C20];
	v27 =	vadd.f32 v60, v27;
	[tilespmem:s15+$0x10460] =	vst v29  }
0x1e7: {  	v50 =	vld [tilespmem:s15+$0x10C30];
	v26 =	vadd.f32 v61, v26;
	[tilespmem:s15+$0x10470] =	vst v28  }
0x1e8: {  	v51 =	vld [tilespmem:s15+$0x10C40];
	v25 =	vadd.f32 v62, v25;
	[tilespmem:s15+$0x10800] =	vst v27  }
0x1e9: {  	v52 =	vld [tilespmem:s15+$0x10C50];
	v24 =	vadd.f32 v63, v24;
	[tilespmem:s15+$0x10810] =	vst v26  }
0x1ea: {  	v53 =	vld [tilespmem:s15+$0x10C60];
	v18 =	vadd.f32 v48, v18;
	[tilespmem:s15+$0x10820] =	vst v25  }
0x1eb: {  	v54 =	vld [tilespmem:s15+$0x10C70];
	v17 =	vadd.f32 v49, v17;
	[tilespmem:s15+$0x10830] =	vst v24  }
0x1ec: {  	v55 =	vld [tilespmem:s15+$0x11000];
	v16 =	vadd.f32 v50, v16;
	[tilespmem:s15+$0x10C10] =	vst v18  }
0x1ed: {  	v56 =	vld [tilespmem:s15+$0x11010];
	v15 =	vadd.f32 v51, v15;
	[tilespmem:s15+$0x10C20] =	vst v17  }
0x1ee: {  	v43 =	vld [tilespmem:s15+$0x10840];
	v13 =	vadd.f32 v52, v13;
	[tilespmem:s15+$0x10C30] =	vst v16  }
0x1ef: {  	v5 =	vadd.f32 v40, v5;
	v44 =	vld [tilespmem:s15+$0x10850];
	v12 =	vadd.f32 v53, v12;
	[tilespmem:s15+$0x10C40] =	vst v15  }
0x1f0: {  	v14 =	vadd.f32 v39, v14;
	v45 =	vld [tilespmem:s15+$0x10860];
	v10 =	vadd.f32 v54, v10;
	[tilespmem:s15+$0x10C50] =	vst v13  }
0x1f1: {  	v46 =	vld [tilespmem:s15+$0x10870];
	v5 =	vadd.f32 v55, v5;
	[tilespmem:s15+$0x10C60] =	vst v12  }
0x1f2: {  	v47 =	vld [tilespmem:s15+$0x10C00];
	v61 =	vadd.f32 v56, v14;
	[tilespmem:s15+$0x10C70] =	vst v10  }
0x1f3: {  	v57 =	vld [tilespmem:s15+$0x11020];
	[tilespmem:s15+$0x11000] =	vst v5;
	v23 =	vadd.f32 v43, v23  }
0x1f4: {  	v58 =	vld [tilespmem:s15+$0x11030];
	[tilespmem:s15+$0x11010] =	vst v61;
	v22 =	vadd.f32 v44, v22  }
0x1f5: {  	v60 =	vld [tilespmem:s15+$0x11050];
	v21 =	vadd.f32 v45, v21;
	[tilespmem:s15+$0x10840] =	vst v23  }
0x1f6: {  	v11 =	vadd.f32 v36, v11;
	v59 =	vld [tilespmem:s15+$0x11040];
	v20 =	vadd.f32 v46, v20;
	[tilespmem:s15+$0x10850] =	vst v22  }
0x1f7: {  	v8 =	vadd.f32 v37, v8;
	v63 =	vld [tilespmem:s15+$0x11070];
	v19 =	vadd.f32 v47, v19;
	[tilespmem:s15+$0x10860] =	vst v21  }
0x1f8: {  	v7 =	vadd.f32 v41, v7;
	v62 =	vld [tilespmem:s15+$0x11060];
	v5 =	vadd.f32 v57, v11;
	[tilespmem:s15+$0x10870] =	vst v20  }
0x1f9: {  	v9 =	vadd.f32 v38, v9;
	v8 =	vadd.f32 v58, v8;
	[tilespmem:s15+$0x10C00] =	vst v19  }
0x1fa: {  	v7 =	vadd.f32 v60, v7;
	[tilespmem:s15+$0x11020] =	vst v5  }
0x1fb: {  	v6 =	vadd.f32 v42, v6;
	v5 =	vadd.f32 v59, v9;
	[tilespmem:s15+$0x11030] =	vst v8  }
0x1fc: {  	v4 =	vadd.f32 v63, v4;
	[tilespmem:s15+$0x11050] =	vst v7  }
0x1fd: {  	[tilespmem:s15+$0x11040] =	vst v5;
	v5 =	vadd.f32 v62, v6  }
0x1fe: {  	[tilespmem:s15+$0x11070] =	vst v4  }
0x1ff: {  	[tilespmem:s15+$0x11060] =	vst v5  }
.LBB2_15:
0x200: {  	s23 =	sadd.s32 $0x1, s23  }
0x201: {  	p1 =	sne.s32 s23, $0x10  }
.Ltmp10:
0x202: {  	_ = 	snop;
	(pc) =	sbr.rel @!p1 .LBB2_16-.Ltmp10, $1  }
0x203: {  	_ =	sdelay $0x3  }
.LBB2_11:
0x204: {  	s15 =	sld [smem:s23+$0x1]  }
0x205: {  	s18 =	sld [smem:s23+$0x0];
	_ =	sdelay $0x1  }
0x206: {  	s20 =	ssub.s32 s15, s9  }
0x207: {  	s15 =	ssub.s32 s18, s9;
	p1 =	sgt.s32 s20, $0x0  }
0x208: {  	p2 =	sgt.s32 s15, $0x0;
	s20 =	simm.s32 @!p1 $0x0  }
0x209: {  	s15 =	simm.s32 @!p2 $0x0;
	s22 =	smin.u32 s20, $0x20  }
0x20a: {  	p1 =	sge.u32 s15, s22  }
.Ltmp11:
0x20b: {  	_ = 	snop;
	(pc) =	sbr.rel @p1 .LBB2_15-.Ltmp11, $1  }
0x20c: {  	_ =	sdelay $0x3  }
0x20d: {  	s20 =	sadd.s32 s18, s11  }
0x20e: {  	p1 =	sgt.s32 s20, $0x0  }
0x20f: {  	s20 =	simm.s32 @!p1 $0x0  }
0x210: {  	s25 =	sshll.u32 s20, $0x7;
	s24 =	sshll.u32 s20, $0x9  }
0x211: {  	s20 =	sand.u32 $0x7FFFF000, s24;
	s21 =	sand.u32 $0x380, s25  }
0x212: {  	s21 =	sor.u32 s21, s20  }
0x213: {  	v4 =	vld [tilespmem:s21+$0x5070]  }
0x214: {  	v6 =	vld [tilespmem:s21+$0x4400]  }
0x215: {  	v7 =	vld [tilespmem:s21+$0x4410]  }
0x216: {  	v8 =	vld [tilespmem:s21+$0x4420]  }
0x217: {  	v9 =	vld [tilespmem:s21+$0x4430]  }
0x218: {  	v10 =	vld [tilespmem:s21+$0x4440]  }
0x219: {  	v11 =	vld [tilespmem:s21+$0x4450]  }
0x21a: {  	v12 =	vld [tilespmem:s21+$0x4460]  }
0x21b: {  	v13 =	vld [tilespmem:s21+$0x4470]  }
0x21c: {  	v14 =	vld [tilespmem:s21+$0x4800]  }
0x21d: {  	v15 =	vld [tilespmem:s21+$0x4810]  }
0x21e: {  	v16 =	vld [tilespmem:s21+$0x4820]  }
0x21f: {  	v17 =	vld [tilespmem:s21+$0x4830]  }
0x220: {  	v18 =	vld [tilespmem:s21+$0x4840]  }
0x221: {  	v19 =	vld [tilespmem:s21+$0x4850]  }
0x222: {  	v20 =	vld [tilespmem:s21+$0x4860]  }
0x223: {  	v5 =	vimm.f32 $0.0e+00;
	v36 =	vld [tilespmem:s21+$0x4870]  }
0x224: {  	v37 =	vld [tilespmem:s21+$0x4C00];
	v4 =	vadd.f32 v4, v5  }
0x225: {  	v35 =	vadd.f32 v6, v5;
	v34 =	vadd.f32 v7, v5;
	v6 =	vld [tilespmem:s21+$0x4C10]  }
0x226: {  	v33 =	vadd.f32 v8, v5;
	v32 =	vadd.f32 v9, v5;
	v7 =	vld [tilespmem:s21+$0x4C20]  }
0x227: {  	v31 =	vadd.f32 v10, v5;
	v30 =	vadd.f32 v11, v5;
	v8 =	vld [tilespmem:s21+$0x4C30]  }
0x228: {  	v29 =	vadd.f32 v12, v5;
	v28 =	vadd.f32 v13, v5;
	v9 =	vld [tilespmem:s21+$0x4C40]  }
0x229: {  	v27 =	vadd.f32 v14, v5;
	v26 =	vadd.f32 v15, v5;
	v10 =	vld [tilespmem:s21+$0x4C50]  }
0x22a: {  	v25 =	vadd.f32 v16, v5;
	v24 =	vadd.f32 v17, v5;
	v11 =	vld [tilespmem:s21+$0x4C60]  }
0x22b: {  	v23 =	vadd.f32 v18, v5;
	v22 =	vadd.f32 v19, v5;
	v14 =	vld [tilespmem:s21+$0x4C70]  }
0x22c: {  	s20 =	sadd.s32 $0x1, s15;
	v21 =	vadd.f32 v20, v5;
	v20 =	vadd.f32 v36, v5  }
0x22d: {  	p1 =	slt.u32 s20, s22;
	v19 =	vadd.f32 v37, v5;
	v18 =	vadd.f32 v6, v5  }
.Ltmp12:
0x22e: {  	v40 =	vld [tilespmem:s21+$0x5000];
	v17 =	vadd.f32 v7, v5;
	v16 =	vadd.f32 v8, v5;
	(pc) =	sbr.rel @!p1 .LBB2_14-.Ltmp12, $4  }
0x22f: {  	v39 =	vld [tilespmem:s21+$0x5010];
	v15 =	vadd.f32 v9, v5;
	v13 =	vadd.f32 v10, v5  }
0x230: {  	v36 =	vld [tilespmem:s21+$0x5020];
	v12 =	vadd.f32 v11, v5;
	v10 =	vadd.f32 v14, v5  }
0x231: {  	v37 =	vld [tilespmem:s21+$0x5030];
	v14 =	vimm.f32 $0.0e+00;
	v11 =	vimm.f32 $0.0e+00;
	v8 =	vimm.f32 $0.0e+00  }
0x232: {  	s18 =	sadd.s32 $0x200, s24;
	s15 =	sadd.s32 $0x80, s25;
	v38 =	vld [tilespmem:s21+$0x5040];
	v9 =	vimm.f32 $0.0e+00;
	v7 =	vimm.f32 $0.0e+00;
	v6 =	vimm.f32 $0.0e+00  }
.LBB2_13:
0x233: {  	s24 =	sand.u32 $0x7FFFF000, s18;
	s25 =	sand.u32 $0x380, s15;
	s20 =	sadd.s32 $0x1, s20;
	v5 =	vadd.f32 v40, v5;
	v40 =	vld [tilespmem:s21+$0x5050]  }
0x234: {  	v14 =	vadd.f32 v39, v14;
	p1 =	slt.u32 s20, s22;
	v39 =	vld [tilespmem:s21+$0x5060];
	s21 =	sor.u32 s25, s24  }
0x235: {  	v11 =	vadd.f32 v36, v11;
	v41 =	vld [tilespmem:s21+$0x5070]  }
0x236: {  	v8 =	vadd.f32 v37, v8;
	v36 =	vld [tilespmem:s21+$0x4400]  }
0x237: {  	v9 =	vadd.f32 v38, v9;
	v37 =	vld [tilespmem:s21+$0x4410]  }
0x238: {  	v38 =	vld [tilespmem:s21+$0x4420];
	v7 =	vadd.f32 v40, v7  }
0x239: {  	v40 =	vld [tilespmem:s21+$0x4430];
	v6 =	vadd.f32 v39, v6  }
0x23a: {  	v39 =	vld [tilespmem:s21+$0x4440];
	v4 =	vadd.f32 v41, v4  }
0x23b: {  	v35 =	vadd.f32 v36, v35;
	v36 =	vld [tilespmem:s21+$0x4450]  }
0x23c: {  	v34 =	vadd.f32 v37, v34;
	v37 =	vld [tilespmem:s21+$0x4460]  }
0x23d: {  	v33 =	vadd.f32 v38, v33;
	v38 =	vld [tilespmem:s21+$0x4470]  }
0x23e: {  	v32 =	vadd.f32 v40, v32;
	v40 =	vld [tilespmem:s21+$0x4800]  }
0x23f: {  	v31 =	vadd.f32 v39, v31;
	v39 =	vld [tilespmem:s21+$0x4810]  }
0x240: {  	v30 =	vadd.f32 v36, v30;
	v36 =	vld [tilespmem:s21+$0x4820]  }
0x241: {  	v29 =	vadd.f32 v37, v29;
	v37 =	vld [tilespmem:s21+$0x4830]  }
0x242: {  	v28 =	vadd.f32 v38, v28;
	v38 =	vld [tilespmem:s21+$0x4840]  }
0x243: {  	v27 =	vadd.f32 v40, v27;
	v40 =	vld [tilespmem:s21+$0x4850]  }
0x244: {  	v26 =	vadd.f32 v39, v26;
	v39 =	vld [tilespmem:s21+$0x4860]  }
0x245: {  	v25 =	vadd.f32 v36, v25;
	v36 =	vld [tilespmem:s21+$0x4870]  }
0x246: {  	v24 =	vadd.f32 v37, v24;
	v37 =	vld [tilespmem:s21+$0x4C00]  }
0x247: {  	v23 =	vadd.f32 v38, v23;
	v38 =	vld [tilespmem:s21+$0x4C10]  }
0x248: {  	v22 =	vadd.f32 v40, v22;
	v40 =	vld [tilespmem:s21+$0x4C20]  }
0x249: {  	v21 =	vadd.f32 v39, v21;
	v39 =	vld [tilespmem:s21+$0x4C30]  }
0x24a: {  	v20 =	vadd.f32 v36, v20;
	v36 =	vld [tilespmem:s21+$0x4C40]  }
0x24b: {  	v19 =	vadd.f32 v37, v19;
	v37 =	vld [tilespmem:s21+$0x4C50]  }
0x24c: {  	v18 =	vadd.f32 v38, v18;
	v38 =	vld [tilespmem:s21+$0x4C60]  }
0x24d: {  	v17 =	vadd.f32 v40, v17;
	v41 =	vld [tilespmem:s21+$0x4C70]  }
.Ltmp13:
0x24e: {  	v16 =	vadd.f32 v39, v16;
	v40 =	vld [tilespmem:s21+$0x5000];
	(pc) =	sbr.rel @p1 .LBB2_13-.Ltmp13, $4  }
0x24f: {  	v15 =	vadd.f32 v36, v15;
	v39 =	vld [tilespmem:s21+$0x5010]  }
0x250: {  	v13 =	vadd.f32 v37, v13;
	v36 =	vld [tilespmem:s21+$0x5020]  }
0x251: {  	v12 =	vadd.f32 v38, v12;
	v37 =	vld [tilespmem:s21+$0x5030]  }
0x252: {  	s15 =	sadd.s32 $0x80, s15;
	s18 =	sadd.s32 $0x200, s18;
	v10 =	vadd.f32 v41, v10;
	v38 =	vld [tilespmem:s21+$0x5040]  }
.Ltmp14:
0x253: {  	_ = 	snop;
	(pc) =	sbr.rel .LBB2_14-.Ltmp14, $1  }
0x254: {  	_ =	sdelay $0x3  }
.LBB2_16:
0x255: {  	v4 =	vld @!p0 [tilespmem:s8+$0xA0];
	_ =	sdelay $0x4  }
0x256: {  	v5 =	vshll.u32 @!p0 v4, $0x2  }
0x257: {  	v6 =	vlaneseq.u32 @!p0;
	v4 =	vand.u32 @!p0 $0x7, v4;
	v5 =	vand.u32 @!p0 $0xFFFFFFE0, v5  }
0x258: {  	v7 =	vshrl.u32 @!p0 v6, $0x3;
	v4 =	vor.u32 @!p0 v4, v5;
	v5 =	vand.u32 @!p0 $0x7, v6  }
0x259: {  	v7 =	vmul.u32 @!p0 $0x8, v7;
	v8 =	vperm.xlane @!p0 v4, v5;
	_ =	sdelay $0x1  }
0x25a: {  	v8 =	vadd.s32 @!p0 v7, v8  }
0x25b: {  	v6 =	vor.u32 @!p0 $0x8, v6  }
0x25c: {  	v4 =	vperm.xlane @!p0 v4, v6;
	_ =	sdelay $0x1  }
0x25d: {  	s9 =	simm.s32 @!p0 $0x0;
	s15 =	simm.s32 @!p0 $0x4400;
	v4 =	vadd.s32 @!p0 v7, v4  }
0x25e: {  	[tilespmem:s15], [sflag:$0x2] =	stream.indirect_vreg.gather @!p0 [hbm4b:s1+s9], $0x80, v8, vm3, $0xb8;
	[tilespmem:$0x12480] =	vst v63  }
0x25f: {  	s15 =	simm.s32 @!p0 $0x4C00  }
0x260: {  	[tilespmem:s15], [sflag:$0x2] =	stream.indirect_vreg.gather @!p0 [hbm4b:s7+s9], $0x80, v8, vm3, $0xb8;
	[tilespmem:$0x12480] =	vst v63  }
0x261: {  	s15 =	simm.s32 @!p0 $0x5400  }
0x262: {  	[tilespmem:s15], [sflag:$0x2] =	stream.indirect_vreg.gather @!p0 [hbm4b:s1+s9], $0x80, v4, vm3, $0xb8;
	[tilespmem:$0x12480] =	vst v63  }
0x263: {  	s15 =	simm.s32 @!p0 $0x5C00  }
0x264: {  	[tilespmem:s15], [sflag:$0x2] =	stream.indirect_vreg.gather @!p0 [hbm4b:s7+s9], $0x80, v4, vm3, $0xb8;
	[tilespmem:$0x12480] =	vst v63  }
0x265: {  	v4 =	vld @!p0 [tilespmem:s8+$0xB0];
	_ =	sdelay $0x4  }
0x266: {  	v8 =	vshll.u32 @!p0 v4, $0x2  }
0x267: {  	v4 =	vand.u32 @!p0 $0x7, v4;
	v8 =	vand.u32 @!p0 $0xFFFFFFE0, v8  }
0x268: {  	v4 =	vor.u32 @!p0 v4, v8  }
0x269: {  	v5 =	vperm.xlane @!p0 v4, v5;
	_ =	sdelay $0x1  }
0x26a: {  	v5 =	vadd.s32 @!p0 v7, v5;
	_ =	sdelay $0x1  }
0x26b: {  	v4 =	vperm.xlane @!p0 v4, v6;
	_ =	sdelay $0x1  }
0x26c: {  	s15 =	simm.s32 @!p0 $0x6400;
	v4 =	vadd.s32 @!p0 v7, v4  }
0x26d: {  	[tilespmem:s15], [sflag:$0x2] =	stream.indirect_vreg.gather @!p0 [hbm4b:s1+s9], $0x80, v5, vm3, $0xb8;
	[tilespmem:$0x12480] =	vst v63  }
0x26e: {  	s15 =	simm.s32 @!p0 $0x6C00  }
0x26f: {  	[tilespmem:s15], [sflag:$0x2] =	stream.indirect_vreg.gather @!p0 [hbm4b:s7+s9], $0x80, v5, vm3, $0xb8;
	[tilespmem:$0x12480] =	vst v63  }
0x270: {  	s15 =	simm.s32 @!p0 $0x7400  }
0x271: {  	[tilespmem:s15], [sflag:$0x2] =	stream.indirect_vreg.gather @!p0 [hbm4b:s1+s9], $0x80, v4, vm3, $0xb8;
	[tilespmem:$0x12480] =	vst v63  }
.Ltmp15:
0x272: {  	s15 =	simm.s32 @!p0 $0x7C00;
	(pc) =	sbr.rel .LBB2_17-.Ltmp15, $4  }
0x273: {  	[tilespmem:s15], [sflag:$0x2] =	stream.indirect_vreg.gather @!p0 [hbm4b:s7+s9], $0x80, v4, vm3, $0xb8;
	[tilespmem:$0x12480] =	vst v63  }
0x274: {  	_ =	swait.ge [sflag:s2], $0x4000  }
0x275: {  	[sflag:s2] =	ssyncset.done $0x0  }
0x276: {  	s23 =	simm.s32 $0x0;
	s9 =	sor.u32 $0x40, s6;
	[sflag:s2] =	ssyncadd.s32 $0xFFFFC000  }
.LBB2_20:
0x277: {  	s15 =	sshll.u32 s23, $0x9;
	s18 =	sshll.u32 s23, $0x7  }
0x278: {  	v41 =	vld [tilespmem:s21+$0x9050];
	s15 =	sand.u32 $0x1000, s15;
	s18 =	sand.u32 $0x380, s18  }
0x279: {  	v42 =	vld [tilespmem:s21+$0x9060];
	s15 =	sor.u32 s18, s15  }
0x27a: {  	v43 =	vld [tilespmem:s15+$0x10400]  }
0x27b: {  	v44 =	vld [tilespmem:s15+$0x10410]  }
0x27c: {  	v45 =	vld [tilespmem:s15+$0x10420]  }
0x27d: {  	v46 =	vld [tilespmem:s15+$0x10430]  }
0x27e: {  	v47 =	vld [tilespmem:s15+$0x10440]  }
0x27f: {  	v57 =	vld [tilespmem:s15+$0x10450];
	v35 =	vadd.f32 v43, v35  }
0x280: {  	v58 =	vld [tilespmem:s15+$0x10460];
	v34 =	vadd.f32 v44, v34  }
0x281: {  	v59 =	vld [tilespmem:s15+$0x10470];
	v33 =	vadd.f32 v45, v33;
	[tilespmem:s15+$0x10400] =	vst v35  }
0x282: {  	v60 =	vld [tilespmem:s15+$0x10800];
	v32 =	vadd.f32 v46, v32;
	[tilespmem:s15+$0x10410] =	vst v34  }
0x283: {  	v61 =	vld [tilespmem:s15+$0x10810];
	v31 =	vadd.f32 v47, v31;
	[tilespmem:s15+$0x10420] =	vst v33  }
0x284: {  	v62 =	vld [tilespmem:s15+$0x10820];
	v30 =	vadd.f32 v57, v30;
	[tilespmem:s15+$0x10430] =	vst v32  }
0x285: {  	v63 =	vld [tilespmem:s15+$0x10830];
	v29 =	vadd.f32 v58, v29;
	[tilespmem:s15+$0x10440] =	vst v31  }
0x286: {  	v48 =	vld [tilespmem:s15+$0x10C10];
	v28 =	vadd.f32 v59, v28;
	[tilespmem:s15+$0x10450] =	vst v30  }
0x287: {  	v49 =	vld [tilespmem:s15+$0x10C20];
	v27 =	vadd.f32 v60, v27;
	[tilespmem:s15+$0x10460] =	vst v29  }
0x288: {  	v50 =	vld [tilespmem:s15+$0x10C30];
	v26 =	vadd.f32 v61, v26;
	[tilespmem:s15+$0x10470] =	vst v28  }
0x289: {  	v51 =	vld [tilespmem:s15+$0x10C40];
	v25 =	vadd.f32 v62, v25;
	[tilespmem:s15+$0x10800] =	vst v27  }
0x28a: {  	v52 =	vld [tilespmem:s15+$0x10C50];
	v24 =	vadd.f32 v63, v24;
	[tilespmem:s15+$0x10810] =	vst v26  }
0x28b: {  	v53 =	vld [tilespmem:s15+$0x10C60];
	v18 =	vadd.f32 v48, v18;
	[tilespmem:s15+$0x10820] =	vst v25  }
0x28c: {  	v54 =	vld [tilespmem:s15+$0x10C70];
	v17 =	vadd.f32 v49, v17;
	[tilespmem:s15+$0x10830] =	vst v24  }
0x28d: {  	v55 =	vld [tilespmem:s15+$0x11000];
	v16 =	vadd.f32 v50, v16;
	[tilespmem:s15+$0x10C10] =	vst v18  }
0x28e: {  	v56 =	vld [tilespmem:s15+$0x11010];
	v15 =	vadd.f32 v51, v15;
	[tilespmem:s15+$0x10C20] =	vst v17  }
0x28f: {  	v43 =	vld [tilespmem:s15+$0x10840];
	v13 =	vadd.f32 v52, v13;
	[tilespmem:s15+$0x10C30] =	vst v16  }
0x290: {  	v5 =	vadd.f32 v40, v5;
	v44 =	vld [tilespmem:s15+$0x10850];
	v12 =	vadd.f32 v53, v12;
	[tilespmem:s15+$0x10C40] =	vst v15  }
0x291: {  	v14 =	vadd.f32 v39, v14;
	v45 =	vld [tilespmem:s15+$0x10860];
	v10 =	vadd.f32 v54, v10;
	[tilespmem:s15+$0x10C50] =	vst v13  }
0x292: {  	v46 =	vld [tilespmem:s15+$0x10870];
	v5 =	vadd.f32 v55, v5;
	[tilespmem:s15+$0x10C60] =	vst v12  }
0x293: {  	v47 =	vld [tilespmem:s15+$0x10C00];
	v61 =	vadd.f32 v56, v14;
	[tilespmem:s15+$0x10C70] =	vst v10  }
0x294: {  	v57 =	vld [tilespmem:s15+$0x11020];
	[tilespmem:s15+$0x11000] =	vst v5;
	v23 =	vadd.f32 v43, v23  }
0x295: {  	v58 =	vld [tilespmem:s15+$0x11030];
	[tilespmem:s15+$0x11010] =	vst v61;
	v22 =	vadd.f32 v44, v22  }
0x296: {  	v60 =	vld [tilespmem:s15+$0x11050];
	v21 =	vadd.f32 v45, v21;
	[tilespmem:s15+$0x10840] =	vst v23  }
0x297: {  	v11 =	vadd.f32 v36, v11;
	v59 =	vld [tilespmem:s15+$0x11040];
	v20 =	vadd.f32 v46, v20;
	[tilespmem:s15+$0x10850] =	vst v22  }
0x298: {  	v8 =	vadd.f32 v37, v8;
	v63 =	vld [tilespmem:s15+$0x11070];
	v19 =	vadd.f32 v47, v19;
	[tilespmem:s15+$0x10860] =	vst v21  }
0x299: {  	v7 =	vadd.f32 v41, v7;
	v62 =	vld [tilespmem:s15+$0x11060];
	v5 =	vadd.f32 v57, v11;
	[tilespmem:s15+$0x10870] =	vst v20  }
0x29a: {  	v9 =	vadd.f32 v38, v9;
	v8 =	vadd.f32 v58, v8;
	[tilespmem:s15+$0x10C00] =	vst v19  }
0x29b: {  	v7 =	vadd.f32 v60, v7;
	[tilespmem:s15+$0x11020] =	vst v5  }
0x29c: {  	v6 =	vadd.f32 v42, v6;
	v5 =	vadd.f32 v59, v9;
	[tilespmem:s15+$0x11030] =	vst v8  }
0x29d: {  	v4 =	vadd.f32 v63, v4;
	[tilespmem:s15+$0x11050] =	vst v7  }
0x29e: {  	[tilespmem:s15+$0x11040] =	vst v5;
	v5 =	vadd.f32 v62, v6  }
0x29f: {  	[tilespmem:s15+$0x11070] =	vst v4  }
0x2a0: {  	[tilespmem:s15+$0x11060] =	vst v5  }
.LBB2_21:
0x2a1: {  	s23 =	sadd.s32 $0x1, s23  }
0x2a2: {  	p1 =	sne.s32 s23, $0x10  }
.Ltmp16:
0x2a3: {  	_ = 	snop;
	(pc) =	sbr.rel @!p1 .LBB2_22-.Ltmp16, $1  }
0x2a4: {  	_ =	sdelay $0x3  }
.LBB2_17:
0x2a5: {  	s15 =	sld [smem:s23+$0x1]  }
0x2a6: {  	s18 =	sld [smem:s23+$0x0];
	_ =	sdelay $0x1  }
0x2a7: {  	s20 =	ssub.s32 s15, s9  }
0x2a8: {  	s15 =	ssub.s32 s18, s9;
	p1 =	sgt.s32 s20, $0x0  }
0x2a9: {  	p2 =	sgt.s32 s15, $0x0;
	s20 =	simm.s32 @!p1 $0x0  }
0x2aa: {  	s15 =	simm.s32 @!p2 $0x0;
	s22 =	smin.u32 s20, $0x20  }
0x2ab: {  	p1 =	sge.u32 s15, s22  }
.Ltmp17:
0x2ac: {  	_ = 	snop;
	(pc) =	sbr.rel @p1 .LBB2_21-.Ltmp17, $1  }
0x2ad: {  	_ =	sdelay $0x3  }
0x2ae: {  	s20 =	sadd.s32 s18, s12  }
0x2af: {  	p1 =	sgt.s32 s20, $0x0  }
0x2b0: {  	s20 =	simm.s32 @!p1 $0x0  }
0x2b1: {  	s25 =	sshll.u32 s20, $0x7;
	s24 =	sshll.u32 s20, $0x9  }
0x2b2: {  	s20 =	sand.u32 $0x7FFFF000, s24;
	s21 =	sand.u32 $0x380, s25  }
0x2b3: {  	s21 =	sor.u32 s21, s20  }
0x2b4: {  	v4 =	vld [tilespmem:s21+$0x9070]  }
0x2b5: {  	v6 =	vld [tilespmem:s21+$0x8400]  }
0x2b6: {  	v7 =	vld [tilespmem:s21+$0x8410]  }
0x2b7: {  	v8 =	vld [tilespmem:s21+$0x8420]  }
0x2b8: {  	v9 =	vld [tilespmem:s21+$0x8430]  }
0x2b9: {  	v10 =	vld [tilespmem:s21+$0x8440]  }
0x2ba: {  	v11 =	vld [tilespmem:s21+$0x8450]  }
0x2bb: {  	v12 =	vld [tilespmem:s21+$0x8460]  }
0x2bc: {  	v13 =	vld [tilespmem:s21+$0x8470]  }
0x2bd: {  	v14 =	vld [tilespmem:s21+$0x8800]  }
0x2be: {  	v15 =	vld [tilespmem:s21+$0x8810]  }
0x2bf: {  	v16 =	vld [tilespmem:s21+$0x8820]  }
0x2c0: {  	v17 =	vld [tilespmem:s21+$0x8830]  }
0x2c1: {  	v18 =	vld [tilespmem:s21+$0x8840]  }
0x2c2: {  	v19 =	vld [tilespmem:s21+$0x8850]  }
0x2c3: {  	v20 =	vld [tilespmem:s21+$0x8860]  }
0x2c4: {  	v5 =	vimm.f32 $0.0e+00;
	v36 =	vld [tilespmem:s21+$0x8870]  }
0x2c5: {  	v37 =	vld [tilespmem:s21+$0x8C00];
	v4 =	vadd.f32 v4, v5  }
0x2c6: {  	v35 =	vadd.f32 v6, v5;
	v34 =	vadd.f32 v7, v5;
	v6 =	vld [tilespmem:s21+$0x8C10]  }
0x2c7: {  	v33 =	vadd.f32 v8, v5;
	v32 =	vadd.f32 v9, v5;
	v7 =	vld [tilespmem:s21+$0x8C20]  }
0x2c8: {  	v31 =	vadd.f32 v10, v5;
	v30 =	vadd.f32 v11, v5;
	v8 =	vld [tilespmem:s21+$0x8C30]  }
0x2c9: {  	v29 =	vadd.f32 v12, v5;
	v28 =	vadd.f32 v13, v5;
	v9 =	vld [tilespmem:s21+$0x8C40]  }
0x2ca: {  	v27 =	vadd.f32 v14, v5;
	v26 =	vadd.f32 v15, v5;
	v10 =	vld [tilespmem:s21+$0x8C50]  }
0x2cb: {  	v25 =	vadd.f32 v16, v5;
	v24 =	vadd.f32 v17, v5;
	v11 =	vld [tilespmem:s21+$0x8C60]  }
0x2cc: {  	v23 =	vadd.f32 v18, v5;
	v22 =	vadd.f32 v19, v5;
	v14 =	vld [tilespmem:s21+$0x8C70]  }
0x2cd: {  	s20 =	sadd.s32 $0x1, s15;
	v21 =	vadd.f32 v20, v5;
	v20 =	vadd.f32 v36, v5  }
0x2ce: {  	p1 =	slt.u32 s20, s22;
	v19 =	vadd.f32 v37, v5;
	v18 =	vadd.f32 v6, v5  }
.Ltmp18:
0x2cf: {  	v40 =	vld [tilespmem:s21+$0x9000];
	v17 =	vadd.f32 v7, v5;
	v16 =	vadd.f32 v8, v5;
	(pc) =	sbr.rel @!p1 .LBB2_20-.Ltmp18, $4  }
0x2d0: {  	v39 =	vld [tilespmem:s21+$0x9010];
	v15 =	vadd.f32 v9, v5;
	v13 =	vadd.f32 v10, v5  }
0x2d1: {  	v36 =	vld [tilespmem:s21+$0x9020];
	v12 =	vadd.f32 v11, v5;
	v10 =	vadd.f32 v14, v5  }
0x2d2: {  	v37 =	vld [tilespmem:s21+$0x9030];
	v14 =	vimm.f32 $0.0e+00;
	v11 =	vimm.f32 $0.0e+00;
	v8 =	vimm.f32 $0.0e+00  }
0x2d3: {  	s18 =	sadd.s32 $0x200, s24;
	s15 =	sadd.s32 $0x80, s25;
	v38 =	vld [tilespmem:s21+$0x9040];
	v9 =	vimm.f32 $0.0e+00;
	v7 =	vimm.f32 $0.0e+00;
	v6 =	vimm.f32 $0.0e+00  }
.LBB2_19:
0x2d4: {  	s24 =	sand.u32 $0x7FFFF000, s18;
	s25 =	sand.u32 $0x380, s15;
	s20 =	sadd.s32 $0x1, s20;
	v5 =	vadd.f32 v40, v5;
	v40 =	vld [tilespmem:s21+$0x9050]  }
0x2d5: {  	v14 =	vadd.f32 v39, v14;
	p1 =	slt.u32 s20, s22;
	v39 =	vld [tilespmem:s21+$0x9060];
	s21 =	sor.u32 s25, s24  }
0x2d6: {  	v11 =	vadd.f32 v36, v11;
	v41 =	vld [tilespmem:s21+$0x9070]  }
0x2d7: {  	v8 =	vadd.f32 v37, v8;
	v36 =	vld [tilespmem:s21+$0x8400]  }
0x2d8: {  	v9 =	vadd.f32 v38, v9;
	v37 =	vld [tilespmem:s21+$0x8410]  }
0x2d9: {  	v38 =	vld [tilespmem:s21+$0x8420];
	v7 =	vadd.f32 v40, v7  }
0x2da: {  	v40 =	vld [tilespmem:s21+$0x8430];
	v6 =	vadd.f32 v39, v6  }
0x2db: {  	v39 =	vld [tilespmem:s21+$0x8440];
	v4 =	vadd.f32 v41, v4  }
0x2dc: {  	v35 =	vadd.f32 v36, v35;
	v36 =	vld [tilespmem:s21+$0x8450]  }
0x2dd: {  	v34 =	vadd.f32 v37, v34;
	v37 =	vld [tilespmem:s21+$0x8460]  }
0x2de: {  	v33 =	vadd.f32 v38, v33;
	v38 =	vld [tilespmem:s21+$0x8470]  }
0x2df: {  	v32 =	vadd.f32 v40, v32;
	v40 =	vld [tilespmem:s21+$0x8800]  }
0x2e0: {  	v31 =	vadd.f32 v39, v31;
	v39 =	vld [tilespmem:s21+$0x8810]  }
0x2e1: {  	v30 =	vadd.f32 v36, v30;
	v36 =	vld [tilespmem:s21+$0x8820]  }
0x2e2: {  	v29 =	vadd.f32 v37, v29;
	v37 =	vld [tilespmem:s21+$0x8830]  }
0x2e3: {  	v28 =	vadd.f32 v38, v28;
	v38 =	vld [tilespmem:s21+$0x8840]  }
0x2e4: {  	v27 =	vadd.f32 v40, v27;
	v40 =	vld [tilespmem:s21+$0x8850]  }
0x2e5: {  	v26 =	vadd.f32 v39, v26;
	v39 =	vld [tilespmem:s21+$0x8860]  }
0x2e6: {  	v25 =	vadd.f32 v36, v25;
	v36 =	vld [tilespmem:s21+$0x8870]  }
0x2e7: {  	v24 =	vadd.f32 v37, v24;
	v37 =	vld [tilespmem:s21+$0x8C00]  }
0x2e8: {  	v23 =	vadd.f32 v38, v23;
	v38 =	vld [tilespmem:s21+$0x8C10]  }
0x2e9: {  	v22 =	vadd.f32 v40, v22;
	v40 =	vld [tilespmem:s21+$0x8C20]  }
0x2ea: {  	v21 =	vadd.f32 v39, v21;
	v39 =	vld [tilespmem:s21+$0x8C30]  }
0x2eb: {  	v20 =	vadd.f32 v36, v20;
	v36 =	vld [tilespmem:s21+$0x8C40]  }
0x2ec: {  	v19 =	vadd.f32 v37, v19;
	v37 =	vld [tilespmem:s21+$0x8C50]  }
0x2ed: {  	v18 =	vadd.f32 v38, v18;
	v38 =	vld [tilespmem:s21+$0x8C60]  }
0x2ee: {  	v17 =	vadd.f32 v40, v17;
	v41 =	vld [tilespmem:s21+$0x8C70]  }
.Ltmp19:
0x2ef: {  	v16 =	vadd.f32 v39, v16;
	v40 =	vld [tilespmem:s21+$0x9000];
	(pc) =	sbr.rel @p1 .LBB2_19-.Ltmp19, $4  }
0x2f0: {  	v15 =	vadd.f32 v36, v15;
	v39 =	vld [tilespmem:s21+$0x9010]  }
0x2f1: {  	v13 =	vadd.f32 v37, v13;
	v36 =	vld [tilespmem:s21+$0x9020]  }
0x2f2: {  	v12 =	vadd.f32 v38, v12;
	v37 =	vld [tilespmem:s21+$0x9030]  }
0x2f3: {  	s15 =	sadd.s32 $0x80, s15;
	s18 =	sadd.s32 $0x200, s18;
	v10 =	vadd.f32 v41, v10;
	v38 =	vld [tilespmem:s21+$0x9040]  }
.Ltmp20:
0x2f4: {  	_ = 	snop;
	(pc) =	sbr.rel .LBB2_20-.Ltmp20, $1  }
0x2f5: {  	_ =	sdelay $0x3  }
.LBB2_22:
0x2f6: {  	v4 =	vld @!p0 [tilespmem:s8+$0xC0];
	_ =	sdelay $0x4  }
0x2f7: {  	v5 =	vshll.u32 @!p0 v4, $0x2  }
0x2f8: {  	v6 =	vlaneseq.u32 @!p0;
	v4 =	vand.u32 @!p0 $0x7, v4;
	v5 =	vand.u32 @!p0 $0xFFFFFFE0, v5  }
0x2f9: {  	v7 =	vshrl.u32 @!p0 v6, $0x3;
	v4 =	vor.u32 @!p0 v4, v5;
	v5 =	vand.u32 @!p0 $0x7, v6  }
0x2fa: {  	v7 =	vmul.u32 @!p0 $0x8, v7;
	v8 =	vperm.xlane @!p0 v4, v5;
	_ =	sdelay $0x1  }
0x2fb: {  	v8 =	vadd.s32 @!p0 v7, v8  }
0x2fc: {  	v6 =	vor.u32 @!p0 $0x8, v6  }
0x2fd: {  	v4 =	vperm.xlane @!p0 v4, v6;
	_ =	sdelay $0x1  }
0x2fe: {  	s9 =	simm.s32 @!p0 $0x0;
	s15 =	simm.s32 @!p0 $0x8400;
	v4 =	vadd.s32 @!p0 v7, v4  }
0x2ff: {  	[tilespmem:s15], [sflag:$0x3] =	stream.indirect_vreg.gather @!p0 [hbm4b:s1+s9], $0x80, v8, vm3, $0xb8;
	[tilespmem:$0x12480] =	vst v63  }
0x300: {  	s15 =	simm.s32 @!p0 $0x8C00  }
0x301: {  	[tilespmem:s15], [sflag:$0x3] =	stream.indirect_vreg.gather @!p0 [hbm4b:s7+s9], $0x80, v8, vm3, $0xb8;
	[tilespmem:$0x12480] =	vst v63  }
0x302: {  	s15 =	simm.s32 @!p0 $0x9400  }
0x303: {  	[tilespmem:s15], [sflag:$0x3] =	stream.indirect_vreg.gather @!p0 [hbm4b:s1+s9], $0x80, v4, vm3, $0xb8;
	[tilespmem:$0x12480] =	vst v63  }
0x304: {  	s15 =	simm.s32 @!p0 $0x9C00  }
0x305: {  	[tilespmem:s15], [sflag:$0x3] =	stream.indirect_vreg.gather @!p0 [hbm4b:s7+s9], $0x80, v4, vm3, $0xb8;
	[tilespmem:$0x12480] =	vst v63  }
0x306: {  	v4 =	vld @!p0 [tilespmem:s8+$0xD0];
	_ =	sdelay $0x4  }
0x307: {  	v8 =	vshll.u32 @!p0 v4, $0x2  }
0x308: {  	v4 =	vand.u32 @!p0 $0x7, v4;
	v8 =	vand.u32 @!p0 $0xFFFFFFE0, v8  }
0x309: {  	v4 =	vor.u32 @!p0 v4, v8  }
0x30a: {  	v5 =	vperm.xlane @!p0 v4, v5;
	_ =	sdelay $0x1  }
0x30b: {  	v5 =	vadd.s32 @!p0 v7, v5;
	_ =	sdelay $0x1  }
0x30c: {  	v4 =	vperm.xlane @!p0 v4, v6;
	_ =	sdelay $0x1  }
0x30d: {  	s8 =	simm.s32 @!p0 $0xA400;
	v4 =	vadd.s32 @!p0 v7, v4  }
0x30e: {  	[tilespmem:s8], [sflag:$0x3] =	stream.indirect_vreg.gather @!p0 [hbm4b:s1+s9], $0x80, v5, vm3, $0xb8;
	[tilespmem:$0x12480] =	vst v63  }
0x30f: {  	s8 =	simm.s32 @!p0 $0xAC00  }
0x310: {  	[tilespmem:s8], [sflag:$0x3] =	stream.indirect_vreg.gather @!p0 [hbm4b:s7+s9], $0x80, v5, vm3, $0xb8;
	[tilespmem:$0x12480] =	vst v63  }
0x311: {  	s8 =	simm.s32 @!p0 $0xB400  }
0x312: {  	[tilespmem:s8], [sflag:$0x3] =	stream.indirect_vreg.gather @!p0 [hbm4b:s1+s9], $0x80, v4, vm3, $0xb8;
	[tilespmem:$0x12480] =	vst v63  }
.Ltmp21:
0x313: {  	s8 =	simm.s32 @!p0 $0xBC00;
	(pc) =	sbr.rel .LBB2_23-.Ltmp21, $4  }
0x314: {  	[tilespmem:s8], [sflag:$0x3] =	stream.indirect_vreg.gather @!p0 [hbm4b:s7+s9], $0x80, v4, vm3, $0xb8;
	[tilespmem:$0x12480] =	vst v63  }
0x315: {  	_ =	swait.ge [sflag:s14], $0x4000  }
0x316: {  	[sflag:s14] =	ssyncset.done $0x0  }
0x317: {  	s6 =	sor.u32 $0x60, s6;
	s8 =	simm.s32 $0x0;
	[sflag:s14] =	ssyncadd.s32 $0xFFFFC000  }
.LBB2_26:
0x318: {  	s9 =	sshll.u32 s8, $0x9;
	s15 =	sshll.u32 s8, $0x7  }
0x319: {  	v41 =	vld [tilespmem:s21+$0xD050];
	s9 =	sand.u32 $0x1000, s9;
	s15 =	sand.u32 $0x380, s15  }
0x31a: {  	v42 =	vld [tilespmem:s21+$0xD060];
	s9 =	sor.u32 s15, s9  }
0x31b: {  	v43 =	vld [tilespmem:s9+$0x10400]  }
0x31c: {  	v44 =	vld [tilespmem:s9+$0x10410]  }
0x31d: {  	v45 =	vld [tilespmem:s9+$0x10420]  }
0x31e: {  	v46 =	vld [tilespmem:s9+$0x10430]  }
0x31f: {  	v47 =	vld [tilespmem:s9+$0x10440]  }
0x320: {  	v57 =	vld [tilespmem:s9+$0x10450];
	v35 =	vadd.f32 v43, v35  }
0x321: {  	v58 =	vld [tilespmem:s9+$0x10460];
	v34 =	vadd.f32 v44, v34  }
0x322: {  	v59 =	vld [tilespmem:s9+$0x10470];
	v33 =	vadd.f32 v45, v33;
	[tilespmem:s9+$0x10400] =	vst v35  }
0x323: {  	v60 =	vld [tilespmem:s9+$0x10800];
	v32 =	vadd.f32 v46, v32;
	[tilespmem:s9+$0x10410] =	vst v34  }
0x324: {  	v61 =	vld [tilespmem:s9+$0x10810];
	v31 =	vadd.f32 v47, v31;
	[tilespmem:s9+$0x10420] =	vst v33  }
0x325: {  	v62 =	vld [tilespmem:s9+$0x10820];
	v30 =	vadd.f32 v57, v30;
	[tilespmem:s9+$0x10430] =	vst v32  }
0x326: {  	v63 =	vld [tilespmem:s9+$0x10830];
	v29 =	vadd.f32 v58, v29;
	[tilespmem:s9+$0x10440] =	vst v31  }
0x327: {  	v48 =	vld [tilespmem:s9+$0x10C10];
	v28 =	vadd.f32 v59, v28;
	[tilespmem:s9+$0x10450] =	vst v30  }
0x328: {  	v49 =	vld [tilespmem:s9+$0x10C20];
	v27 =	vadd.f32 v60, v27;
	[tilespmem:s9+$0x10460] =	vst v29  }
0x329: {  	v50 =	vld [tilespmem:s9+$0x10C30];
	v26 =	vadd.f32 v61, v26;
	[tilespmem:s9+$0x10470] =	vst v28  }
0x32a: {  	v51 =	vld [tilespmem:s9+$0x10C40];
	v25 =	vadd.f32 v62, v25;
	[tilespmem:s9+$0x10800] =	vst v27  }
0x32b: {  	v52 =	vld [tilespmem:s9+$0x10C50];
	v24 =	vadd.f32 v63, v24;
	[tilespmem:s9+$0x10810] =	vst v26  }
0x32c: {  	v53 =	vld [tilespmem:s9+$0x10C60];
	v18 =	vadd.f32 v48, v18;
	[tilespmem:s9+$0x10820] =	vst v25  }
0x32d: {  	v54 =	vld [tilespmem:s9+$0x10C70];
	v17 =	vadd.f32 v49, v17;
	[tilespmem:s9+$0x10830] =	vst v24  }
0x32e: {  	v55 =	vld [tilespmem:s9+$0x11000];
	v16 =	vadd.f32 v50, v16;
	[tilespmem:s9+$0x10C10] =	vst v18  }
0x32f: {  	v56 =	vld [tilespmem:s9+$0x11010];
	v15 =	vadd.f32 v51, v15;
	[tilespmem:s9+$0x10C20] =	vst v17  }
0x330: {  	v43 =	vld [tilespmem:s9+$0x10840];
	v13 =	vadd.f32 v52, v13;
	[tilespmem:s9+$0x10C30] =	vst v16  }
0x331: {  	v5 =	vadd.f32 v40, v5;
	v44 =	vld [tilespmem:s9+$0x10850];
	v12 =	vadd.f32 v53, v12;
	[tilespmem:s9+$0x10C40] =	vst v15  }
0x332: {  	v14 =	vadd.f32 v39, v14;
	v45 =	vld [tilespmem:s9+$0x10860];
	v10 =	vadd.f32 v54, v10;
	[tilespmem:s9+$0x10C50] =	vst v13  }
0x333: {  	v46 =	vld [tilespmem:s9+$0x10870];
	v5 =	vadd.f32 v55, v5;
	[tilespmem:s9+$0x10C60] =	vst v12  }
0x334: {  	v47 =	vld [tilespmem:s9+$0x10C00];
	v61 =	vadd.f32 v56, v14;
	[tilespmem:s9+$0x10C70] =	vst v10  }
0x335: {  	v57 =	vld [tilespmem:s9+$0x11020];
	[tilespmem:s9+$0x11000] =	vst v5;
	v23 =	vadd.f32 v43, v23  }
0x336: {  	v58 =	vld [tilespmem:s9+$0x11030];
	[tilespmem:s9+$0x11010] =	vst v61;
	v22 =	vadd.f32 v44, v22  }
0x337: {  	v60 =	vld [tilespmem:s9+$0x11050];
	v21 =	vadd.f32 v45, v21;
	[tilespmem:s9+$0x10840] =	vst v23  }
0x338: {  	v11 =	vadd.f32 v36, v11;
	v59 =	vld [tilespmem:s9+$0x11040];
	v20 =	vadd.f32 v46, v20;
	[tilespmem:s9+$0x10850] =	vst v22  }
0x339: {  	v8 =	vadd.f32 v37, v8;
	v63 =	vld [tilespmem:s9+$0x11070];
	v19 =	vadd.f32 v47, v19;
	[tilespmem:s9+$0x10860] =	vst v21  }
0x33a: {  	v7 =	vadd.f32 v41, v7;
	v62 =	vld [tilespmem:s9+$0x11060];
	v5 =	vadd.f32 v57, v11;
	[tilespmem:s9+$0x10870] =	vst v20  }
0x33b: {  	v9 =	vadd.f32 v38, v9;
	v8 =	vadd.f32 v58, v8;
	[tilespmem:s9+$0x10C00] =	vst v19  }
0x33c: {  	v7 =	vadd.f32 v60, v7;
	[tilespmem:s9+$0x11020] =	vst v5  }
0x33d: {  	v6 =	vadd.f32 v42, v6;
	v5 =	vadd.f32 v59, v9;
	[tilespmem:s9+$0x11030] =	vst v8  }
0x33e: {  	v4 =	vadd.f32 v63, v4;
	[tilespmem:s9+$0x11050] =	vst v7  }
0x33f: {  	[tilespmem:s9+$0x11040] =	vst v5;
	v5 =	vadd.f32 v62, v6  }
0x340: {  	[tilespmem:s9+$0x11070] =	vst v4  }
0x341: {  	[tilespmem:s9+$0x11060] =	vst v5  }
.LBB2_27:
0x342: {  	s8 =	sadd.s32 $0x1, s8  }
0x343: {  	p1 =	sne.s32 s8, $0x10  }
.Ltmp22:
0x344: {  	_ = 	snop;
	(pc) =	sbr.rel @!p1 .LBB2_28-.Ltmp22, $1  }
0x345: {  	_ =	sdelay $0x3  }
.LBB2_23:
0x346: {  	s9 =	sld [smem:s8+$0x1]  }
0x347: {  	s18 =	sld [smem:s8+$0x0];
	_ =	sdelay $0x1  }
0x348: {  	s9 =	ssub.s32 s9, s6  }
0x349: {  	s15 =	ssub.s32 s18, s6;
	p1 =	sgt.s32 s9, $0x0  }
0x34a: {  	p2 =	sgt.s32 s15, $0x0;
	s9 =	simm.s32 @!p1 $0x0  }
0x34b: {  	s15 =	simm.s32 @!p2 $0x0;
	s9 =	smin.u32 s9, $0x20  }
0x34c: {  	p1 =	sge.u32 s15, s9  }
.Ltmp23:
0x34d: {  	_ = 	snop;
	(pc) =	sbr.rel @p1 .LBB2_27-.Ltmp23, $1  }
0x34e: {  	_ =	sdelay $0x3  }
0x34f: {  	s20 =	sadd.s32 s18, s13  }
0x350: {  	p1 =	sgt.s32 s20, $0x0  }
0x351: {  	s20 =	simm.s32 @!p1 $0x0  }
0x352: {  	s25 =	sshll.u32 s20, $0x7;
	s22 =	sshll.u32 s20, $0x9  }
0x353: {  	s20 =	sand.u32 $0x7FFFF000, s22;
	s21 =	sand.u32 $0x380, s25  }
0x354: {  	s21 =	sor.u32 s21, s20  }
0x355: {  	v4 =	vld [tilespmem:s21+$0xD070]  }
0x356: {  	v6 =	vld [tilespmem:s21+$0xC400]  }
0x357: {  	v7 =	vld [tilespmem:s21+$0xC410]  }
0x358: {  	v8 =	vld [tilespmem:s21+$0xC420]  }
0x359: {  	v9 =	vld [tilespmem:s21+$0xC430]  }
0x35a: {  	v10 =	vld [tilespmem:s21+$0xC440]  }
0x35b: {  	v11 =	vld [tilespmem:s21+$0xC450]  }
0x35c: {  	v12 =	vld [tilespmem:s21+$0xC460]  }
0x35d: {  	v13 =	vld [tilespmem:s21+$0xC470]  }
0x35e: {  	v14 =	vld [tilespmem:s21+$0xC800]  }
0x35f: {  	v15 =	vld [tilespmem:s21+$0xC810]  }
0x360: {  	v16 =	vld [tilespmem:s21+$0xC820]  }
0x361: {  	v17 =	vld [tilespmem:s21+$0xC830]  }
0x362: {  	v18 =	vld [tilespmem:s21+$0xC840]  }
0x363: {  	v19 =	vld [tilespmem:s21+$0xC850]  }
0x364: {  	v20 =	vld [tilespmem:s21+$0xC860]  }
0x365: {  	v5 =	vimm.f32 $0.0e+00;
	v36 =	vld [tilespmem:s21+$0xC870]  }
0x366: {  	v37 =	vld [tilespmem:s21+$0xCC00];
	v4 =	vadd.f32 v4, v5  }
0x367: {  	v35 =	vadd.f32 v6, v5;
	v34 =	vadd.f32 v7, v5;
	v6 =	vld [tilespmem:s21+$0xCC10]  }
0x368: {  	v33 =	vadd.f32 v8, v5;
	v32 =	vadd.f32 v9, v5;
	v7 =	vld [tilespmem:s21+$0xCC20]  }
0x369: {  	v31 =	vadd.f32 v10, v5;
	v30 =	vadd.f32 v11, v5;
	v8 =	vld [tilespmem:s21+$0xCC30]  }
0x36a: {  	v29 =	vadd.f32 v12, v5;
	v28 =	vadd.f32 v13, v5;
	v9 =	vld [tilespmem:s21+$0xCC40]  }
0x36b: {  	v27 =	vadd.f32 v14, v5;
	v26 =	vadd.f32 v15, v5;
	v10 =	vld [tilespmem:s21+$0xCC50]  }
0x36c: {  	v25 =	vadd.f32 v16, v5;
	v24 =	vadd.f32 v17, v5;
	v11 =	vld [tilespmem:s21+$0xCC60]  }
0x36d: {  	v23 =	vadd.f32 v18, v5;
	v22 =	vadd.f32 v19, v5;
	v14 =	vld [tilespmem:s21+$0xCC70]  }
0x36e: {  	s20 =	sadd.s32 $0x1, s15;
	v21 =	vadd.f32 v20, v5;
	v20 =	vadd.f32 v36, v5  }
0x36f: {  	p1 =	slt.u32 s20, s9;
	v19 =	vadd.f32 v37, v5;
	v18 =	vadd.f32 v6, v5  }
.Ltmp24:
0x370: {  	v40 =	vld [tilespmem:s21+$0xD000];
	v17 =	vadd.f32 v7, v5;
	v16 =	vadd.f32 v8, v5;
	(pc) =	sbr.rel @!p1 .LBB2_26-.Ltmp24, $4  }
0x371: {  	v39 =	vld [tilespmem:s21+$0xD010];
	v15 =	vadd.f32 v9, v5;
	v13 =	vadd.f32 v10, v5  }
0x372: {  	v36 =	vld [tilespmem:s21+$0xD020];
	v12 =	vadd.f32 v11, v5;
	v10 =	vadd.f32 v14, v5  }
0x373: {  	v37 =	vld [tilespmem:s21+$0xD030];
	v14 =	vimm.f32 $0.0e+00;
	v11 =	vimm.f32 $0.0e+00;
	v8 =	vimm.f32 $0.0e+00  }
0x374: {  	s18 =	sadd.s32 $0x200, s22;
	s15 =	sadd.s32 $0x80, s25;
	v38 =	vld [tilespmem:s21+$0xD040];
	v9 =	vimm.f32 $0.0e+00;
	v7 =	vimm.f32 $0.0e+00;
	v6 =	vimm.f32 $0.0e+00  }
.LBB2_25:
0x375: {  	s22 =	sand.u32 $0x7FFFF000, s18;
	s23 =	sand.u32 $0x380, s15;
	s20 =	sadd.s32 $0x1, s20;
	v5 =	vadd.f32 v40, v5;
	v40 =	vld [tilespmem:s21+$0xD050]  }
0x376: {  	v14 =	vadd.f32 v39, v14;
	p1 =	slt.u32 s20, s9;
	v39 =	vld [tilespmem:s21+$0xD060];
	s21 =	sor.u32 s23, s22  }
0x377: {  	v11 =	vadd.f32 v36, v11;
	v41 =	vld [tilespmem:s21+$0xD070]  }
0x378: {  	v8 =	vadd.f32 v37, v8;
	v36 =	vld [tilespmem:s21+$0xC400]  }
0x379: {  	v9 =	vadd.f32 v38, v9;
	v37 =	vld [tilespmem:s21+$0xC410]  }
0x37a: {  	v38 =	vld [tilespmem:s21+$0xC420];
	v7 =	vadd.f32 v40, v7  }
0x37b: {  	v40 =	vld [tilespmem:s21+$0xC430];
	v6 =	vadd.f32 v39, v6  }
0x37c: {  	v39 =	vld [tilespmem:s21+$0xC440];
	v4 =	vadd.f32 v41, v4  }
0x37d: {  	v35 =	vadd.f32 v36, v35;
	v36 =	vld [tilespmem:s21+$0xC450]  }
0x37e: {  	v34 =	vadd.f32 v37, v34;
	v37 =	vld [tilespmem:s21+$0xC460]  }
0x37f: {  	v33 =	vadd.f32 v38, v33;
	v38 =	vld [tilespmem:s21+$0xC470]  }
0x380: {  	v32 =	vadd.f32 v40, v32;
	v40 =	vld [tilespmem:s21+$0xC800]  }
0x381: {  	v31 =	vadd.f32 v39, v31;
	v39 =	vld [tilespmem:s21+$0xC810]  }
0x382: {  	v30 =	vadd.f32 v36, v30;
	v36 =	vld [tilespmem:s21+$0xC820]  }
0x383: {  	v29 =	vadd.f32 v37, v29;
	v37 =	vld [tilespmem:s21+$0xC830]  }
0x384: {  	v28 =	vadd.f32 v38, v28;
	v38 =	vld [tilespmem:s21+$0xC840]  }
0x385: {  	v27 =	vadd.f32 v40, v27;
	v40 =	vld [tilespmem:s21+$0xC850]  }
0x386: {  	v26 =	vadd.f32 v39, v26;
	v39 =	vld [tilespmem:s21+$0xC860]  }
0x387: {  	v25 =	vadd.f32 v36, v25;
	v36 =	vld [tilespmem:s21+$0xC870]  }
0x388: {  	v24 =	vadd.f32 v37, v24;
	v37 =	vld [tilespmem:s21+$0xCC00]  }
0x389: {  	v23 =	vadd.f32 v38, v23;
	v38 =	vld [tilespmem:s21+$0xCC10]  }
0x38a: {  	v22 =	vadd.f32 v40, v22;
	v40 =	vld [tilespmem:s21+$0xCC20]  }
0x38b: {  	v21 =	vadd.f32 v39, v21;
	v39 =	vld [tilespmem:s21+$0xCC30]  }
0x38c: {  	v20 =	vadd.f32 v36, v20;
	v36 =	vld [tilespmem:s21+$0xCC40]  }
0x38d: {  	v19 =	vadd.f32 v37, v19;
	v37 =	vld [tilespmem:s21+$0xCC50]  }
0x38e: {  	v18 =	vadd.f32 v38, v18;
	v38 =	vld [tilespmem:s21+$0xCC60]  }
0x38f: {  	v17 =	vadd.f32 v40, v17;
	v41 =	vld [tilespmem:s21+$0xCC70]  }
.Ltmp25:
0x390: {  	v16 =	vadd.f32 v39, v16;
	v40 =	vld [tilespmem:s21+$0xD000];
	(pc) =	sbr.rel @p1 .LBB2_25-.Ltmp25, $4  }
0x391: {  	v15 =	vadd.f32 v36, v15;
	v39 =	vld [tilespmem:s21+$0xD010]  }
0x392: {  	v13 =	vadd.f32 v37, v13;
	v36 =	vld [tilespmem:s21+$0xD020]  }
0x393: {  	v12 =	vadd.f32 v38, v12;
	v37 =	vld [tilespmem:s21+$0xD030]  }
0x394: {  	s15 =	sadd.s32 $0x80, s15;
	s18 =	sadd.s32 $0x200, s18;
	v10 =	vadd.f32 v41, v10;
	v38 =	vld [tilespmem:s21+$0xD040]  }
.Ltmp26:
0x395: {  	_ = 	snop;
	(pc) =	sbr.rel .LBB2_26-.Ltmp26, $1  }
0x396: {  	_ =	sdelay $0x3  }
.LBB2_28:
.Ltmp27:
0x397: {  	(pc) =	sbr.rel @p0 .LBB2_30-.Ltmp27, $1  }
0x398: {  	_ =	sdelay $0x3  }
0x399: {  	s6 =	sand.u32 $0x3FFFFF80, s16  }
0x39a: {  	v4 =	vld [tilespmem:s6+$0xE0];
	_ =	sdelay $0x4  }
0x39b: {  	v5 =	vshll.u32 v4, $0x2  }
0x39c: {  	v4 =	vand.u32 $0x7, v4;
	v5 =	vand.u32 $0xFFFFFFE0, v5  }
0x39d: {  	v4 =	vor.u32 v4, v5  }
0x39e: {  	v5 =	vperm.xlane v4, v1;
	_ =	sdelay $0x1  }
0x39f: {  	v5 =	vadd.s32 v2, v5;
	_ =	sdelay $0x1  }
0x3a0: {  	v4 =	vperm.xlane v4, v3;
	_ =	sdelay $0x1  }
0x3a1: {  	s8 =	simm.s32 $0xC400;
	v4 =	vadd.s32 v2, v4  }
0x3a2: {  	[tilespmem:s8], [sflag:$0x4] =	stream.indirect_vreg.gather [hbm4b:s1+s4], $0x80, v5, vm1, $0xb8;
	[tilespmem:$0x12480] =	vst v63  }
0x3a3: {  	s25 =	simm.s32 $0xCC00  }
0x3a4: {  	[tilespmem:s25], [sflag:$0x4] =	stream.indirect_vreg.gather [hbm4b:s7+s4], $0x80, v5, vm1, $0xb8;
	[tilespmem:$0x12480] =	vst v63  }
0x3a5: {  	_ = 	snop  }
0x3a6: {  	[tilespmem:s26], [sflag:$0x4] =	stream.indirect_vreg.gather [hbm4b:s1+s4], $0x80, v4, vm1, $0xb8;
	[tilespmem:$0x12480] =	vst v63  }
0x3a7: {  	_ = 	snop  }
0x3a8: {  	[tilespmem:s28], [sflag:$0x4] =	stream.indirect_vreg.gather [hbm4b:s7+s4], $0x80, v4, vm1, $0xb8;
	[tilespmem:$0x12480] =	vst v63  }
0x3a9: {  	v4 =	vld [tilespmem:s6+$0xF0];
	_ =	sdelay $0x4  }
0x3aa: {  	v5 =	vshll.u32 v4, $0x2  }
0x3ab: {  	v4 =	vand.u32 $0x7, v4;
	v5 =	vand.u32 $0xFFFFFFE0, v5  }
0x3ac: {  	v4 =	vor.u32 v4, v5  }
0x3ad: {  	v5 =	vperm.xlane v4, v1;
	_ =	sdelay $0x1  }
0x3ae: {  	v5 =	vadd.s32 v2, v5;
	_ =	sdelay $0x2  }
0x3af: {  	v4 =	vperm.xlane v4, v3;
	_ =	sdelay $0x1  }
0x3b0: {  	v4 =	vadd.s32 v2, v4;
	[tilespmem:s29], [sflag:$0x4] =	stream.indirect_vreg.gather [hbm4b:s1+s4], $0x80, v5, vm1, $0xb8;
	[tilespmem:$0x12480] =	vst v63  }
0x3b1: {  	_ = 	snop  }
0x3b2: {  	[tilespmem:s30], [sflag:$0x4] =	stream.indirect_vreg.gather [hbm4b:s7+s4], $0x80, v5, vm1, $0xb8;
	[tilespmem:$0x12480] =	vst v63  }
.Ltmp28:
0x3b3: {  	_ = 	snop;
	(pc) =	sbr.rel .LBB2_4-.Ltmp28, $4  }
0x3b4: {  	s19 =	sadd.s32 $0x1, s19;
	s10 =	sadd.s32 $0xFFFFFF80, s10  }
0x3b5: {  	[tilespmem:s31], [sflag:$0x4] =	stream.indirect_vreg.gather [hbm4b:s1+s4], $0x80, v4, vm1, $0xb8;
	[tilespmem:$0x12480] =	vst v63  }
0x3b6: {  	s11 =	sadd.s32 $0xFFFFFF80, s11;
	s12 =	sadd.s32 $0xFFFFFF80, s12;
	s13 =	sadd.s32 $0xFFFFFF80, s13  }
0x3b7: {  	[tilespmem:s0], [sflag:$0x4] =	stream.indirect_vreg.gather [hbm4b:s7+s4], $0x80, v4, vm1, $0xb8;
	[tilespmem:$0x12480] =	vst v63  }
.LBB2_31:
0x3b8: {  	_ =	sfence.sel $0x180000  }
0x3b9: {  	[bflag:$0x0] =	sbarrier.arrive $0xFFFF  }
0x3ba: {  	_ =	strace $0x90000047  }
0x3bb: {  	s0 =	stileid.u32;
	[bflag:$0x2] =	sbarrier.arrive $0xFFFF  }
0x3bc: {  	p0 =	sne.s32 s0, $0x0;
	s0 =	rddreg [dreg:$0x4]  }
0x3bd: {  	s0 =	sadd.s32 @!p0 $0x100000, s0  }
0x3be: {  	[sflag:s0] =	ssyncadd.tile.s32 @!p0 $0x1;
	_ =	shalt  }
.Lfunc_end2:
_tile_overlayer_lowered:
.L_overlay_start_2:
0x3bf: {  	(tag) =	ssettag $0x2  }
0x3c0: {  	s0 =	rddreg [dreg:$0x0];
	s2 =	stileid.u32  }
0x3c1: {  	s1 =	rddreg [dreg:$0x1];
	p0 =	sne.s32 s2, $0x0  }
0x3c2: {  	s3 =	rddreg [dreg:$0x2];
	[bflag:$0x3] =	sbarrier.arrive $0xFFFF;
	s2 =	simm.s32 @!p0 $0x1C05  }
0x3c3: {  	[timem:s3], [sflag:s2] =	dma.local @!p0 [hbm:s0], s1  }
0x3c4: {  	s0 =	simm.s32 @!p0 $0x5  }
0x3c5: {  	_ =	swait.ge @!p0 [sflag:s0], s1  }
0x3c6: {  	s1 =	ssub.s32 @!p0 $0x0, s1;
	[sflag:s0] =	ssyncset.done @!p0 $0x0  }
0x3c7: {  	[sflag:s0] =	ssyncadd.s32 @!p0 s1  }
0x3c8: {  	[bflag:$0x3] =	sbarrier.arrive $0xFFFF  }
0x3c9: {  	_ =	shalt  }

</sc_bundles>
